<compile_context>
chip_gen: v7x
topology: tpu7x:2x2x1
jax: 0.10.2.dev20260603
libtpu: 0.0.44.dev20260713+nightly
codegen_flags: <defaults>
</compile_context>

<pallas_src>
import math

import jax
import jax.numpy as jnp
import numpy as np
from jax import lax
from jax.experimental import pallas as pl
from jax.experimental.pallas import tpu as pltpu
from jax.experimental.pallas import tpu_sc as plsc

_N = 8192
_C = 128
_K = 4096
_NC = 2
_NS = 16
_NW = _NC * _NS
_RPW = _K // _NW
_RB = 4
_NB = _RPW // _RB
_MININT = np.int32(-2147483648)


def _sc_body(keys_hbm, h_hbm, adj_hbm, motif_hbm,
             topidx_hbm, xpool_hbm, adjp_hbm, motifp_hbm,
             key_v, idx_v, xrows_v, pad_v, rows0_v, rows1_v, orow0_v, orow1_v,
             isem0, isem1, osem0, osem1, xsem):
    cid = lax.axis_index("c")
    sid = lax.axis_index("s")
    wid = sid * _NC + cid
    base = wid * _RPW

    ones16 = jnp.ones((16,), jnp.int32)
    zeros16 = jnp.zeros((16,), jnp.int32)
    iota16 = lax.iota(jnp.int32, 16)

    pltpu.sync_copy(keys_hbm, key_v)

    def _count(ts, strict):
        def body(i, acc):
            for u in range(8):
                mvec = key_v[pl.ds((i * 8 + u) * 16, 16)]
                msk = (mvec > ts) if strict else (mvec >= ts)
                acc = acc + jnp.where(msk, ones16, zeros16)
            return acc
        accv = lax.fori_loop(0, _N // (16 * 8), body, zeros16)
        return jnp.sum(accv)

    def _bis(b, tu):
        cand = tu | (jnp.int32(1) << (jnp.int32(31) - b))
        cnt = _count(cand ^ _MININT, False)
        return jnp.where(cnt >= _K, cand, tu)

    tu = lax.fori_loop(0, 32, _bis, jnp.int32(0))
    ts = tu ^ _MININT
    need = jnp.int32(_K) - _count(ts, True)

    def _sel(i, carry):
        nsel, neq = carry
        mvec = key_v[pl.ds(i * 16, 16)]
        gt = mvec > ts
        eq = mvec == ts
        eq01 = jnp.where(eq, ones16, zeros16)
        eqrank = neq + plsc.cumsum(eq01) - eq01
        sel = gt | (eq & (eqrank < need))
        sel01 = jnp.where(sel, ones16, zeros16)
        pos = nsel + plsc.cumsum(sel01) - sel01
        pos = jnp.where(sel, pos, zeros16)
        plsc.store_scatter(idx_v, [pos], i * 16 + iota16, mask=sel)
        return (nsel + jnp.sum(sel01), neq + jnp.sum(eq01))

    lax.fori_loop(0, _N // 16, _sel, (jnp.int32(0), jnp.int32(0)))

    @pl.when(wid == 0)
    def _():
        pltpu.sync_copy(idx_v, topidx_hbm)

    pltpu.async_copy(h_hbm.at[idx_v.at[pl.ds(base, _RPW)]], xrows_v, xsem).wait()
    pltpu.sync_copy(xrows_v, xpool_hbm.at[pl.ds(base, _RPW)])

    def _mkpad(v, _):
        lane = iota16
        g = jnp.minimum(2 * v + (lane >> 3), jnp.int32(_NB - 1))
        j = jnp.minimum(lane & 7, _RB - 1)
        pad_v[pl.ds(v * 16, 16)] = plsc.load_gather(idx_v, [base + g * _RB + j])
        return 0

    lax.fori_loop(0, (_NB + 2 + 1) // 2, _mkpad, 0)

    isems = (isem0, isem1)
    osems = (osem0, osem1)
    rowbufs = (rows0_v, rows1_v)
    orowbufs = (orow0_v, orow1_v)

    def _pool(tab_hbm, out_hbm):
        def _fire_in(bi, b):
            pltpu.async_copy(tab_hbm.at[pad_v.at[pl.ds(bi * 8, _RB)]],
                             rowbufs[b], isems[b])

        def _slot(g, b, first):
            bi = 2 * g + b
            pltpu.make_async_copy(tab_hbm.at[pad_v.at[pl.ds(bi * 8, _RB)]],
                                  rowbufs[b], isems[b]).wait()
            ob = orowbufs[b]
            if not first:
                pltpu.make_async_copy(
                    ob,
                    out_hbm.at[pl.ds((base + (bi - 2) * _RB) * _K, _RB * _K)],
                    osems[b]).wait()

            def cols(ci, _):
                cvec = idx_v[pl.ds(ci * 16, 16)]
                for r in range(_RB):
                    vals = plsc.load_gather(
                        rowbufs[b], [jnp.full((16,), r, jnp.int32), cvec])
                    ob[pl.ds(r * _K + ci * 16, 16)] = vals
                return 0

            lax.fori_loop(0, _K // 16, cols, 0, unroll=8)
            pltpu.async_copy(
                ob, out_hbm.at[pl.ds((base + bi * _RB) * _K, _RB * _K)],
                osems[b])
            _fire_in(bi + 2, b)
            return bi

        for b in range(2):
            _fire_in(jnp.int32(b), b)
        for b in range(2):
            _slot(jnp.int32(0), b, True)

        def outer(g, _):
            _slot(g, 0, False)
            _slot(g, 1, False)
            return 0

        lax.fori_loop(1, _NB // 2, outer, 0)

        for b in range(2):
            bi = _NB - 2 + b
            pltpu.make_async_copy(
                tab_hbm.at[pad_v.at[pl.ds((bi + 2) * 8, _RB)]],
                rowbufs[b], isems[b]).wait()
            pltpu.make_async_copy(
                orowbufs[b],
                out_hbm.at[pl.ds((base + bi * _RB) * _K, _RB * _K)],
                osems[b]).wait()

    _pool(adj_hbm, adjp_hbm)
    _pool(motif_hbm, motifp_hbm)


def _sc_select_pool(keys, h, adjacency, motif):
    mesh = plsc.VectorSubcoreMesh(core_axis_name="c", subcore_axis_name="s")
    f = pl.kernel(
        _sc_body,
        out_type=(
            jax.ShapeDtypeStruct((_K,), jnp.int32),
            jax.ShapeDtypeStruct((_K, _C), jnp.float32),
            jax.ShapeDtypeStruct((_K * _K,), jnp.float32),
            jax.ShapeDtypeStruct((_K * _K,), jnp.float32),
        ),
        mesh=mesh,
        compiler_params=pltpu.CompilerParams(needs_layout_passes=False),
        scratch_types=[
            pltpu.VMEM((_N,), jnp.int32),
            pltpu.VMEM((_K,), jnp.int32),
            pltpu.VMEM((_RPW, _C), jnp.float32),
            pltpu.VMEM(((_NB + 3) // 2 * 16,), jnp.int32),
            pltpu.VMEM((_RB, _N), jnp.float32),
            pltpu.VMEM((_RB, _N), jnp.float32),
            pltpu.VMEM((_RB * _K,), jnp.float32),
            pltpu.VMEM((_RB * _K,), jnp.float32),
            pltpu.SemaphoreType.DMA,
            pltpu.SemaphoreType.DMA,
            pltpu.SemaphoreType.DMA,
            pltpu.SemaphoreType.DMA,
            pltpu.SemaphoreType.DMA,
        ],
    )
    return f(keys, h, adjacency, motif)


def kernel(x, adjacency, motif_adjacency, W_gcn, b_gcn, W_lin, b_lin):
    num_nodes = x.shape[0]
    A = motif_adjacency + jnp.eye(num_nodes, dtype=x.dtype)
    deg = A.sum(axis=0)
    dinv = jnp.where(deg > 0, 1.0 / jnp.sqrt(deg), 0.0)
    norm = dinv[:, None] * A * dinv[None, :]
    xw = x @ W_gcn
    agg = norm.T @ xw + b_gcn
    h = jnp.tanh(agg)
    scores = (h @ W_lin + b_lin).squeeze(-1)

    bits = lax.bitcast_convert_type(scores, jnp.int32)
    keys = bits ^ ((bits >> 31) & jnp.int32(0x7FFFFFFF))

    top_idx, x_pool, adjp_flat, motifp_flat = _sc_select_pool(
        keys, h, adjacency, motif_adjacency)
    return (x_pool, adjp_flat.reshape(_K, _K), motifp_flat.reshape(_K, _K),
            scores, top_idx)

# --- scband reference (transcript-rebuilt; emitter-appended) ---
"""Pipeline reference for scband-motif-selection-pool-26388279066708 (READ-ONLY COPY).

The authoritative reference and input builder live on the scoring server;
editing this copy changes nothing except your own understanding.
"""

import math
import jax, jax.numpy as jnp
import numpy as np

N = 8192
C = 128
POOL_RATIO = 0.5

def setup_inputs(seed: int = 0) -> dict:
    key = jax.random.key(seed)
    k1, k2, k3, k4, k5 = jax.random.split(key, 5)
    x = jax.random.normal(k1, (N, C), dtype=jnp.float32)
    adjacency = jax.random.uniform(k2, (N, N), dtype=jnp.float32)
    motif_adjacency = jax.random.uniform(k3, (N, N), dtype=jnp.float32)
    W_gcn = jax.random.normal(k4, (C, C), dtype=jnp.float32) * 0.05
    b_gcn = jnp.zeros((C,), dtype=jnp.float32)
    W_lin = jax.random.normal(k5, (C, 1), dtype=jnp.float32) * 0.05
    b_lin = jnp.zeros((1,), dtype=jnp.float32)
    return {"x": x, "adjacency": adjacency, "motif_adjacency": motif_adjacency,
            "W_gcn": W_gcn, "b_gcn": b_gcn, "W_lin": W_lin, "b_lin": b_lin}

def reference(x, adjacency, motif_adjacency, W_gcn, b_gcn, W_lin, b_lin):
    num_nodes = x.shape[0]
    # motif_norm = motif_adjacency + I  (this is the graph fed to the score GCN)
    A = motif_adjacency + jnp.eye(num_nodes, dtype=x.dtype)
    # GCNConv(add_self_loops=False) symmetric normalization with edge weights.
    # dense_to_sparse gives edges (i->j) with weight A[i,j]; PyG gcn_norm computes
    # deg[j] = sum_i A[i,j], norm_ij = deg_i^{-1/2} * A[i,j] * deg_j^{-1/2},
    # out[j] = sum_i norm_ij * (x @ W)[i]  ->  out = (D^{-1/2} A D^{-1/2})^T (x @ W)
    deg = A.sum(axis=0)
    dinv = jnp.where(deg > 0, 1.0 / jnp.sqrt(deg), 0.0)
    norm = dinv[:, None] * A * dinv[None, :]
    xw = x @ W_gcn
    agg = norm.T @ xw + b_gcn
    h = jnp.tanh(agg)
    scores = (h @ W_lin + b_lin).squeeze(-1)
    k = max(1, min(num_nodes, int(math.ceil(POOL_RATIO * num_nodes))))
    _, top_idx = jax.lax.top_k(scores, k)
    top_idx = jnp.sort(top_idx)
    x_pool = h[top_idx]
    adjacency_pool = adjacency[top_idx][:, top_idx]
    motif_pool = motif_adjacency[top_idx][:, top_idx]
    return (x_pool, adjacency_pool, motif_pool, scores, top_idx)

if __name__ == "__main__":
    import jax
    _d = setup_inputs()
    print(jax.jit(kernel)(*tuple(_d.values())))

</pallas_src>

<mosaic_0001>
#map = affine_map<(d0, d1) -> (0)>
#map1 = affine_map<(d0, d1) -> (0, 0)>
module attributes {stable_mosaic.version = 14 : i64} {
  func.func @_sc_body(%arg0: i32, %arg1: i32, %arg2: memref<8192xi32, #tpu.memory_space<hbm>>, %arg3: memref<8192x128xf32, #tpu.memory_space<hbm>>, %arg4: memref<8192x8192xf32, #tpu.memory_space<hbm>>, %arg5: memref<8192x8192xf32, #tpu.memory_space<hbm>>, %arg6: memref<4096xi32, #tpu.memory_space<hbm>>, %arg7: memref<4096x128xf32, #tpu.memory_space<hbm>>, %arg8: memref<16777216xf32, #tpu.memory_space<hbm>>, %arg9: memref<16777216xf32, #tpu.memory_space<hbm>>, %arg10: memref<8192xi32, #tpu.memory_space<vmem>>, %arg11: memref<4096xi32, #tpu.memory_space<vmem>>, %arg12: memref<128x128xf32, #tpu.memory_space<vmem>>, %arg13: memref<272xi32, #tpu.memory_space<vmem>>, %arg14: memref<4x8192xf32, #tpu.memory_space<vmem>>, %arg15: memref<4x8192xf32, #tpu.memory_space<vmem>>, %arg16: memref<16384xf32, #tpu.memory_space<vmem>>, %arg17: memref<16384xf32, #tpu.memory_space<vmem>>, %arg18: memref<!tpu.dma_semaphore, #tpu.memory_space<semaphore_mem>>, %arg19: memref<!tpu.dma_semaphore, #tpu.memory_space<semaphore_mem>>, %arg20: memref<!tpu.dma_semaphore, #tpu.memory_space<semaphore_mem>>, %arg21: memref<!tpu.dma_semaphore, #tpu.memory_space<semaphore_mem>>, %arg22: memref<!tpu.dma_semaphore, #tpu.memory_space<semaphore_mem>>) attributes {dimension_semantics = [#tpu.dimension_semantics<core_parallel>, #tpu.dimension_semantics<subcore_parallel>], iteration_bounds = array<i64: 2, 16>, scalar_prefetch = 0 : i64, scratch_operands = 13 : i64, tpu.core_type = #tpu.core_type<sc_vector_subcore>, window_params = [{transform_indices = #map}, {transform_indices = #map1}, {transform_indices = #map1}, {transform_indices = #map1}, {transform_indices = #map}, {transform_indices = #map1}, {transform_indices = #map}, {transform_indices = #map}]} {
    %mul3A = arith.constant 2 : i32
    %mul3A_0 = arith.muli %arg1, %mul3A : i32
    %add3A = arith.addi %mul3A_0, %arg0 : i32
    %mul3A_1 = arith.constant 128 : i32
    %mul3A_2 = arith.muli %add3A, %mul3A_1 : i32
    %broadcast_in_dim3A = arith.constant 1 : i32
    %broadcast_in_dim3A_3 = vector.broadcast %broadcast_in_dim3A : i32 to vector<16xi32>
    %broadcast_in_dim3A_4 = arith.constant 0 : i32
    %broadcast_in_dim3A_5 = vector.broadcast %broadcast_in_dim3A_4 : i32 to vector<16xi32>
    %iota3A = tpu.iota {dimensions = array<i32: 0>} : vector<16xi32>
    "tpu.region"() ({
      %run_scoped3A = tpu.sem_alloc : memref<!tpu.dma_semaphore, #tpu.memory_space<semaphore_mem>>
      tpu.enqueue_dma source(%arg2 : memref<8192xi32, #tpu.memory_space<hbm>>) target(%arg10 : memref<8192xi32, #tpu.memory_space<vmem>>) target_semaphore(%run_scoped3A : memref<!tpu.dma_semaphore, #tpu.memory_space<semaphore_mem>>)
      tpu.wait_dma2 semaphore(%run_scoped3A : memref<!tpu.dma_semaphore, #tpu.memory_space<semaphore_mem>>) src(%arg2 : memref<8192xi32, #tpu.memory_space<hbm>>) dst(%arg10 : memref<8192xi32, #tpu.memory_space<vmem>>)
      tpu.yield
    }) : () -> ()
    %scan3A = arith.constant 0 : i32
    %scan3A_6 = arith.constant 0 : i32
    %scan3A_7 = arith.constant 32 : i32
    %scan3A_8 = arith.addi %scan3A_6, %scan3A_7 : i32
    %scan3A_9 = arith.constant 1 : i32
    %scan3A_10 = scf.for %scan3A_264 = %scan3A_6 to %scan3A_8 step %scan3A_9 iter_args(%scan3A_265 = %scan3A) -> (i32)  : i32 {
      %sub3A_266 = arith.constant 31 : i32
      %sub3A_267 = arith.subi %sub3A_266, %scan3A_264 : i32
      %shift_left3A = arith.constant 1 : i32
      %shift_left3A_268 = arith.shli %shift_left3A, %sub3A_267 : i32
      %or3A = arith.ori %scan3A_265, %shift_left3A_268 : i32
      %xor3A_269 = arith.constant -2147483648 : i32
      %xor3A_270 = arith.xori %or3A, %xor3A_269 : i32
      %scan3A_271 = arith.constant 0 : i32
      %scan3A_272 = arith.constant 64 : i32
      %scan3A_273 = arith.addi %scan3A_271, %scan3A_272 : i32
      %scan3A_274 = arith.constant 1 : i32
      %scan3A_275 = scf.for %scan3A_282 = %scan3A_271 to %scan3A_273 step %scan3A_274 iter_args(%scan3A_283 = %broadcast_in_dim3A_5) -> (vector<16xi32>)  : i32 {
        %mul3A_284 = arith.constant 8 : i32
        %mul3A_285 = arith.muli %scan3A_282, %mul3A_284 : i32
        %add3A_286 = arith.constant 0 : i32
        %add3A_287 = arith.addi %mul3A_285, %add3A_286 : i32
        %mul3A_288 = arith.constant 16 : i32
        %mul3A_289 = arith.muli %add3A_287, %mul3A_288 : i32
        %get3A = arith.index_cast %mul3A_289 : i32 to index
        %get3A_290 = tpu.vector_load %arg10[%get3A] {strides = array<i32>} : memref<8192xi32, #tpu.memory_space<vmem>>, vector<16xi32>,
        %ge3A_291 = vector.broadcast %xor3A_270 : i32 to vector<16xi32>
        %ge3A_292 = arith.cmpi sge, %get3A_290, %ge3A_291 : vector<16xi32>
        %select_n3A_293 = arith.select %ge3A_292, %broadcast_in_dim3A_3, %broadcast_in_dim3A_5 : vector<16xi1>, vector<16xi32>
        %add3A_294 = arith.addi %scan3A_283, %select_n3A_293 : vector<16xi32>
        %mul3A_295 = arith.constant 8 : i32
        %mul3A_296 = arith.muli %scan3A_282, %mul3A_295 : i32
        %add3A_297 = arith.constant 1 : i32
        %add3A_298 = arith.addi %mul3A_296, %add3A_297 : i32
        %mul3A_299 = arith.constant 16 : i32
        %mul3A_300 = arith.muli %add3A_298, %mul3A_299 : i32
        %get3A_301 = arith.index_cast %mul3A_300 : i32 to index
        %get3A_302 = tpu.vector_load %arg10[%get3A_301] {strides = array<i32>} : memref<8192xi32, #tpu.memory_space<vmem>>, vector<16xi32>,
        %ge3A_303 = vector.broadcast %xor3A_270 : i32 to vector<16xi32>
        %ge3A_304 = arith.cmpi sge, %get3A_302, %ge3A_303 : vector<16xi32>
        %select_n3A_305 = arith.select %ge3A_304, %broadcast_in_dim3A_3, %broadcast_in_dim3A_5 : vector<16xi1>, vector<16xi32>
        %add3A_306 = arith.addi %add3A_294, %select_n3A_305 : vector<16xi32>
        %mul3A_307 = arith.constant 8 : i32
        %mul3A_308 = arith.muli %scan3A_282, %mul3A_307 : i32
        %add3A_309 = arith.constant 2 : i32
        %add3A_310 = arith.addi %mul3A_308, %add3A_309 : i32
        %mul3A_311 = arith.constant 16 : i32
        %mul3A_312 = arith.muli %add3A_310, %mul3A_311 : i32
        %get3A_313 = arith.index_cast %mul3A_312 : i32 to index
        %get3A_314 = tpu.vector_load %arg10[%get3A_313] {strides = array<i32>} : memref<8192xi32, #tpu.memory_space<vmem>>, vector<16xi32>,
        %ge3A_315 = vector.broadcast %xor3A_270 : i32 to vector<16xi32>
        %ge3A_316 = arith.cmpi sge, %get3A_314, %ge3A_315 : vector<16xi32>
        %select_n3A_317 = arith.select %ge3A_316, %broadcast_in_dim3A_3, %broadcast_in_dim3A_5 : vector<16xi1>, vector<16xi32>
        %add3A_318 = arith.addi %add3A_306, %select_n3A_317 : vector<16xi32>
        %mul3A_319 = arith.constant 8 : i32
        %mul3A_320 = arith.muli %scan3A_282, %mul3A_319 : i32
        %add3A_321 = arith.constant 3 : i32
        %add3A_322 = arith.addi %mul3A_320, %add3A_321 : i32
        %mul3A_323 = arith.constant 16 : i32
        %mul3A_324 = arith.muli %add3A_322, %mul3A_323 : i32
        %get3A_325 = arith.index_cast %mul3A_324 : i32 to index
        %get3A_326 = tpu.vector_load %arg10[%get3A_325] {strides = array<i32>} : memref<8192xi32, #tpu.memory_space<vmem>>, vector<16xi32>,
        %ge3A_327 = vector.broadcast %xor3A_270 : i32 to vector<16xi32>
        %ge3A_328 = arith.cmpi sge, %get3A_326, %ge3A_327 : vector<16xi32>
        %select_n3A_329 = arith.select %ge3A_328, %broadcast_in_dim3A_3, %broadcast_in_dim3A_5 : vector<16xi1>, vector<16xi32>
        %add3A_330 = arith.addi %add3A_318, %select_n3A_329 : vector<16xi32>
        %mul3A_331 = arith.constant 8 : i32
        %mul3A_332 = arith.muli %scan3A_282, %mul3A_331 : i32
        %add3A_333 = arith.constant 4 : i32
        %add3A_334 = arith.addi %mul3A_332, %add3A_333 : i32
        %mul3A_335 = arith.constant 16 : i32
        %mul3A_336 = arith.muli %add3A_334, %mul3A_335 : i32
        %get3A_337 = arith.index_cast %mul3A_336 : i32 to index
        %get3A_338 = tpu.vector_load %arg10[%get3A_337] {strides = array<i32>} : memref<8192xi32, #tpu.memory_space<vmem>>, vector<16xi32>,
        %ge3A_339 = vector.broadcast %xor3A_270 : i32 to vector<16xi32>
        %ge3A_340 = arith.cmpi sge, %get3A_338, %ge3A_339 : vector<16xi32>
        %select_n3A_341 = arith.select %ge3A_340, %broadcast_in_dim3A_3, %broadcast_in_dim3A_5 : vector<16xi1>, vector<16xi32>
        %add3A_342 = arith.addi %add3A_330, %select_n3A_341 : vector<16xi32>
        %mul3A_343 = arith.constant 8 : i32
        %mul3A_344 = arith.muli %scan3A_282, %mul3A_343 : i32
        %add3A_345 = arith.constant 5 : i32
        %add3A_346 = arith.addi %mul3A_344, %add3A_345 : i32
        %mul3A_347 = arith.constant 16 : i32
        %mul3A_348 = arith.muli %add3A_346, %mul3A_347 : i32
        %get3A_349 = arith.index_cast %mul3A_348 : i32 to index
        %get3A_350 = tpu.vector_load %arg10[%get3A_349] {strides = array<i32>} : memref<8192xi32, #tpu.memory_space<vmem>>, vector<16xi32>,
        %ge3A_351 = vector.broadcast %xor3A_270 : i32 to vector<16xi32>
        %ge3A_352 = arith.cmpi sge, %get3A_350, %ge3A_351 : vector<16xi32>
        %select_n3A_353 = arith.select %ge3A_352, %broadcast_in_dim3A_3, %broadcast_in_dim3A_5 : vector<16xi1>, vector<16xi32>
        %add3A_354 = arith.addi %add3A_342, %select_n3A_353 : vector<16xi32>
        %mul3A_355 = arith.constant 8 : i32
        %mul3A_356 = arith.muli %scan3A_282, %mul3A_355 : i32
        %add3A_357 = arith.constant 6 : i32
        %add3A_358 = arith.addi %mul3A_356, %add3A_357 : i32
        %mul3A_359 = arith.constant 16 : i32
        %mul3A_360 = arith.muli %add3A_358, %mul3A_359 : i32
        %get3A_361 = arith.index_cast %mul3A_360 : i32 to index
        %get3A_362 = tpu.vector_load %arg10[%get3A_361] {strides = array<i32>} : memref<8192xi32, #tpu.memory_space<vmem>>, vector<16xi32>,
        %ge3A_363 = vector.broadcast %xor3A_270 : i32 to vector<16xi32>
        %ge3A_364 = arith.cmpi sge, %get3A_362, %ge3A_363 : vector<16xi32>
        %select_n3A_365 = arith.select %ge3A_364, %broadcast_in_dim3A_3, %broadcast_in_dim3A_5 : vector<16xi1>, vector<16xi32>
        %add3A_366 = arith.addi %add3A_354, %select_n3A_365 : vector<16xi32>
        %mul3A_367 = arith.constant 8 : i32
        %mul3A_368 = arith.muli %scan3A_282, %mul3A_367 : i32
        %add3A_369 = arith.constant 7 : i32
        %add3A_370 = arith.addi %mul3A_368, %add3A_369 : i32
        %mul3A_371 = arith.constant 16 : i32
        %mul3A_372 = arith.muli %add3A_370, %mul3A_371 : i32
        %get3A_373 = arith.index_cast %mul3A_372 : i32 to index
        %get3A_374 = tpu.vector_load %arg10[%get3A_373] {strides = array<i32>} : memref<8192xi32, #tpu.memory_space<vmem>>, vector<16xi32>,
        %ge3A_375 = vector.broadcast %xor3A_270 : i32 to vector<16xi32>
        %ge3A_376 = arith.cmpi sge, %get3A_374, %ge3A_375 : vector<16xi32>
        %select_n3A_377 = arith.select %ge3A_376, %broadcast_in_dim3A_3, %broadcast_in_dim3A_5 : vector<16xi1>, vector<16xi32>
        %add3A_378 = arith.addi %add3A_366, %select_n3A_377 : vector<16xi32>
        scf.yield %add3A_378 : vector<16xi32>
      }
      %scan3A_276 = arith.constant 64 : i32
      %reduce_sum3A_277 = arith.constant true
      %reduce_sum3A_278 = vector.broadcast %reduce_sum3A_277 : i1 to vector<16xi1>
      %reduce_sum3A_279 = tpu.scan <sum>, %scan3A_275 masked %reduce_sum3A_278 : vector<16xi32>, vector<16xi1> -> vector<16xi32>
      %reduce_sum3A_280 = vector.extract %reduce_sum3A_279[15] : i32 from vector<16xi32>
      %ge3A = arith.constant 4096 : i32
      %ge3A_281 = arith.cmpi sge, %reduce_sum3A_280, %ge3A : i32
      %select_n3A = arith.select %ge3A_281, %or3A, %scan3A_265 : i32
      scf.yield %select_n3A : i32
    }
    %scan3A_11 = arith.constant 32 : i32
    %xor3A = arith.constant -2147483648 : i32
    %xor3A_12 = arith.xori %scan3A_10, %xor3A : i32
    %scan3A_13 = arith.constant 0 : i32
    %scan3A_14 = arith.constant 64 : i32
    %scan3A_15 = arith.addi %scan3A_13, %scan3A_14 : i32
    %scan3A_16 = arith.constant 1 : i32
    %scan3A_17 = scf.for %scan3A_264 = %scan3A_13 to %scan3A_15 step %scan3A_16 iter_args(%scan3A_265 = %broadcast_in_dim3A_5) -> (vector<16xi32>)  : i32 {
      %mul3A_266 = arith.constant 8 : i32
      %mul3A_267 = arith.muli %scan3A_264, %mul3A_266 : i32
      %add3A_268 = arith.constant 0 : i32
      %add3A_269 = arith.addi %mul3A_267, %add3A_268 : i32
      %mul3A_270 = arith.constant 16 : i32
      %mul3A_271 = arith.muli %add3A_269, %mul3A_270 : i32
      %get3A = arith.index_cast %mul3A_271 : i32 to index
      %get3A_272 = tpu.vector_load %arg10[%get3A] {strides = array<i32>} : memref<8192xi32, #tpu.memory_space<vmem>>, vector<16xi32>,
      %gt3A = vector.broadcast %xor3A_12 : i32 to vector<16xi32>
      %gt3A_273 = arith.cmpi sgt, %get3A_272, %gt3A : vector<16xi32>
      %select_n3A = arith.select %gt3A_273, %broadcast_in_dim3A_3, %broadcast_in_dim3A_5 : vector<16xi1>, vector<16xi32>
      %add3A_274 = arith.addi %scan3A_265, %select_n3A : vector<16xi32>
      %mul3A_275 = arith.constant 8 : i32
      %mul3A_276 = arith.muli %scan3A_264, %mul3A_275 : i32
      %add3A_277 = arith.constant 1 : i32
      %add3A_278 = arith.addi %mul3A_276, %add3A_277 : i32
      %mul3A_279 = arith.constant 16 : i32
      %mul3A_280 = arith.muli %add3A_278, %mul3A_279 : i32
      %get3A_281 = arith.index_cast %mul3A_280 : i32 to index
      %get3A_282 = tpu.vector_load %arg10[%get3A_281] {strides = array<i32>} : memref<8192xi32, #tpu.memory_space<vmem>>, vector<16xi32>,
      %gt3A_283 = vector.broadcast %xor3A_12 : i32 to vector<16xi32>
      %gt3A_284 = arith.cmpi sgt, %get3A_282, %gt3A_283 : vector<16xi32>
      %select_n3A_285 = arith.select %gt3A_284, %broadcast_in_dim3A_3, %broadcast_in_dim3A_5 : vector<16xi1>, vector<16xi32>
      %add3A_286 = arith.addi %add3A_274, %select_n3A_285 : vector<16xi32>
      %mul3A_287 = arith.constant 8 : i32
      %mul3A_288 = arith.muli %scan3A_264, %mul3A_287 : i32
      %add3A_289 = arith.constant 2 : i32
      %add3A_290 = arith.addi %mul3A_288, %add3A_289 : i32
      %mul3A_291 = arith.constant 16 : i32
      %mul3A_292 = arith.muli %add3A_290, %mul3A_291 : i32
      %get3A_293 = arith.index_cast %mul3A_292 : i32 to index
      %get3A_294 = tpu.vector_load %arg10[%get3A_293] {strides = array<i32>} : memref<8192xi32, #tpu.memory_space<vmem>>, vector<16xi32>,
      %gt3A_295 = vector.broadcast %xor3A_12 : i32 to vector<16xi32>
      %gt3A_296 = arith.cmpi sgt, %get3A_294, %gt3A_295 : vector<16xi32>
      %select_n3A_297 = arith.select %gt3A_296, %broadcast_in_dim3A_3, %broadcast_in_dim3A_5 : vector<16xi1>, vector<16xi32>
      %add3A_298 = arith.addi %add3A_286, %select_n3A_297 : vector<16xi32>
      %mul3A_299 = arith.constant 8 : i32
      %mul3A_300 = arith.muli %scan3A_264, %mul3A_299 : i32
      %add3A_301 = arith.constant 3 : i32
      %add3A_302 = arith.addi %mul3A_300, %add3A_301 : i32
      %mul3A_303 = arith.constant 16 : i32
      %mul3A_304 = arith.muli %add3A_302, %mul3A_303 : i32
      %get3A_305 = arith.index_cast %mul3A_304 : i32 to index
      %get3A_306 = tpu.vector_load %arg10[%get3A_305] {strides = array<i32>} : memref<8192xi32, #tpu.memory_space<vmem>>, vector<16xi32>,
      %gt3A_307 = vector.broadcast %xor3A_12 : i32 to vector<16xi32>
      %gt3A_308 = arith.cmpi sgt, %get3A_306, %gt3A_307 : vector<16xi32>
      %select_n3A_309 = arith.select %gt3A_308, %broadcast_in_dim3A_3, %broadcast_in_dim3A_5 : vector<16xi1>, vector<16xi32>
      %add3A_310 = arith.addi %add3A_298, %select_n3A_309 : vector<16xi32>
      %mul3A_311 = arith.constant 8 : i32
      %mul3A_312 = arith.muli %scan3A_264, %mul3A_311 : i32
      %add3A_313 = arith.constant 4 : i32
      %add3A_314 = arith.addi %mul3A_312, %add3A_313 : i32
      %mul3A_315 = arith.constant 16 : i32
      %mul3A_316 = arith.muli %add3A_314, %mul3A_315 : i32
      %get3A_317 = arith.index_cast %mul3A_316 : i32 to index
      %get3A_318 = tpu.vector_load %arg10[%get3A_317] {strides = array<i32>} : memref<8192xi32, #tpu.memory_space<vmem>>, vector<16xi32>,
      %gt3A_319 = vector.broadcast %xor3A_12 : i32 to vector<16xi32>
      %gt3A_320 = arith.cmpi sgt, %get3A_318, %gt3A_319 : vector<16xi32>
      %select_n3A_321 = arith.select %gt3A_320, %broadcast_in_dim3A_3, %broadcast_in_dim3A_5 : vector<16xi1>, vector<16xi32>
      %add3A_322 = arith.addi %add3A_310, %select_n3A_321 : vector<16xi32>
      %mul3A_323 = arith.constant 8 : i32
      %mul3A_324 = arith.muli %scan3A_264, %mul3A_323 : i32
      %add3A_325 = arith.constant 5 : i32
      %add3A_326 = arith.addi %mul3A_324, %add3A_325 : i32
      %mul3A_327 = arith.constant 16 : i32
      %mul3A_328 = arith.muli %add3A_326, %mul3A_327 : i32
      %get3A_329 = arith.index_cast %mul3A_328 : i32 to index
      %get3A_330 = tpu.vector_load %arg10[%get3A_329] {strides = array<i32>} : memref<8192xi32, #tpu.memory_space<vmem>>, vector<16xi32>,
      %gt3A_331 = vector.broadcast %xor3A_12 : i32 to vector<16xi32>
      %gt3A_332 = arith.cmpi sgt, %get3A_330, %gt3A_331 : vector<16xi32>
      %select_n3A_333 = arith.select %gt3A_332, %broadcast_in_dim3A_3, %broadcast_in_dim3A_5 : vector<16xi1>, vector<16xi32>
      %add3A_334 = arith.addi %add3A_322, %select_n3A_333 : vector<16xi32>
      %mul3A_335 = arith.constant 8 : i32
      %mul3A_336 = arith.muli %scan3A_264, %mul3A_335 : i32
      %add3A_337 = arith.constant 6 : i32
      %add3A_338 = arith.addi %mul3A_336, %add3A_337 : i32
      %mul3A_339 = arith.constant 16 : i32
      %mul3A_340 = arith.muli %add3A_338, %mul3A_339 : i32
      %get3A_341 = arith.index_cast %mul3A_340 : i32 to index
      %get3A_342 = tpu.vector_load %arg10[%get3A_341] {strides = array<i32>} : memref<8192xi32, #tpu.memory_space<vmem>>, vector<16xi32>,
      %gt3A_343 = vector.broadcast %xor3A_12 : i32 to vector<16xi32>
      %gt3A_344 = arith.cmpi sgt, %get3A_342, %gt3A_343 : vector<16xi32>
      %select_n3A_345 = arith.select %gt3A_344, %broadcast_in_dim3A_3, %broadcast_in_dim3A_5 : vector<16xi1>, vector<16xi32>
      %add3A_346 = arith.addi %add3A_334, %select_n3A_345 : vector<16xi32>
      %mul3A_347 = arith.constant 8 : i32
      %mul3A_348 = arith.muli %scan3A_264, %mul3A_347 : i32
      %add3A_349 = arith.constant 7 : i32
      %add3A_350 = arith.addi %mul3A_348, %add3A_349 : i32
      %mul3A_351 = arith.constant 16 : i32
      %mul3A_352 = arith.muli %add3A_350, %mul3A_351 : i32
      %get3A_353 = arith.index_cast %mul3A_352 : i32 to index
      %get3A_354 = tpu.vector_load %arg10[%get3A_353] {strides = array<i32>} : memref<8192xi32, #tpu.memory_space<vmem>>, vector<16xi32>,
      %gt3A_355 = vector.broadcast %xor3A_12 : i32 to vector<16xi32>
      %gt3A_356 = arith.cmpi sgt, %get3A_354, %gt3A_355 : vector<16xi32>
      %select_n3A_357 = arith.select %gt3A_356, %broadcast_in_dim3A_3, %broadcast_in_dim3A_5 : vector<16xi1>, vector<16xi32>
      %add3A_358 = arith.addi %add3A_346, %select_n3A_357 : vector<16xi32>
      scf.yield %add3A_358 : vector<16xi32>
    }
    %scan3A_18 = arith.constant 64 : i32
    %reduce_sum3A = arith.constant true
    %reduce_sum3A_19 = vector.broadcast %reduce_sum3A : i1 to vector<16xi1>
    %reduce_sum3A_20 = tpu.scan <sum>, %scan3A_17 masked %reduce_sum3A_19 : vector<16xi32>, vector<16xi1> -> vector<16xi32>
    %reduce_sum3A_21 = vector.extract %reduce_sum3A_20[15] : i32 from vector<16xi32>
    %sub3A = arith.constant 4096 : i32
    %sub3A_22 = arith.subi %sub3A, %reduce_sum3A_21 : i32
    %scan3A_23 = arith.constant 0 : i32
    %scan3A_24 = arith.constant 0 : i32
    %scan3A_25 = arith.constant 0 : i32
    %scan3A_26 = arith.constant 512 : i32
    %scan3A_27 = arith.addi %scan3A_25, %scan3A_26 : i32
    %scan3A_28 = arith.constant 1 : i32
    %scan3A_29:2 = scf.for %scan3A_264 = %scan3A_25 to %scan3A_27 step %scan3A_28 iter_args(%scan3A_265 = %scan3A_23, %scan3A_266 = %scan3A_24) -> (i32, i32)  : i32 {
      %mul3A_267 = arith.constant 16 : i32
      %mul3A_268 = arith.muli %scan3A_264, %mul3A_267 : i32
      %get3A = arith.index_cast %mul3A_268 : i32 to index
      %get3A_269 = tpu.vector_load %arg10[%get3A] {strides = array<i32>} : memref<8192xi32, #tpu.memory_space<vmem>>, vector<16xi32>,
      %gt3A = vector.broadcast %xor3A_12 : i32 to vector<16xi32>
      %gt3A_270 = arith.cmpi sgt, %get3A_269, %gt3A : vector<16xi32>
      %eq3A_271 = vector.broadcast %xor3A_12 : i32 to vector<16xi32>
      %eq3A_272 = arith.cmpi eq, %get3A_269, %eq3A_271 : vector<16xi32>
      %select_n3A = arith.select %eq3A_272, %broadcast_in_dim3A_3, %broadcast_in_dim3A_5 : vector<16xi1>, vector<16xi32>
      %broadcast_in_dim3A_273 = arith.constant true
      %broadcast_in_dim3A_274 = vector.broadcast %broadcast_in_dim3A_273 : i1 to vector<16xi1>
      %masked_cumsum3A = tpu.scan <sum>, %select_n3A masked %broadcast_in_dim3A_274 : vector<16xi32>, vector<16xi1> -> vector<16xi32>
      %add3A_275 = vector.broadcast %scan3A_266 : i32 to vector<16xi32>
      %add3A_276 = arith.addi %add3A_275, %masked_cumsum3A : vector<16xi32>
      %sub3A_277 = arith.subi %add3A_276, %select_n3A : vector<16xi32>
      %lt3A = vector.broadcast %sub3A_22 : i32 to vector<16xi32>
      %lt3A_278 = arith.cmpi slt, %sub3A_277, %lt3A : vector<16xi32>
      %and3A = arith.andi %eq3A_272, %lt3A_278 : vector<16xi1>
      %or3A = arith.ori %gt3A_270, %and3A : vector<16xi1>
      %select_n3A_279 = arith.select %or3A, %broadcast_in_dim3A_3, %broadcast_in_dim3A_5 : vector<16xi1>, vector<16xi32>
      %broadcast_in_dim3A_280 = arith.constant true
      %broadcast_in_dim3A_281 = vector.broadcast %broadcast_in_dim3A_280 : i1 to vector<16xi1>
      %masked_cumsum3A_282 = tpu.scan <sum>, %select_n3A_279 masked %broadcast_in_dim3A_281 : vector<16xi32>, vector<16xi1> -> vector<16xi32>
      %add3A_283 = vector.broadcast %scan3A_265 : i32 to vector<16xi32>
      %add3A_284 = arith.addi %add3A_283, %masked_cumsum3A_282 : vector<16xi32>
      %sub3A_285 = arith.subi %add3A_284, %select_n3A_279 : vector<16xi32>
      %select_n3A_286 = arith.select %or3A, %sub3A_285, %broadcast_in_dim3A_5 : vector<16xi1>, vector<16xi32>
      %mul3A_287 = arith.constant 16 : i32
      %mul3A_288 = arith.muli %scan3A_264, %mul3A_287 : i32
      %add3A_289 = vector.broadcast %mul3A_288 : i32 to vector<16xi32>
      %add3A_290 = arith.addi %add3A_289, %iota3A : vector<16xi32>
      tpu.vector_store_idx %arg11[%select_n3A_286], %add3A_290 masked %or3A : memref<4096xi32, #tpu.memory_space<vmem>>[vector<16xi32>], vector<16xi32>, vector<16xi1>
      %reduce_sum3A_291 = arith.constant true
      %reduce_sum3A_292 = vector.broadcast %reduce_sum3A_291 : i1 to vector<16xi1>
      %reduce_sum3A_293 = tpu.scan <sum>, %select_n3A_279 masked %reduce_sum3A_292 : vector<16xi32>, vector<16xi1> -> vector<16xi32>
      %reduce_sum3A_294 = vector.extract %reduce_sum3A_293[15] : i32 from vector<16xi32>
      %add3A_295 = arith.addi %scan3A_265, %reduce_sum3A_294 : i32
      %reduce_sum3A_296 = arith.constant true
      %reduce_sum3A_297 = vector.broadcast %reduce_sum3A_296 : i1 to vector<16xi1>
      %reduce_sum3A_298 = tpu.scan <sum>, %select_n3A masked %reduce_sum3A_297 : vector<16xi32>, vector<16xi1> -> vector<16xi32>
      %reduce_sum3A_299 = vector.extract %reduce_sum3A_298[15] : i32 from vector<16xi32>
      %add3A_300 = arith.addi %scan3A_266, %reduce_sum3A_299 : i32
      scf.yield %add3A_295, %add3A_300 : i32, i32
    }
    %scan3A_30 = arith.constant 512 : i32
    %eq3A = arith.constant 0 : i32
    %eq3A_31 = arith.cmpi eq, %add3A, %eq3A : i32
    %convert_element_type3A = arith.extui %eq3A_31 : i1 to i32
    %cond3A = arith.constant 0 : i32
    %cond3A_32 = arith.cmpi ne, %convert_element_type3A, %cond3A : i32
    scf.if %cond3A_32 {
      "tpu.region"() ({
        %run_scoped3A = tpu.sem_alloc : memref<!tpu.dma_semaphore, #tpu.memory_space<semaphore_mem>>
        tpu.enqueue_dma source(%arg11 : memref<4096xi32, #tpu.memory_space<vmem>>) target(%arg6 : memref<4096xi32, #tpu.memory_space<hbm>>) target_semaphore(%run_scoped3A : memref<!tpu.dma_semaphore, #tpu.memory_space<semaphore_mem>>)
        tpu.wait_dma2 semaphore(%run_scoped3A : memref<!tpu.dma_semaphore, #tpu.memory_space<semaphore_mem>>) src(%arg11 : memref<4096xi32, #tpu.memory_space<vmem>>) dst(%arg6 : memref<4096xi32, #tpu.memory_space<hbm>>)
        tpu.yield
      }) : () -> ()
    } else {
    }
    %dma_start3A = tpu.memref_slice %arg11[%mul3A_2] : memref<4096xi32, #tpu.memory_space<vmem>> -> memref<128xi32, #tpu.memory_space<vmem>>
    %dma_start3A_33 = arith.constant 0 : i32
    %dma_start3A_34 = arith.constant 0 : i32
    %dma_start3A_35 = tpu.memref_slice %arg3[%dma_start3A_33, %dma_start3A_34] : memref<8192x128xf32, #tpu.memory_space<hbm>> -> memref<8192x128xf32, #tpu.memory_space<hbm>>
    tpu.enqueue_indirect_dma source(%dma_start3A_35 : memref<8192x128xf32, #tpu.memory_space<hbm>>) target(%arg12 : memref<128x128xf32, #tpu.memory_space<vmem>>) offsets(%dma_start3A : memref<128xi32, #tpu.memory_space<vmem>>) semaphore(%arg22 : memref<!tpu.dma_semaphore, #tpu.memory_space<semaphore_mem>>)
    %dma_wait3A = tpu.memref_slice %arg11[%mul3A_2] : memref<4096xi32, #tpu.memory_space<vmem>> -> memref<128xi32, #tpu.memory_space<vmem>>
    %dma_wait3A_36 = arith.constant 0 : i32
    %dma_wait3A_37 = arith.constant 0 : i32
    %dma_wait3A_38 = tpu.memref_slice %arg3[%dma_wait3A_36, %dma_wait3A_37] : memref<8192x128xf32, #tpu.memory_space<hbm>> -> memref<8192x128xf32, #tpu.memory_space<hbm>>
    tpu.wait_indirect_dma semaphore(%arg22 : memref<!tpu.dma_semaphore, #tpu.memory_space<semaphore_mem>>) src(%dma_wait3A_38 : memref<8192x128xf32, #tpu.memory_space<hbm>>) dst(%arg12 : memref<128x128xf32, #tpu.memory_space<vmem>>)
    "tpu.region"() ({
      %run_scoped3A = tpu.sem_alloc : memref<!tpu.dma_semaphore, #tpu.memory_space<semaphore_mem>>
      %dma_start3A_264 = arith.constant 0 : i32
      %dma_start3A_265 = tpu.memref_slice %arg7[%mul3A_2, %dma_start3A_264] : memref<4096x128xf32, #tpu.memory_space<hbm>> -> memref<128x128xf32, #tpu.memory_space<hbm>>
      %dma_start3A_266 = arith.constant 0 : i32
      %dma_start3A_267 = tpu.memref_slice %arg7[%mul3A_2, %dma_start3A_266] : memref<4096x128xf32, #tpu.memory_space<hbm>> -> memref<128x128xf32, #tpu.memory_space<hbm>>
      tpu.enqueue_dma source(%arg12 : memref<128x128xf32, #tpu.memory_space<vmem>>) target(%dma_start3A_267 : memref<128x128xf32, #tpu.memory_space<hbm>>) target_semaphore(%run_scoped3A : memref<!tpu.dma_semaphore, #tpu.memory_space<semaphore_mem>>)
      %dma_wait3A_268 = arith.constant 0 : i32
      %dma_wait3A_269 = tpu.memref_slice %arg7[%mul3A_2, %dma_wait3A_268] : memref<4096x128xf32, #tpu.memory_space<hbm>> -> memref<128x128xf32, #tpu.memory_space<hbm>>
      %dma_wait3A_270 = arith.constant 0 : i32
      %dma_wait3A_271 = tpu.memref_slice %arg7[%mul3A_2, %dma_wait3A_270] : memref<4096x128xf32, #tpu.memory_space<hbm>> -> memref<128x128xf32, #tpu.memory_space<hbm>>
      tpu.wait_dma2 semaphore(%run_scoped3A : memref<!tpu.dma_semaphore, #tpu.memory_space<semaphore_mem>>) src(%arg12 : memref<128x128xf32, #tpu.memory_space<vmem>>) dst(%dma_wait3A_271 : memref<128x128xf32, #tpu.memory_space<hbm>>)
      tpu.yield
    }) : () -> ()
    %scan3A_39 = arith.constant 0 : i32
    %scan3A_40 = arith.constant 0 : i32
    %scan3A_41 = arith.constant 17 : i32
    %scan3A_42 = arith.addi %scan3A_40, %scan3A_41 : i32
    %scan3A_43 = arith.constant 1 : i32
    %scan3A_44 = scf.for %scan3A_264 = %scan3A_40 to %scan3A_42 step %scan3A_43 iter_args(%scan3A_265 = %scan3A_39) -> (i32)  : i32 {
      %mul3A_266 = arith.constant 2 : i32
      %mul3A_267 = arith.muli %mul3A_266, %scan3A_264 : i32
      %shift_right_arithmetic3A = arith.constant 3 : i32
      %shift_right_arithmetic3A_268 = vector.broadcast %shift_right_arithmetic3A : i32 to vector<16xi32>
      %shift_right_arithmetic3A_269 = arith.shrsi %iota3A, %shift_right_arithmetic3A_268 : vector<16xi32>
      %add3A_270 = vector.broadcast %mul3A_267 : i32 to vector<16xi32>
      %add3A_271 = arith.addi %add3A_270, %shift_right_arithmetic3A_269 : vector<16xi32>
      %min3A = arith.constant 31 : i32
      %min3A_272 = vector.broadcast %min3A : i32 to vector<16xi32>
      %min3A_273 = arith.minsi %add3A_271, %min3A_272 : vector<16xi32>
      %and3A = arith.constant 7 : i32
      %and3A_274 = vector.broadcast %and3A : i32 to vector<16xi32>
      %and3A_275 = arith.andi %iota3A, %and3A_274 : vector<16xi32>
      %min3A_276 = arith.constant 3 : i32
      %min3A_277 = vector.broadcast %min3A_276 : i32 to vector<16xi32>
      %min3A_278 = arith.minsi %and3A_275, %min3A_277 : vector<16xi32>
      %mul3A_279 = arith.constant 4 : i32
      %mul3A_280 = vector.broadcast %mul3A_279 : i32 to vector<16xi32>
      %mul3A_281 = arith.muli %min3A_273, %mul3A_280 : vector<16xi32>
      %add3A_282 = vector.broadcast %mul3A_2 : i32 to vector<16xi32>
      %add3A_283 = arith.addi %add3A_282, %mul3A_281 : vector<16xi32>
      %add3A_284 = arith.addi %add3A_283, %min3A_278 : vector<16xi32>
      %gather3A = tpu.vector_load_idx %arg11[%add3A_284] : memref<4096xi32, #tpu.memory_space<vmem>>[vector<16xi32>], vector<16xi32>,
      %mul3A_285 = arith.constant 16 : i32
      %mul3A_286 = arith.muli %scan3A_264, %mul3A_285 : i32
      %swap3A = arith.index_cast %mul3A_286 : i32 to index
      %swap3A_287 = tpu.vector_load %arg13[%swap3A] {strides = array<i32>} : memref<272xi32, #tpu.memory_space<vmem>>, vector<16xi32>,
      tpu.vector_store %arg13[%swap3A], %gather3A {strides = array<i32>} : memref<272xi32, #tpu.memory_space<vmem>>, vector<16xi32>,
      %scan3A_288 = arith.constant 0 : i32
      scf.yield %scan3A_288 : i32
    }
    %scan3A_45 = arith.constant 17 : i32
    %mul3A_46 = arith.constant 0 : i32
    %mul3A_47 = arith.constant 8 : i32
    %mul3A_48 = arith.muli %mul3A_46, %mul3A_47 : i32
    %dma_start3A_49 = tpu.memref_slice %arg13[%mul3A_48] : memref<272xi32, #tpu.memory_space<vmem>> -> memref<4xi32, #tpu.memory_space<vmem>>
    %dma_start3A_50 = arith.constant 0 : i32
    %dma_start3A_51 = arith.constant 0 : i32
    %dma_start3A_52 = tpu.memref_slice %arg4[%dma_start3A_50, %dma_start3A_51] : memref<8192x8192xf32, #tpu.memory_space<hbm>> -> memref<8192x8192xf32, #tpu.memory_space<hbm>>
    tpu.enqueue_indirect_dma source(%dma_start3A_52 : memref<8192x8192xf32, #tpu.memory_space<hbm>>) target(%arg14 : memref<4x8192xf32, #tpu.memory_space<vmem>>) offsets(%dma_start3A_49 : memref<4xi32, #tpu.memory_space<vmem>>) semaphore(%arg18 : memref<!tpu.dma_semaphore, #tpu.memory_space<semaphore_mem>>)
    %mul3A_53 = arith.constant 1 : i32
    %mul3A_54 = arith.constant 8 : i32
    %mul3A_55 = arith.muli %mul3A_53, %mul3A_54 : i32
    %dma_start3A_56 = tpu.memref_slice %arg13[%mul3A_55] : memref<272xi32, #tpu.memory_space<vmem>> -> memref<4xi32, #tpu.memory_space<vmem>>
    %dma_start3A_57 = arith.constant 0 : i32
    %dma_start3A_58 = arith.constant 0 : i32
    %dma_start3A_59 = tpu.memref_slice %arg4[%dma_start3A_57, %dma_start3A_58] : memref<8192x8192xf32, #tpu.memory_space<hbm>> -> memref<8192x8192xf32, #tpu.memory_space<hbm>>
    tpu.enqueue_indirect_dma source(%dma_start3A_59 : memref<8192x8192xf32, #tpu.memory_space<hbm>>) target(%arg15 : memref<4x8192xf32, #tpu.memory_space<vmem>>) offsets(%dma_start3A_56 : memref<4xi32, #tpu.memory_space<vmem>>) semaphore(%arg19 : memref<!tpu.dma_semaphore, #tpu.memory_space<semaphore_mem>>)
    %mul3A_60 = arith.constant 2 : i32
    %mul3A_61 = arith.constant 0 : i32
    %mul3A_62 = arith.muli %mul3A_60, %mul3A_61 : i32
    %add3A_63 = arith.constant 0 : i32
    %add3A_64 = arith.addi %mul3A_62, %add3A_63 : i32
    %mul3A_65 = arith.constant 8 : i32
    %mul3A_66 = arith.muli %add3A_64, %mul3A_65 : i32
    %dma_wait3A_67 = tpu.memref_slice %arg13[%mul3A_66] : memref<272xi32, #tpu.memory_space<vmem>> -> memref<4xi32, #tpu.memory_space<vmem>>
    %dma_wait3A_68 = arith.constant 0 : i32
    %dma_wait3A_69 = arith.constant 0 : i32
    %dma_wait3A_70 = tpu.memref_slice %arg4[%dma_wait3A_68, %dma_wait3A_69] : memref<8192x8192xf32, #tpu.memory_space<hbm>> -> memref<8192x8192xf32, #tpu.memory_space<hbm>>
    tpu.wait_indirect_dma semaphore(%arg18 : memref<!tpu.dma_semaphore, #tpu.memory_space<semaphore_mem>>) src(%dma_wait3A_70 : memref<8192x8192xf32, #tpu.memory_space<hbm>>) dst(%arg14 : memref<4x8192xf32, #tpu.memory_space<vmem>>)
    %scan3A_71 = arith.constant 0 : i32
    %scan3A_72 = arith.constant 0 : i32
    %scan3A_73 = arith.constant 256 : i32
    %scan3A_74 = arith.addi %scan3A_72, %scan3A_73 : i32
    %scan3A_75 = arith.constant 8 : i32
    %scan3A_76 = scf.for %scan3A_264 = %scan3A_72 to %scan3A_74 step %scan3A_75 iter_args(%scan3A_265 = %scan3A_71) -> (i32)  : i32 {
      %mul3A_266 = arith.constant 16 : i32
      %mul3A_267 = arith.muli %scan3A_264, %mul3A_266 : i32
      %get3A = arith.index_cast %mul3A_267 : i32 to index
      %get3A_268 = tpu.vector_load %arg11[%get3A] {strides = array<i32>} : memref<4096xi32, #tpu.memory_space<vmem>>, vector<16xi32>,
      %broadcast_in_dim3A_269 = arith.constant 0 : i32
      %broadcast_in_dim3A_270 = vector.broadcast %broadcast_in_dim3A_269 : i32 to vector<16xi32>
      %gather3A = tpu.vector_load_idx %arg14[%broadcast_in_dim3A_270, %get3A_268] : memref<4x8192xf32, #tpu.memory_space<vmem>>[vector<16xi32>, vector<16xi32>], vector<16xf32>,
      %mul3A_271 = arith.constant 16 : i32
      %mul3A_272 = arith.muli %scan3A_264, %mul3A_271 : i32
      %add3A_273 = arith.constant 0 : i32
      %add3A_274 = arith.addi %add3A_273, %mul3A_272 : i32
      %swap3A = arith.index_cast %add3A_274 : i32 to index
      %swap3A_275 = tpu.vector_load %arg16[%swap3A] {strides = array<i32>} : memref<16384xf32, #tpu.memory_space<vmem>>, vector<16xf32>,
      tpu.vector_store %arg16[%swap3A], %gather3A {strides = array<i32>} : memref<16384xf32, #tpu.memory_space<vmem>>, vector<16xf32>,
      %broadcast_in_dim3A_276 = arith.constant 1 : i32
      %broadcast_in_dim3A_277 = vector.broadcast %broadcast_in_dim3A_276 : i32 to vector<16xi32>
      %gather3A_278 = tpu.vector_load_idx %arg14[%broadcast_in_dim3A_277, %get3A_268] : memref<4x8192xf32, #tpu.memory_space<vmem>>[vector<16xi32>, vector<16xi32>], vector<16xf32>,
      %mul3A_279 = arith.constant 16 : i32
      %mul3A_280 = arith.muli %scan3A_264, %mul3A_279 : i32
      %add3A_281 = arith.constant 4096 : i32
      %add3A_282 = arith.addi %add3A_281, %mul3A_280 : i32
      %swap3A_283 = arith.index_cast %add3A_282 : i32 to index
      %swap3A_284 = tpu.vector_load %arg16[%swap3A_283] {strides = array<i32>} : memref<16384xf32, #tpu.memory_space<vmem>>, vector<16xf32>,
      tpu.vector_store %arg16[%swap3A_283], %gather3A_278 {strides = array<i32>} : memref<16384xf32, #tpu.memory_space<vmem>>, vector<16xf32>,
      %broadcast_in_dim3A_285 = arith.constant 2 : i32
      %broadcast_in_dim3A_286 = vector.broadcast %broadcast_in_dim3A_285 : i32 to vector<16xi32>
      %gather3A_287 = tpu.vector_load_idx %arg14[%broadcast_in_dim3A_286, %get3A_268] : memref<4x8192xf32, #tpu.memory_space<vmem>>[vector<16xi32>, vector<16xi32>], vector<16xf32>,
      %mul3A_288 = arith.constant 16 : i32
      %mul3A_289 = arith.muli %scan3A_264, %mul3A_288 : i32
      %add3A_290 = arith.constant 8192 : i32
      %add3A_291 = arith.addi %add3A_290, %mul3A_289 : i32
      %swap3A_292 = arith.index_cast %add3A_291 : i32 to index
      %swap3A_293 = tpu.vector_load %arg16[%swap3A_292] {strides = array<i32>} : memref<16384xf32, #tpu.memory_space<vmem>>, vector<16xf32>,
      tpu.vector_store %arg16[%swap3A_292], %gather3A_287 {strides = array<i32>} : memref<16384xf32, #tpu.memory_space<vmem>>, vector<16xf32>,
      %broadcast_in_dim3A_294 = arith.constant 3 : i32
      %broadcast_in_dim3A_295 = vector.broadcast %broadcast_in_dim3A_294 : i32 to vector<16xi32>
      %gather3A_296 = tpu.vector_load_idx %arg14[%broadcast_in_dim3A_295, %get3A_268] : memref<4x8192xf32, #tpu.memory_space<vmem>>[vector<16xi32>, vector<16xi32>], vector<16xf32>,
      %mul3A_297 = arith.constant 16 : i32
      %mul3A_298 = arith.muli %scan3A_264, %mul3A_297 : i32
      %add3A_299 = arith.constant 12288 : i32
      %add3A_300 = arith.addi %add3A_299, %mul3A_298 : i32
      %swap3A_301 = arith.index_cast %add3A_300 : i32 to index
      %swap3A_302 = tpu.vector_load %arg16[%swap3A_301] {strides = array<i32>} : memref<16384xf32, #tpu.memory_space<vmem>>, vector<16xf32>,
      tpu.vector_store %arg16[%swap3A_301], %gather3A_296 {strides = array<i32>} : memref<16384xf32, #tpu.memory_space<vmem>>, vector<16xf32>,
      %scan3A_303 = arith.constant 0 : i32
      %scan3A_304 = arith.constant 1 : i32
      %scan3A_305 = arith.addi %scan3A_264, %scan3A_304 : i32
      %mul3A_306 = arith.constant 16 : i32
      %mul3A_307 = arith.muli %scan3A_305, %mul3A_306 : i32
      %get3A_308 = arith.index_cast %mul3A_307 : i32 to index
      %get3A_309 = tpu.vector_load %arg11[%get3A_308] {strides = array<i32>} : memref<4096xi32, #tpu.memory_space<vmem>>, vector<16xi32>,
      %broadcast_in_dim3A_310 = arith.constant 0 : i32
      %broadcast_in_dim3A_311 = vector.broadcast %broadcast_in_dim3A_310 : i32 to vector<16xi32>
      %gather3A_312 = tpu.vector_load_idx %arg14[%broadcast_in_dim3A_311, %get3A_309] : memref<4x8192xf32, #tpu.memory_space<vmem>>[vector<16xi32>, vector<16xi32>], vector<16xf32>,
      %mul3A_313 = arith.constant 16 : i32
      %mul3A_314 = arith.muli %scan3A_305, %mul3A_313 : i32
      %add3A_315 = arith.constant 0 : i32
      %add3A_316 = arith.addi %add3A_315, %mul3A_314 : i32
      %swap3A_317 = arith.index_cast %add3A_316 : i32 to index
      %swap3A_318 = tpu.vector_load %arg16[%swap3A_317] {strides = array<i32>} : memref<16384xf32, #tpu.memory_space<vmem>>, vector<16xf32>,
      tpu.vector_store %arg16[%swap3A_317], %gather3A_312 {strides = array<i32>} : memref<16384xf32, #tpu.memory_space<vmem>>, vector<16xf32>,
      %broadcast_in_dim3A_319 = arith.constant 1 : i32
      %broadcast_in_dim3A_320 = vector.broadcast %broadcast_in_dim3A_319 : i32 to vector<16xi32>
      %gather3A_321 = tpu.vector_load_idx %arg14[%broadcast_in_dim3A_320, %get3A_309] : memref<4x8192xf32, #tpu.memory_space<vmem>>[vector<16xi32>, vector<16xi32>], vector<16xf32>,
      %mul3A_322 = arith.constant 16 : i32
      %mul3A_323 = arith.muli %scan3A_305, %mul3A_322 : i32
      %add3A_324 = arith.constant 4096 : i32
      %add3A_325 = arith.addi %add3A_324, %mul3A_323 : i32
      %swap3A_326 = arith.index_cast %add3A_325 : i32 to index
      %swap3A_327 = tpu.vector_load %arg16[%swap3A_326] {strides = array<i32>} : memref<16384xf32, #tpu.memory_space<vmem>>, vector<16xf32>,
      tpu.vector_store %arg16[%swap3A_326], %gather3A_321 {strides = array<i32>} : memref<16384xf32, #tpu.memory_space<vmem>>, vector<16xf32>,
      %broadcast_in_dim3A_328 = arith.constant 2 : i32
      %broadcast_in_dim3A_329 = vector.broadcast %broadcast_in_dim3A_328 : i32 to vector<16xi32>
      %gather3A_330 = tpu.vector_load_idx %arg14[%broadcast_in_dim3A_329, %get3A_309] : memref<4x8192xf32, #tpu.memory_space<vmem>>[vector<16xi32>, vector<16xi32>], vector<16xf32>,
      %mul3A_331 = arith.constant 16 : i32
      %mul3A_332 = arith.muli %scan3A_305, %mul3A_331 : i32
      %add3A_333 = arith.constant 8192 : i32
      %add3A_334 = arith.addi %add3A_333, %mul3A_332 : i32
      %swap3A_335 = arith.index_cast %add3A_334 : i32 to index
      %swap3A_336 = tpu.vector_load %arg16[%swap3A_335] {strides = array<i32>} : memref<16384xf32, #tpu.memory_space<vmem>>, vector<16xf32>,
      tpu.vector_store %arg16[%swap3A_335], %gather3A_330 {strides = array<i32>} : memref<16384xf32, #tpu.memory_space<vmem>>, vector<16xf32>,
      %broadcast_in_dim3A_337 = arith.constant 3 : i32
      %broadcast_in_dim3A_338 = vector.broadcast %broadcast_in_dim3A_337 : i32 to vector<16xi32>
      %gather3A_339 = tpu.vector_load_idx %arg14[%broadcast_in_dim3A_338, %get3A_309] : memref<4x8192xf32, #tpu.memory_space<vmem>>[vector<16xi32>, vector<16xi32>], vector<16xf32>,
      %mul3A_340 = arith.constant 16 : i32
      %mul3A_341 = arith.muli %scan3A_305, %mul3A_340 : i32
      %add3A_342 = arith.constant 12288 : i32
      %add3A_343 = arith.addi %add3A_342, %mul3A_341 : i32
      %swap3A_344 = arith.index_cast %add3A_343 : i32 to index
      %swap3A_345 = tpu.vector_load %arg16[%swap3A_344] {strides = array<i32>} : memref<16384xf32, #tpu.memory_space<vmem>>, vector<16xf32>,
      tpu.vector_store %arg16[%swap3A_344], %gather3A_339 {strides = array<i32>} : memref<16384xf32, #tpu.memory_space<vmem>>, vector<16xf32>,
      %scan3A_346 = arith.constant 0 : i32
      %scan3A_347 = arith.constant 2 : i32
      %scan3A_348 = arith.addi %scan3A_264, %scan3A_347 : i32
      %mul3A_349 = arith.constant 16 : i32
      %mul3A_350 = arith.muli %scan3A_348, %mul3A_349 : i32
      %get3A_351 = arith.index_cast %mul3A_350 : i32 to index
      %get3A_352 = tpu.vector_load %arg11[%get3A_351] {strides = array<i32>} : memref<4096xi32, #tpu.memory_space<vmem>>, vector<16xi32>,
      %broadcast_in_dim3A_353 = arith.constant 0 : i32
      %broadcast_in_dim3A_354 = vector.broadcast %broadcast_in_dim3A_353 : i32 to vector<16xi32>
      %gather3A_355 = tpu.vector_load_idx %arg14[%broadcast_in_dim3A_354, %get3A_352] : memref<4x8192xf32, #tpu.memory_space<vmem>>[vector<16xi32>, vector<16xi32>], vector<16xf32>,
      %mul3A_356 = arith.constant 16 : i32
      %mul3A_357 = arith.muli %scan3A_348, %mul3A_356 : i32
      %add3A_358 = arith.constant 0 : i32
      %add3A_359 = arith.addi %add3A_358, %mul3A_357 : i32
      %swap3A_360 = arith.index_cast %add3A_359 : i32 to index
      %swap3A_361 = tpu.vector_load %arg16[%swap3A_360] {strides = array<i32>} : memref<16384xf32, #tpu.memory_space<vmem>>, vector<16xf32>,
      tpu.vector_store %arg16[%swap3A_360], %gather3A_355 {strides = array<i32>} : memref<16384xf32, #tpu.memory_space<vmem>>, vector<16xf32>,
      %broadcast_in_dim3A_362 = arith.constant 1 : i32
      %broadcast_in_dim3A_363 = vector.broadcast %broadcast_in_dim3A_362 : i32 to vector<16xi32>
      %gather3A_364 = tpu.vector_load_idx %arg14[%broadcast_in_dim3A_363, %get3A_352] : memref<4x8192xf32, #tpu.memory_space<vmem>>[vector<16xi32>, vector<16xi32>], vector<16xf32>,
      %mul3A_365 = arith.constant 16 : i32
      %mul3A_366 = arith.muli %scan3A_348, %mul3A_365 : i32
      %add3A_367 = arith.constant 4096 : i32
      %add3A_368 = arith.addi %add3A_367, %mul3A_366 : i32
      %swap3A_369 = arith.index_cast %add3A_368 : i32 to index
      %swap3A_370 = tpu.vector_load %arg16[%swap3A_369] {strides = array<i32>} : memref<16384xf32, #tpu.memory_space<vmem>>, vector<16xf32>,
      tpu.vector_store %arg16[%swap3A_369], %gather3A_364 {strides = array<i32>} : memref<16384xf32, #tpu.memory_space<vmem>>, vector<16xf32>,
      %broadcast_in_dim3A_371 = arith.constant 2 : i32
      %broadcast_in_dim3A_372 = vector.broadcast %broadcast_in_dim3A_371 : i32 to vector<16xi32>
      %gather3A_373 = tpu.vector_load_idx %arg14[%broadcast_in_dim3A_372, %get3A_352] : memref<4x8192xf32, #tpu.memory_space<vmem>>[vector<16xi32>, vector<16xi32>], vector<16xf32>,
      %mul3A_374 = arith.constant 16 : i32
      %mul3A_375 = arith.muli %scan3A_348, %mul3A_374 : i32
      %add3A_376 = arith.constant 8192 : i32
      %add3A_377 = arith.addi %add3A_376, %mul3A_375 : i32
      %swap3A_378 = arith.index_cast %add3A_377 : i32 to index
      %swap3A_379 = tpu.vector_load %arg16[%swap3A_378] {strides = array<i32>} : memref<16384xf32, #tpu.memory_space<vmem>>, vector<16xf32>,
      tpu.vector_store %arg16[%swap3A_378], %gather3A_373 {strides = array<i32>} : memref<16384xf32, #tpu.memory_space<vmem>>, vector<16xf32>,
      %broadcast_in_dim3A_380 = arith.constant 3 : i32
      %broadcast_in_dim3A_381 = vector.broadcast %broadcast_in_dim3A_380 : i32 to vector<16xi32>
      %gather3A_382 = tpu.vector_load_idx %arg14[%broadcast_in_dim3A_381, %get3A_352] : memref<4x8192xf32, #tpu.memory_space<vmem>>[vector<16xi32>, vector<16xi32>], vector<16xf32>,
      %mul3A_383 = arith.constant 16 : i32
      %mul3A_384 = arith.muli %scan3A_348, %mul3A_383 : i32
      %add3A_385 = arith.constant 12288 : i32
      %add3A_386 = arith.addi %add3A_385, %mul3A_384 : i32
      %swap3A_387 = arith.index_cast %add3A_386 : i32 to index
      %swap3A_388 = tpu.vector_load %arg16[%swap3A_387] {strides = array<i32>} : memref<16384xf32, #tpu.memory_space<vmem>>, vector<16xf32>,
      tpu.vector_store %arg16[%swap3A_387], %gather3A_382 {strides = array<i32>} : memref<16384xf32, #tpu.memory_space<vmem>>, vector<16xf32>,
      %scan3A_389 = arith.constant 0 : i32
      %scan3A_390 = arith.constant 3 : i32
      %scan3A_391 = arith.addi %scan3A_264, %scan3A_390 : i32
      %mul3A_392 = arith.constant 16 : i32
      %mul3A_393 = arith.muli %scan3A_391, %mul3A_392 : i32
      %get3A_394 = arith.index_cast %mul3A_393 : i32 to index
      %get3A_395 = tpu.vector_load %arg11[%get3A_394] {strides = array<i32>} : memref<4096xi32, #tpu.memory_space<vmem>>, vector<16xi32>,
      %broadcast_in_dim3A_396 = arith.constant 0 : i32
      %broadcast_in_dim3A_397 = vector.broadcast %broadcast_in_dim3A_396 : i32 to vector<16xi32>
      %gather3A_398 = tpu.vector_load_idx %arg14[%broadcast_in_dim3A_397, %get3A_395] : memref<4x8192xf32, #tpu.memory_space<vmem>>[vector<16xi32>, vector<16xi32>], vector<16xf32>,
      %mul3A_399 = arith.constant 16 : i32
      %mul3A_400 = arith.muli %scan3A_391, %mul3A_399 : i32
      %add3A_401 = arith.constant 0 : i32
      %add3A_402 = arith.addi %add3A_401, %mul3A_400 : i32
      %swap3A_403 = arith.index_cast %add3A_402 : i32 to index
      %swap3A_404 = tpu.vector_load %arg16[%swap3A_403] {strides = array<i32>} : memref<16384xf32, #tpu.memory_space<vmem>>, vector<16xf32>,
      tpu.vector_store %arg16[%swap3A_403], %gather3A_398 {strides = array<i32>} : memref<16384xf32, #tpu.memory_space<vmem>>, vector<16xf32>,
      %broadcast_in_dim3A_405 = arith.constant 1 : i32
      %broadcast_in_dim3A_406 = vector.broadcast %broadcast_in_dim3A_405 : i32 to vector<16xi32>
      %gather3A_407 = tpu.vector_load_idx %arg14[%broadcast_in_dim3A_406, %get3A_395] : memref<4x8192xf32, #tpu.memory_space<vmem>>[vector<16xi32>, vector<16xi32>], vector<16xf32>,
      %mul3A_408 = arith.constant 16 : i32
      %mul3A_409 = arith.muli %scan3A_391, %mul3A_408 : i32
      %add3A_410 = arith.constant 4096 : i32
      %add3A_411 = arith.addi %add3A_410, %mul3A_409 : i32
      %swap3A_412 = arith.index_cast %add3A_411 : i32 to index
      %swap3A_413 = tpu.vector_load %arg16[%swap3A_412] {strides = array<i32>} : memref<16384xf32, #tpu.memory_space<vmem>>, vector<16xf32>,
      tpu.vector_store %arg16[%swap3A_412], %gather3A_407 {strides = array<i32>} : memref<16384xf32, #tpu.memory_space<vmem>>, vector<16xf32>,
      %broadcast_in_dim3A_414 = arith.constant 2 : i32
      %broadcast_in_dim3A_415 = vector.broadcast %broadcast_in_dim3A_414 : i32 to vector<16xi32>
      %gather3A_416 = tpu.vector_load_idx %arg14[%broadcast_in_dim3A_415, %get3A_395] : memref<4x8192xf32, #tpu.memory_space<vmem>>[vector<16xi32>, vector<16xi32>], vector<16xf32>,
      %mul3A_417 = arith.constant 16 : i32
      %mul3A_418 = arith.muli %scan3A_391, %mul3A_417 : i32
      %add3A_419 = arith.constant 8192 : i32
      %add3A_420 = arith.addi %add3A_419, %mul3A_418 : i32
      %swap3A_421 = arith.index_cast %add3A_420 : i32 to index
      %swap3A_422 = tpu.vector_load %arg16[%swap3A_421] {strides = array<i32>} : memref<16384xf32, #tpu.memory_space<vmem>>, vector<16xf32>,
      tpu.vector_store %arg16[%swap3A_421], %gather3A_416 {strides = array<i32>} : memref<16384xf32, #tpu.memory_space<vmem>>, vector<16xf32>,
      %broadcast_in_dim3A_423 = arith.constant 3 : i32
      %broadcast_in_dim3A_424 = vector.broadcast %broadcast_in_dim3A_423 : i32 to vector<16xi32>
      %gather3A_425 = tpu.vector_load_idx %arg14[%broadcast_in_dim3A_424, %get3A_395] : memref<4x8192xf32, #tpu.memory_space<vmem>>[vector<16xi32>, vector<16xi32>], vector<16xf32>,
      %mul3A_426 = arith.constant 16 : i32
      %mul3A_427 = arith.muli %scan3A_391, %mul3A_426 : i32
      %add3A_428 = arith.constant 12288 : i32
      %add3A_429 = arith.addi %add3A_428, %mul3A_427 : i32
      %swap3A_430 = arith.index_cast %add3A_429 : i32 to index
      %swap3A_431 = tpu.vector_load %arg16[%swap3A_430] {strides = array<i32>} : memref<16384xf32, #tpu.memory_space<vmem>>, vector<16xf32>,
      tpu.vector_store %arg16[%swap3A_430], %gather3A_425 {strides = array<i32>} : memref<16384xf32, #tpu.memory_space<vmem>>, vector<16xf32>,
      %scan3A_432 = arith.constant 0 : i32
      %scan3A_433 = arith.constant 4 : i32
      %scan3A_434 = arith.addi %scan3A_264, %scan3A_433 : i32
      %mul3A_435 = arith.constant 16 : i32
      %mul3A_436 = arith.muli %scan3A_434, %mul3A_435 : i32
      %get3A_437 = arith.index_cast %mul3A_436 : i32 to index
      %get3A_438 = tpu.vector_load %arg11[%get3A_437] {strides = array<i32>} : memref<4096xi32, #tpu.memory_space<vmem>>, vector<16xi32>,
      %broadcast_in_dim3A_439 = arith.constant 0 : i32
      %broadcast_in_dim3A_440 = vector.broadcast %broadcast_in_dim3A_439 : i32 to vector<16xi32>
      %gather3A_441 = tpu.vector_load_idx %arg14[%broadcast_in_dim3A_440, %get3A_438] : memref<4x8192xf32, #tpu.memory_space<vmem>>[vector<16xi32>, vector<16xi32>], vector<16xf32>,
      %mul3A_442 = arith.constant 16 : i32
      %mul3A_443 = arith.muli %scan3A_434, %mul3A_442 : i32
      %add3A_444 = arith.constant 0 : i32
      %add3A_445 = arith.addi %add3A_444, %mul3A_443 : i32
      %swap3A_446 = arith.index_cast %add3A_445 : i32 to index
      %swap3A_447 = tpu.vector_load %arg16[%swap3A_446] {strides = array<i32>} : memref<16384xf32, #tpu.memory_space<vmem>>, vector<16xf32>,
      tpu.vector_store %arg16[%swap3A_446], %gather3A_441 {strides = array<i32>} : memref<16384xf32, #tpu.memory_space<vmem>>, vector<16xf32>,
      %broadcast_in_dim3A_448 = arith.constant 1 : i32
      %broadcast_in_dim3A_449 = vector.broadcast %broadcast_in_dim3A_448 : i32 to vector<16xi32>
      %gather3A_450 = tpu.vector_load_idx %arg14[%broadcast_in_dim3A_449, %get3A_438] : memref<4x8192xf32, #tpu.memory_space<vmem>>[vector<16xi32>, vector<16xi32>], vector<16xf32>,
      %mul3A_451 = arith.constant 16 : i32
      %mul3A_452 = arith.muli %scan3A_434, %mul3A_451 : i32
      %add3A_453 = arith.constant 4096 : i32
      %add3A_454 = arith.addi %add3A_453, %mul3A_452 : i32
      %swap3A_455 = arith.index_cast %add3A_454 : i32 to index
      %swap3A_456 = tpu.vector_load %arg16[%swap3A_455] {strides = array<i32>} : memref<16384xf32, #tpu.memory_space<vmem>>, vector<16xf32>,
      tpu.vector_store %arg16[%swap3A_455], %gather3A_450 {strides = array<i32>} : memref<16384xf32, #tpu.memory_space<vmem>>, vector<16xf32>,
      %broadcast_in_dim3A_457 = arith.constant 2 : i32
      %broadcast_in_dim3A_458 = vector.broadcast %broadcast_in_dim3A_457 : i32 to vector<16xi32>
      %gather3A_459 = tpu.vector_load_idx %arg14[%broadcast_in_dim3A_458, %get3A_438] : memref<4x8192xf32, #tpu.memory_space<vmem>>[vector<16xi32>, vector<16xi32>], vector<16xf32>,
      %mul3A_460 = arith.constant 16 : i32
      %mul3A_461 = arith.muli %scan3A_434, %mul3A_460 : i32
      %add3A_462 = arith.constant 8192 : i32
      %add3A_463 = arith.addi %add3A_462, %mul3A_461 : i32
      %swap3A_464 = arith.index_cast %add3A_463 : i32 to index
      %swap3A_465 = tpu.vector_load %arg16[%swap3A_464] {strides = array<i32>} : memref<16384xf32, #tpu.memory_space<vmem>>, vector<16xf32>,
      tpu.vector_store %arg16[%swap3A_464], %gather3A_459 {strides = array<i32>} : memref<16384xf32, #tpu.memory_space<vmem>>, vector<16xf32>,
      %broadcast_in_dim3A_466 = arith.constant 3 : i32
      %broadcast_in_dim3A_467 = vector.broadcast %broadcast_in_dim3A_466 : i32 to vector<16xi32>
      %gather3A_468 = tpu.vector_load_idx %arg14[%broadcast_in_dim3A_467, %get3A_438] : memref<4x8192xf32, #tpu.memory_space<vmem>>[vector<16xi32>, vector<16xi32>], vector<16xf32>,
      %mul3A_469 = arith.constant 16 : i32
      %mul3A_470 = arith.muli %scan3A_434, %mul3A_469 : i32
      %add3A_471 = arith.constant 12288 : i32
      %add3A_472 = arith.addi %add3A_471, %mul3A_470 : i32
      %swap3A_473 = arith.index_cast %add3A_472 : i32 to index
      %swap3A_474 = tpu.vector_load %arg16[%swap3A_473] {strides = array<i32>} : memref<16384xf32, #tpu.memory_space<vmem>>, vector<16xf32>,
      tpu.vector_store %arg16[%swap3A_473], %gather3A_468 {strides = array<i32>} : memref<16384xf32, #tpu.memory_space<vmem>>, vector<16xf32>,
      %scan3A_475 = arith.constant 0 : i32
      %scan3A_476 = arith.constant 5 : i32
      %scan3A_477 = arith.addi %scan3A_264, %scan3A_476 : i32
      %mul3A_478 = arith.constant 16 : i32
      %mul3A_479 = arith.muli %scan3A_477, %mul3A_478 : i32
      %get3A_480 = arith.index_cast %mul3A_479 : i32 to index
      %get3A_481 = tpu.vector_load %arg11[%get3A_480] {strides = array<i32>} : memref<4096xi32, #tpu.memory_space<vmem>>, vector<16xi32>,
      %broadcast_in_dim3A_482 = arith.constant 0 : i32
      %broadcast_in_dim3A_483 = vector.broadcast %broadcast_in_dim3A_482 : i32 to vector<16xi32>
      %gather3A_484 = tpu.vector_load_idx %arg14[%broadcast_in_dim3A_483, %get3A_481] : memref<4x8192xf32, #tpu.memory_space<vmem>>[vector<16xi32>, vector<16xi32>], vector<16xf32>,
      %mul3A_485 = arith.constant 16 : i32
      %mul3A_486 = arith.muli %scan3A_477, %mul3A_485 : i32
      %add3A_487 = arith.constant 0 : i32
      %add3A_488 = arith.addi %add3A_487, %mul3A_486 : i32
      %swap3A_489 = arith.index_cast %add3A_488 : i32 to index
      %swap3A_490 = tpu.vector_load %arg16[%swap3A_489] {strides = array<i32>} : memref<16384xf32, #tpu.memory_space<vmem>>, vector<16xf32>,
      tpu.vector_store %arg16[%swap3A_489], %gather3A_484 {strides = array<i32>} : memref<16384xf32, #tpu.memory_space<vmem>>, vector<16xf32>,
      %broadcast_in_dim3A_491 = arith.constant 1 : i32
      %broadcast_in_dim3A_492 = vector.broadcast %broadcast_in_dim3A_491 : i32 to vector<16xi32>
      %gather3A_493 = tpu.vector_load_idx %arg14[%broadcast_in_dim3A_492, %get3A_481] : memref<4x8192xf32, #tpu.memory_space<vmem>>[vector<16xi32>, vector<16xi32>], vector<16xf32>,
      %mul3A_494 = arith.constant 16 : i32
      %mul3A_495 = arith.muli %scan3A_477, %mul3A_494 : i32
      %add3A_496 = arith.constant 4096 : i32
      %add3A_497 = arith.addi %add3A_496, %mul3A_495 : i32
      %swap3A_498 = arith.index_cast %add3A_497 : i32 to index
      %swap3A_499 = tpu.vector_load %arg16[%swap3A_498] {strides = array<i32>} : memref<16384xf32, #tpu.memory_space<vmem>>, vector<16xf32>,
      tpu.vector_store %arg16[%swap3A_498], %gather3A_493 {strides = array<i32>} : memref<16384xf32, #tpu.memory_space<vmem>>, vector<16xf32>,
      %broadcast_in_dim3A_500 = arith.constant 2 : i32
      %broadcast_in_dim3A_501 = vector.broadcast %broadcast_in_dim3A_500 : i32 to vector<16xi32>
      %gather3A_502 = tpu.vector_load_idx %arg14[%broadcast_in_dim3A_501, %get3A_481] : memref<4x8192xf32, #tpu.memory_space<vmem>>[vector<16xi32>, vector<16xi32>], vector<16xf32>,
      %mul3A_503 = arith.constant 16 : i32
      %mul3A_504 = arith.muli %scan3A_477, %mul3A_503 : i32
      %add3A_505 = arith.constant 8192 : i32
      %add3A_506 = arith.addi %add3A_505, %mul3A_504 : i32
      %swap3A_507 = arith.index_cast %add3A_506 : i32 to index
      %swap3A_508 = tpu.vector_load %arg16[%swap3A_507] {strides = array<i32>} : memref<16384xf32, #tpu.memory_space<vmem>>, vector<16xf32>,
      tpu.vector_store %arg16[%swap3A_507], %gather3A_502 {strides = array<i32>} : memref<16384xf32, #tpu.memory_space<vmem>>, vector<16xf32>,
      %broadcast_in_dim3A_509 = arith.constant 3 : i32
      %broadcast_in_dim3A_510 = vector.broadcast %broadcast_in_dim3A_509 : i32 to vector<16xi32>
      %gather3A_511 = tpu.vector_load_idx %arg14[%broadcast_in_dim3A_510, %get3A_481] : memref<4x8192xf32, #tpu.memory_space<vmem>>[vector<16xi32>, vector<16xi32>], vector<16xf32>,
      %mul3A_512 = arith.constant 16 : i32
      %mul3A_513 = arith.muli %scan3A_477, %mul3A_512 : i32
      %add3A_514 = arith.constant 12288 : i32
      %add3A_515 = arith.addi %add3A_514, %mul3A_513 : i32
      %swap3A_516 = arith.index_cast %add3A_515 : i32 to index
      %swap3A_517 = tpu.vector_load %arg16[%swap3A_516] {strides = array<i32>} : memref<16384xf32, #tpu.memory_space<vmem>>, vector<16xf32>,
      tpu.vector_store %arg16[%swap3A_516], %gather3A_511 {strides = array<i32>} : memref<16384xf32, #tpu.memory_space<vmem>>, vector<16xf32>,
      %scan3A_518 = arith.constant 0 : i32
      %scan3A_519 = arith.constant 6 : i32
      %scan3A_520 = arith.addi %scan3A_264, %scan3A_519 : i32
      %mul3A_521 = arith.constant 16 : i32
      %mul3A_522 = arith.muli %scan3A_520, %mul3A_521 : i32
      %get3A_523 = arith.index_cast %mul3A_522 : i32 to index
      %get3A_524 = tpu.vector_load %arg11[%get3A_523] {strides = array<i32>} : memref<4096xi32, #tpu.memory_space<vmem>>, vector<16xi32>,
      %broadcast_in_dim3A_525 = arith.constant 0 : i32
      %broadcast_in_dim3A_526 = vector.broadcast %broadcast_in_dim3A_525 : i32 to vector<16xi32>
      %gather3A_527 = tpu.vector_load_idx %arg14[%broadcast_in_dim3A_526, %get3A_524] : memref<4x8192xf32, #tpu.memory_space<vmem>>[vector<16xi32>, vector<16xi32>], vector<16xf32>,
      %mul3A_528 = arith.constant 16 : i32
      %mul3A_529 = arith.muli %scan3A_520, %mul3A_528 : i32
      %add3A_530 = arith.constant 0 : i32
      %add3A_531 = arith.addi %add3A_530, %mul3A_529 : i32
      %swap3A_532 = arith.index_cast %add3A_531 : i32 to index
      %swap3A_533 = tpu.vector_load %arg16[%swap3A_532] {strides = array<i32>} : memref<16384xf32, #tpu.memory_space<vmem>>, vector<16xf32>,
      tpu.vector_store %arg16[%swap3A_532], %gather3A_527 {strides = array<i32>} : memref<16384xf32, #tpu.memory_space<vmem>>, vector<16xf32>,
      %broadcast_in_dim3A_534 = arith.constant 1 : i32
      %broadcast_in_dim3A_535 = vector.broadcast %broadcast_in_dim3A_534 : i32 to vector<16xi32>
      %gather3A_536 = tpu.vector_load_idx %arg14[%broadcast_in_dim3A_535, %get3A_524] : memref<4x8192xf32, #tpu.memory_space<vmem>>[vector<16xi32>, vector<16xi32>], vector<16xf32>,
      %mul3A_537 = arith.constant 16 : i32
      %mul3A_538 = arith.muli %scan3A_520, %mul3A_537 : i32
      %add3A_539 = arith.constant 4096 : i32
      %add3A_540 = arith.addi %add3A_539, %mul3A_538 : i32
      %swap3A_541 = arith.index_cast %add3A_540 : i32 to index
      %swap3A_542 = tpu.vector_load %arg16[%swap3A_541] {strides = array<i32>} : memref<16384xf32, #tpu.memory_space<vmem>>, vector<16xf32>,
      tpu.vector_store %arg16[%swap3A_541], %gather3A_536 {strides = array<i32>} : memref<16384xf32, #tpu.memory_space<vmem>>, vector<16xf32>,
      %broadcast_in_dim3A_543 = arith.constant 2 : i32
      %broadcast_in_dim3A_544 = vector.broadcast %broadcast_in_dim3A_543 : i32 to vector<16xi32>
      %gather3A_545 = tpu.vector_load_idx %arg14[%broadcast_in_dim3A_544, %get3A_524] : memref<4x8192xf32, #tpu.memory_space<vmem>>[vector<16xi32>, vector<16xi32>], vector<16xf32>,
      %mul3A_546 = arith.constant 16 : i32
      %mul3A_547 = arith.muli %scan3A_520, %mul3A_546 : i32
      %add3A_548 = arith.constant 8192 : i32
      %add3A_549 = arith.addi %add3A_548, %mul3A_547 : i32
      %swap3A_550 = arith.index_cast %add3A_549 : i32 to index
      %swap3A_551 = tpu.vector_load %arg16[%swap3A_550] {strides = array<i32>} : memref<16384xf32, #tpu.memory_space<vmem>>, vector<16xf32>,
      tpu.vector_store %arg16[%swap3A_550], %gather3A_545 {strides = array<i32>} : memref<16384xf32, #tpu.memory_space<vmem>>, vector<16xf32>,
      %broadcast_in_dim3A_552 = arith.constant 3 : i32
      %broadcast_in_dim3A_553 = vector.broadcast %broadcast_in_dim3A_552 : i32 to vector<16xi32>
      %gather3A_554 = tpu.vector_load_idx %arg14[%broadcast_in_dim3A_553, %get3A_524] : memref<4x8192xf32, #tpu.memory_space<vmem>>[vector<16xi32>, vector<16xi32>], vector<16xf32>,
      %mul3A_555 = arith.constant 16 : i32
      %mul3A_556 = arith.muli %scan3A_520, %mul3A_555 : i32
      %add3A_557 = arith.constant 12288 : i32
      %add3A_558 = arith.addi %add3A_557, %mul3A_556 : i32
      %swap3A_559 = arith.index_cast %add3A_558 : i32 to index
      %swap3A_560 = tpu.vector_load %arg16[%swap3A_559] {strides = array<i32>} : memref<16384xf32, #tpu.memory_space<vmem>>, vector<16xf32>,
      tpu.vector_store %arg16[%swap3A_559], %gather3A_554 {strides = array<i32>} : memref<16384xf32, #tpu.memory_space<vmem>>, vector<16xf32>,
      %scan3A_561 = arith.constant 0 : i32
      %scan3A_562 = arith.constant 7 : i32
      %scan3A_563 = arith.addi %scan3A_264, %scan3A_562 : i32
      %mul3A_564 = arith.constant 16 : i32
      %mul3A_565 = arith.muli %scan3A_563, %mul3A_564 : i32
      %get3A_566 = arith.index_cast %mul3A_565 : i32 to index
      %get3A_567 = tpu.vector_load %arg11[%get3A_566] {strides = array<i32>} : memref<4096xi32, #tpu.memory_space<vmem>>, vector<16xi32>,
      %broadcast_in_dim3A_568 = arith.constant 0 : i32
      %broadcast_in_dim3A_569 = vector.broadcast %broadcast_in_dim3A_568 : i32 to vector<16xi32>
      %gather3A_570 = tpu.vector_load_idx %arg14[%broadcast_in_dim3A_569, %get3A_567] : memref<4x8192xf32, #tpu.memory_space<vmem>>[vector<16xi32>, vector<16xi32>], vector<16xf32>,
      %mul3A_571 = arith.constant 16 : i32
      %mul3A_572 = arith.muli %scan3A_563, %mul3A_571 : i32
      %add3A_573 = arith.constant 0 : i32
      %add3A_574 = arith.addi %add3A_573, %mul3A_572 : i32
      %swap3A_575 = arith.index_cast %add3A_574 : i32 to index
      %swap3A_576 = tpu.vector_load %arg16[%swap3A_575] {strides = array<i32>} : memref<16384xf32, #tpu.memory_space<vmem>>, vector<16xf32>,
      tpu.vector_store %arg16[%swap3A_575], %gather3A_570 {strides = array<i32>} : memref<16384xf32, #tpu.memory_space<vmem>>, vector<16xf32>,
      %broadcast_in_dim3A_577 = arith.constant 1 : i32
      %broadcast_in_dim3A_578 = vector.broadcast %broadcast_in_dim3A_577 : i32 to vector<16xi32>
      %gather3A_579 = tpu.vector_load_idx %arg14[%broadcast_in_dim3A_578, %get3A_567] : memref<4x8192xf32, #tpu.memory_space<vmem>>[vector<16xi32>, vector<16xi32>], vector<16xf32>,
      %mul3A_580 = arith.constant 16 : i32
      %mul3A_581 = arith.muli %scan3A_563, %mul3A_580 : i32
      %add3A_582 = arith.constant 4096 : i32
      %add3A_583 = arith.addi %add3A_582, %mul3A_581 : i32
      %swap3A_584 = arith.index_cast %add3A_583 : i32 to index
      %swap3A_585 = tpu.vector_load %arg16[%swap3A_584] {strides = array<i32>} : memref<16384xf32, #tpu.memory_space<vmem>>, vector<16xf32>,
      tpu.vector_store %arg16[%swap3A_584], %gather3A_579 {strides = array<i32>} : memref<16384xf32, #tpu.memory_space<vmem>>, vector<16xf32>,
      %broadcast_in_dim3A_586 = arith.constant 2 : i32
      %broadcast_in_dim3A_587 = vector.broadcast %broadcast_in_dim3A_586 : i32 to vector<16xi32>
      %gather3A_588 = tpu.vector_load_idx %arg14[%broadcast_in_dim3A_587, %get3A_567] : memref<4x8192xf32, #tpu.memory_space<vmem>>[vector<16xi32>, vector<16xi32>], vector<16xf32>,
      %mul3A_589 = arith.constant 16 : i32
      %mul3A_590 = arith.muli %scan3A_563, %mul3A_589 : i32
      %add3A_591 = arith.constant 8192 : i32
      %add3A_592 = arith.addi %add3A_591, %mul3A_590 : i32
      %swap3A_593 = arith.index_cast %add3A_592 : i32 to index
      %swap3A_594 = tpu.vector_load %arg16[%swap3A_593] {strides = array<i32>} : memref<16384xf32, #tpu.memory_space<vmem>>, vector<16xf32>,
      tpu.vector_store %arg16[%swap3A_593], %gather3A_588 {strides = array<i32>} : memref<16384xf32, #tpu.memory_space<vmem>>, vector<16xf32>,
      %broadcast_in_dim3A_595 = arith.constant 3 : i32
      %broadcast_in_dim3A_596 = vector.broadcast %broadcast_in_dim3A_595 : i32 to vector<16xi32>
      %gather3A_597 = tpu.vector_load_idx %arg14[%broadcast_in_dim3A_596, %get3A_567] : memref<4x8192xf32, #tpu.memory_space<vmem>>[vector<16xi32>, vector<16xi32>], vector<16xf32>,
      %mul3A_598 = arith.constant 16 : i32
      %mul3A_599 = arith.muli %scan3A_563, %mul3A_598 : i32
      %add3A_600 = arith.constant 12288 : i32
      %add3A_601 = arith.addi %add3A_600, %mul3A_599 : i32
      %swap3A_602 = arith.index_cast %add3A_601 : i32 to index
      %swap3A_603 = tpu.vector_load %arg16[%swap3A_602] {strides = array<i32>} : memref<16384xf32, #tpu.memory_space<vmem>>, vector<16xf32>,
      tpu.vector_store %arg16[%swap3A_602], %gather3A_597 {strides = array<i32>} : memref<16384xf32, #tpu.memory_space<vmem>>, vector<16xf32>,
      %scan3A_604 = arith.constant 0 : i32
      scf.yield %scan3A_604 : i32
    }
    %scan3A_77 = arith.constant 256 : i32
    %mul3A_78 = arith.constant 4 : i32
    %mul3A_79 = arith.muli %add3A_64, %mul3A_78 : i32
    %add3A_80 = arith.addi %mul3A_2, %mul3A_79 : i32
    %mul3A_81 = arith.constant 4096 : i32
    %mul3A_82 = arith.muli %add3A_80, %mul3A_81 : i32
    %dma_start3A_83 = tpu.memref_slice %arg8[%mul3A_82] : memref<16777216xf32, #tpu.memory_space<hbm>> -> memref<16384xf32, #tpu.memory_space<hbm>>
    %dma_start3A_84 = tpu.memref_slice %arg8[%mul3A_82] : memref<16777216xf32, #tpu.memory_space<hbm>> -> memref<16384xf32, #tpu.memory_space<hbm>>
    tpu.enqueue_dma source(%arg16 : memref<16384xf32, #tpu.memory_space<vmem>>) target(%dma_start3A_84 : memref<16384xf32, #tpu.memory_space<hbm>>) target_semaphore(%arg20 : memref<!tpu.dma_semaphore, #tpu.memory_space<semaphore_mem>>)
    %add3A_85 = arith.constant 2 : i32
    %add3A_86 = arith.addi %add3A_64, %add3A_85 : i32
    %mul3A_87 = arith.constant 8 : i32
    %mul3A_88 = arith.muli %add3A_86, %mul3A_87 : i32
    %dma_start3A_89 = tpu.memref_slice %arg13[%mul3A_88] : memref<272xi32, #tpu.memory_space<vmem>> -> memref<4xi32, #tpu.memory_space<vmem>>
    %dma_start3A_90 = arith.constant 0 : i32
    %dma_start3A_91 = arith.constant 0 : i32
    %dma_start3A_92 = tpu.memref_slice %arg4[%dma_start3A_90, %dma_start3A_91] : memref<8192x8192xf32, #tpu.memory_space<hbm>> -> memref<8192x8192xf32, #tpu.memory_space<hbm>>
    tpu.enqueue_indirect_dma source(%dma_start3A_92 : memref<8192x8192xf32, #tpu.memory_space<hbm>>) target(%arg14 : memref<4x8192xf32, #tpu.memory_space<vmem>>) offsets(%dma_start3A_89 : memref<4xi32, #tpu.memory_space<vmem>>) semaphore(%arg18 : memref<!tpu.dma_semaphore, #tpu.memory_space<semaphore_mem>>)
    %mul3A_93 = arith.constant 2 : i32
    %mul3A_94 = arith.constant 0 : i32
    %mul3A_95 = arith.muli %mul3A_93, %mul3A_94 : i32
    %add3A_96 = arith.constant 1 : i32
    %add3A_97 = arith.addi %mul3A_95, %add3A_96 : i32
    %mul3A_98 = arith.constant 8 : i32
    %mul3A_99 = arith.muli %add3A_97, %mul3A_98 : i32
    %dma_wait3A_100 = tpu.memref_slice %arg13[%mul3A_99] : memref<272xi32, #tpu.memory_space<vmem>> -> memref<4xi32, #tpu.memory_space<vmem>>
    %dma_wait3A_101 = arith.constant 0 : i32
    %dma_wait3A_102 = arith.constant 0 : i32
    %dma_wait3A_103 = tpu.memref_slice %arg4[%dma_wait3A_101, %dma_wait3A_102] : memref<8192x8192xf32, #tpu.memory_space<hbm>> -> memref<8192x8192xf32, #tpu.memory_space<hbm>>
    tpu.wait_indirect_dma semaphore(%arg19 : memref<!tpu.dma_semaphore, #tpu.memory_space<semaphore_mem>>) src(%dma_wait3A_103 : memref<8192x8192xf32, #tpu.memory_space<hbm>>) dst(%arg15 : memref<4x8192xf32, #tpu.memory_space<vmem>>)
    %scan3A_104 = arith.constant 0 : i32
    %scan3A_105 = arith.constant 0 : i32
    %scan3A_106 = arith.constant 256 : i32
    %scan3A_107 = arith.addi %scan3A_105, %scan3A_106 : i32
    %scan3A_108 = arith.constant 8 : i32
    %scan3A_109 = scf.for %scan3A_264 = %scan3A_105 to %scan3A_107 step %scan3A_108 iter_args(%scan3A_265 = %scan3A_104) -> (i32)  : i32 {
      %mul3A_266 = arith.constant 16 : i32
      %mul3A_267 = arith.muli %scan3A_264, %mul3A_266 : i32
      %get3A = arith.index_cast %mul3A_267 : i32 to index
      %get3A_268 = tpu.vector_load %arg11[%get3A] {strides = array<i32>} : memref<4096xi32, #tpu.memory_space<vmem>>, vector<16xi32>,
      %broadcast_in_dim3A_269 = arith.constant 0 : i32
      %broadcast_in_dim3A_270 = vector.broadcast %broadcast_in_dim3A_269 : i32 to vector<16xi32>
      %gather3A = tpu.vector_load_idx %arg15[%broadcast_in_dim3A_270, %get3A_268] : memref<4x8192xf32, #tpu.memory_space<vmem>>[vector<16xi32>, vector<16xi32>], vector<16xf32>,
      %mul3A_271 = arith.constant 16 : i32
      %mul3A_272 = arith.muli %scan3A_264, %mul3A_271 : i32
      %add3A_273 = arith.constant 0 : i32
      %add3A_274 = arith.addi %add3A_273, %mul3A_272 : i32
      %swap3A = arith.index_cast %add3A_274 : i32 to index
      %swap3A_275 = tpu.vector_load %arg17[%swap3A] {strides = array<i32>} : memref<16384xf32, #tpu.memory_space<vmem>>, vector<16xf32>,
      tpu.vector_store %arg17[%swap3A], %gather3A {strides = array<i32>} : memref<16384xf32, #tpu.memory_space<vmem>>, vector<16xf32>,
      %broadcast_in_dim3A_276 = arith.constant 1 : i32
      %broadcast_in_dim3A_277 = vector.broadcast %broadcast_in_dim3A_276 : i32 to vector<16xi32>
      %gather3A_278 = tpu.vector_load_idx %arg15[%broadcast_in_dim3A_277, %get3A_268] : memref<4x8192xf32, #tpu.memory_space<vmem>>[vector<16xi32>, vector<16xi32>], vector<16xf32>,
      %mul3A_279 = arith.constant 16 : i32
      %mul3A_280 = arith.muli %scan3A_264, %mul3A_279 : i32
      %add3A_281 = arith.constant 4096 : i32
      %add3A_282 = arith.addi %add3A_281, %mul3A_280 : i32
      %swap3A_283 = arith.index_cast %add3A_282 : i32 to index
      %swap3A_284 = tpu.vector_load %arg17[%swap3A_283] {strides = array<i32>} : memref<16384xf32, #tpu.memory_space<vmem>>, vector<16xf32>,
      tpu.vector_store %arg17[%swap3A_283], %gather3A_278 {strides = array<i32>} : memref<16384xf32, #tpu.memory_space<vmem>>, vector<16xf32>,
      %broadcast_in_dim3A_285 = arith.constant 2 : i32
      %broadcast_in_dim3A_286 = vector.broadcast %broadcast_in_dim3A_285 : i32 to vector<16xi32>
      %gather3A_287 = tpu.vector_load_idx %arg15[%broadcast_in_dim3A_286, %get3A_268] : memref<4x8192xf32, #tpu.memory_space<vmem>>[vector<16xi32>, vector<16xi32>], vector<16xf32>,
      %mul3A_288 = arith.constant 16 : i32
      %mul3A_289 = arith.muli %scan3A_264, %mul3A_288 : i32
      %add3A_290 = arith.constant 8192 : i32
      %add3A_291 = arith.addi %add3A_290, %mul3A_289 : i32
      %swap3A_292 = arith.index_cast %add3A_291 : i32 to index
      %swap3A_293 = tpu.vector_load %arg17[%swap3A_292] {strides = array<i32>} : memref<16384xf32, #tpu.memory_space<vmem>>, vector<16xf32>,
      tpu.vector_store %arg17[%swap3A_292], %gather3A_287 {strides = array<i32>} : memref<16384xf32, #tpu.memory_space<vmem>>, vector<16xf32>,
      %broadcast_in_dim3A_294 = arith.constant 3 : i32
      %broadcast_in_dim3A_295 = vector.broadcast %broadcast_in_dim3A_294 : i32 to vector<16xi32>
      %gather3A_296 = tpu.vector_load_idx %arg15[%broadcast_in_dim3A_295, %get3A_268] : memref<4x8192xf32, #tpu.memory_space<vmem>>[vector<16xi32>, vector<16xi32>], vector<16xf32>,
      %mul3A_297 = arith.constant 16 : i32
      %mul3A_298 = arith.muli %scan3A_264, %mul3A_297 : i32
      %add3A_299 = arith.constant 12288 : i32
      %add3A_300 = arith.addi %add3A_299, %mul3A_298 : i32
      %swap3A_301 = arith.index_cast %add3A_300 : i32 to index
      %swap3A_302 = tpu.vector_load %arg17[%swap3A_301] {strides = array<i32>} : memref<16384xf32, #tpu.memory_space<vmem>>, vector<16xf32>,
      tpu.vector_store %arg17[%swap3A_301], %gather3A_296 {strides = array<i32>} : memref<16384xf32, #tpu.memory_space<vmem>>, vector<16xf32>,
      %scan3A_303 = arith.constant 0 : i32
      %scan3A_304 = arith.constant 1 : i32
      %scan3A_305 = arith.addi %scan3A_264, %scan3A_304 : i32
      %mul3A_306 = arith.constant 16 : i32
      %mul3A_307 = arith.muli %scan3A_305, %mul3A_306 : i32
      %get3A_308 = arith.index_cast %mul3A_307 : i32 to index
      %get3A_309 = tpu.vector_load %arg11[%get3A_308] {strides = array<i32>} : memref<4096xi32, #tpu.memory_space<vmem>>, vector<16xi32>,
      %broadcast_in_dim3A_310 = arith.constant 0 : i32
      %broadcast_in_dim3A_311 = vector.broadcast %broadcast_in_dim3A_310 : i32 to vector<16xi32>
      %gather3A_312 = tpu.vector_load_idx %arg15[%broadcast_in_dim3A_311, %get3A_309] : memref<4x8192xf32, #tpu.memory_space<vmem>>[vector<16xi32>, vector<16xi32>], vector<16xf32>,
      %mul3A_313 = arith.constant 16 : i32
      %mul3A_314 = arith.muli %scan3A_305, %mul3A_313 : i32
      %add3A_315 = arith.constant 0 : i32
      %add3A_316 = arith.addi %add3A_315, %mul3A_314 : i32
      %swap3A_317 = arith.index_cast %add3A_316 : i32 to index
      %swap3A_318 = tpu.vector_load %arg17[%swap3A_317] {strides = array<i32>} : memref<16384xf32, #tpu.memory_space<vmem>>, vector<16xf32>,
      tpu.vector_store %arg17[%swap3A_317], %gather3A_312 {strides = array<i32>} : memref<16384xf32, #tpu.memory_space<vmem>>, vector<16xf32>,
      %broadcast_in_dim3A_319 = arith.constant 1 : i32
      %broadcast_in_dim3A_320 = vector.broadcast %broadcast_in_dim3A_319 : i32 to vector<16xi32>
      %gather3A_321 = tpu.vector_load_idx %arg15[%broadcast_in_dim3A_320, %get3A_309] : memref<4x8192xf32, #tpu.memory_space<vmem>>[vector<16xi32>, vector<16xi32>], vector<16xf32>,
      %mul3A_322 = arith.constant 16 : i32
      %mul3A_323 = arith.muli %scan3A_305, %mul3A_322 : i32
      %add3A_324 = arith.constant 4096 : i32
      %add3A_325 = arith.addi %add3A_324, %mul3A_323 : i32
      %swap3A_326 = arith.index_cast %add3A_325 : i32 to index
      %swap3A_327 = tpu.vector_load %arg17[%swap3A_326] {strides = array<i32>} : memref<16384xf32, #tpu.memory_space<vmem>>, vector<16xf32>,
      tpu.vector_store %arg17[%swap3A_326], %gather3A_321 {strides = array<i32>} : memref<16384xf32, #tpu.memory_space<vmem>>, vector<16xf32>,
      %broadcast_in_dim3A_328 = arith.constant 2 : i32
      %broadcast_in_dim3A_329 = vector.broadcast %broadcast_in_dim3A_328 : i32 to vector<16xi32>
      %gather3A_330 = tpu.vector_load_idx %arg15[%broadcast_in_dim3A_329, %get3A_309] : memref<4x8192xf32, #tpu.memory_space<vmem>>[vector<16xi32>, vector<16xi32>], vector<16xf32>,
      %mul3A_331 = arith.constant 16 : i32
      %mul3A_332 = arith.muli %scan3A_305, %mul3A_331 : i32
      %add3A_333 = arith.constant 8192 : i32
      %add3A_334 = arith.addi %add3A_333, %mul3A_332 : i32
      %swap3A_335 = arith.index_cast %add3A_334 : i32 to index
      %swap3A_336 = tpu.vector_load %arg17[%swap3A_335] {strides = array<i32>} : memref<16384xf32, #tpu.memory_space<vmem>>, vector<16xf32>,
      tpu.vector_store %arg17[%swap3A_335], %gather3A_330 {strides = array<i32>} : memref<16384xf32, #tpu.memory_space<vmem>>, vector<16xf32>,
      %broadcast_in_dim3A_337 = arith.constant 3 : i32
      %broadcast_in_dim3A_338 = vector.broadcast %broadcast_in_dim3A_337 : i32 to vector<16xi32>
      %gather3A_339 = tpu.vector_load_idx %arg15[%broadcast_in_dim3A_338, %get3A_309] : memref<4x8192xf32, #tpu.memory_space<vmem>>[vector<16xi32>, vector<16xi32>], vector<16xf32>,
      %mul3A_340 = arith.constant 16 : i32
      %mul3A_341 = arith.muli %scan3A_305, %mul3A_340 : i32
      %add3A_342 = arith.constant 12288 : i32
      %add3A_343 = arith.addi %add3A_342, %mul3A_341 : i32
      %swap3A_344 = arith.index_cast %add3A_343 : i32 to index
      %swap3A_345 = tpu.vector_load %arg17[%swap3A_344] {strides = array<i32>} : memref<16384xf32, #tpu.memory_space<vmem>>, vector<16xf32>,
      tpu.vector_store %arg17[%swap3A_344], %gather3A_339 {strides = array<i32>} : memref<16384xf32, #tpu.memory_space<vmem>>, vector<16xf32>,
      %scan3A_346 = arith.constant 0 : i32
      %scan3A_347 = arith.constant 2 : i32
      %scan3A_348 = arith.addi %scan3A_264, %scan3A_347 : i32
      %mul3A_349 = arith.constant 16 : i32
      %mul3A_350 = arith.muli %scan3A_348, %mul3A_349 : i32
      %get3A_351 = arith.index_cast %mul3A_350 : i32 to index
      %get3A_352 = tpu.vector_load %arg11[%get3A_351] {strides = array<i32>} : memref<4096xi32, #tpu.memory_space<vmem>>, vector<16xi32>,
      %broadcast_in_dim3A_353 = arith.constant 0 : i32
      %broadcast_in_dim3A_354 = vector.broadcast %broadcast_in_dim3A_353 : i32 to vector<16xi32>
      %gather3A_355 = tpu.vector_load_idx %arg15[%broadcast_in_dim3A_354, %get3A_352] : memref<4x8192xf32, #tpu.memory_space<vmem>>[vector<16xi32>, vector<16xi32>], vector<16xf32>,
      %mul3A_356 = arith.constant 16 : i32
      %mul3A_357 = arith.muli %scan3A_348, %mul3A_356 : i32
      %add3A_358 = arith.constant 0 : i32
      %add3A_359 = arith.addi %add3A_358, %mul3A_357 : i32
      %swap3A_360 = arith.index_cast %add3A_359 : i32 to index
      %swap3A_361 = tpu.vector_load %arg17[%swap3A_360] {strides = array<i32>} : memref<16384xf32, #tpu.memory_space<vmem>>, vector<16xf32>,
      tpu.vector_store %arg17[%swap3A_360], %gather3A_355 {strides = array<i32>} : memref<16384xf32, #tpu.memory_space<vmem>>, vector<16xf32>,
      %broadcast_in_dim3A_362 = arith.constant 1 : i32
      %broadcast_in_dim3A_363 = vector.broadcast %broadcast_in_dim3A_362 : i32 to vector<16xi32>
      %gather3A_364 = tpu.vector_load_idx %arg15[%broadcast_in_dim3A_363, %get3A_352] : memref<4x8192xf32, #tpu.memory_space<vmem>>[vector<16xi32>, vector<16xi32>], vector<16xf32>,
      %mul3A_365 = arith.constant 16 : i32
      %mul3A_366 = arith.muli %scan3A_348, %mul3A_365 : i32
      %add3A_367 = arith.constant 4096 : i32
      %add3A_368 = arith.addi %add3A_367, %mul3A_366 : i32
      %swap3A_369 = arith.index_cast %add3A_368 : i32 to index
      %swap3A_370 = tpu.vector_load %arg17[%swap3A_369] {strides = array<i32>} : memref<16384xf32, #tpu.memory_space<vmem>>, vector<16xf32>,
      tpu.vector_store %arg17[%swap3A_369], %gather3A_364 {strides = array<i32>} : memref<16384xf32, #tpu.memory_space<vmem>>, vector<16xf32>,
      %broadcast_in_dim3A_371 = arith.constant 2 : i32
      %broadcast_in_dim3A_372 = vector.broadcast %broadcast_in_dim3A_371 : i32 to vector<16xi32>
      %gather3A_373 = tpu.vector_load_idx %arg15[%broadcast_in_dim3A_372, %get3A_352] : memref<4x8192xf32, #tpu.memory_space<vmem>>[vector<16xi32>, vector<16xi32>], vector<16xf32>,
      %mul3A_374 = arith.constant 16 : i32
      %mul3A_375 = arith.muli %scan3A_348, %mul3A_374 : i32
      %add3A_376 = arith.constant 8192 : i32
      %add3A_377 = arith.addi %add3A_376, %mul3A_375 : i32
      %swap3A_378 = arith.index_cast %add3A_377 : i32 to index
      %swap3A_379 = tpu.vector_load %arg17[%swap3A_378] {strides = array<i32>} : memref<16384xf32, #tpu.memory_space<vmem>>, vector<16xf32>,
      tpu.vector_store %arg17[%swap3A_378], %gather3A_373 {strides = array<i32>} : memref<16384xf32, #tpu.memory_space<vmem>>, vector<16xf32>,
      %broadcast_in_dim3A_380 = arith.constant 3 : i32
      %broadcast_in_dim3A_381 = vector.broadcast %broadcast_in_dim3A_380 : i32 to vector<16xi32>
      %gather3A_382 = tpu.vector_load_idx %arg15[%broadcast_in_dim3A_381, %get3A_352] : memref<4x8192xf32, #tpu.memory_space<vmem>>[vector<16xi32>, vector<16xi32>], vector<16xf32>,
      %mul3A_383 = arith.constant 16 : i32
      %mul3A_384 = arith.muli %scan3A_348, %mul3A_383 : i32
      %add3A_385 = arith.constant 12288 : i32
      %add3A_386 = arith.addi %add3A_385, %mul3A_384 : i32
      %swap3A_387 = arith.index_cast %add3A_386 : i32 to index
      %swap3A_388 = tpu.vector_load %arg17[%swap3A_387] {strides = array<i32>} : memref<16384xf32, #tpu.memory_space<vmem>>, vector<16xf32>,
      tpu.vector_store %arg17[%swap3A_387], %gather3A_382 {strides = array<i32>} : memref<16384xf32, #tpu.memory_space<vmem>>, vector<16xf32>,
      %scan3A_389 = arith.constant 0 : i32
      %scan3A_390 = arith.constant 3 : i32
      %scan3A_391 = arith.addi %scan3A_264, %scan3A_390 : i32
      %mul3A_392 = arith.constant 16 : i32
      %mul3A_393 = arith.muli %scan3A_391, %mul3A_392 : i32
      %get3A_394 = arith.index_cast %mul3A_393 : i32 to index
      %get3A_395 = tpu.vector_load %arg11[%get3A_394] {strides = array<i32>} : memref<4096xi32, #tpu.memory_space<vmem>>, vector<16xi32>,
      %broadcast_in_dim3A_396 = arith.constant 0 : i32
      %broadcast_in_dim3A_397 = vector.broadcast %broadcast_in_dim3A_396 : i32 to vector<16xi32>
      %gather3A_398 = tpu.vector_load_idx %arg15[%broadcast_in_dim3A_397, %get3A_395] : memref<4x8192xf32, #tpu.memory_space<vmem>>[vector<16xi32>, vector<16xi32>], vector<16xf32>,
      %mul3A_399 = arith.constant 16 : i32
      %mul3A_400 = arith.muli %scan3A_391, %mul3A_399 : i32
      %add3A_401 = arith.constant 0 : i32
      %add3A_402 = arith.addi %add3A_401, %mul3A_400 : i32
      %swap3A_403 = arith.index_cast %add3A_402 : i32 to index
      %swap3A_404 = tpu.vector_load %arg17[%swap3A_403] {strides = array<i32>} : memref<16384xf32, #tpu.memory_space<vmem>>, vector<16xf32>,
      tpu.vector_store %arg17[%swap3A_403], %gather3A_398 {strides = array<i32>} : memref<16384xf32, #tpu.memory_space<vmem>>, vector<16xf32>,
      %broadcast_in_dim3A_405 = arith.constant 1 : i32
      %broadcast_in_dim3A_406 = vector.broadcast %broadcast_in_dim3A_405 : i32 to vector<16xi32>
      %gather3A_407 = tpu.vector_load_idx %arg15[%broadcast_in_dim3A_406, %get3A_395] : memref<4x8192xf32, #tpu.memory_space<vmem>>[vector<16xi32>, vector<16xi32>], vector<16xf32>,
      %mul3A_408 = arith.constant 16 : i32
      %mul3A_409 = arith.muli %scan3A_391, %mul3A_408 : i32
      %add3A_410 = arith.constant 4096 : i32
      %add3A_411 = arith.addi %add3A_410, %mul3A_409 : i32
      %swap3A_412 = arith.index_cast %add3A_411 : i32 to index
      %swap3A_413 = tpu.vector_load %arg17[%swap3A_412] {strides = array<i32>} : memref<16384xf32, #tpu.memory_space<vmem>>, vector<16xf32>,
      tpu.vector_store %arg17[%swap3A_412], %gather3A_407 {strides = array<i32>} : memref<16384xf32, #tpu.memory_space<vmem>>, vector<16xf32>,
      %broadcast_in_dim3A_414 = arith.constant 2 : i32
      %broadcast_in_dim3A_415 = vector.broadcast %broadcast_in_dim3A_414 : i32 to vector<16xi32>
      %gather3A_416 = tpu.vector_load_idx %arg15[%broadcast_in_dim3A_415, %get3A_395] : memref<4x8192xf32, #tpu.memory_space<vmem>>[vector<16xi32>, vector<16xi32>], vector<16xf32>,
      %mul3A_417 = arith.constant 16 : i32
      %mul3A_418 = arith.muli %scan3A_391, %mul3A_417 : i32
      %add3A_419 = arith.constant 8192 : i32
      %add3A_420 = arith.addi %add3A_419, %mul3A_418 : i32
      %swap3A_421 = arith.index_cast %add3A_420 : i32 to index
      %swap3A_422 = tpu.vector_load %arg17[%swap3A_421] {strides = array<i32>} : memref<16384xf32, #tpu.memory_space<vmem>>, vector<16xf32>,
      tpu.vector_store %arg17[%swap3A_421], %gather3A_416 {strides = array<i32>} : memref<16384xf32, #tpu.memory_space<vmem>>, vector<16xf32>,
      %broadcast_in_dim3A_423 = arith.constant 3 : i32
      %broadcast_in_dim3A_424 = vector.broadcast %broadcast_in_dim3A_423 : i32 to vector<16xi32>
      %gather3A_425 = tpu.vector_load_idx %arg15[%broadcast_in_dim3A_424, %get3A_395] : memref<4x8192xf32, #tpu.memory_space<vmem>>[vector<16xi32>, vector<16xi32>], vector<16xf32>,
      %mul3A_426 = arith.constant 16 : i32
      %mul3A_427 = arith.muli %scan3A_391, %mul3A_426 : i32
      %add3A_428 = arith.constant 12288 : i32
      %add3A_429 = arith.addi %add3A_428, %mul3A_427 : i32
      %swap3A_430 = arith.index_cast %add3A_429 : i32 to index
      %swap3A_431 = tpu.vector_load %arg17[%swap3A_430] {strides = array<i32>} : memref<16384xf32, #tpu.memory_space<vmem>>, vector<16xf32>,
      tpu.vector_store %arg17[%swap3A_430], %gather3A_425 {strides = array<i32>} : memref<16384xf32, #tpu.memory_space<vmem>>, vector<16xf32>,
      %scan3A_432 = arith.constant 0 : i32
      %scan3A_433 = arith.constant 4 : i32
      %scan3A_434 = arith.addi %scan3A_264, %scan3A_433 : i32
      %mul3A_435 = arith.constant 16 : i32
      %mul3A_436 = arith.muli %scan3A_434, %mul3A_435 : i32
      %get3A_437 = arith.index_cast %mul3A_436 : i32 to index
      %get3A_438 = tpu.vector_load %arg11[%get3A_437] {strides = array<i32>} : memref<4096xi32, #tpu.memory_space<vmem>>, vector<16xi32>,
      %broadcast_in_dim3A_439 = arith.constant 0 : i32
      %broadcast_in_dim3A_440 = vector.broadcast %broadcast_in_dim3A_439 : i32 to vector<16xi32>
      %gather3A_441 = tpu.vector_load_idx %arg15[%broadcast_in_dim3A_440, %get3A_438] : memref<4x8192xf32, #tpu.memory_space<vmem>>[vector<16xi32>, vector<16xi32>], vector<16xf32>,
      %mul3A_442 = arith.constant 16 : i32
      %mul3A_443 = arith.muli %scan3A_434, %mul3A_442 : i32
      %add3A_444 = arith.constant 0 : i32
      %add3A_445 = arith.addi %add3A_444, %mul3A_443 : i32
      %swap3A_446 = arith.index_cast %add3A_445 : i32 to index
      %swap3A_447 = tpu.vector_load %arg17[%swap3A_446] {strides = array<i32>} : memref<16384xf32, #tpu.memory_space<vmem>>, vector<16xf32>,
      tpu.vector_store %arg17[%swap3A_446], %gather3A_441 {strides = array<i32>} : memref<16384xf32, #tpu.memory_space<vmem>>, vector<16xf32>,
      %broadcast_in_dim3A_448 = arith.constant 1 : i32
      %broadcast_in_dim3A_449 = vector.broadcast %broadcast_in_dim3A_448 : i32 to vector<16xi32>
      %gather3A_450 = tpu.vector_load_idx %arg15[%broadcast_in_dim3A_449, %get3A_438] : memref<4x8192xf32, #tpu.memory_space<vmem>>[vector<16xi32>, vector<16xi32>], vector<16xf32>,
      %mul3A_451 = arith.constant 16 : i32
      %mul3A_452 = arith.muli %scan3A_434, %mul3A_451 : i32
      %add3A_453 = arith.constant 4096 : i32
      %add3A_454 = arith.addi %add3A_453, %mul3A_452 : i32
      %swap3A_455 = arith.index_cast %add3A_454 : i32 to index
      %swap3A_456 = tpu.vector_load %arg17[%swap3A_455] {strides = array<i32>} : memref<16384xf32, #tpu.memory_space<vmem>>, vector<16xf32>,
      tpu.vector_store %arg17[%swap3A_455], %gather3A_450 {strides = array<i32>} : memref<16384xf32, #tpu.memory_space<vmem>>, vector<16xf32>,
      %broadcast_in_dim3A_457 = arith.constant 2 : i32
      %broadcast_in_dim3A_458 = vector.broadcast %broadcast_in_dim3A_457 : i32 to vector<16xi32>
      %gather3A_459 = tpu.vector_load_idx %arg15[%broadcast_in_dim3A_458, %get3A_438] : memref<4x8192xf32, #tpu.memory_space<vmem>>[vector<16xi32>, vector<16xi32>], vector<16xf32>,
      %mul3A_460 = arith.constant 16 : i32
      %mul3A_461 = arith.muli %scan3A_434, %mul3A_460 : i32
      %add3A_462 = arith.constant 8192 : i32
      %add3A_463 = arith.addi %add3A_462, %mul3A_461 : i32
      %swap3A_464 = arith.index_cast %add3A_463 : i32 to index
      %swap3A_465 = tpu.vector_load %arg17[%swap3A_464] {strides = array<i32>} : memref<16384xf32, #tpu.memory_space<vmem>>, vector<16xf32>,
      tpu.vector_store %arg17[%swap3A_464], %gather3A_459 {strides = array<i32>} : memref<16384xf32, #tpu.memory_space<vmem>>, vector<16xf32>,
      %broadcast_in_dim3A_466 = arith.constant 3 : i32
      %broadcast_in_dim3A_467 = vector.broadcast %broadcast_in_dim3A_466 : i32 to vector<16xi32>
      %gather3A_468 = tpu.vector_load_idx %arg15[%broadcast_in_dim3A_467, %get3A_438] : memref<4x8192xf32, #tpu.memory_space<vmem>>[vector<16xi32>, vector<16xi32>], vector<16xf32>,
      %mul3A_469 = arith.constant 16 : i32
      %mul3A_470 = arith.muli %scan3A_434, %mul3A_469 : i32
      %add3A_471 = arith.constant 12288 : i32
      %add3A_472 = arith.addi %add3A_471, %mul3A_470 : i32
      %swap3A_473 = arith.index_cast %add3A_472 : i32 to index
      %swap3A_474 = tpu.vector_load %arg17[%swap3A_473] {strides = array<i32>} : memref<16384xf32, #tpu.memory_space<vmem>>, vector<16xf32>,
      tpu.vector_store %arg17[%swap3A_473], %gather3A_468 {strides = array<i32>} : memref<16384xf32, #tpu.memory_space<vmem>>, vector<16xf32>,
      %scan3A_475 = arith.constant 0 : i32
      %scan3A_476 = arith.constant 5 : i32
      %scan3A_477 = arith.addi %scan3A_264, %scan3A_476 : i32
      %mul3A_478 = arith.constant 16 : i32
      %mul3A_479 = arith.muli %scan3A_477, %mul3A_478 : i32
      %get3A_480 = arith.index_cast %mul3A_479 : i32 to index
      %get3A_481 = tpu.vector_load %arg11[%get3A_480] {strides = array<i32>} : memref<4096xi32, #tpu.memory_space<vmem>>, vector<16xi32>,
      %broadcast_in_dim3A_482 = arith.constant 0 : i32
      %broadcast_in_dim3A_483 = vector.broadcast %broadcast_in_dim3A_482 : i32 to vector<16xi32>
      %gather3A_484 = tpu.vector_load_idx %arg15[%broadcast_in_dim3A_483, %get3A_481] : memref<4x8192xf32, #tpu.memory_space<vmem>>[vector<16xi32>, vector<16xi32>], vector<16xf32>,
      %mul3A_485 = arith.constant 16 : i32
      %mul3A_486 = arith.muli %scan3A_477, %mul3A_485 : i32
      %add3A_487 = arith.constant 0 : i32
      %add3A_488 = arith.addi %add3A_487, %mul3A_486 : i32
      %swap3A_489 = arith.index_cast %add3A_488 : i32 to index
      %swap3A_490 = tpu.vector_load %arg17[%swap3A_489] {strides = array<i32>} : memref<16384xf32, #tpu.memory_space<vmem>>, vector<16xf32>,
      tpu.vector_store %arg17[%swap3A_489], %gather3A_484 {strides = array<i32>} : memref<16384xf32, #tpu.memory_space<vmem>>, vector<16xf32>,
      %broadcast_in_dim3A_491 = arith.constant 1 : i32
      %broadcast_in_dim3A_492 = vector.broadcast %broadcast_in_dim3A_491 : i32 to vector<16xi32>
      %gather3A_493 = tpu.vector_load_idx %arg15[%broadcast_in_dim3A_492, %get3A_481] : memref<4x8192xf32, #tpu.memory_space<vmem>>[vector<16xi32>, vector<16xi32>], vector<16xf32>,
      %mul3A_494 = arith.constant 16 : i32
      %mul3A_495 = arith.muli %scan3A_477, %mul3A_494 : i32
      %add3A_496 = arith.constant 4096 : i32
      %add3A_497 = arith.addi %add3A_496, %mul3A_495 : i32
      %swap3A_498 = arith.index_cast %add3A_497 : i32 to index
      %swap3A_499 = tpu.vector_load %arg17[%swap3A_498] {strides = array<i32>} : memref<16384xf32, #tpu.memory_space<vmem>>, vector<16xf32>,
      tpu.vector_store %arg17[%swap3A_498], %gather3A_493 {strides = array<i32>} : memref<16384xf32, #tpu.memory_space<vmem>>, vector<16xf32>,
      %broadcast_in_dim3A_500 = arith.constant 2 : i32
      %broadcast_in_dim3A_501 = vector.broadcast %broadcast_in_dim3A_500 : i32 to vector<16xi32>
      %gather3A_502 = tpu.vector_load_idx %arg15[%broadcast_in_dim3A_501, %get3A_481] : memref<4x8192xf32, #tpu.memory_space<vmem>>[vector<16xi32>, vector<16xi32>], vector<16xf32>,
      %mul3A_503 = arith.constant 16 : i32
      %mul3A_504 = arith.muli %scan3A_477, %mul3A_503 : i32
      %add3A_505 = arith.constant 8192 : i32
      %add3A_506 = arith.addi %add3A_505, %mul3A_504 : i32
      %swap3A_507 = arith.index_cast %add3A_506 : i32 to index
      %swap3A_508 = tpu.vector_load %arg17[%swap3A_507] {strides = array<i32>} : memref<16384xf32, #tpu.memory_space<vmem>>, vector<16xf32>,
      tpu.vector_store %arg17[%swap3A_507], %gather3A_502 {strides = array<i32>} : memref<16384xf32, #tpu.memory_space<vmem>>, vector<16xf32>,
      %broadcast_in_dim3A_509 = arith.constant 3 : i32
      %broadcast_in_dim3A_510 = vector.broadcast %broadcast_in_dim3A_509 : i32 to vector<16xi32>
      %gather3A_511 = tpu.vector_load_idx %arg15[%broadcast_in_dim3A_510, %get3A_481] : memref<4x8192xf32, #tpu.memory_space<vmem>>[vector<16xi32>, vector<16xi32>], vector<16xf32>,
      %mul3A_512 = arith.constant 16 : i32
      %mul3A_513 = arith.muli %scan3A_477, %mul3A_512 : i32
      %add3A_514 = arith.constant 12288 : i32
      %add3A_515 = arith.addi %add3A_514, %mul3A_513 : i32
      %swap3A_516 = arith.index_cast %add3A_515 : i32 to index
      %swap3A_517 = tpu.vector_load %arg17[%swap3A_516] {strides = array<i32>} : memref<16384xf32, #tpu.memory_space<vmem>>, vector<16xf32>,
      tpu.vector_store %arg17[%swap3A_516], %gather3A_511 {strides = array<i32>} : memref<16384xf32, #tpu.memory_space<vmem>>, vector<16xf32>,
      %scan3A_518 = arith.constant 0 : i32
      %scan3A_519 = arith.constant 6 : i32
      %scan3A_520 = arith.addi %scan3A_264, %scan3A_519 : i32
      %mul3A_521 = arith.constant 16 : i32
      %mul3A_522 = arith.muli %scan3A_520, %mul3A_521 : i32
      %get3A_523 = arith.index_cast %mul3A_522 : i32 to index
      %get3A_524 = tpu.vector_load %arg11[%get3A_523] {strides = array<i32>} : memref<4096xi32, #tpu.memory_space<vmem>>, vector<16xi32>,
      %broadcast_in_dim3A_525 = arith.constant 0 : i32
      %broadcast_in_dim3A_526 = vector.broadcast %broadcast_in_dim3A_525 : i32 to vector<16xi32>
      %gather3A_527 = tpu.vector_load_idx %arg15[%broadcast_in_dim3A_526, %get3A_524] : memref<4x8192xf32, #tpu.memory_space<vmem>>[vector<16xi32>, vector<16xi32>], vector<16xf32>,
      %mul3A_528 = arith.constant 16 : i32
      %mul3A_529 = arith.muli %scan3A_520, %mul3A_528 : i32
      %add3A_530 = arith.constant 0 : i32
      %add3A_531 = arith.addi %add3A_530, %mul3A_529 : i32
      %swap3A_532 = arith.index_cast %add3A_531 : i32 to index
      %swap3A_533 = tpu.vector_load %arg17[%swap3A_532] {strides = array<i32>} : memref<16384xf32, #tpu.memory_space<vmem>>, vector<16xf32>,
      tpu.vector_store %arg17[%swap3A_532], %gather3A_527 {strides = array<i32>} : memref<16384xf32, #tpu.memory_space<vmem>>, vector<16xf32>,
      %broadcast_in_dim3A_534 = arith.constant 1 : i32
      %broadcast_in_dim3A_535 = vector.broadcast %broadcast_in_dim3A_534 : i32 to vector<16xi32>
      %gather3A_536 = tpu.vector_load_idx %arg15[%broadcast_in_dim3A_535, %get3A_524] : memref<4x8192xf32, #tpu.memory_space<vmem>>[vector<16xi32>, vector<16xi32>], vector<16xf32>,
      %mul3A_537 = arith.constant 16 : i32
      %mul3A_538 = arith.muli %scan3A_520, %mul3A_537 : i32
      %add3A_539 = arith.constant 4096 : i32
      %add3A_540 = arith.addi %add3A_539, %mul3A_538 : i32
      %swap3A_541 = arith.index_cast %add3A_540 : i32 to index
      %swap3A_542 = tpu.vector_load %arg17[%swap3A_541] {strides = array<i32>} : memref<16384xf32, #tpu.memory_space<vmem>>, vector<16xf32>,
      tpu.vector_store %arg17[%swap3A_541], %gather3A_536 {strides = array<i32>} : memref<16384xf32, #tpu.memory_space<vmem>>, vector<16xf32>,
      %broadcast_in_dim3A_543 = arith.constant 2 : i32
      %broadcast_in_dim3A_544 = vector.broadcast %broadcast_in_dim3A_543 : i32 to vector<16xi32>
      %gather3A_545 = tpu.vector_load_idx %arg15[%broadcast_in_dim3A_544, %get3A_524] : memref<4x8192xf32, #tpu.memory_space<vmem>>[vector<16xi32>, vector<16xi32>], vector<16xf32>,
      %mul3A_546 = arith.constant 16 : i32
      %mul3A_547 = arith.muli %scan3A_520, %mul3A_546 : i32
      %add3A_548 = arith.constant 8192 : i32
      %add3A_549 = arith.addi %add3A_548, %mul3A_547 : i32
      %swap3A_550 = arith.index_cast %add3A_549 : i32 to index
      %swap3A_551 = tpu.vector_load %arg17[%swap3A_550] {strides = array<i32>} : memref<16384xf32, #tpu.memory_space<vmem>>, vector<16xf32>,
      tpu.vector_store %arg17[%swap3A_550], %gather3A_545 {strides = array<i32>} : memref<16384xf32, #tpu.memory_space<vmem>>, vector<16xf32>,
      %broadcast_in_dim3A_552 = arith.constant 3 : i32
      %broadcast_in_dim3A_553 = vector.broadcast %broadcast_in_dim3A_552 : i32 to vector<16xi32>
      %gather3A_554 = tpu.vector_load_idx %arg15[%broadcast_in_dim3A_553, %get3A_524] : memref<4x8192xf32, #tpu.memory_space<vmem>>[vector<16xi32>, vector<16xi32>], vector<16xf32>,
      %mul3A_555 = arith.constant 16 : i32
      %mul3A_556 = arith.muli %scan3A_520, %mul3A_555 : i32
      %add3A_557 = arith.constant 12288 : i32
      %add3A_558 = arith.addi %add3A_557, %mul3A_556 : i32
      %swap3A_559 = arith.index_cast %add3A_558 : i32 to index
      %swap3A_560 = tpu.vector_load %arg17[%swap3A_559] {strides = array<i32>} : memref<16384xf32, #tpu.memory_space<vmem>>, vector<16xf32>,
      tpu.vector_store %arg17[%swap3A_559], %gather3A_554 {strides = array<i32>} : memref<16384xf32, #tpu.memory_space<vmem>>, vector<16xf32>,
      %scan3A_561 = arith.constant 0 : i32
      %scan3A_562 = arith.constant 7 : i32
      %scan3A_563 = arith.addi %scan3A_264, %scan3A_562 : i32
      %mul3A_564 = arith.constant 16 : i32
      %mul3A_565 = arith.muli %scan3A_563, %mul3A_564 : i32
      %get3A_566 = arith.index_cast %mul3A_565 : i32 to index
      %get3A_567 = tpu.vector_load %arg11[%get3A_566] {strides = array<i32>} : memref<4096xi32, #tpu.memory_space<vmem>>, vector<16xi32>,
      %broadcast_in_dim3A_568 = arith.constant 0 : i32
      %broadcast_in_dim3A_569 = vector.broadcast %broadcast_in_dim3A_568 : i32 to vector<16xi32>
      %gather3A_570 = tpu.vector_load_idx %arg15[%broadcast_in_dim3A_569, %get3A_567] : memref<4x8192xf32, #tpu.memory_space<vmem>>[vector<16xi32>, vector<16xi32>], vector<16xf32>,
      %mul3A_571 = arith.constant 16 : i32
      %mul3A_572 = arith.muli %scan3A_563, %mul3A_571 : i32
      %add3A_573 = arith.constant 0 : i32
      %add3A_574 = arith.addi %add3A_573, %mul3A_572 : i32
      %swap3A_575 = arith.index_cast %add3A_574 : i32 to index
      %swap3A_576 = tpu.vector_load %arg17[%swap3A_575] {strides = array<i32>} : memref<16384xf32, #tpu.memory_space<vmem>>, vector<16xf32>,
      tpu.vector_store %arg17[%swap3A_575], %gather3A_570 {strides = array<i32>} : memref<16384xf32, #tpu.memory_space<vmem>>, vector<16xf32>,
      %broadcast_in_dim3A_577 = arith.constant 1 : i32
      %broadcast_in_dim3A_578 = vector.broadcast %broadcast_in_dim3A_577 : i32 to vector<16xi32>
      %gather3A_579 = tpu.vector_load_idx %arg15[%broadcast_in_dim3A_578, %get3A_567] : memref<4x8192xf32, #tpu.memory_space<vmem>>[vector<16xi32>, vector<16xi32>], vector<16xf32>,
      %mul3A_580 = arith.constant 16 : i32
      %mul3A_581 = arith.muli %scan3A_563, %mul3A_580 : i32
      %add3A_582 = arith.constant 4096 : i32
      %add3A_583 = arith.addi %add3A_582, %mul3A_581 : i32
      %swap3A_584 = arith.index_cast %add3A_583 : i32 to index
      %swap3A_585 = tpu.vector_load %arg17[%swap3A_584] {strides = array<i32>} : memref<16384xf32, #tpu.memory_space<vmem>>, vector<16xf32>,
      tpu.vector_store %arg17[%swap3A_584], %gather3A_579 {strides = array<i32>} : memref<16384xf32, #tpu.memory_space<vmem>>, vector<16xf32>,
      %broadcast_in_dim3A_586 = arith.constant 2 : i32
      %broadcast_in_dim3A_587 = vector.broadcast %broadcast_in_dim3A_586 : i32 to vector<16xi32>
      %gather3A_588 = tpu.vector_load_idx %arg15[%broadcast_in_dim3A_587, %get3A_567] : memref<4x8192xf32, #tpu.memory_space<vmem>>[vector<16xi32>, vector<16xi32>], vector<16xf32>,
      %mul3A_589 = arith.constant 16 : i32
      %mul3A_590 = arith.muli %scan3A_563, %mul3A_589 : i32
      %add3A_591 = arith.constant 8192 : i32
      %add3A_592 = arith.addi %add3A_591, %mul3A_590 : i32
      %swap3A_593 = arith.index_cast %add3A_592 : i32 to index
      %swap3A_594 = tpu.vector_load %arg17[%swap3A_593] {strides = array<i32>} : memref<16384xf32, #tpu.memory_space<vmem>>, vector<16xf32>,
      tpu.vector_store %arg17[%swap3A_593], %gather3A_588 {strides = array<i32>} : memref<16384xf32, #tpu.memory_space<vmem>>, vector<16xf32>,
      %broadcast_in_dim3A_595 = arith.constant 3 : i32
      %broadcast_in_dim3A_596 = vector.broadcast %broadcast_in_dim3A_595 : i32 to vector<16xi32>
      %gather3A_597 = tpu.vector_load_idx %arg15[%broadcast_in_dim3A_596, %get3A_567] : memref<4x8192xf32, #tpu.memory_space<vmem>>[vector<16xi32>, vector<16xi32>], vector<16xf32>,
      %mul3A_598 = arith.constant 16 : i32
      %mul3A_599 = arith.muli %scan3A_563, %mul3A_598 : i32
      %add3A_600 = arith.constant 12288 : i32
      %add3A_601 = arith.addi %add3A_600, %mul3A_599 : i32
      %swap3A_602 = arith.index_cast %add3A_601 : i32 to index
      %swap3A_603 = tpu.vector_load %arg17[%swap3A_602] {strides = array<i32>} : memref<16384xf32, #tpu.memory_space<vmem>>, vector<16xf32>,
      tpu.vector_store %arg17[%swap3A_602], %gather3A_597 {strides = array<i32>} : memref<16384xf32, #tpu.memory_space<vmem>>, vector<16xf32>,
      %scan3A_604 = arith.constant 0 : i32
      scf.yield %scan3A_604 : i32
    }
    %scan3A_110 = arith.constant 256 : i32
    %mul3A_111 = arith.constant 4 : i32
    %mul3A_112 = arith.muli %add3A_97, %mul3A_111 : i32
    %add3A_113 = arith.addi %mul3A_2, %mul3A_112 : i32
    %mul3A_114 = arith.constant 4096 : i32
    %mul3A_115 = arith.muli %add3A_113, %mul3A_114 : i32
    %dma_start3A_116 = tpu.memref_slice %arg8[%mul3A_115] : memref<16777216xf32, #tpu.memory_space<hbm>> -> memref<16384xf32, #tpu.memory_space<hbm>>
    %dma_start3A_117 = tpu.memref_slice %arg8[%mul3A_115] : memref<16777216xf32, #tpu.memory_space<hbm>> -> memref<16384xf32, #tpu.memory_space<hbm>>
    tpu.enqueue_dma source(%arg17 : memref<16384xf32, #tpu.memory_space<vmem>>) target(%dma_start3A_117 : memref<16384xf32, #tpu.memory_space<hbm>>) target_semaphore(%arg21 : memref<!tpu.dma_semaphore, #tpu.memory_space<semaphore_mem>>)
    %add3A_118 = arith.constant 2 : i32
    %add3A_119 = arith.addi %add3A_97, %add3A_118 : i32
    %mul3A_120 = arith.constant 8 : i32
    %mul3A_121 = arith.muli %add3A_119, %mul3A_120 : i32
    %dma_start3A_122 = tpu.memref_slice %arg13[%mul3A_121] : memref<272xi32, #tpu.memory_space<vmem>> -> memref<4xi32, #tpu.memory_space<vmem>>
    %dma_start3A_123 = arith.constant 0 : i32
    %dma_start3A_124 = arith.constant 0 : i32
    %dma_start3A_125 = tpu.memref_slice %arg4[%dma_start3A_123, %dma_start3A_124] : memref<8192x8192xf32, #tpu.memory_space<hbm>> -> memref<8192x8192xf32, #tpu.memory_space<hbm>>
    tpu.enqueue_indirect_dma source(%dma_start3A_125 : memref<8192x8192xf32, #tpu.memory_space<hbm>>) target(%arg15 : memref<4x8192xf32, #tpu.memory_space<vmem>>) offsets(%dma_start3A_122 : memref<4xi32, #tpu.memory_space<vmem>>) semaphore(%arg19 : memref<!tpu.dma_semaphore, #tpu.memory_space<semaphore_mem>>)
    %scan3A_126 = arith.constant 0 : i32
    %scan3A_127 = arith.constant 1 : i32
    %scan3A_128 = arith.constant 15 : i32
    %scan3A_129 = arith.addi %scan3A_127, %scan3A_128 : i32
    %scan3A_130 = arith.constant 1 : i32
    %scan3A_131 = scf.for %scan3A_264 = %scan3A_127 to %scan3A_129 step %scan3A_130 iter_args(%scan3A_265 = %scan3A_126) -> (i32)  : i32 {
      %mul3A_266 = arith.constant 2 : i32
      %mul3A_267 = arith.muli %mul3A_266, %scan3A_264 : i32
      %add3A_268 = arith.constant 0 : i32
      %add3A_269 = arith.addi %mul3A_267, %add3A_268 : i32
      %mul3A_270 = arith.constant 8 : i32
      %mul3A_271 = arith.muli %add3A_269, %mul3A_270 : i32
      %dma_wait3A_272 = tpu.memref_slice %arg13[%mul3A_271] : memref<272xi32, #tpu.memory_space<vmem>> -> memref<4xi32, #tpu.memory_space<vmem>>
      %dma_wait3A_273 = arith.constant 0 : i32
      %dma_wait3A_274 = arith.constant 0 : i32
      %dma_wait3A_275 = tpu.memref_slice %arg4[%dma_wait3A_273, %dma_wait3A_274] : memref<8192x8192xf32, #tpu.memory_space<hbm>> -> memref<8192x8192xf32, #tpu.memory_space<hbm>>
      tpu.wait_indirect_dma semaphore(%arg18 : memref<!tpu.dma_semaphore, #tpu.memory_space<semaphore_mem>>) src(%dma_wait3A_275 : memref<8192x8192xf32, #tpu.memory_space<hbm>>) dst(%arg14 : memref<4x8192xf32, #tpu.memory_space<vmem>>)
      %sub3A_276 = arith.constant 2 : i32
      %sub3A_277 = arith.subi %add3A_269, %sub3A_276 : i32
      %mul3A_278 = arith.constant 4 : i32
      %mul3A_279 = arith.muli %sub3A_277, %mul3A_278 : i32
      %add3A_280 = arith.addi %mul3A_2, %mul3A_279 : i32
      %mul3A_281 = arith.constant 4096 : i32
      %mul3A_282 = arith.muli %add3A_280, %mul3A_281 : i32
      %dma_wait3A_283 = tpu.memref_slice %arg8[%mul3A_282] : memref<16777216xf32, #tpu.memory_space<hbm>> -> memref<16384xf32, #tpu.memory_space<hbm>>
      %dma_wait3A_284 = tpu.memref_slice %arg8[%mul3A_282] : memref<16777216xf32, #tpu.memory_space<hbm>> -> memref<16384xf32, #tpu.memory_space<hbm>>
      tpu.wait_dma2 semaphore(%arg20 : memref<!tpu.dma_semaphore, #tpu.memory_space<semaphore_mem>>) src(%arg16 : memref<16384xf32, #tpu.memory_space<vmem>>) dst(%dma_wait3A_284 : memref<16384xf32, #tpu.memory_space<hbm>>)
      %scan3A_285 = arith.constant 0 : i32
      %scan3A_286 = arith.constant 0 : i32
      %scan3A_287 = arith.constant 256 : i32
      %scan3A_288 = arith.addi %scan3A_286, %scan3A_287 : i32
      %scan3A_289 = arith.constant 8 : i32
      %scan3A_290 = scf.for %scan3A_349 = %scan3A_286 to %scan3A_288 step %scan3A_289 iter_args(%scan3A_350 = %scan3A_285) -> (i32)  : i32 {
        %mul3A_351 = arith.constant 16 : i32
        %mul3A_352 = arith.muli %scan3A_349, %mul3A_351 : i32
        %get3A = arith.index_cast %mul3A_352 : i32 to index
        %get3A_353 = tpu.vector_load %arg11[%get3A] {strides = array<i32>} : memref<4096xi32, #tpu.memory_space<vmem>>, vector<16xi32>,
        %broadcast_in_dim3A_354 = arith.constant 0 : i32
        %broadcast_in_dim3A_355 = vector.broadcast %broadcast_in_dim3A_354 : i32 to vector<16xi32>
        %gather3A = tpu.vector_load_idx %arg14[%broadcast_in_dim3A_355, %get3A_353] : memref<4x8192xf32, #tpu.memory_space<vmem>>[vector<16xi32>, vector<16xi32>], vector<16xf32>,
        %mul3A_356 = arith.constant 16 : i32
        %mul3A_357 = arith.muli %scan3A_349, %mul3A_356 : i32
        %add3A_358 = arith.constant 0 : i32
        %add3A_359 = arith.addi %add3A_358, %mul3A_357 : i32
        %swap3A = arith.index_cast %add3A_359 : i32 to index
        %swap3A_360 = tpu.vector_load %arg16[%swap3A] {strides = array<i32>} : memref<16384xf32, #tpu.memory_space<vmem>>, vector<16xf32>,
        tpu.vector_store %arg16[%swap3A], %gather3A {strides = array<i32>} : memref<16384xf32, #tpu.memory_space<vmem>>, vector<16xf32>,
        %broadcast_in_dim3A_361 = arith.constant 1 : i32
        %broadcast_in_dim3A_362 = vector.broadcast %broadcast_in_dim3A_361 : i32 to vector<16xi32>
        %gather3A_363 = tpu.vector_load_idx %arg14[%broadcast_in_dim3A_362, %get3A_353] : memref<4x8192xf32, #tpu.memory_space<vmem>>[vector<16xi32>, vector<16xi32>], vector<16xf32>,
        %mul3A_364 = arith.constant 16 : i32
        %mul3A_365 = arith.muli %scan3A_349, %mul3A_364 : i32
        %add3A_366 = arith.constant 4096 : i32
        %add3A_367 = arith.addi %add3A_366, %mul3A_365 : i32
        %swap3A_368 = arith.index_cast %add3A_367 : i32 to index
        %swap3A_369 = tpu.vector_load %arg16[%swap3A_368] {strides = array<i32>} : memref<16384xf32, #tpu.memory_space<vmem>>, vector<16xf32>,
        tpu.vector_store %arg16[%swap3A_368], %gather3A_363 {strides = array<i32>} : memref<16384xf32, #tpu.memory_space<vmem>>, vector<16xf32>,
        %broadcast_in_dim3A_370 = arith.constant 2 : i32
        %broadcast_in_dim3A_371 = vector.broadcast %broadcast_in_dim3A_370 : i32 to vector<16xi32>
        %gather3A_372 = tpu.vector_load_idx %arg14[%broadcast_in_dim3A_371, %get3A_353] : memref<4x8192xf32, #tpu.memory_space<vmem>>[vector<16xi32>, vector<16xi32>], vector<16xf32>,
        %mul3A_373 = arith.constant 16 : i32
        %mul3A_374 = arith.muli %scan3A_349, %mul3A_373 : i32
        %add3A_375 = arith.constant 8192 : i32
        %add3A_376 = arith.addi %add3A_375, %mul3A_374 : i32
        %swap3A_377 = arith.index_cast %add3A_376 : i32 to index
        %swap3A_378 = tpu.vector_load %arg16[%swap3A_377] {strides = array<i32>} : memref<16384xf32, #tpu.memory_space<vmem>>, vector<16xf32>,
        tpu.vector_store %arg16[%swap3A_377], %gather3A_372 {strides = array<i32>} : memref<16384xf32, #tpu.memory_space<vmem>>, vector<16xf32>,
        %broadcast_in_dim3A_379 = arith.constant 3 : i32
        %broadcast_in_dim3A_380 = vector.broadcast %broadcast_in_dim3A_379 : i32 to vector<16xi32>
        %gather3A_381 = tpu.vector_load_idx %arg14[%broadcast_in_dim3A_380, %get3A_353] : memref<4x8192xf32, #tpu.memory_space<vmem>>[vector<16xi32>, vector<16xi32>], vector<16xf32>,
        %mul3A_382 = arith.constant 16 : i32
        %mul3A_383 = arith.muli %scan3A_349, %mul3A_382 : i32
        %add3A_384 = arith.constant 12288 : i32
        %add3A_385 = arith.addi %add3A_384, %mul3A_383 : i32
        %swap3A_386 = arith.index_cast %add3A_385 : i32 to index
        %swap3A_387 = tpu.vector_load %arg16[%swap3A_386] {strides = array<i32>} : memref<16384xf32, #tpu.memory_space<vmem>>, vector<16xf32>,
        tpu.vector_store %arg16[%swap3A_386], %gather3A_381 {strides = array<i32>} : memref<16384xf32, #tpu.memory_space<vmem>>, vector<16xf32>,
        %scan3A_388 = arith.constant 0 : i32
        %scan3A_389 = arith.constant 1 : i32
        %scan3A_390 = arith.addi %scan3A_349, %scan3A_389 : i32
        %mul3A_391 = arith.constant 16 : i32
        %mul3A_392 = arith.muli %scan3A_390, %mul3A_391 : i32
        %get3A_393 = arith.index_cast %mul3A_392 : i32 to index
        %get3A_394 = tpu.vector_load %arg11[%get3A_393] {strides = array<i32>} : memref<4096xi32, #tpu.memory_space<vmem>>, vector<16xi32>,
        %broadcast_in_dim3A_395 = arith.constant 0 : i32
        %broadcast_in_dim3A_396 = vector.broadcast %broadcast_in_dim3A_395 : i32 to vector<16xi32>
        %gather3A_397 = tpu.vector_load_idx %arg14[%broadcast_in_dim3A_396, %get3A_394] : memref<4x8192xf32, #tpu.memory_space<vmem>>[vector<16xi32>, vector<16xi32>], vector<16xf32>,
        %mul3A_398 = arith.constant 16 : i32
        %mul3A_399 = arith.muli %scan3A_390, %mul3A_398 : i32
        %add3A_400 = arith.constant 0 : i32
        %add3A_401 = arith.addi %add3A_400, %mul3A_399 : i32
        %swap3A_402 = arith.index_cast %add3A_401 : i32 to index
        %swap3A_403 = tpu.vector_load %arg16[%swap3A_402] {strides = array<i32>} : memref<16384xf32, #tpu.memory_space<vmem>>, vector<16xf32>,
        tpu.vector_store %arg16[%swap3A_402], %gather3A_397 {strides = array<i32>} : memref<16384xf32, #tpu.memory_space<vmem>>, vector<16xf32>,
        %broadcast_in_dim3A_404 = arith.constant 1 : i32
        %broadcast_in_dim3A_405 = vector.broadcast %broadcast_in_dim3A_404 : i32 to vector<16xi32>
        %gather3A_406 = tpu.vector_load_idx %arg14[%broadcast_in_dim3A_405, %get3A_394] : memref<4x8192xf32, #tpu.memory_space<vmem>>[vector<16xi32>, vector<16xi32>], vector<16xf32>,
        %mul3A_407 = arith.constant 16 : i32
        %mul3A_408 = arith.muli %scan3A_390, %mul3A_407 : i32
        %add3A_409 = arith.constant 4096 : i32
        %add3A_410 = arith.addi %add3A_409, %mul3A_408 : i32
        %swap3A_411 = arith.index_cast %add3A_410 : i32 to index
        %swap3A_412 = tpu.vector_load %arg16[%swap3A_411] {strides = array<i32>} : memref<16384xf32, #tpu.memory_space<vmem>>, vector<16xf32>,
        tpu.vector_store %arg16[%swap3A_411], %gather3A_406 {strides = array<i32>} : memref<16384xf32, #tpu.memory_space<vmem>>, vector<16xf32>,
        %broadcast_in_dim3A_413 = arith.constant 2 : i32
        %broadcast_in_dim3A_414 = vector.broadcast %broadcast_in_dim3A_413 : i32 to vector<16xi32>
        %gather3A_415 = tpu.vector_load_idx %arg14[%broadcast_in_dim3A_414, %get3A_394] : memref<4x8192xf32, #tpu.memory_space<vmem>>[vector<16xi32>, vector<16xi32>], vector<16xf32>,
        %mul3A_416 = arith.constant 16 : i32
        %mul3A_417 = arith.muli %scan3A_390, %mul3A_416 : i32
        %add3A_418 = arith.constant 8192 : i32
        %add3A_419 = arith.addi %add3A_418, %mul3A_417 : i32
        %swap3A_420 = arith.index_cast %add3A_419 : i32 to index
        %swap3A_421 = tpu.vector_load %arg16[%swap3A_420] {strides = array<i32>} : memref<16384xf32, #tpu.memory_space<vmem>>, vector<16xf32>,
        tpu.vector_store %arg16[%swap3A_420], %gather3A_415 {strides = array<i32>} : memref<16384xf32, #tpu.memory_space<vmem>>, vector<16xf32>,
        %broadcast_in_dim3A_422 = arith.constant 3 : i32
        %broadcast_in_dim3A_423 = vector.broadcast %broadcast_in_dim3A_422 : i32 to vector<16xi32>
        %gather3A_424 = tpu.vector_load_idx %arg14[%broadcast_in_dim3A_423, %get3A_394] : memref<4x8192xf32, #tpu.memory_space<vmem>>[vector<16xi32>, vector<16xi32>], vector<16xf32>,
        %mul3A_425 = arith.constant 16 : i32
        %mul3A_426 = arith.muli %scan3A_390, %mul3A_425 : i32
        %add3A_427 = arith.constant 12288 : i32
        %add3A_428 = arith.addi %add3A_427, %mul3A_426 : i32
        %swap3A_429 = arith.index_cast %add3A_428 : i32 to index
        %swap3A_430 = tpu.vector_load %arg16[%swap3A_429] {strides = array<i32>} : memref<16384xf32, #tpu.memory_space<vmem>>, vector<16xf32>,
        tpu.vector_store %arg16[%swap3A_429], %gather3A_424 {strides = array<i32>} : memref<16384xf32, #tpu.memory_space<vmem>>, vector<16xf32>,
        %scan3A_431 = arith.constant 0 : i32
        %scan3A_432 = arith.constant 2 : i32
        %scan3A_433 = arith.addi %scan3A_349, %scan3A_432 : i32
        %mul3A_434 = arith.constant 16 : i32
        %mul3A_435 = arith.muli %scan3A_433, %mul3A_434 : i32
        %get3A_436 = arith.index_cast %mul3A_435 : i32 to index
        %get3A_437 = tpu.vector_load %arg11[%get3A_436] {strides = array<i32>} : memref<4096xi32, #tpu.memory_space<vmem>>, vector<16xi32>,
        %broadcast_in_dim3A_438 = arith.constant 0 : i32
        %broadcast_in_dim3A_439 = vector.broadcast %broadcast_in_dim3A_438 : i32 to vector<16xi32>
        %gather3A_440 = tpu.vector_load_idx %arg14[%broadcast_in_dim3A_439, %get3A_437] : memref<4x8192xf32, #tpu.memory_space<vmem>>[vector<16xi32>, vector<16xi32>], vector<16xf32>,
        %mul3A_441 = arith.constant 16 : i32
        %mul3A_442 = arith.muli %scan3A_433, %mul3A_441 : i32
        %add3A_443 = arith.constant 0 : i32
        %add3A_444 = arith.addi %add3A_443, %mul3A_442 : i32
        %swap3A_445 = arith.index_cast %add3A_444 : i32 to index
        %swap3A_446 = tpu.vector_load %arg16[%swap3A_445] {strides = array<i32>} : memref<16384xf32, #tpu.memory_space<vmem>>, vector<16xf32>,
        tpu.vector_store %arg16[%swap3A_445], %gather3A_440 {strides = array<i32>} : memref<16384xf32, #tpu.memory_space<vmem>>, vector<16xf32>,
        %broadcast_in_dim3A_447 = arith.constant 1 : i32
        %broadcast_in_dim3A_448 = vector.broadcast %broadcast_in_dim3A_447 : i32 to vector<16xi32>
        %gather3A_449 = tpu.vector_load_idx %arg14[%broadcast_in_dim3A_448, %get3A_437] : memref<4x8192xf32, #tpu.memory_space<vmem>>[vector<16xi32>, vector<16xi32>], vector<16xf32>,
        %mul3A_450 = arith.constant 16 : i32
        %mul3A_451 = arith.muli %scan3A_433, %mul3A_450 : i32
        %add3A_452 = arith.constant 4096 : i32
        %add3A_453 = arith.addi %add3A_452, %mul3A_451 : i32
        %swap3A_454 = arith.index_cast %add3A_453 : i32 to index
        %swap3A_455 = tpu.vector_load %arg16[%swap3A_454] {strides = array<i32>} : memref<16384xf32, #tpu.memory_space<vmem>>, vector<16xf32>,
        tpu.vector_store %arg16[%swap3A_454], %gather3A_449 {strides = array<i32>} : memref<16384xf32, #tpu.memory_space<vmem>>, vector<16xf32>,
        %broadcast_in_dim3A_456 = arith.constant 2 : i32
        %broadcast_in_dim3A_457 = vector.broadcast %broadcast_in_dim3A_456 : i32 to vector<16xi32>
        %gather3A_458 = tpu.vector_load_idx %arg14[%broadcast_in_dim3A_457, %get3A_437] : memref<4x8192xf32, #tpu.memory_space<vmem>>[vector<16xi32>, vector<16xi32>], vector<16xf32>,
        %mul3A_459 = arith.constant 16 : i32
        %mul3A_460 = arith.muli %scan3A_433, %mul3A_459 : i32
        %add3A_461 = arith.constant 8192 : i32
        %add3A_462 = arith.addi %add3A_461, %mul3A_460 : i32
        %swap3A_463 = arith.index_cast %add3A_462 : i32 to index
        %swap3A_464 = tpu.vector_load %arg16[%swap3A_463] {strides = array<i32>} : memref<16384xf32, #tpu.memory_space<vmem>>, vector<16xf32>,
        tpu.vector_store %arg16[%swap3A_463], %gather3A_458 {strides = array<i32>} : memref<16384xf32, #tpu.memory_space<vmem>>, vector<16xf32>,
        %broadcast_in_dim3A_465 = arith.constant 3 : i32
        %broadcast_in_dim3A_466 = vector.broadcast %broadcast_in_dim3A_465 : i32 to vector<16xi32>
        %gather3A_467 = tpu.vector_load_idx %arg14[%broadcast_in_dim3A_466, %get3A_437] : memref<4x8192xf32, #tpu.memory_space<vmem>>[vector<16xi32>, vector<16xi32>], vector<16xf32>,
        %mul3A_468 = arith.constant 16 : i32
        %mul3A_469 = arith.muli %scan3A_433, %mul3A_468 : i32
        %add3A_470 = arith.constant 12288 : i32
        %add3A_471 = arith.addi %add3A_470, %mul3A_469 : i32
        %swap3A_472 = arith.index_cast %add3A_471 : i32 to index
        %swap3A_473 = tpu.vector_load %arg16[%swap3A_472] {strides = array<i32>} : memref<16384xf32, #tpu.memory_space<vmem>>, vector<16xf32>,
        tpu.vector_store %arg16[%swap3A_472], %gather3A_467 {strides = array<i32>} : memref<16384xf32, #tpu.memory_space<vmem>>, vector<16xf32>,
        %scan3A_474 = arith.constant 0 : i32
        %scan3A_475 = arith.constant 3 : i32
        %scan3A_476 = arith.addi %scan3A_349, %scan3A_475 : i32
        %mul3A_477 = arith.constant 16 : i32
        %mul3A_478 = arith.muli %scan3A_476, %mul3A_477 : i32
        %get3A_479 = arith.index_cast %mul3A_478 : i32 to index
        %get3A_480 = tpu.vector_load %arg11[%get3A_479] {strides = array<i32>} : memref<4096xi32, #tpu.memory_space<vmem>>, vector<16xi32>,
        %broadcast_in_dim3A_481 = arith.constant 0 : i32
        %broadcast_in_dim3A_482 = vector.broadcast %broadcast_in_dim3A_481 : i32 to vector<16xi32>
        %gather3A_483 = tpu.vector_load_idx %arg14[%broadcast_in_dim3A_482, %get3A_480] : memref<4x8192xf32, #tpu.memory_space<vmem>>[vector<16xi32>, vector<16xi32>], vector<16xf32>,
        %mul3A_484 = arith.constant 16 : i32
        %mul3A_485 = arith.muli %scan3A_476, %mul3A_484 : i32
        %add3A_486 = arith.constant 0 : i32
        %add3A_487 = arith.addi %add3A_486, %mul3A_485 : i32
        %swap3A_488 = arith.index_cast %add3A_487 : i32 to index
        %swap3A_489 = tpu.vector_load %arg16[%swap3A_488] {strides = array<i32>} : memref<16384xf32, #tpu.memory_space<vmem>>, vector<16xf32>,
        tpu.vector_store %arg16[%swap3A_488], %gather3A_483 {strides = array<i32>} : memref<16384xf32, #tpu.memory_space<vmem>>, vector<16xf32>,
        %broadcast_in_dim3A_490 = arith.constant 1 : i32
        %broadcast_in_dim3A_491 = vector.broadcast %broadcast_in_dim3A_490 : i32 to vector<16xi32>
        %gather3A_492 = tpu.vector_load_idx %arg14[%broadcast_in_dim3A_491, %get3A_480] : memref<4x8192xf32, #tpu.memory_space<vmem>>[vector<16xi32>, vector<16xi32>], vector<16xf32>,
        %mul3A_493 = arith.constant 16 : i32
        %mul3A_494 = arith.muli %scan3A_476, %mul3A_493 : i32
        %add3A_495 = arith.constant 4096 : i32
        %add3A_496 = arith.addi %add3A_495, %mul3A_494 : i32
        %swap3A_497 = arith.index_cast %add3A_496 : i32 to index
        %swap3A_498 = tpu.vector_load %arg16[%swap3A_497] {strides = array<i32>} : memref<16384xf32, #tpu.memory_space<vmem>>, vector<16xf32>,
        tpu.vector_store %arg16[%swap3A_497], %gather3A_492 {strides = array<i32>} : memref<16384xf32, #tpu.memory_space<vmem>>, vector<16xf32>,
        %broadcast_in_dim3A_499 = arith.constant 2 : i32
        %broadcast_in_dim3A_500 = vector.broadcast %broadcast_in_dim3A_499 : i32 to vector<16xi32>
        %gather3A_501 = tpu.vector_load_idx %arg14[%broadcast_in_dim3A_500, %get3A_480] : memref<4x8192xf32, #tpu.memory_space<vmem>>[vector<16xi32>, vector<16xi32>], vector<16xf32>,
        %mul3A_502 = arith.constant 16 : i32
        %mul3A_503 = arith.muli %scan3A_476, %mul3A_502 : i32
        %add3A_504 = arith.constant 8192 : i32
        %add3A_505 = arith.addi %add3A_504, %mul3A_503 : i32
        %swap3A_506 = arith.index_cast %add3A_505 : i32 to index
        %swap3A_507 = tpu.vector_load %arg16[%swap3A_506] {strides = array<i32>} : memref<16384xf32, #tpu.memory_space<vmem>>, vector<16xf32>,
        tpu.vector_store %arg16[%swap3A_506], %gather3A_501 {strides = array<i32>} : memref<16384xf32, #tpu.memory_space<vmem>>, vector<16xf32>,
        %broadcast_in_dim3A_508 = arith.constant 3 : i32
        %broadcast_in_dim3A_509 = vector.broadcast %broadcast_in_dim3A_508 : i32 to vector<16xi32>
        %gather3A_510 = tpu.vector_load_idx %arg14[%broadcast_in_dim3A_509, %get3A_480] : memref<4x8192xf32, #tpu.memory_space<vmem>>[vector<16xi32>, vector<16xi32>], vector<16xf32>,
        %mul3A_511 = arith.constant 16 : i32
        %mul3A_512 = arith.muli %scan3A_476, %mul3A_511 : i32
        %add3A_513 = arith.constant 12288 : i32
        %add3A_514 = arith.addi %add3A_513, %mul3A_512 : i32
        %swap3A_515 = arith.index_cast %add3A_514 : i32 to index
        %swap3A_516 = tpu.vector_load %arg16[%swap3A_515] {strides = array<i32>} : memref<16384xf32, #tpu.memory_space<vmem>>, vector<16xf32>,
        tpu.vector_store %arg16[%swap3A_515], %gather3A_510 {strides = array<i32>} : memref<16384xf32, #tpu.memory_space<vmem>>, vector<16xf32>,
        %scan3A_517 = arith.constant 0 : i32
        %scan3A_518 = arith.constant 4 : i32
        %scan3A_519 = arith.addi %scan3A_349, %scan3A_518 : i32
        %mul3A_520 = arith.constant 16 : i32
        %mul3A_521 = arith.muli %scan3A_519, %mul3A_520 : i32
        %get3A_522 = arith.index_cast %mul3A_521 : i32 to index
        %get3A_523 = tpu.vector_load %arg11[%get3A_522] {strides = array<i32>} : memref<4096xi32, #tpu.memory_space<vmem>>, vector<16xi32>,
        %broadcast_in_dim3A_524 = arith.constant 0 : i32
        %broadcast_in_dim3A_525 = vector.broadcast %broadcast_in_dim3A_524 : i32 to vector<16xi32>
        %gather3A_526 = tpu.vector_load_idx %arg14[%broadcast_in_dim3A_525, %get3A_523] : memref<4x8192xf32, #tpu.memory_space<vmem>>[vector<16xi32>, vector<16xi32>], vector<16xf32>,
        %mul3A_527 = arith.constant 16 : i32
        %mul3A_528 = arith.muli %scan3A_519, %mul3A_527 : i32
        %add3A_529 = arith.constant 0 : i32
        %add3A_530 = arith.addi %add3A_529, %mul3A_528 : i32
        %swap3A_531 = arith.index_cast %add3A_530 : i32 to index
        %swap3A_532 = tpu.vector_load %arg16[%swap3A_531] {strides = array<i32>} : memref<16384xf32, #tpu.memory_space<vmem>>, vector<16xf32>,
        tpu.vector_store %arg16[%swap3A_531], %gather3A_526 {strides = array<i32>} : memref<16384xf32, #tpu.memory_space<vmem>>, vector<16xf32>,
        %broadcast_in_dim3A_533 = arith.constant 1 : i32
        %broadcast_in_dim3A_534 = vector.broadcast %broadcast_in_dim3A_533 : i32 to vector<16xi32>
        %gather3A_535 = tpu.vector_load_idx %arg14[%broadcast_in_dim3A_534, %get3A_523] : memref<4x8192xf32, #tpu.memory_space<vmem>>[vector<16xi32>, vector<16xi32>], vector<16xf32>,
        %mul3A_536 = arith.constant 16 : i32
        %mul3A_537 = arith.muli %scan3A_519, %mul3A_536 : i32
        %add3A_538 = arith.constant 4096 : i32
        %add3A_539 = arith.addi %add3A_538, %mul3A_537 : i32
        %swap3A_540 = arith.index_cast %add3A_539 : i32 to index
        %swap3A_541 = tpu.vector_load %arg16[%swap3A_540] {strides = array<i32>} : memref<16384xf32, #tpu.memory_space<vmem>>, vector<16xf32>,
        tpu.vector_store %arg16[%swap3A_540], %gather3A_535 {strides = array<i32>} : memref<16384xf32, #tpu.memory_space<vmem>>, vector<16xf32>,
        %broadcast_in_dim3A_542 = arith.constant 2 : i32
        %broadcast_in_dim3A_543 = vector.broadcast %broadcast_in_dim3A_542 : i32 to vector<16xi32>
        %gather3A_544 = tpu.vector_load_idx %arg14[%broadcast_in_dim3A_543, %get3A_523] : memref<4x8192xf32, #tpu.memory_space<vmem>>[vector<16xi32>, vector<16xi32>], vector<16xf32>,
        %mul3A_545 = arith.constant 16 : i32
        %mul3A_546 = arith.muli %scan3A_519, %mul3A_545 : i32
        %add3A_547 = arith.constant 8192 : i32
        %add3A_548 = arith.addi %add3A_547, %mul3A_546 : i32
        %swap3A_549 = arith.index_cast %add3A_548 : i32 to index
        %swap3A_550 = tpu.vector_load %arg16[%swap3A_549] {strides = array<i32>} : memref<16384xf32, #tpu.memory_space<vmem>>, vector<16xf32>,
        tpu.vector_store %arg16[%swap3A_549], %gather3A_544 {strides = array<i32>} : memref<16384xf32, #tpu.memory_space<vmem>>, vector<16xf32>,
        %broadcast_in_dim3A_551 = arith.constant 3 : i32
        %broadcast_in_dim3A_552 = vector.broadcast %broadcast_in_dim3A_551 : i32 to vector<16xi32>
        %gather3A_553 = tpu.vector_load_idx %arg14[%broadcast_in_dim3A_552, %get3A_523] : memref<4x8192xf32, #tpu.memory_space<vmem>>[vector<16xi32>, vector<16xi32>], vector<16xf32>,
        %mul3A_554 = arith.constant 16 : i32
        %mul3A_555 = arith.muli %scan3A_519, %mul3A_554 : i32
        %add3A_556 = arith.constant 12288 : i32
        %add3A_557 = arith.addi %add3A_556, %mul3A_555 : i32
        %swap3A_558 = arith.index_cast %add3A_557 : i32 to index
        %swap3A_559 = tpu.vector_load %arg16[%swap3A_558] {strides = array<i32>} : memref<16384xf32, #tpu.memory_space<vmem>>, vector<16xf32>,
        tpu.vector_store %arg16[%swap3A_558], %gather3A_553 {strides = array<i32>} : memref<16384xf32, #tpu.memory_space<vmem>>, vector<16xf32>,
        %scan3A_560 = arith.constant 0 : i32
        %scan3A_561 = arith.constant 5 : i32
        %scan3A_562 = arith.addi %scan3A_349, %scan3A_561 : i32
        %mul3A_563 = arith.constant 16 : i32
        %mul3A_564 = arith.muli %scan3A_562, %mul3A_563 : i32
        %get3A_565 = arith.index_cast %mul3A_564 : i32 to index
        %get3A_566 = tpu.vector_load %arg11[%get3A_565] {strides = array<i32>} : memref<4096xi32, #tpu.memory_space<vmem>>, vector<16xi32>,
        %broadcast_in_dim3A_567 = arith.constant 0 : i32
        %broadcast_in_dim3A_568 = vector.broadcast %broadcast_in_dim3A_567 : i32 to vector<16xi32>
        %gather3A_569 = tpu.vector_load_idx %arg14[%broadcast_in_dim3A_568, %get3A_566] : memref<4x8192xf32, #tpu.memory_space<vmem>>[vector<16xi32>, vector<16xi32>], vector<16xf32>,
        %mul3A_570 = arith.constant 16 : i32
        %mul3A_571 = arith.muli %scan3A_562, %mul3A_570 : i32
        %add3A_572 = arith.constant 0 : i32
        %add3A_573 = arith.addi %add3A_572, %mul3A_571 : i32
        %swap3A_574 = arith.index_cast %add3A_573 : i32 to index
        %swap3A_575 = tpu.vector_load %arg16[%swap3A_574] {strides = array<i32>} : memref<16384xf32, #tpu.memory_space<vmem>>, vector<16xf32>,
        tpu.vector_store %arg16[%swap3A_574], %gather3A_569 {strides = array<i32>} : memref<16384xf32, #tpu.memory_space<vmem>>, vector<16xf32>,
        %broadcast_in_dim3A_576 = arith.constant 1 : i32
        %broadcast_in_dim3A_577 = vector.broadcast %broadcast_in_dim3A_576 : i32 to vector<16xi32>
        %gather3A_578 = tpu.vector_load_idx %arg14[%broadcast_in_dim3A_577, %get3A_566] : memref<4x8192xf32, #tpu.memory_space<vmem>>[vector<16xi32>, vector<16xi32>], vector<16xf32>,
        %mul3A_579 = arith.constant 16 : i32
        %mul3A_580 = arith.muli %scan3A_562, %mul3A_579 : i32
        %add3A_581 = arith.constant 4096 : i32
        %add3A_582 = arith.addi %add3A_581, %mul3A_580 : i32
        %swap3A_583 = arith.index_cast %add3A_582 : i32 to index
        %swap3A_584 = tpu.vector_load %arg16[%swap3A_583] {strides = array<i32>} : memref<16384xf32, #tpu.memory_space<vmem>>, vector<16xf32>,
        tpu.vector_store %arg16[%swap3A_583], %gather3A_578 {strides = array<i32>} : memref<16384xf32, #tpu.memory_space<vmem>>, vector<16xf32>,
        %broadcast_in_dim3A_585 = arith.constant 2 : i32
        %broadcast_in_dim3A_586 = vector.broadcast %broadcast_in_dim3A_585 : i32 to vector<16xi32>
        %gather3A_587 = tpu.vector_load_idx %arg14[%broadcast_in_dim3A_586, %get3A_566] : memref<4x8192xf32, #tpu.memory_space<vmem>>[vector<16xi32>, vector<16xi32>], vector<16xf32>,
        %mul3A_588 = arith.constant 16 : i32
        %mul3A_589 = arith.muli %scan3A_562, %mul3A_588 : i32
        %add3A_590 = arith.constant 8192 : i32
        %add3A_591 = arith.addi %add3A_590, %mul3A_589 : i32
        %swap3A_592 = arith.index_cast %add3A_591 : i32 to index
        %swap3A_593 = tpu.vector_load %arg16[%swap3A_592] {strides = array<i32>} : memref<16384xf32, #tpu.memory_space<vmem>>, vector<16xf32>,
        tpu.vector_store %arg16[%swap3A_592], %gather3A_587 {strides = array<i32>} : memref<16384xf32, #tpu.memory_space<vmem>>, vector<16xf32>,
        %broadcast_in_dim3A_594 = arith.constant 3 : i32
        %broadcast_in_dim3A_595 = vector.broadcast %broadcast_in_dim3A_594 : i32 to vector<16xi32>
        %gather3A_596 = tpu.vector_load_idx %arg14[%broadcast_in_dim3A_595, %get3A_566] : memref<4x8192xf32, #tpu.memory_space<vmem>>[vector<16xi32>, vector<16xi32>], vector<16xf32>,
        %mul3A_597 = arith.constant 16 : i32
        %mul3A_598 = arith.muli %scan3A_562, %mul3A_597 : i32
        %add3A_599 = arith.constant 12288 : i32
        %add3A_600 = arith.addi %add3A_599, %mul3A_598 : i32
        %swap3A_601 = arith.index_cast %add3A_600 : i32 to index
        %swap3A_602 = tpu.vector_load %arg16[%swap3A_601] {strides = array<i32>} : memref<16384xf32, #tpu.memory_space<vmem>>, vector<16xf32>,
        tpu.vector_store %arg16[%swap3A_601], %gather3A_596 {strides = array<i32>} : memref<16384xf32, #tpu.memory_space<vmem>>, vector<16xf32>,
        %scan3A_603 = arith.constant 0 : i32
        %scan3A_604 = arith.constant 6 : i32
        %scan3A_605 = arith.addi %scan3A_349, %scan3A_604 : i32
        %mul3A_606 = arith.constant 16 : i32
        %mul3A_607 = arith.muli %scan3A_605, %mul3A_606 : i32
        %get3A_608 = arith.index_cast %mul3A_607 : i32 to index
        %get3A_609 = tpu.vector_load %arg11[%get3A_608] {strides = array<i32>} : memref<4096xi32, #tpu.memory_space<vmem>>, vector<16xi32>,
        %broadcast_in_dim3A_610 = arith.constant 0 : i32
        %broadcast_in_dim3A_611 = vector.broadcast %broadcast_in_dim3A_610 : i32 to vector<16xi32>
        %gather3A_612 = tpu.vector_load_idx %arg14[%broadcast_in_dim3A_611, %get3A_609] : memref<4x8192xf32, #tpu.memory_space<vmem>>[vector<16xi32>, vector<16xi32>], vector<16xf32>,
        %mul3A_613 = arith.constant 16 : i32
        %mul3A_614 = arith.muli %scan3A_605, %mul3A_613 : i32
        %add3A_615 = arith.constant 0 : i32
        %add3A_616 = arith.addi %add3A_615, %mul3A_614 : i32
        %swap3A_617 = arith.index_cast %add3A_616 : i32 to index
        %swap3A_618 = tpu.vector_load %arg16[%swap3A_617] {strides = array<i32>} : memref<16384xf32, #tpu.memory_space<vmem>>, vector<16xf32>,
        tpu.vector_store %arg16[%swap3A_617], %gather3A_612 {strides = array<i32>} : memref<16384xf32, #tpu.memory_space<vmem>>, vector<16xf32>,
        %broadcast_in_dim3A_619 = arith.constant 1 : i32
        %broadcast_in_dim3A_620 = vector.broadcast %broadcast_in_dim3A_619 : i32 to vector<16xi32>
        %gather3A_621 = tpu.vector_load_idx %arg14[%broadcast_in_dim3A_620, %get3A_609] : memref<4x8192xf32, #tpu.memory_space<vmem>>[vector<16xi32>, vector<16xi32>], vector<16xf32>,
        %mul3A_622 = arith.constant 16 : i32
        %mul3A_623 = arith.muli %scan3A_605, %mul3A_622 : i32
        %add3A_624 = arith.constant 4096 : i32
        %add3A_625 = arith.addi %add3A_624, %mul3A_623 : i32
        %swap3A_626 = arith.index_cast %add3A_625 : i32 to index
        %swap3A_627 = tpu.vector_load %arg16[%swap3A_626] {strides = array<i32>} : memref<16384xf32, #tpu.memory_space<vmem>>, vector<16xf32>,
        tpu.vector_store %arg16[%swap3A_626], %gather3A_621 {strides = array<i32>} : memref<16384xf32, #tpu.memory_space<vmem>>, vector<16xf32>,
        %broadcast_in_dim3A_628 = arith.constant 2 : i32
        %broadcast_in_dim3A_629 = vector.broadcast %broadcast_in_dim3A_628 : i32 to vector<16xi32>
        %gather3A_630 = tpu.vector_load_idx %arg14[%broadcast_in_dim3A_629, %get3A_609] : memref<4x8192xf32, #tpu.memory_space<vmem>>[vector<16xi32>, vector<16xi32>], vector<16xf32>,
        %mul3A_631 = arith.constant 16 : i32
        %mul3A_632 = arith.muli %scan3A_605, %mul3A_631 : i32
        %add3A_633 = arith.constant 8192 : i32
        %add3A_634 = arith.addi %add3A_633, %mul3A_632 : i32
        %swap3A_635 = arith.index_cast %add3A_634 : i32 to index
        %swap3A_636 = tpu.vector_load %arg16[%swap3A_635] {strides = array<i32>} : memref<16384xf32, #tpu.memory_space<vmem>>, vector<16xf32>,
        tpu.vector_store %arg16[%swap3A_635], %gather3A_630 {strides = array<i32>} : memref<16384xf32, #tpu.memory_space<vmem>>, vector<16xf32>,
        %broadcast_in_dim3A_637 = arith.constant 3 : i32
        %broadcast_in_dim3A_638 = vector.broadcast %broadcast_in_dim3A_637 : i32 to vector<16xi32>
        %gather3A_639 = tpu.vector_load_idx %arg14[%broadcast_in_dim3A_638, %get3A_609] : memref<4x8192xf32, #tpu.memory_space<vmem>>[vector<16xi32>, vector<16xi32>], vector<16xf32>,
        %mul3A_640 = arith.constant 16 : i32
        %mul3A_641 = arith.muli %scan3A_605, %mul3A_640 : i32
        %add3A_642 = arith.constant 12288 : i32
        %add3A_643 = arith.addi %add3A_642, %mul3A_641 : i32
        %swap3A_644 = arith.index_cast %add3A_643 : i32 to index
        %swap3A_645 = tpu.vector_load %arg16[%swap3A_644] {strides = array<i32>} : memref<16384xf32, #tpu.memory_space<vmem>>, vector<16xf32>,
        tpu.vector_store %arg16[%swap3A_644], %gather3A_639 {strides = array<i32>} : memref<16384xf32, #tpu.memory_space<vmem>>, vector<16xf32>,
        %scan3A_646 = arith.constant 0 : i32
        %scan3A_647 = arith.constant 7 : i32
        %scan3A_648 = arith.addi %scan3A_349, %scan3A_647 : i32
        %mul3A_649 = arith.constant 16 : i32
        %mul3A_650 = arith.muli %scan3A_648, %mul3A_649 : i32
        %get3A_651 = arith.index_cast %mul3A_650 : i32 to index
        %get3A_652 = tpu.vector_load %arg11[%get3A_651] {strides = array<i32>} : memref<4096xi32, #tpu.memory_space<vmem>>, vector<16xi32>,
        %broadcast_in_dim3A_653 = arith.constant 0 : i32
        %broadcast_in_dim3A_654 = vector.broadcast %broadcast_in_dim3A_653 : i32 to vector<16xi32>
        %gather3A_655 = tpu.vector_load_idx %arg14[%broadcast_in_dim3A_654, %get3A_652] : memref<4x8192xf32, #tpu.memory_space<vmem>>[vector<16xi32>, vector<16xi32>], vector<16xf32>,
        %mul3A_656 = arith.constant 16 : i32
        %mul3A_657 = arith.muli %scan3A_648, %mul3A_656 : i32
        %add3A_658 = arith.constant 0 : i32
        %add3A_659 = arith.addi %add3A_658, %mul3A_657 : i32
        %swap3A_660 = arith.index_cast %add3A_659 : i32 to index
        %swap3A_661 = tpu.vector_load %arg16[%swap3A_660] {strides = array<i32>} : memref<16384xf32, #tpu.memory_space<vmem>>, vector<16xf32>,
        tpu.vector_store %arg16[%swap3A_660], %gather3A_655 {strides = array<i32>} : memref<16384xf32, #tpu.memory_space<vmem>>, vector<16xf32>,
        %broadcast_in_dim3A_662 = arith.constant 1 : i32
        %broadcast_in_dim3A_663 = vector.broadcast %broadcast_in_dim3A_662 : i32 to vector<16xi32>
        %gather3A_664 = tpu.vector_load_idx %arg14[%broadcast_in_dim3A_663, %get3A_652] : memref<4x8192xf32, #tpu.memory_space<vmem>>[vector<16xi32>, vector<16xi32>], vector<16xf32>,
        %mul3A_665 = arith.constant 16 : i32
        %mul3A_666 = arith.muli %scan3A_648, %mul3A_665 : i32
        %add3A_667 = arith.constant 4096 : i32
        %add3A_668 = arith.addi %add3A_667, %mul3A_666 : i32
        %swap3A_669 = arith.index_cast %add3A_668 : i32 to index
        %swap3A_670 = tpu.vector_load %arg16[%swap3A_669] {strides = array<i32>} : memref<16384xf32, #tpu.memory_space<vmem>>, vector<16xf32>,
        tpu.vector_store %arg16[%swap3A_669], %gather3A_664 {strides = array<i32>} : memref<16384xf32, #tpu.memory_space<vmem>>, vector<16xf32>,
        %broadcast_in_dim3A_671 = arith.constant 2 : i32
        %broadcast_in_dim3A_672 = vector.broadcast %broadcast_in_dim3A_671 : i32 to vector<16xi32>
        %gather3A_673 = tpu.vector_load_idx %arg14[%broadcast_in_dim3A_672, %get3A_652] : memref<4x8192xf32, #tpu.memory_space<vmem>>[vector<16xi32>, vector<16xi32>], vector<16xf32>,
        %mul3A_674 = arith.constant 16 : i32
        %mul3A_675 = arith.muli %scan3A_648, %mul3A_674 : i32
        %add3A_676 = arith.constant 8192 : i32
        %add3A_677 = arith.addi %add3A_676, %mul3A_675 : i32
        %swap3A_678 = arith.index_cast %add3A_677 : i32 to index
        %swap3A_679 = tpu.vector_load %arg16[%swap3A_678] {strides = array<i32>} : memref<16384xf32, #tpu.memory_space<vmem>>, vector<16xf32>,
        tpu.vector_store %arg16[%swap3A_678], %gather3A_673 {strides = array<i32>} : memref<16384xf32, #tpu.memory_space<vmem>>, vector<16xf32>,
        %broadcast_in_dim3A_680 = arith.constant 3 : i32
        %broadcast_in_dim3A_681 = vector.broadcast %broadcast_in_dim3A_680 : i32 to vector<16xi32>
        %gather3A_682 = tpu.vector_load_idx %arg14[%broadcast_in_dim3A_681, %get3A_652] : memref<4x8192xf32, #tpu.memory_space<vmem>>[vector<16xi32>, vector<16xi32>], vector<16xf32>,
        %mul3A_683 = arith.constant 16 : i32
        %mul3A_684 = arith.muli %scan3A_648, %mul3A_683 : i32
        %add3A_685 = arith.constant 12288 : i32
        %add3A_686 = arith.addi %add3A_685, %mul3A_684 : i32
        %swap3A_687 = arith.index_cast %add3A_686 : i32 to index
        %swap3A_688 = tpu.vector_load %arg16[%swap3A_687] {strides = array<i32>} : memref<16384xf32, #tpu.memory_space<vmem>>, vector<16xf32>,
        tpu.vector_store %arg16[%swap3A_687], %gather3A_682 {strides = array<i32>} : memref<16384xf32, #tpu.memory_space<vmem>>, vector<16xf32>,
        %scan3A_689 = arith.constant 0 : i32
        scf.yield %scan3A_689 : i32
      }
      %scan3A_291 = arith.constant 256 : i32
      %mul3A_292 = arith.constant 4 : i32
      %mul3A_293 = arith.muli %add3A_269, %mul3A_292 : i32
      %add3A_294 = arith.addi %mul3A_2, %mul3A_293 : i32
      %mul3A_295 = arith.constant 4096 : i32
      %mul3A_296 = arith.muli %add3A_294, %mul3A_295 : i32
      %dma_start3A_297 = tpu.memref_slice %arg8[%mul3A_296] : memref<16777216xf32, #tpu.memory_space<hbm>> -> memref<16384xf32, #tpu.memory_space<hbm>>
      %dma_start3A_298 = tpu.memref_slice %arg8[%mul3A_296] : memref<16777216xf32, #tpu.memory_space<hbm>> -> memref<16384xf32, #tpu.memory_space<hbm>>
      tpu.enqueue_dma source(%arg16 : memref<16384xf32, #tpu.memory_space<vmem>>) target(%dma_start3A_298 : memref<16384xf32, #tpu.memory_space<hbm>>) target_semaphore(%arg20 : memref<!tpu.dma_semaphore, #tpu.memory_space<semaphore_mem>>)
      %add3A_299 = arith.constant 2 : i32
      %add3A_300 = arith.addi %add3A_269, %add3A_299 : i32
      %mul3A_301 = arith.constant 8 : i32
      %mul3A_302 = arith.muli %add3A_300, %mul3A_301 : i32
      %dma_start3A_303 = tpu.memref_slice %arg13[%mul3A_302] : memref<272xi32, #tpu.memory_space<vmem>> -> memref<4xi32, #tpu.memory_space<vmem>>
      %dma_start3A_304 = arith.constant 0 : i32
      %dma_start3A_305 = arith.constant 0 : i32
      %dma_start3A_306 = tpu.memref_slice %arg4[%dma_start3A_304, %dma_start3A_305] : memref<8192x8192xf32, #tpu.memory_space<hbm>> -> memref<8192x8192xf32, #tpu.memory_space<hbm>>
      tpu.enqueue_indirect_dma source(%dma_start3A_306 : memref<8192x8192xf32, #tpu.memory_space<hbm>>) target(%arg14 : memref<4x8192xf32, #tpu.memory_space<vmem>>) offsets(%dma_start3A_303 : memref<4xi32, #tpu.memory_space<vmem>>) semaphore(%arg18 : memref<!tpu.dma_semaphore, #tpu.memory_space<semaphore_mem>>)
      %mul3A_307 = arith.constant 2 : i32
      %mul3A_308 = arith.muli %mul3A_307, %scan3A_264 : i32
      %add3A_309 = arith.constant 1 : i32
      %add3A_310 = arith.addi %mul3A_308, %add3A_309 : i32
      %mul3A_311 = arith.constant 8 : i32
      %mul3A_312 = arith.muli %add3A_310, %mul3A_311 : i32
      %dma_wait3A_313 = tpu.memref_slice %arg13[%mul3A_312] : memref<272xi32, #tpu.memory_space<vmem>> -> memref<4xi32, #tpu.memory_space<vmem>>
      %dma_wait3A_314 = arith.constant 0 : i32
      %dma_wait3A_315 = arith.constant 0 : i32
      %dma_wait3A_316 = tpu.memref_slice %arg4[%dma_wait3A_314, %dma_wait3A_315] : memref<8192x8192xf32, #tpu.memory_space<hbm>> -> memref<8192x8192xf32, #tpu.memory_space<hbm>>
      tpu.wait_indirect_dma semaphore(%arg19 : memref<!tpu.dma_semaphore, #tpu.memory_space<semaphore_mem>>) src(%dma_wait3A_316 : memref<8192x8192xf32, #tpu.memory_space<hbm>>) dst(%arg15 : memref<4x8192xf32, #tpu.memory_space<vmem>>)
      %sub3A_317 = arith.constant 2 : i32
      %sub3A_318 = arith.subi %add3A_310, %sub3A_317 : i32
      %mul3A_319 = arith.constant 4 : i32
      %mul3A_320 = arith.muli %sub3A_318, %mul3A_319 : i32
      %add3A_321 = arith.addi %mul3A_2, %mul3A_320 : i32
      %mul3A_322 = arith.constant 4096 : i32
      %mul3A_323 = arith.muli %add3A_321, %mul3A_322 : i32
      %dma_wait3A_324 = tpu.memref_slice %arg8[%mul3A_323] : memref<16777216xf32, #tpu.memory_space<hbm>> -> memref<16384xf32, #tpu.memory_space<hbm>>
      %dma_wait3A_325 = tpu.memref_slice %arg8[%mul3A_323] : memref<16777216xf32, #tpu.memory_space<hbm>> -> memref<16384xf32, #tpu.memory_space<hbm>>
      tpu.wait_dma2 semaphore(%arg21 : memref<!tpu.dma_semaphore, #tpu.memory_space<semaphore_mem>>) src(%arg17 : memref<16384xf32, #tpu.memory_space<vmem>>) dst(%dma_wait3A_325 : memref<16384xf32, #tpu.memory_space<hbm>>)
      %scan3A_326 = arith.constant 0 : i32
      %scan3A_327 = arith.constant 0 : i32
      %scan3A_328 = arith.constant 256 : i32
      %scan3A_329 = arith.addi %scan3A_327, %scan3A_328 : i32
      %scan3A_330 = arith.constant 8 : i32
      %scan3A_331 = scf.for %scan3A_349 = %scan3A_327 to %scan3A_329 step %scan3A_330 iter_args(%scan3A_350 = %scan3A_326) -> (i32)  : i32 {
        %mul3A_351 = arith.constant 16 : i32
        %mul3A_352 = arith.muli %scan3A_349, %mul3A_351 : i32
        %get3A = arith.index_cast %mul3A_352 : i32 to index
        %get3A_353 = tpu.vector_load %arg11[%get3A] {strides = array<i32>} : memref<4096xi32, #tpu.memory_space<vmem>>, vector<16xi32>,
        %broadcast_in_dim3A_354 = arith.constant 0 : i32
        %broadcast_in_dim3A_355 = vector.broadcast %broadcast_in_dim3A_354 : i32 to vector<16xi32>
        %gather3A = tpu.vector_load_idx %arg15[%broadcast_in_dim3A_355, %get3A_353] : memref<4x8192xf32, #tpu.memory_space<vmem>>[vector<16xi32>, vector<16xi32>], vector<16xf32>,
        %mul3A_356 = arith.constant 16 : i32
        %mul3A_357 = arith.muli %scan3A_349, %mul3A_356 : i32
        %add3A_358 = arith.constant 0 : i32
        %add3A_359 = arith.addi %add3A_358, %mul3A_357 : i32
        %swap3A = arith.index_cast %add3A_359 : i32 to index
        %swap3A_360 = tpu.vector_load %arg17[%swap3A] {strides = array<i32>} : memref<16384xf32, #tpu.memory_space<vmem>>, vector<16xf32>,
        tpu.vector_store %arg17[%swap3A], %gather3A {strides = array<i32>} : memref<16384xf32, #tpu.memory_space<vmem>>, vector<16xf32>,
        %broadcast_in_dim3A_361 = arith.constant 1 : i32
        %broadcast_in_dim3A_362 = vector.broadcast %broadcast_in_dim3A_361 : i32 to vector<16xi32>
        %gather3A_363 = tpu.vector_load_idx %arg15[%broadcast_in_dim3A_362, %get3A_353] : memref<4x8192xf32, #tpu.memory_space<vmem>>[vector<16xi32>, vector<16xi32>], vector<16xf32>,
        %mul3A_364 = arith.constant 16 : i32
        %mul3A_365 = arith.muli %scan3A_349, %mul3A_364 : i32
        %add3A_366 = arith.constant 4096 : i32
        %add3A_367 = arith.addi %add3A_366, %mul3A_365 : i32
        %swap3A_368 = arith.index_cast %add3A_367 : i32 to index
        %swap3A_369 = tpu.vector_load %arg17[%swap3A_368] {strides = array<i32>} : memref<16384xf32, #tpu.memory_space<vmem>>, vector<16xf32>,
        tpu.vector_store %arg17[%swap3A_368], %gather3A_363 {strides = array<i32>} : memref<16384xf32, #tpu.memory_space<vmem>>, vector<16xf32>,
        %broadcast_in_dim3A_370 = arith.constant 2 : i32
        %broadcast_in_dim3A_371 = vector.broadcast %broadcast_in_dim3A_370 : i32 to vector<16xi32>
        %gather3A_372 = tpu.vector_load_idx %arg15[%broadcast_in_dim3A_371, %get3A_353] : memref<4x8192xf32, #tpu.memory_space<vmem>>[vector<16xi32>, vector<16xi32>], vector<16xf32>,
        %mul3A_373 = arith.constant 16 : i32
        %mul3A_374 = arith.muli %scan3A_349, %mul3A_373 : i32
        %add3A_375 = arith.constant 8192 : i32
        %add3A_376 = arith.addi %add3A_375, %mul3A_374 : i32
        %swap3A_377 = arith.index_cast %add3A_376 : i32 to index
        %swap3A_378 = tpu.vector_load %arg17[%swap3A_377] {strides = array<i32>} : memref<16384xf32, #tpu.memory_space<vmem>>, vector<16xf32>,
        tpu.vector_store %arg17[%swap3A_377], %gather3A_372 {strides = array<i32>} : memref<16384xf32, #tpu.memory_space<vmem>>, vector<16xf32>,
        %broadcast_in_dim3A_379 = arith.constant 3 : i32
        %broadcast_in_dim3A_380 = vector.broadcast %broadcast_in_dim3A_379 : i32 to vector<16xi32>
        %gather3A_381 = tpu.vector_load_idx %arg15[%broadcast_in_dim3A_380, %get3A_353] : memref<4x8192xf32, #tpu.memory_space<vmem>>[vector<16xi32>, vector<16xi32>], vector<16xf32>,
        %mul3A_382 = arith.constant 16 : i32
        %mul3A_383 = arith.muli %scan3A_349, %mul3A_382 : i32
        %add3A_384 = arith.constant 12288 : i32
        %add3A_385 = arith.addi %add3A_384, %mul3A_383 : i32
        %swap3A_386 = arith.index_cast %add3A_385 : i32 to index
        %swap3A_387 = tpu.vector_load %arg17[%swap3A_386] {strides = array<i32>} : memref<16384xf32, #tpu.memory_space<vmem>>, vector<16xf32>,
        tpu.vector_store %arg17[%swap3A_386], %gather3A_381 {strides = array<i32>} : memref<16384xf32, #tpu.memory_space<vmem>>, vector<16xf32>,
        %scan3A_388 = arith.constant 0 : i32
        %scan3A_389 = arith.constant 1 : i32
        %scan3A_390 = arith.addi %scan3A_349, %scan3A_389 : i32
        %mul3A_391 = arith.constant 16 : i32
        %mul3A_392 = arith.muli %scan3A_390, %mul3A_391 : i32
        %get3A_393 = arith.index_cast %mul3A_392 : i32 to index
        %get3A_394 = tpu.vector_load %arg11[%get3A_393] {strides = array<i32>} : memref<4096xi32, #tpu.memory_space<vmem>>, vector<16xi32>,
        %broadcast_in_dim3A_395 = arith.constant 0 : i32
        %broadcast_in_dim3A_396 = vector.broadcast %broadcast_in_dim3A_395 : i32 to vector<16xi32>
        %gather3A_397 = tpu.vector_load_idx %arg15[%broadcast_in_dim3A_396, %get3A_394] : memref<4x8192xf32, #tpu.memory_space<vmem>>[vector<16xi32>, vector<16xi32>], vector<16xf32>,
        %mul3A_398 = arith.constant 16 : i32
        %mul3A_399 = arith.muli %scan3A_390, %mul3A_398 : i32
        %add3A_400 = arith.constant 0 : i32
        %add3A_401 = arith.addi %add3A_400, %mul3A_399 : i32
        %swap3A_402 = arith.index_cast %add3A_401 : i32 to index
        %swap3A_403 = tpu.vector_load %arg17[%swap3A_402] {strides = array<i32>} : memref<16384xf32, #tpu.memory_space<vmem>>, vector<16xf32>,
        tpu.vector_store %arg17[%swap3A_402], %gather3A_397 {strides = array<i32>} : memref<16384xf32, #tpu.memory_space<vmem>>, vector<16xf32>,
        %broadcast_in_dim3A_404 = arith.constant 1 : i32
        %broadcast_in_dim3A_405 = vector.broadcast %broadcast_in_dim3A_404 : i32 to vector<16xi32>
        %gather3A_406 = tpu.vector_load_idx %arg15[%broadcast_in_dim3A_405, %get3A_394] : memref<4x8192xf32, #tpu.memory_space<vmem>>[vector<16xi32>, vector<16xi32>], vector<16xf32>,
        %mul3A_407 = arith.constant 16 : i32
        %mul3A_408 = arith.muli %scan3A_390, %mul3A_407 : i32
        %add3A_409 = arith.constant 4096 : i32
        %add3A_410 = arith.addi %add3A_409, %mul3A_408 : i32
        %swap3A_411 = arith.index_cast %add3A_410 : i32 to index
        %swap3A_412 = tpu.vector_load %arg17[%swap3A_411] {strides = array<i32>} : memref<16384xf32, #tpu.memory_space<vmem>>, vector<16xf32>,
        tpu.vector_store %arg17[%swap3A_411], %gather3A_406 {strides = array<i32>} : memref<16384xf32, #tpu.memory_space<vmem>>, vector<16xf32>,
        %broadcast_in_dim3A_413 = arith.constant 2 : i32
        %broadcast_in_dim3A_414 = vector.broadcast %broadcast_in_dim3A_413 : i32 to vector<16xi32>
        %gather3A_415 = tpu.vector_load_idx %arg15[%broadcast_in_dim3A_414, %get3A_394] : memref<4x8192xf32, #tpu.memory_space<vmem>>[vector<16xi32>, vector<16xi32>], vector<16xf32>,
        %mul3A_416 = arith.constant 16 : i32
        %mul3A_417 = arith.muli %scan3A_390, %mul3A_416 : i32
        %add3A_418 = arith.constant 8192 : i32
        %add3A_419 = arith.addi %add3A_418, %mul3A_417 : i32
        %swap3A_420 = arith.index_cast %add3A_419 : i32 to index
        %swap3A_421 = tpu.vector_load %arg17[%swap3A_420] {strides = array<i32>} : memref<16384xf32, #tpu.memory_space<vmem>>, vector<16xf32>,
        tpu.vector_store %arg17[%swap3A_420], %gather3A_415 {strides = array<i32>} : memref<16384xf32, #tpu.memory_space<vmem>>, vector<16xf32>,
        %broadcast_in_dim3A_422 = arith.constant 3 : i32
        %broadcast_in_dim3A_423 = vector.broadcast %broadcast_in_dim3A_422 : i32 to vector<16xi32>
        %gather3A_424 = tpu.vector_load_idx %arg15[%broadcast_in_dim3A_423, %get3A_394] : memref<4x8192xf32, #tpu.memory_space<vmem>>[vector<16xi32>, vector<16xi32>], vector<16xf32>,
        %mul3A_425 = arith.constant 16 : i32
        %mul3A_426 = arith.muli %scan3A_390, %mul3A_425 : i32
        %add3A_427 = arith.constant 12288 : i32
        %add3A_428 = arith.addi %add3A_427, %mul3A_426 : i32
        %swap3A_429 = arith.index_cast %add3A_428 : i32 to index
        %swap3A_430 = tpu.vector_load %arg17[%swap3A_429] {strides = array<i32>} : memref<16384xf32, #tpu.memory_space<vmem>>, vector<16xf32>,
        tpu.vector_store %arg17[%swap3A_429], %gather3A_424 {strides = array<i32>} : memref<16384xf32, #tpu.memory_space<vmem>>, vector<16xf32>,
        %scan3A_431 = arith.constant 0 : i32
        %scan3A_432 = arith.constant 2 : i32
        %scan3A_433 = arith.addi %scan3A_349, %scan3A_432 : i32
        %mul3A_434 = arith.constant 16 : i32
        %mul3A_435 = arith.muli %scan3A_433, %mul3A_434 : i32
        %get3A_436 = arith.index_cast %mul3A_435 : i32 to index
        %get3A_437 = tpu.vector_load %arg11[%get3A_436] {strides = array<i32>} : memref<4096xi32, #tpu.memory_space<vmem>>, vector<16xi32>,
        %broadcast_in_dim3A_438 = arith.constant 0 : i32
        %broadcast_in_dim3A_439 = vector.broadcast %broadcast_in_dim3A_438 : i32 to vector<16xi32>
        %gather3A_440 = tpu.vector_load_idx %arg15[%broadcast_in_dim3A_439, %get3A_437] : memref<4x8192xf32, #tpu.memory_space<vmem>>[vector<16xi32>, vector<16xi32>], vector<16xf32>,
        %mul3A_441 = arith.constant 16 : i32
        %mul3A_442 = arith.muli %scan3A_433, %mul3A_441 : i32
        %add3A_443 = arith.constant 0 : i32
        %add3A_444 = arith.addi %add3A_443, %mul3A_442 : i32
        %swap3A_445 = arith.index_cast %add3A_444 : i32 to index
        %swap3A_446 = tpu.vector_load %arg17[%swap3A_445] {strides = array<i32>} : memref<16384xf32, #tpu.memory_space<vmem>>, vector<16xf32>,
        tpu.vector_store %arg17[%swap3A_445], %gather3A_440 {strides = array<i32>} : memref<16384xf32, #tpu.memory_space<vmem>>, vector<16xf32>,
        %broadcast_in_dim3A_447 = arith.constant 1 : i32
        %broadcast_in_dim3A_448 = vector.broadcast %broadcast_in_dim3A_447 : i32 to vector<16xi32>
        %gather3A_449 = tpu.vector_load_idx %arg15[%broadcast_in_dim3A_448, %get3A_437] : memref<4x8192xf32, #tpu.memory_space<vmem>>[vector<16xi32>, vector<16xi32>], vector<16xf32>,
        %mul3A_450 = arith.constant 16 : i32
        %mul3A_451 = arith.muli %scan3A_433, %mul3A_450 : i32
        %add3A_452 = arith.constant 4096 : i32
        %add3A_453 = arith.addi %add3A_452, %mul3A_451 : i32
        %swap3A_454 = arith.index_cast %add3A_453 : i32 to index
        %swap3A_455 = tpu.vector_load %arg17[%swap3A_454] {strides = array<i32>} : memref<16384xf32, #tpu.memory_space<vmem>>, vector<16xf32>,
        tpu.vector_store %arg17[%swap3A_454], %gather3A_449 {strides = array<i32>} : memref<16384xf32, #tpu.memory_space<vmem>>, vector<16xf32>,
        %broadcast_in_dim3A_456 = arith.constant 2 : i32
        %broadcast_in_dim3A_457 = vector.broadcast %broadcast_in_dim3A_456 : i32 to vector<16xi32>
        %gather3A_458 = tpu.vector_load_idx %arg15[%broadcast_in_dim3A_457, %get3A_437] : memref<4x8192xf32, #tpu.memory_space<vmem>>[vector<16xi32>, vector<16xi32>], vector<16xf32>,
        %mul3A_459 = arith.constant 16 : i32
        %mul3A_460 = arith.muli %scan3A_433, %mul3A_459 : i32
        %add3A_461 = arith.constant 8192 : i32
        %add3A_462 = arith.addi %add3A_461, %mul3A_460 : i32
        %swap3A_463 = arith.index_cast %add3A_462 : i32 to index
        %swap3A_464 = tpu.vector_load %arg17[%swap3A_463] {strides = array<i32>} : memref<16384xf32, #tpu.memory_space<vmem>>, vector<16xf32>,
        tpu.vector_store %arg17[%swap3A_463], %gather3A_458 {strides = array<i32>} : memref<16384xf32, #tpu.memory_space<vmem>>, vector<16xf32>,
        %broadcast_in_dim3A_465 = arith.constant 3 : i32
        %broadcast_in_dim3A_466 = vector.broadcast %broadcast_in_dim3A_465 : i32 to vector<16xi32>
        %gather3A_467 = tpu.vector_load_idx %arg15[%broadcast_in_dim3A_466, %get3A_437] : memref<4x8192xf32, #tpu.memory_space<vmem>>[vector<16xi32>, vector<16xi32>], vector<16xf32>,
        %mul3A_468 = arith.constant 16 : i32
        %mul3A_469 = arith.muli %scan3A_433, %mul3A_468 : i32
        %add3A_470 = arith.constant 12288 : i32
        %add3A_471 = arith.addi %add3A_470, %mul3A_469 : i32
        %swap3A_472 = arith.index_cast %add3A_471 : i32 to index
        %swap3A_473 = tpu.vector_load %arg17[%swap3A_472] {strides = array<i32>} : memref<16384xf32, #tpu.memory_space<vmem>>, vector<16xf32>,
        tpu.vector_store %arg17[%swap3A_472], %gather3A_467 {strides = array<i32>} : memref<16384xf32, #tpu.memory_space<vmem>>, vector<16xf32>,
        %scan3A_474 = arith.constant 0 : i32
        %scan3A_475 = arith.constant 3 : i32
        %scan3A_476 = arith.addi %scan3A_349, %scan3A_475 : i32
        %mul3A_477 = arith.constant 16 : i32
        %mul3A_478 = arith.muli %scan3A_476, %mul3A_477 : i32
        %get3A_479 = arith.index_cast %mul3A_478 : i32 to index
        %get3A_480 = tpu.vector_load %arg11[%get3A_479] {strides = array<i32>} : memref<4096xi32, #tpu.memory_space<vmem>>, vector<16xi32>,
        %broadcast_in_dim3A_481 = arith.constant 0 : i32
        %broadcast_in_dim3A_482 = vector.broadcast %broadcast_in_dim3A_481 : i32 to vector<16xi32>
        %gather3A_483 = tpu.vector_load_idx %arg15[%broadcast_in_dim3A_482, %get3A_480] : memref<4x8192xf32, #tpu.memory_space<vmem>>[vector<16xi32>, vector<16xi32>], vector<16xf32>,
        %mul3A_484 = arith.constant 16 : i32
        %mul3A_485 = arith.muli %scan3A_476, %mul3A_484 : i32
        %add3A_486 = arith.constant 0 : i32
        %add3A_487 = arith.addi %add3A_486, %mul3A_485 : i32
        %swap3A_488 = arith.index_cast %add3A_487 : i32 to index
        %swap3A_489 = tpu.vector_load %arg17[%swap3A_488] {strides = array<i32>} : memref<16384xf32, #tpu.memory_space<vmem>>, vector<16xf32>,
        tpu.vector_store %arg17[%swap3A_488], %gather3A_483 {strides = array<i32>} : memref<16384xf32, #tpu.memory_space<vmem>>, vector<16xf32>,
        %broadcast_in_dim3A_490 = arith.constant 1 : i32
        %broadcast_in_dim3A_491 = vector.broadcast %broadcast_in_dim3A_490 : i32 to vector<16xi32>
        %gather3A_492 = tpu.vector_load_idx %arg15[%broadcast_in_dim3A_491, %get3A_480] : memref<4x8192xf32, #tpu.memory_space<vmem>>[vector<16xi32>, vector<16xi32>], vector<16xf32>,
        %mul3A_493 = arith.constant 16 : i32
        %mul3A_494 = arith.muli %scan3A_476, %mul3A_493 : i32
        %add3A_495 = arith.constant 4096 : i32
        %add3A_496 = arith.addi %add3A_495, %mul3A_494 : i32
        %swap3A_497 = arith.index_cast %add3A_496 : i32 to index
        %swap3A_498 = tpu.vector_load %arg17[%swap3A_497] {strides = array<i32>} : memref<16384xf32, #tpu.memory_space<vmem>>, vector<16xf32>,
        tpu.vector_store %arg17[%swap3A_497], %gather3A_492 {strides = array<i32>} : memref<16384xf32, #tpu.memory_space<vmem>>, vector<16xf32>,
        %broadcast_in_dim3A_499 = arith.constant 2 : i32
        %broadcast_in_dim3A_500 = vector.broadcast %broadcast_in_dim3A_499 : i32 to vector<16xi32>
        %gather3A_501 = tpu.vector_load_idx %arg15[%broadcast_in_dim3A_500, %get3A_480] : memref<4x8192xf32, #tpu.memory_space<vmem>>[vector<16xi32>, vector<16xi32>], vector<16xf32>,
        %mul3A_502 = arith.constant 16 : i32
        %mul3A_503 = arith.muli %scan3A_476, %mul3A_502 : i32
        %add3A_504 = arith.constant 8192 : i32
        %add3A_505 = arith.addi %add3A_504, %mul3A_503 : i32
        %swap3A_506 = arith.index_cast %add3A_505 : i32 to index
        %swap3A_507 = tpu.vector_load %arg17[%swap3A_506] {strides = array<i32>} : memref<16384xf32, #tpu.memory_space<vmem>>, vector<16xf32>,
        tpu.vector_store %arg17[%swap3A_506], %gather3A_501 {strides = array<i32>} : memref<16384xf32, #tpu.memory_space<vmem>>, vector<16xf32>,
        %broadcast_in_dim3A_508 = arith.constant 3 : i32
        %broadcast_in_dim3A_509 = vector.broadcast %broadcast_in_dim3A_508 : i32 to vector<16xi32>
        %gather3A_510 = tpu.vector_load_idx %arg15[%broadcast_in_dim3A_509, %get3A_480] : memref<4x8192xf32, #tpu.memory_space<vmem>>[vector<16xi32>, vector<16xi32>], vector<16xf32>,
        %mul3A_511 = arith.constant 16 : i32
        %mul3A_512 = arith.muli %scan3A_476, %mul3A_511 : i32
        %add3A_513 = arith.constant 12288 : i32
        %add3A_514 = arith.addi %add3A_513, %mul3A_512 : i32
        %swap3A_515 = arith.index_cast %add3A_514 : i32 to index
        %swap3A_516 = tpu.vector_load %arg17[%swap3A_515] {strides = array<i32>} : memref<16384xf32, #tpu.memory_space<vmem>>, vector<16xf32>,
        tpu.vector_store %arg17[%swap3A_515], %gather3A_510 {strides = array<i32>} : memref<16384xf32, #tpu.memory_space<vmem>>, vector<16xf32>,
        %scan3A_517 = arith.constant 0 : i32
        %scan3A_518 = arith.constant 4 : i32
        %scan3A_519 = arith.addi %scan3A_349, %scan3A_518 : i32
        %mul3A_520 = arith.constant 16 : i32
        %mul3A_521 = arith.muli %scan3A_519, %mul3A_520 : i32
        %get3A_522 = arith.index_cast %mul3A_521 : i32 to index
        %get3A_523 = tpu.vector_load %arg11[%get3A_522] {strides = array<i32>} : memref<4096xi32, #tpu.memory_space<vmem>>, vector<16xi32>,
        %broadcast_in_dim3A_524 = arith.constant 0 : i32
        %broadcast_in_dim3A_525 = vector.broadcast %broadcast_in_dim3A_524 : i32 to vector<16xi32>
        %gather3A_526 = tpu.vector_load_idx %arg15[%broadcast_in_dim3A_525, %get3A_523] : memref<4x8192xf32, #tpu.memory_space<vmem>>[vector<16xi32>, vector<16xi32>], vector<16xf32>,
        %mul3A_527 = arith.constant 16 : i32
        %mul3A_528 = arith.muli %scan3A_519, %mul3A_527 : i32
        %add3A_529 = arith.constant 0 : i32
        %add3A_530 = arith.addi %add3A_529, %mul3A_528 : i32
        %swap3A_531 = arith.index_cast %add3A_530 : i32 to index
        %swap3A_532 = tpu.vector_load %arg17[%swap3A_531] {strides = array<i32>} : memref<16384xf32, #tpu.memory_space<vmem>>, vector<16xf32>,
        tpu.vector_store %arg17[%swap3A_531], %gather3A_526 {strides = array<i32>} : memref<16384xf32, #tpu.memory_space<vmem>>, vector<16xf32>,
        %broadcast_in_dim3A_533 = arith.constant 1 : i32
        %broadcast_in_dim3A_534 = vector.broadcast %broadcast_in_dim3A_533 : i32 to vector<16xi32>
        %gather3A_535 = tpu.vector_load_idx %arg15[%broadcast_in_dim3A_534, %get3A_523] : memref<4x8192xf32, #tpu.memory_space<vmem>>[vector<16xi32>, vector<16xi32>], vector<16xf32>,
        %mul3A_536 = arith.constant 16 : i32
        %mul3A_537 = arith.muli %scan3A_519, %mul3A_536 : i32
        %add3A_538 = arith.constant 4096 : i32
        %add3A_539 = arith.addi %add3A_538, %mul3A_537 : i32
        %swap3A_540 = arith.index_cast %add3A_539 : i32 to index
        %swap3A_541 = tpu.vector_load %arg17[%swap3A_540] {strides = array<i32>} : memref<16384xf32, #tpu.memory_space<vmem>>, vector<16xf32>,
        tpu.vector_store %arg17[%swap3A_540], %gather3A_535 {strides = array<i32>} : memref<16384xf32, #tpu.memory_space<vmem>>, vector<16xf32>,
        %broadcast_in_dim3A_542 = arith.constant 2 : i32
        %broadcast_in_dim3A_543 = vector.broadcast %broadcast_in_dim3A_542 : i32 to vector<16xi32>
        %gather3A_544 = tpu.vector_load_idx %arg15[%broadcast_in_dim3A_543, %get3A_523] : memref<4x8192xf32, #tpu.memory_space<vmem>>[vector<16xi32>, vector<16xi32>], vector<16xf32>,
        %mul3A_545 = arith.constant 16 : i32
        %mul3A_546 = arith.muli %scan3A_519, %mul3A_545 : i32
        %add3A_547 = arith.constant 8192 : i32
        %add3A_548 = arith.addi %add3A_547, %mul3A_546 : i32
        %swap3A_549 = arith.index_cast %add3A_548 : i32 to index
        %swap3A_550 = tpu.vector_load %arg17[%swap3A_549] {strides = array<i32>} : memref<16384xf32, #tpu.memory_space<vmem>>, vector<16xf32>,
        tpu.vector_store %arg17[%swap3A_549], %gather3A_544 {strides = array<i32>} : memref<16384xf32, #tpu.memory_space<vmem>>, vector<16xf32>,
        %broadcast_in_dim3A_551 = arith.constant 3 : i32
        %broadcast_in_dim3A_552 = vector.broadcast %broadcast_in_dim3A_551 : i32 to vector<16xi32>
        %gather3A_553 = tpu.vector_load_idx %arg15[%broadcast_in_dim3A_552, %get3A_523] : memref<4x8192xf32, #tpu.memory_space<vmem>>[vector<16xi32>, vector<16xi32>], vector<16xf32>,
        %mul3A_554 = arith.constant 16 : i32
        %mul3A_555 = arith.muli %scan3A_519, %mul3A_554 : i32
        %add3A_556 = arith.constant 12288 : i32
        %add3A_557 = arith.addi %add3A_556, %mul3A_555 : i32
        %swap3A_558 = arith.index_cast %add3A_557 : i32 to index
        %swap3A_559 = tpu.vector_load %arg17[%swap3A_558] {strides = array<i32>} : memref<16384xf32, #tpu.memory_space<vmem>>, vector<16xf32>,
        tpu.vector_store %arg17[%swap3A_558], %gather3A_553 {strides = array<i32>} : memref<16384xf32, #tpu.memory_space<vmem>>, vector<16xf32>,
        %scan3A_560 = arith.constant 0 : i32
        %scan3A_561 = arith.constant 5 : i32
        %scan3A_562 = arith.addi %scan3A_349, %scan3A_561 : i32
        %mul3A_563 = arith.constant 16 : i32
        %mul3A_564 = arith.muli %scan3A_562, %mul3A_563 : i32
        %get3A_565 = arith.index_cast %mul3A_564 : i32 to index
        %get3A_566 = tpu.vector_load %arg11[%get3A_565] {strides = array<i32>} : memref<4096xi32, #tpu.memory_space<vmem>>, vector<16xi32>,
        %broadcast_in_dim3A_567 = arith.constant 0 : i32
        %broadcast_in_dim3A_568 = vector.broadcast %broadcast_in_dim3A_567 : i32 to vector<16xi32>
        %gather3A_569 = tpu.vector_load_idx %arg15[%broadcast_in_dim3A_568, %get3A_566] : memref<4x8192xf32, #tpu.memory_space<vmem>>[vector<16xi32>, vector<16xi32>], vector<16xf32>,
        %mul3A_570 = arith.constant 16 : i32
        %mul3A_571 = arith.muli %scan3A_562, %mul3A_570 : i32
        %add3A_572 = arith.constant 0 : i32
        %add3A_573 = arith.addi %add3A_572, %mul3A_571 : i32
        %swap3A_574 = arith.index_cast %add3A_573 : i32 to index
        %swap3A_575 = tpu.vector_load %arg17[%swap3A_574] {strides = array<i32>} : memref<16384xf32, #tpu.memory_space<vmem>>, vector<16xf32>,
        tpu.vector_store %arg17[%swap3A_574], %gather3A_569 {strides = array<i32>} : memref<16384xf32, #tpu.memory_space<vmem>>, vector<16xf32>,
        %broadcast_in_dim3A_576 = arith.constant 1 : i32
        %broadcast_in_dim3A_577 = vector.broadcast %broadcast_in_dim3A_576 : i32 to vector<16xi32>
        %gather3A_578 = tpu.vector_load_idx %arg15[%broadcast_in_dim3A_577, %get3A_566] : memref<4x8192xf32, #tpu.memory_space<vmem>>[vector<16xi32>, vector<16xi32>], vector<16xf32>,
        %mul3A_579 = arith.constant 16 : i32
        %mul3A_580 = arith.muli %scan3A_562, %mul3A_579 : i32
        %add3A_581 = arith.constant 4096 : i32
        %add3A_582 = arith.addi %add3A_581, %mul3A_580 : i32
        %swap3A_583 = arith.index_cast %add3A_582 : i32 to index
        %swap3A_584 = tpu.vector_load %arg17[%swap3A_583] {strides = array<i32>} : memref<16384xf32, #tpu.memory_space<vmem>>, vector<16xf32>,
        tpu.vector_store %arg17[%swap3A_583], %gather3A_578 {strides = array<i32>} : memref<16384xf32, #tpu.memory_space<vmem>>, vector<16xf32>,
        %broadcast_in_dim3A_585 = arith.constant 2 : i32
        %broadcast_in_dim3A_586 = vector.broadcast %broadcast_in_dim3A_585 : i32 to vector<16xi32>
        %gather3A_587 = tpu.vector_load_idx %arg15[%broadcast_in_dim3A_586, %get3A_566] : memref<4x8192xf32, #tpu.memory_space<vmem>>[vector<16xi32>, vector<16xi32>], vector<16xf32>,
        %mul3A_588 = arith.constant 16 : i32
        %mul3A_589 = arith.muli %scan3A_562, %mul3A_588 : i32
        %add3A_590 = arith.constant 8192 : i32
        %add3A_591 = arith.addi %add3A_590, %mul3A_589 : i32
        %swap3A_592 = arith.index_cast %add3A_591 : i32 to index
        %swap3A_593 = tpu.vector_load %arg17[%swap3A_592] {strides = array<i32>} : memref<16384xf32, #tpu.memory_space<vmem>>, vector<16xf32>,
        tpu.vector_store %arg17[%swap3A_592], %gather3A_587 {strides = array<i32>} : memref<16384xf32, #tpu.memory_space<vmem>>, vector<16xf32>,
        %broadcast_in_dim3A_594 = arith.constant 3 : i32
        %broadcast_in_dim3A_595 = vector.broadcast %broadcast_in_dim3A_594 : i32 to vector<16xi32>
        %gather3A_596 = tpu.vector_load_idx %arg15[%broadcast_in_dim3A_595, %get3A_566] : memref<4x8192xf32, #tpu.memory_space<vmem>>[vector<16xi32>, vector<16xi32>], vector<16xf32>,
        %mul3A_597 = arith.constant 16 : i32
        %mul3A_598 = arith.muli %scan3A_562, %mul3A_597 : i32
        %add3A_599 = arith.constant 12288 : i32
        %add3A_600 = arith.addi %add3A_599, %mul3A_598 : i32
        %swap3A_601 = arith.index_cast %add3A_600 : i32 to index
        %swap3A_602 = tpu.vector_load %arg17[%swap3A_601] {strides = array<i32>} : memref<16384xf32, #tpu.memory_space<vmem>>, vector<16xf32>,
        tpu.vector_store %arg17[%swap3A_601], %gather3A_596 {strides = array<i32>} : memref<16384xf32, #tpu.memory_space<vmem>>, vector<16xf32>,
        %scan3A_603 = arith.constant 0 : i32
        %scan3A_604 = arith.constant 6 : i32
        %scan3A_605 = arith.addi %scan3A_349, %scan3A_604 : i32
        %mul3A_606 = arith.constant 16 : i32
        %mul3A_607 = arith.muli %scan3A_605, %mul3A_606 : i32
        %get3A_608 = arith.index_cast %mul3A_607 : i32 to index
        %get3A_609 = tpu.vector_load %arg11[%get3A_608] {strides = array<i32>} : memref<4096xi32, #tpu.memory_space<vmem>>, vector<16xi32>,
        %broadcast_in_dim3A_610 = arith.constant 0 : i32
        %broadcast_in_dim3A_611 = vector.broadcast %broadcast_in_dim3A_610 : i32 to vector<16xi32>
        %gather3A_612 = tpu.vector_load_idx %arg15[%broadcast_in_dim3A_611, %get3A_609] : memref<4x8192xf32, #tpu.memory_space<vmem>>[vector<16xi32>, vector<16xi32>], vector<16xf32>,
        %mul3A_613 = arith.constant 16 : i32
        %mul3A_614 = arith.muli %scan3A_605, %mul3A_613 : i32
        %add3A_615 = arith.constant 0 : i32
        %add3A_616 = arith.addi %add3A_615, %mul3A_614 : i32
        %swap3A_617 = arith.index_cast %add3A_616 : i32 to index
        %swap3A_618 = tpu.vector_load %arg17[%swap3A_617] {strides = array<i32>} : memref<16384xf32, #tpu.memory_space<vmem>>, vector<16xf32>,
        tpu.vector_store %arg17[%swap3A_617], %gather3A_612 {strides = array<i32>} : memref<16384xf32, #tpu.memory_space<vmem>>, vector<16xf32>,
        %broadcast_in_dim3A_619 = arith.constant 1 : i32
        %broadcast_in_dim3A_620 = vector.broadcast %broadcast_in_dim3A_619 : i32 to vector<16xi32>
        %gather3A_621 = tpu.vector_load_idx %arg15[%broadcast_in_dim3A_620, %get3A_609] : memref<4x8192xf32, #tpu.memory_space<vmem>>[vector<16xi32>, vector<16xi32>], vector<16xf32>,
        %mul3A_622 = arith.constant 16 : i32
        %mul3A_623 = arith.muli %scan3A_605, %mul3A_622 : i32
        %add3A_624 = arith.constant 4096 : i32
        %add3A_625 = arith.addi %add3A_624, %mul3A_623 : i32
        %swap3A_626 = arith.index_cast %add3A_625 : i32 to index
        %swap3A_627 = tpu.vector_load %arg17[%swap3A_626] {strides = array<i32>} : memref<16384xf32, #tpu.memory_space<vmem>>, vector<16xf32>,
        tpu.vector_store %arg17[%swap3A_626], %gather3A_621 {strides = array<i32>} : memref<16384xf32, #tpu.memory_space<vmem>>, vector<16xf32>,
        %broadcast_in_dim3A_628 = arith.constant 2 : i32
        %broadcast_in_dim3A_629 = vector.broadcast %broadcast_in_dim3A_628 : i32 to vector<16xi32>
        %gather3A_630 = tpu.vector_load_idx %arg15[%broadcast_in_dim3A_629, %get3A_609] : memref<4x8192xf32, #tpu.memory_space<vmem>>[vector<16xi32>, vector<16xi32>], vector<16xf32>,
        %mul3A_631 = arith.constant 16 : i32
        %mul3A_632 = arith.muli %scan3A_605, %mul3A_631 : i32
        %add3A_633 = arith.constant 8192 : i32
        %add3A_634 = arith.addi %add3A_633, %mul3A_632 : i32
        %swap3A_635 = arith.index_cast %add3A_634 : i32 to index
        %swap3A_636 = tpu.vector_load %arg17[%swap3A_635] {strides = array<i32>} : memref<16384xf32, #tpu.memory_space<vmem>>, vector<16xf32>,
        tpu.vector_store %arg17[%swap3A_635], %gather3A_630 {strides = array<i32>} : memref<16384xf32, #tpu.memory_space<vmem>>, vector<16xf32>,
        %broadcast_in_dim3A_637 = arith.constant 3 : i32
        %broadcast_in_dim3A_638 = vector.broadcast %broadcast_in_dim3A_637 : i32 to vector<16xi32>
        %gather3A_639 = tpu.vector_load_idx %arg15[%broadcast_in_dim3A_638, %get3A_609] : memref<4x8192xf32, #tpu.memory_space<vmem>>[vector<16xi32>, vector<16xi32>], vector<16xf32>,
        %mul3A_640 = arith.constant 16 : i32
        %mul3A_641 = arith.muli %scan3A_605, %mul3A_640 : i32
        %add3A_642 = arith.constant 12288 : i32
        %add3A_643 = arith.addi %add3A_642, %mul3A_641 : i32
        %swap3A_644 = arith.index_cast %add3A_643 : i32 to index
        %swap3A_645 = tpu.vector_load %arg17[%swap3A_644] {strides = array<i32>} : memref<16384xf32, #tpu.memory_space<vmem>>, vector<16xf32>,
        tpu.vector_store %arg17[%swap3A_644], %gather3A_639 {strides = array<i32>} : memref<16384xf32, #tpu.memory_space<vmem>>, vector<16xf32>,
        %scan3A_646 = arith.constant 0 : i32
        %scan3A_647 = arith.constant 7 : i32
        %scan3A_648 = arith.addi %scan3A_349, %scan3A_647 : i32
        %mul3A_649 = arith.constant 16 : i32
        %mul3A_650 = arith.muli %scan3A_648, %mul3A_649 : i32
        %get3A_651 = arith.index_cast %mul3A_650 : i32 to index
        %get3A_652 = tpu.vector_load %arg11[%get3A_651] {strides = array<i32>} : memref<4096xi32, #tpu.memory_space<vmem>>, vector<16xi32>,
        %broadcast_in_dim3A_653 = arith.constant 0 : i32
        %broadcast_in_dim3A_654 = vector.broadcast %broadcast_in_dim3A_653 : i32 to vector<16xi32>
        %gather3A_655 = tpu.vector_load_idx %arg15[%broadcast_in_dim3A_654, %get3A_652] : memref<4x8192xf32, #tpu.memory_space<vmem>>[vector<16xi32>, vector<16xi32>], vector<16xf32>,
        %mul3A_656 = arith.constant 16 : i32
        %mul3A_657 = arith.muli %scan3A_648, %mul3A_656 : i32
        %add3A_658 = arith.constant 0 : i32
        %add3A_659 = arith.addi %add3A_658, %mul3A_657 : i32
        %swap3A_660 = arith.index_cast %add3A_659 : i32 to index
        %swap3A_661 = tpu.vector_load %arg17[%swap3A_660] {strides = array<i32>} : memref<16384xf32, #tpu.memory_space<vmem>>, vector<16xf32>,
        tpu.vector_store %arg17[%swap3A_660], %gather3A_655 {strides = array<i32>} : memref<16384xf32, #tpu.memory_space<vmem>>, vector<16xf32>,
        %broadcast_in_dim3A_662 = arith.constant 1 : i32
        %broadcast_in_dim3A_663 = vector.broadcast %broadcast_in_dim3A_662 : i32 to vector<16xi32>
        %gather3A_664 = tpu.vector_load_idx %arg15[%broadcast_in_dim3A_663, %get3A_652] : memref<4x8192xf32, #tpu.memory_space<vmem>>[vector<16xi32>, vector<16xi32>], vector<16xf32>,
        %mul3A_665 = arith.constant 16 : i32
        %mul3A_666 = arith.muli %scan3A_648, %mul3A_665 : i32
        %add3A_667 = arith.constant 4096 : i32
        %add3A_668 = arith.addi %add3A_667, %mul3A_666 : i32
        %swap3A_669 = arith.index_cast %add3A_668 : i32 to index
        %swap3A_670 = tpu.vector_load %arg17[%swap3A_669] {strides = array<i32>} : memref<16384xf32, #tpu.memory_space<vmem>>, vector<16xf32>,
        tpu.vector_store %arg17[%swap3A_669], %gather3A_664 {strides = array<i32>} : memref<16384xf32, #tpu.memory_space<vmem>>, vector<16xf32>,
        %broadcast_in_dim3A_671 = arith.constant 2 : i32
        %broadcast_in_dim3A_672 = vector.broadcast %broadcast_in_dim3A_671 : i32 to vector<16xi32>
        %gather3A_673 = tpu.vector_load_idx %arg15[%broadcast_in_dim3A_672, %get3A_652] : memref<4x8192xf32, #tpu.memory_space<vmem>>[vector<16xi32>, vector<16xi32>], vector<16xf32>,
        %mul3A_674 = arith.constant 16 : i32
        %mul3A_675 = arith.muli %scan3A_648, %mul3A_674 : i32
        %add3A_676 = arith.constant 8192 : i32
        %add3A_677 = arith.addi %add3A_676, %mul3A_675 : i32
        %swap3A_678 = arith.index_cast %add3A_677 : i32 to index
        %swap3A_679 = tpu.vector_load %arg17[%swap3A_678] {strides = array<i32>} : memref<16384xf32, #tpu.memory_space<vmem>>, vector<16xf32>,
        tpu.vector_store %arg17[%swap3A_678], %gather3A_673 {strides = array<i32>} : memref<16384xf32, #tpu.memory_space<vmem>>, vector<16xf32>,
        %broadcast_in_dim3A_680 = arith.constant 3 : i32
        %broadcast_in_dim3A_681 = vector.broadcast %broadcast_in_dim3A_680 : i32 to vector<16xi32>
        %gather3A_682 = tpu.vector_load_idx %arg15[%broadcast_in_dim3A_681, %get3A_652] : memref<4x8192xf32, #tpu.memory_space<vmem>>[vector<16xi32>, vector<16xi32>], vector<16xf32>,
        %mul3A_683 = arith.constant 16 : i32
        %mul3A_684 = arith.muli %scan3A_648, %mul3A_683 : i32
        %add3A_685 = arith.constant 12288 : i32
        %add3A_686 = arith.addi %add3A_685, %mul3A_684 : i32
        %swap3A_687 = arith.index_cast %add3A_686 : i32 to index
        %swap3A_688 = tpu.vector_load %arg17[%swap3A_687] {strides = array<i32>} : memref<16384xf32, #tpu.memory_space<vmem>>, vector<16xf32>,
        tpu.vector_store %arg17[%swap3A_687], %gather3A_682 {strides = array<i32>} : memref<16384xf32, #tpu.memory_space<vmem>>, vector<16xf32>,
        %scan3A_689 = arith.constant 0 : i32
        scf.yield %scan3A_689 : i32
      }
      %scan3A_332 = arith.constant 256 : i32
      %mul3A_333 = arith.constant 4 : i32
      %mul3A_334 = arith.muli %add3A_310, %mul3A_333 : i32
      %add3A_335 = arith.addi %mul3A_2, %mul3A_334 : i32
      %mul3A_336 = arith.constant 4096 : i32
      %mul3A_337 = arith.muli %add3A_335, %mul3A_336 : i32
      %dma_start3A_338 = tpu.memref_slice %arg8[%mul3A_337] : memref<16777216xf32, #tpu.memory_space<hbm>> -> memref<16384xf32, #tpu.memory_space<hbm>>
      %dma_start3A_339 = tpu.memref_slice %arg8[%mul3A_337] : memref<16777216xf32, #tpu.memory_space<hbm>> -> memref<16384xf32, #tpu.memory_space<hbm>>
      tpu.enqueue_dma source(%arg17 : memref<16384xf32, #tpu.memory_space<vmem>>) target(%dma_start3A_339 : memref<16384xf32, #tpu.memory_space<hbm>>) target_semaphore(%arg21 : memref<!tpu.dma_semaphore, #tpu.memory_space<semaphore_mem>>)
      %add3A_340 = arith.constant 2 : i32
      %add3A_341 = arith.addi %add3A_310, %add3A_340 : i32
      %mul3A_342 = arith.constant 8 : i32
      %mul3A_343 = arith.muli %add3A_341, %mul3A_342 : i32
      %dma_start3A_344 = tpu.memref_slice %arg13[%mul3A_343] : memref<272xi32, #tpu.memory_space<vmem>> -> memref<4xi32, #tpu.memory_space<vmem>>
      %dma_start3A_345 = arith.constant 0 : i32
      %dma_start3A_346 = arith.constant 0 : i32
      %dma_start3A_347 = tpu.memref_slice %arg4[%dma_start3A_345, %dma_start3A_346] : memref<8192x8192xf32, #tpu.memory_space<hbm>> -> memref<8192x8192xf32, #tpu.memory_space<hbm>>
      tpu.enqueue_indirect_dma source(%dma_start3A_347 : memref<8192x8192xf32, #tpu.memory_space<hbm>>) target(%arg15 : memref<4x8192xf32, #tpu.memory_space<vmem>>) offsets(%dma_start3A_344 : memref<4xi32, #tpu.memory_space<vmem>>) semaphore(%arg19 : memref<!tpu.dma_semaphore, #tpu.memory_space<semaphore_mem>>)
      %scan3A_348 = arith.constant 0 : i32
      scf.yield %scan3A_348 : i32
    }
    %scan3A_132 = arith.constant 15 : i32
    %dma_wait3A_133 = arith.constant 256 : i32
    %dma_wait3A_134 = tpu.memref_slice %arg13[%dma_wait3A_133] : memref<272xi32, #tpu.memory_space<vmem>> -> memref<4xi32, #tpu.memory_space<vmem>>
    %dma_wait3A_135 = arith.constant 0 : i32
    %dma_wait3A_136 = arith.constant 0 : i32
    %dma_wait3A_137 = tpu.memref_slice %arg4[%dma_wait3A_135, %dma_wait3A_136] : memref<8192x8192xf32, #tpu.memory_space<hbm>> -> memref<8192x8192xf32, #tpu.memory_space<hbm>>
    tpu.wait_indirect_dma semaphore(%arg18 : memref<!tpu.dma_semaphore, #tpu.memory_space<semaphore_mem>>) src(%dma_wait3A_137 : memref<8192x8192xf32, #tpu.memory_space<hbm>>) dst(%arg14 : memref<4x8192xf32, #tpu.memory_space<vmem>>)
    %add3A_138 = arith.constant 120 : i32
    %add3A_139 = arith.addi %mul3A_2, %add3A_138 : i32
    %mul3A_140 = arith.constant 4096 : i32
    %mul3A_141 = arith.muli %add3A_139, %mul3A_140 : i32
    %dma_wait3A_142 = tpu.memref_slice %arg8[%mul3A_141] : memref<16777216xf32, #tpu.memory_space<hbm>> -> memref<16384xf32, #tpu.memory_space<hbm>>
    %dma_wait3A_143 = tpu.memref_slice %arg8[%mul3A_141] : memref<16777216xf32, #tpu.memory_space<hbm>> -> memref<16384xf32, #tpu.memory_space<hbm>>
    tpu.wait_dma2 semaphore(%arg20 : memref<!tpu.dma_semaphore, #tpu.memory_space<semaphore_mem>>) src(%arg16 : memref<16384xf32, #tpu.memory_space<vmem>>) dst(%dma_wait3A_143 : memref<16384xf32, #tpu.memory_space<hbm>>)
    %dma_wait3A_144 = arith.constant 264 : i32
    %dma_wait3A_145 = tpu.memref_slice %arg13[%dma_wait3A_144] : memref<272xi32, #tpu.memory_space<vmem>> -> memref<4xi32, #tpu.memory_space<vmem>>
    %dma_wait3A_146 = arith.constant 0 : i32
    %dma_wait3A_147 = arith.constant 0 : i32
    %dma_wait3A_148 = tpu.memref_slice %arg4[%dma_wait3A_146, %dma_wait3A_147] : memref<8192x8192xf32, #tpu.memory_space<hbm>> -> memref<8192x8192xf32, #tpu.memory_space<hbm>>
    tpu.wait_indirect_dma semaphore(%arg19 : memref<!tpu.dma_semaphore, #tpu.memory_space<semaphore_mem>>) src(%dma_wait3A_148 : memref<8192x8192xf32, #tpu.memory_space<hbm>>) dst(%arg15 : memref<4x8192xf32, #tpu.memory_space<vmem>>)
    %add3A_149 = arith.constant 124 : i32
    %add3A_150 = arith.addi %mul3A_2, %add3A_149 : i32
    %mul3A_151 = arith.constant 4096 : i32
    %mul3A_152 = arith.muli %add3A_150, %mul3A_151 : i32
    %dma_wait3A_153 = tpu.memref_slice %arg8[%mul3A_152] : memref<16777216xf32, #tpu.memory_space<hbm>> -> memref<16384xf32, #tpu.memory_space<hbm>>
    %dma_wait3A_154 = tpu.memref_slice %arg8[%mul3A_152] : memref<16777216xf32, #tpu.memory_space<hbm>> -> memref<16384xf32, #tpu.memory_space<hbm>>
    tpu.wait_dma2 semaphore(%arg21 : memref<!tpu.dma_semaphore, #tpu.memory_space<semaphore_mem>>) src(%arg17 : memref<16384xf32, #tpu.memory_space<vmem>>) dst(%dma_wait3A_154 : memref<16384xf32, #tpu.memory_space<hbm>>)
    %mul3A_155 = arith.constant 0 : i32
    %mul3A_156 = arith.constant 8 : i32
    %mul3A_157 = arith.muli %mul3A_155, %mul3A_156 : i32
    %dma_start3A_158 = tpu.memref_slice %arg13[%mul3A_157] : memref<272xi32, #tpu.memory_space<vmem>> -> memref<4xi32, #tpu.memory_space<vmem>>
    %dma_start3A_159 = arith.constant 0 : i32
    %dma_start3A_160 = arith.constant 0 : i32
    %dma_start3A_161 = tpu.memref_slice %arg5[%dma_start3A_159, %dma_start3A_160] : memref<8192x8192xf32, #tpu.memory_space<hbm>> -> memref<8192x8192xf32, #tpu.memory_space<hbm>>
    tpu.enqueue_indirect_dma source(%dma_start3A_161 : memref<8192x8192xf32, #tpu.memory_space<hbm>>) target(%arg14 : memref<4x8192xf32, #tpu.memory_space<vmem>>) offsets(%dma_start3A_158 : memref<4xi32, #tpu.memory_space<vmem>>) semaphore(%arg18 : memref<!tpu.dma_semaphore, #tpu.memory_space<semaphore_mem>>)
    %mul3A_162 = arith.constant 1 : i32
    %mul3A_163 = arith.constant 8 : i32
    %mul3A_164 = arith.muli %mul3A_162, %mul3A_163 : i32
    %dma_start3A_165 = tpu.memref_slice %arg13[%mul3A_164] : memref<272xi32, #tpu.memory_space<vmem>> -> memref<4xi32, #tpu.memory_space<vmem>>
    %dma_start3A_166 = arith.constant 0 : i32
    %dma_start3A_167 = arith.constant 0 : i32
    %dma_start3A_168 = tpu.memref_slice %arg5[%dma_start3A_166, %dma_start3A_167] : memref<8192x8192xf32, #tpu.memory_space<hbm>> -> memref<8192x8192xf32, #tpu.memory_space<hbm>>
    tpu.enqueue_indirect_dma source(%dma_start3A_168 : memref<8192x8192xf32, #tpu.memory_space<hbm>>) target(%arg15 : memref<4x8192xf32, #tpu.memory_space<vmem>>) offsets(%dma_start3A_165 : memref<4xi32, #tpu.memory_space<vmem>>) semaphore(%arg19 : memref<!tpu.dma_semaphore, #tpu.memory_space<semaphore_mem>>)
    %mul3A_169 = arith.constant 2 : i32
    %mul3A_170 = arith.constant 0 : i32
    %mul3A_171 = arith.muli %mul3A_169, %mul3A_170 : i32
    %add3A_172 = arith.constant 0 : i32
    %add3A_173 = arith.addi %mul3A_171, %add3A_172 : i32
    %mul3A_174 = arith.constant 8 : i32
    %mul3A_175 = arith.muli %add3A_173, %mul3A_174 : i32
    %dma_wait3A_176 = tpu.memref_slice %arg13[%mul3A_175] : memref<272xi32, #tpu.memory_space<vmem>> -> memref<4xi32, #tpu.memory_space<vmem>>
    %dma_wait3A_177 = arith.constant 0 : i32
    %dma_wait3A_178 = arith.constant 0 : i32
    %dma_wait3A_179 = tpu.memref_slice %arg5[%dma_wait3A_177, %dma_wait3A_178] : memref<8192x8192xf32, #tpu.memory_space<hbm>> -> memref<8192x8192xf32, #tpu.memory_space<hbm>>
    tpu.wait_indirect_dma semaphore(%arg18 : memref<!tpu.dma_semaphore, #tpu.memory_space<semaphore_mem>>) src(%dma_wait3A_179 : memref<8192x8192xf32, #tpu.memory_space<hbm>>) dst(%arg14 : memref<4x8192xf32, #tpu.memory_space<vmem>>)
    %scan3A_180 = arith.constant 0 : i32
    %scan3A_181 = arith.constant 0 : i32
    %scan3A_182 = arith.constant 256 : i32
    %scan3A_183 = arith.addi %scan3A_181, %scan3A_182 : i32
    %scan3A_184 = arith.constant 8 : i32
    %scan3A_185 = scf.for %scan3A_264 = %scan3A_181 to %scan3A_183 step %scan3A_184 iter_args(%scan3A_265 = %scan3A_180) -> (i32)  : i32 {
      %mul3A_266 = arith.constant 16 : i32
      %mul3A_267 = arith.muli %scan3A_264, %mul3A_266 : i32
      %get3A = arith.index_cast %mul3A_267 : i32 to index
      %get3A_268 = tpu.vector_load %arg11[%get3A] {strides = array<i32>} : memref<4096xi32, #tpu.memory_space<vmem>>, vector<16xi32>,
      %broadcast_in_dim3A_269 = arith.constant 0 : i32
      %broadcast_in_dim3A_270 = vector.broadcast %broadcast_in_dim3A_269 : i32 to vector<16xi32>
      %gather3A = tpu.vector_load_idx %arg14[%broadcast_in_dim3A_270, %get3A_268] : memref<4x8192xf32, #tpu.memory_space<vmem>>[vector<16xi32>, vector<16xi32>], vector<16xf32>,
      %mul3A_271 = arith.constant 16 : i32
      %mul3A_272 = arith.muli %scan3A_264, %mul3A_271 : i32
      %add3A_273 = arith.constant 0 : i32
      %add3A_274 = arith.addi %add3A_273, %mul3A_272 : i32
      %swap3A = arith.index_cast %add3A_274 : i32 to index
      %swap3A_275 = tpu.vector_load %arg16[%swap3A] {strides = array<i32>} : memref<16384xf32, #tpu.memory_space<vmem>>, vector<16xf32>,
      tpu.vector_store %arg16[%swap3A], %gather3A {strides = array<i32>} : memref<16384xf32, #tpu.memory_space<vmem>>, vector<16xf32>,
      %broadcast_in_dim3A_276 = arith.constant 1 : i32
      %broadcast_in_dim3A_277 = vector.broadcast %broadcast_in_dim3A_276 : i32 to vector<16xi32>
      %gather3A_278 = tpu.vector_load_idx %arg14[%broadcast_in_dim3A_277, %get3A_268] : memref<4x8192xf32, #tpu.memory_space<vmem>>[vector<16xi32>, vector<16xi32>], vector<16xf32>,
      %mul3A_279 = arith.constant 16 : i32
      %mul3A_280 = arith.muli %scan3A_264, %mul3A_279 : i32
      %add3A_281 = arith.constant 4096 : i32
      %add3A_282 = arith.addi %add3A_281, %mul3A_280 : i32
      %swap3A_283 = arith.index_cast %add3A_282 : i32 to index
      %swap3A_284 = tpu.vector_load %arg16[%swap3A_283] {strides = array<i32>} : memref<16384xf32, #tpu.memory_space<vmem>>, vector<16xf32>,
      tpu.vector_store %arg16[%swap3A_283], %gather3A_278 {strides = array<i32>} : memref<16384xf32, #tpu.memory_space<vmem>>, vector<16xf32>,
      %broadcast_in_dim3A_285 = arith.constant 2 : i32
      %broadcast_in_dim3A_286 = vector.broadcast %broadcast_in_dim3A_285 : i32 to vector<16xi32>
      %gather3A_287 = tpu.vector_load_idx %arg14[%broadcast_in_dim3A_286, %get3A_268] : memref<4x8192xf32, #tpu.memory_space<vmem>>[vector<16xi32>, vector<16xi32>], vector<16xf32>,
      %mul3A_288 = arith.constant 16 : i32
      %mul3A_289 = arith.muli %scan3A_264, %mul3A_288 : i32
      %add3A_290 = arith.constant 8192 : i32
      %add3A_291 = arith.addi %add3A_290, %mul3A_289 : i32
      %swap3A_292 = arith.index_cast %add3A_291 : i32 to index
      %swap3A_293 = tpu.vector_load %arg16[%swap3A_292] {strides = array<i32>} : memref<16384xf32, #tpu.memory_space<vmem>>, vector<16xf32>,
      tpu.vector_store %arg16[%swap3A_292], %gather3A_287 {strides = array<i32>} : memref<16384xf32, #tpu.memory_space<vmem>>, vector<16xf32>,
      %broadcast_in_dim3A_294 = arith.constant 3 : i32
      %broadcast_in_dim3A_295 = vector.broadcast %broadcast_in_dim3A_294 : i32 to vector<16xi32>
      %gather3A_296 = tpu.vector_load_idx %arg14[%broadcast_in_dim3A_295, %get3A_268] : memref<4x8192xf32, #tpu.memory_space<vmem>>[vector<16xi32>, vector<16xi32>], vector<16xf32>,
      %mul3A_297 = arith.constant 16 : i32
      %mul3A_298 = arith.muli %scan3A_264, %mul3A_297 : i32
      %add3A_299 = arith.constant 12288 : i32
      %add3A_300 = arith.addi %add3A_299, %mul3A_298 : i32
      %swap3A_301 = arith.index_cast %add3A_300 : i32 to index
      %swap3A_302 = tpu.vector_load %arg16[%swap3A_301] {strides = array<i32>} : memref<16384xf32, #tpu.memory_space<vmem>>, vector<16xf32>,
      tpu.vector_store %arg16[%swap3A_301], %gather3A_296 {strides = array<i32>} : memref<16384xf32, #tpu.memory_space<vmem>>, vector<16xf32>,
      %scan3A_303 = arith.constant 0 : i32
      %scan3A_304 = arith.constant 1 : i32
      %scan3A_305 = arith.addi %scan3A_264, %scan3A_304 : i32
      %mul3A_306 = arith.constant 16 : i32
      %mul3A_307 = arith.muli %scan3A_305, %mul3A_306 : i32
      %get3A_308 = arith.index_cast %mul3A_307 : i32 to index
      %get3A_309 = tpu.vector_load %arg11[%get3A_308] {strides = array<i32>} : memref<4096xi32, #tpu.memory_space<vmem>>, vector<16xi32>,
      %broadcast_in_dim3A_310 = arith.constant 0 : i32
      %broadcast_in_dim3A_311 = vector.broadcast %broadcast_in_dim3A_310 : i32 to vector<16xi32>
      %gather3A_312 = tpu.vector_load_idx %arg14[%broadcast_in_dim3A_311, %get3A_309] : memref<4x8192xf32, #tpu.memory_space<vmem>>[vector<16xi32>, vector<16xi32>], vector<16xf32>,
      %mul3A_313 = arith.constant 16 : i32
      %mul3A_314 = arith.muli %scan3A_305, %mul3A_313 : i32
      %add3A_315 = arith.constant 0 : i32
      %add3A_316 = arith.addi %add3A_315, %mul3A_314 : i32
      %swap3A_317 = arith.index_cast %add3A_316 : i32 to index
      %swap3A_318 = tpu.vector_load %arg16[%swap3A_317] {strides = array<i32>} : memref<16384xf32, #tpu.memory_space<vmem>>, vector<16xf32>,
      tpu.vector_store %arg16[%swap3A_317], %gather3A_312 {strides = array<i32>} : memref<16384xf32, #tpu.memory_space<vmem>>, vector<16xf32>,
      %broadcast_in_dim3A_319 = arith.constant 1 : i32
      %broadcast_in_dim3A_320 = vector.broadcast %broadcast_in_dim3A_319 : i32 to vector<16xi32>
      %gather3A_321 = tpu.vector_load_idx %arg14[%broadcast_in_dim3A_320, %get3A_309] : memref<4x8192xf32, #tpu.memory_space<vmem>>[vector<16xi32>, vector<16xi32>], vector<16xf32>,
      %mul3A_322 = arith.constant 16 : i32
      %mul3A_323 = arith.muli %scan3A_305, %mul3A_322 : i32
      %add3A_324 = arith.constant 4096 : i32
      %add3A_325 = arith.addi %add3A_324, %mul3A_323 : i32
      %swap3A_326 = arith.index_cast %add3A_325 : i32 to index
      %swap3A_327 = tpu.vector_load %arg16[%swap3A_326] {strides = array<i32>} : memref<16384xf32, #tpu.memory_space<vmem>>, vector<16xf32>,
      tpu.vector_store %arg16[%swap3A_326], %gather3A_321 {strides = array<i32>} : memref<16384xf32, #tpu.memory_space<vmem>>, vector<16xf32>,
      %broadcast_in_dim3A_328 = arith.constant 2 : i32
      %broadcast_in_dim3A_329 = vector.broadcast %broadcast_in_dim3A_328 : i32 to vector<16xi32>
      %gather3A_330 = tpu.vector_load_idx %arg14[%broadcast_in_dim3A_329, %get3A_309] : memref<4x8192xf32, #tpu.memory_space<vmem>>[vector<16xi32>, vector<16xi32>], vector<16xf32>,
      %mul3A_331 = arith.constant 16 : i32
      %mul3A_332 = arith.muli %scan3A_305, %mul3A_331 : i32
      %add3A_333 = arith.constant 8192 : i32
      %add3A_334 = arith.addi %add3A_333, %mul3A_332 : i32
      %swap3A_335 = arith.index_cast %add3A_334 : i32 to index
      %swap3A_336 = tpu.vector_load %arg16[%swap3A_335] {strides = array<i32>} : memref<16384xf32, #tpu.memory_space<vmem>>, vector<16xf32>,
      tpu.vector_store %arg16[%swap3A_335], %gather3A_330 {strides = array<i32>} : memref<16384xf32, #tpu.memory_space<vmem>>, vector<16xf32>,
      %broadcast_in_dim3A_337 = arith.constant 3 : i32
      %broadcast_in_dim3A_338 = vector.broadcast %broadcast_in_dim3A_337 : i32 to vector<16xi32>
      %gather3A_339 = tpu.vector_load_idx %arg14[%broadcast_in_dim3A_338, %get3A_309] : memref<4x8192xf32, #tpu.memory_space<vmem>>[vector<16xi32>, vector<16xi32>], vector<16xf32>,
      %mul3A_340 = arith.constant 16 : i32
      %mul3A_341 = arith.muli %scan3A_305, %mul3A_340 : i32
      %add3A_342 = arith.constant 12288 : i32
      %add3A_343 = arith.addi %add3A_342, %mul3A_341 : i32
      %swap3A_344 = arith.index_cast %add3A_343 : i32 to index
      %swap3A_345 = tpu.vector_load %arg16[%swap3A_344] {strides = array<i32>} : memref<16384xf32, #tpu.memory_space<vmem>>, vector<16xf32>,
      tpu.vector_store %arg16[%swap3A_344], %gather3A_339 {strides = array<i32>} : memref<16384xf32, #tpu.memory_space<vmem>>, vector<16xf32>,
      %scan3A_346 = arith.constant 0 : i32
      %scan3A_347 = arith.constant 2 : i32
      %scan3A_348 = arith.addi %scan3A_264, %scan3A_347 : i32
      %mul3A_349 = arith.constant 16 : i32
      %mul3A_350 = arith.muli %scan3A_348, %mul3A_349 : i32
      %get3A_351 = arith.index_cast %mul3A_350 : i32 to index
      %get3A_352 = tpu.vector_load %arg11[%get3A_351] {strides = array<i32>} : memref<4096xi32, #tpu.memory_space<vmem>>, vector<16xi32>,
      %broadcast_in_dim3A_353 = arith.constant 0 : i32
      %broadcast_in_dim3A_354 = vector.broadcast %broadcast_in_dim3A_353 : i32 to vector<16xi32>
      %gather3A_355 = tpu.vector_load_idx %arg14[%broadcast_in_dim3A_354, %get3A_352] : memref<4x8192xf32, #tpu.memory_space<vmem>>[vector<16xi32>, vector<16xi32>], vector<16xf32>,
      %mul3A_356 = arith.constant 16 : i32
      %mul3A_357 = arith.muli %scan3A_348, %mul3A_356 : i32
      %add3A_358 = arith.constant 0 : i32
      %add3A_359 = arith.addi %add3A_358, %mul3A_357 : i32
      %swap3A_360 = arith.index_cast %add3A_359 : i32 to index
      %swap3A_361 = tpu.vector_load %arg16[%swap3A_360] {strides = array<i32>} : memref<16384xf32, #tpu.memory_space<vmem>>, vector<16xf32>,
      tpu.vector_store %arg16[%swap3A_360], %gather3A_355 {strides = array<i32>} : memref<16384xf32, #tpu.memory_space<vmem>>, vector<16xf32>,
      %broadcast_in_dim3A_362 = arith.constant 1 : i32
      %broadcast_in_dim3A_363 = vector.broadcast %broadcast_in_dim3A_362 : i32 to vector<16xi32>
      %gather3A_364 = tpu.vector_load_idx %arg14[%broadcast_in_dim3A_363, %get3A_352] : memref<4x8192xf32, #tpu.memory_space<vmem>>[vector<16xi32>, vector<16xi32>], vector<16xf32>,
      %mul3A_365 = arith.constant 16 : i32
      %mul3A_366 = arith.muli %scan3A_348, %mul3A_365 : i32
      %add3A_367 = arith.constant 4096 : i32
      %add3A_368 = arith.addi %add3A_367, %mul3A_366 : i32
      %swap3A_369 = arith.index_cast %add3A_368 : i32 to index
      %swap3A_370 = tpu.vector_load %arg16[%swap3A_369] {strides = array<i32>} : memref<16384xf32, #tpu.memory_space<vmem>>, vector<16xf32>,
      tpu.vector_store %arg16[%swap3A_369], %gather3A_364 {strides = array<i32>} : memref<16384xf32, #tpu.memory_space<vmem>>, vector<16xf32>,
      %broadcast_in_dim3A_371 = arith.constant 2 : i32
      %broadcast_in_dim3A_372 = vector.broadcast %broadcast_in_dim3A_371 : i32 to vector<16xi32>
      %gather3A_373 = tpu.vector_load_idx %arg14[%broadcast_in_dim3A_372, %get3A_352] : memref<4x8192xf32, #tpu.memory_space<vmem>>[vector<16xi32>, vector<16xi32>], vector<16xf32>,
      %mul3A_374 = arith.constant 16 : i32
      %mul3A_375 = arith.muli %scan3A_348, %mul3A_374 : i32
      %add3A_376 = arith.constant 8192 : i32
      %add3A_377 = arith.addi %add3A_376, %mul3A_375 : i32
      %swap3A_378 = arith.index_cast %add3A_377 : i32 to index
      %swap3A_379 = tpu.vector_load %arg16[%swap3A_378] {strides = array<i32>} : memref<16384xf32, #tpu.memory_space<vmem>>, vector<16xf32>,
      tpu.vector_store %arg16[%swap3A_378], %gather3A_373 {strides = array<i32>} : memref<16384xf32, #tpu.memory_space<vmem>>, vector<16xf32>,
      %broadcast_in_dim3A_380 = arith.constant 3 : i32
      %broadcast_in_dim3A_381 = vector.broadcast %broadcast_in_dim3A_380 : i32 to vector<16xi32>
      %gather3A_382 = tpu.vector_load_idx %arg14[%broadcast_in_dim3A_381, %get3A_352] : memref<4x8192xf32, #tpu.memory_space<vmem>>[vector<16xi32>, vector<16xi32>], vector<16xf32>,
      %mul3A_383 = arith.constant 16 : i32
      %mul3A_384 = arith.muli %scan3A_348, %mul3A_383 : i32
      %add3A_385 = arith.constant 12288 : i32
      %add3A_386 = arith.addi %add3A_385, %mul3A_384 : i32
      %swap3A_387 = arith.index_cast %add3A_386 : i32 to index
      %swap3A_388 = tpu.vector_load %arg16[%swap3A_387] {strides = array<i32>} : memref<16384xf32, #tpu.memory_space<vmem>>, vector<16xf32>,
      tpu.vector_store %arg16[%swap3A_387], %gather3A_382 {strides = array<i32>} : memref<16384xf32, #tpu.memory_space<vmem>>, vector<16xf32>,
      %scan3A_389 = arith.constant 0 : i32
      %scan3A_390 = arith.constant 3 : i32
      %scan3A_391 = arith.addi %scan3A_264, %scan3A_390 : i32
      %mul3A_392 = arith.constant 16 : i32
      %mul3A_393 = arith.muli %scan3A_391, %mul3A_392 : i32
      %get3A_394 = arith.index_cast %mul3A_393 : i32 to index
      %get3A_395 = tpu.vector_load %arg11[%get3A_394] {strides = array<i32>} : memref<4096xi32, #tpu.memory_space<vmem>>, vector<16xi32>,
      %broadcast_in_dim3A_396 = arith.constant 0 : i32
      %broadcast_in_dim3A_397 = vector.broadcast %broadcast_in_dim3A_396 : i32 to vector<16xi32>
      %gather3A_398 = tpu.vector_load_idx %arg14[%broadcast_in_dim3A_397, %get3A_395] : memref<4x8192xf32, #tpu.memory_space<vmem>>[vector<16xi32>, vector<16xi32>], vector<16xf32>,
      %mul3A_399 = arith.constant 16 : i32
      %mul3A_400 = arith.muli %scan3A_391, %mul3A_399 : i32
      %add3A_401 = arith.constant 0 : i32
      %add3A_402 = arith.addi %add3A_401, %mul3A_400 : i32
      %swap3A_403 = arith.index_cast %add3A_402 : i32 to index
      %swap3A_404 = tpu.vector_load %arg16[%swap3A_403] {strides = array<i32>} : memref<16384xf32, #tpu.memory_space<vmem>>, vector<16xf32>,
      tpu.vector_store %arg16[%swap3A_403], %gather3A_398 {strides = array<i32>} : memref<16384xf32, #tpu.memory_space<vmem>>, vector<16xf32>,
      %broadcast_in_dim3A_405 = arith.constant 1 : i32
      %broadcast_in_dim3A_406 = vector.broadcast %broadcast_in_dim3A_405 : i32 to vector<16xi32>
      %gather3A_407 = tpu.vector_load_idx %arg14[%broadcast_in_dim3A_406, %get3A_395] : memref<4x8192xf32, #tpu.memory_space<vmem>>[vector<16xi32>, vector<16xi32>], vector<16xf32>,
      %mul3A_408 = arith.constant 16 : i32
      %mul3A_409 = arith.muli %scan3A_391, %mul3A_408 : i32
      %add3A_410 = arith.constant 4096 : i32
      %add3A_411 = arith.addi %add3A_410, %mul3A_409 : i32
      %swap3A_412 = arith.index_cast %add3A_411 : i32 to index
      %swap3A_413 = tpu.vector_load %arg16[%swap3A_412] {strides = array<i32>} : memref<16384xf32, #tpu.memory_space<vmem>>, vector<16xf32>,
      tpu.vector_store %arg16[%swap3A_412], %gather3A_407 {strides = array<i32>} : memref<16384xf32, #tpu.memory_space<vmem>>, vector<16xf32>,
      %broadcast_in_dim3A_414 = arith.constant 2 : i32
      %broadcast_in_dim3A_415 = vector.broadcast %broadcast_in_dim3A_414 : i32 to vector<16xi32>
      %gather3A_416 = tpu.vector_load_idx %arg14[%broadcast_in_dim3A_415, %get3A_395] : memref<4x8192xf32, #tpu.memory_space<vmem>>[vector<16xi32>, vector<16xi32>], vector<16xf32>,
      %mul3A_417 = arith.constant 16 : i32
      %mul3A_418 = arith.muli %scan3A_391, %mul3A_417 : i32
      %add3A_419 = arith.constant 8192 : i32
      %add3A_420 = arith.addi %add3A_419, %mul3A_418 : i32
      %swap3A_421 = arith.index_cast %add3A_420 : i32 to index
      %swap3A_422 = tpu.vector_load %arg16[%swap3A_421] {strides = array<i32>} : memref<16384xf32, #tpu.memory_space<vmem>>, vector<16xf32>,
      tpu.vector_store %arg16[%swap3A_421], %gather3A_416 {strides = array<i32>} : memref<16384xf32, #tpu.memory_space<vmem>>, vector<16xf32>,
      %broadcast_in_dim3A_423 = arith.constant 3 : i32
      %broadcast_in_dim3A_424 = vector.broadcast %broadcast_in_dim3A_423 : i32 to vector<16xi32>
      %gather3A_425 = tpu.vector_load_idx %arg14[%broadcast_in_dim3A_424, %get3A_395] : memref<4x8192xf32, #tpu.memory_space<vmem>>[vector<16xi32>, vector<16xi32>], vector<16xf32>,
      %mul3A_426 = arith.constant 16 : i32
      %mul3A_427 = arith.muli %scan3A_391, %mul3A_426 : i32
      %add3A_428 = arith.constant 12288 : i32
      %add3A_429 = arith.addi %add3A_428, %mul3A_427 : i32
      %swap3A_430 = arith.index_cast %add3A_429 : i32 to index
      %swap3A_431 = tpu.vector_load %arg16[%swap3A_430] {strides = array<i32>} : memref<16384xf32, #tpu.memory_space<vmem>>, vector<16xf32>,
      tpu.vector_store %arg16[%swap3A_430], %gather3A_425 {strides = array<i32>} : memref<16384xf32, #tpu.memory_space<vmem>>, vector<16xf32>,
      %scan3A_432 = arith.constant 0 : i32
      %scan3A_433 = arith.constant 4 : i32
      %scan3A_434 = arith.addi %scan3A_264, %scan3A_433 : i32
      %mul3A_435 = arith.constant 16 : i32
      %mul3A_436 = arith.muli %scan3A_434, %mul3A_435 : i32
      %get3A_437 = arith.index_cast %mul3A_436 : i32 to index
      %get3A_438 = tpu.vector_load %arg11[%get3A_437] {strides = array<i32>} : memref<4096xi32, #tpu.memory_space<vmem>>, vector<16xi32>,
      %broadcast_in_dim3A_439 = arith.constant 0 : i32
      %broadcast_in_dim3A_440 = vector.broadcast %broadcast_in_dim3A_439 : i32 to vector<16xi32>
      %gather3A_441 = tpu.vector_load_idx %arg14[%broadcast_in_dim3A_440, %get3A_438] : memref<4x8192xf32, #tpu.memory_space<vmem>>[vector<16xi32>, vector<16xi32>], vector<16xf32>,
      %mul3A_442 = arith.constant 16 : i32
      %mul3A_443 = arith.muli %scan3A_434, %mul3A_442 : i32
      %add3A_444 = arith.constant 0 : i32
      %add3A_445 = arith.addi %add3A_444, %mul3A_443 : i32
      %swap3A_446 = arith.index_cast %add3A_445 : i32 to index
      %swap3A_447 = tpu.vector_load %arg16[%swap3A_446] {strides = array<i32>} : memref<16384xf32, #tpu.memory_space<vmem>>, vector<16xf32>,
      tpu.vector_store %arg16[%swap3A_446], %gather3A_441 {strides = array<i32>} : memref<16384xf32, #tpu.memory_space<vmem>>, vector<16xf32>,
      %broadcast_in_dim3A_448 = arith.constant 1 : i32
      %broadcast_in_dim3A_449 = vector.broadcast %broadcast_in_dim3A_448 : i32 to vector<16xi32>
      %gather3A_450 = tpu.vector_load_idx %arg14[%broadcast_in_dim3A_449, %get3A_438] : memref<4x8192xf32, #tpu.memory_space<vmem>>[vector<16xi32>, vector<16xi32>], vector<16xf32>,
      %mul3A_451 = arith.constant 16 : i32
      %mul3A_452 = arith.muli %scan3A_434, %mul3A_451 : i32
      %add3A_453 = arith.constant 4096 : i32
      %add3A_454 = arith.addi %add3A_453, %mul3A_452 : i32
      %swap3A_455 = arith.index_cast %add3A_454 : i32 to index
      %swap3A_456 = tpu.vector_load %arg16[%swap3A_455] {strides = array<i32>} : memref<16384xf32, #tpu.memory_space<vmem>>, vector<16xf32>,
      tpu.vector_store %arg16[%swap3A_455], %gather3A_450 {strides = array<i32>} : memref<16384xf32, #tpu.memory_space<vmem>>, vector<16xf32>,
      %broadcast_in_dim3A_457 = arith.constant 2 : i32
      %broadcast_in_dim3A_458 = vector.broadcast %broadcast_in_dim3A_457 : i32 to vector<16xi32>
      %gather3A_459 = tpu.vector_load_idx %arg14[%broadcast_in_dim3A_458, %get3A_438] : memref<4x8192xf32, #tpu.memory_space<vmem>>[vector<16xi32>, vector<16xi32>], vector<16xf32>,
      %mul3A_460 = arith.constant 16 : i32
      %mul3A_461 = arith.muli %scan3A_434, %mul3A_460 : i32
      %add3A_462 = arith.constant 8192 : i32
      %add3A_463 = arith.addi %add3A_462, %mul3A_461 : i32
      %swap3A_464 = arith.index_cast %add3A_463 : i32 to index
      %swap3A_465 = tpu.vector_load %arg16[%swap3A_464] {strides = array<i32>} : memref<16384xf32, #tpu.memory_space<vmem>>, vector<16xf32>,
      tpu.vector_store %arg16[%swap3A_464], %gather3A_459 {strides = array<i32>} : memref<16384xf32, #tpu.memory_space<vmem>>, vector<16xf32>,
      %broadcast_in_dim3A_466 = arith.constant 3 : i32
      %broadcast_in_dim3A_467 = vector.broadcast %broadcast_in_dim3A_466 : i32 to vector<16xi32>
      %gather3A_468 = tpu.vector_load_idx %arg14[%broadcast_in_dim3A_467, %get3A_438] : memref<4x8192xf32, #tpu.memory_space<vmem>>[vector<16xi32>, vector<16xi32>], vector<16xf32>,
      %mul3A_469 = arith.constant 16 : i32
      %mul3A_470 = arith.muli %scan3A_434, %mul3A_469 : i32
      %add3A_471 = arith.constant 12288 : i32
      %add3A_472 = arith.addi %add3A_471, %mul3A_470 : i32
      %swap3A_473 = arith.index_cast %add3A_472 : i32 to index
      %swap3A_474 = tpu.vector_load %arg16[%swap3A_473] {strides = array<i32>} : memref<16384xf32, #tpu.memory_space<vmem>>, vector<16xf32>,
      tpu.vector_store %arg16[%swap3A_473], %gather3A_468 {strides = array<i32>} : memref<16384xf32, #tpu.memory_space<vmem>>, vector<16xf32>,
      %scan3A_475 = arith.constant 0 : i32
      %scan3A_476 = arith.constant 5 : i32
      %scan3A_477 = arith.addi %scan3A_264, %scan3A_476 : i32
      %mul3A_478 = arith.constant 16 : i32
      %mul3A_479 = arith.muli %scan3A_477, %mul3A_478 : i32
      %get3A_480 = arith.index_cast %mul3A_479 : i32 to index
      %get3A_481 = tpu.vector_load %arg11[%get3A_480] {strides = array<i32>} : memref<4096xi32, #tpu.memory_space<vmem>>, vector<16xi32>,
      %broadcast_in_dim3A_482 = arith.constant 0 : i32
      %broadcast_in_dim3A_483 = vector.broadcast %broadcast_in_dim3A_482 : i32 to vector<16xi32>
      %gather3A_484 = tpu.vector_load_idx %arg14[%broadcast_in_dim3A_483, %get3A_481] : memref<4x8192xf32, #tpu.memory_space<vmem>>[vector<16xi32>, vector<16xi32>], vector<16xf32>,
      %mul3A_485 = arith.constant 16 : i32
      %mul3A_486 = arith.muli %scan3A_477, %mul3A_485 : i32
      %add3A_487 = arith.constant 0 : i32
      %add3A_488 = arith.addi %add3A_487, %mul3A_486 : i32
      %swap3A_489 = arith.index_cast %add3A_488 : i32 to index
      %swap3A_490 = tpu.vector_load %arg16[%swap3A_489] {strides = array<i32>} : memref<16384xf32, #tpu.memory_space<vmem>>, vector<16xf32>,
      tpu.vector_store %arg16[%swap3A_489], %gather3A_484 {strides = array<i32>} : memref<16384xf32, #tpu.memory_space<vmem>>, vector<16xf32>,
      %broadcast_in_dim3A_491 = arith.constant 1 : i32
      %broadcast_in_dim3A_492 = vector.broadcast %broadcast_in_dim3A_491 : i32 to vector<16xi32>
      %gather3A_493 = tpu.vector_load_idx %arg14[%broadcast_in_dim3A_492, %get3A_481] : memref<4x8192xf32, #tpu.memory_space<vmem>>[vector<16xi32>, vector<16xi32>], vector<16xf32>,
      %mul3A_494 = arith.constant 16 : i32
      %mul3A_495 = arith.muli %scan3A_477, %mul3A_494 : i32
      %add3A_496 = arith.constant 4096 : i32
      %add3A_497 = arith.addi %add3A_496, %mul3A_495 : i32
      %swap3A_498 = arith.index_cast %add3A_497 : i32 to index
      %swap3A_499 = tpu.vector_load %arg16[%swap3A_498] {strides = array<i32>} : memref<16384xf32, #tpu.memory_space<vmem>>, vector<16xf32>,
      tpu.vector_store %arg16[%swap3A_498], %gather3A_493 {strides = array<i32>} : memref<16384xf32, #tpu.memory_space<vmem>>, vector<16xf32>,
      %broadcast_in_dim3A_500 = arith.constant 2 : i32
      %broadcast_in_dim3A_501 = vector.broadcast %broadcast_in_dim3A_500 : i32 to vector<16xi32>
      %gather3A_502 = tpu.vector_load_idx %arg14[%broadcast_in_dim3A_501, %get3A_481] : memref<4x8192xf32, #tpu.memory_space<vmem>>[vector<16xi32>, vector<16xi32>], vector<16xf32>,
      %mul3A_503 = arith.constant 16 : i32
      %mul3A_504 = arith.muli %scan3A_477, %mul3A_503 : i32
      %add3A_505 = arith.constant 8192 : i32
      %add3A_506 = arith.addi %add3A_505, %mul3A_504 : i32
      %swap3A_507 = arith.index_cast %add3A_506 : i32 to index
      %swap3A_508 = tpu.vector_load %arg16[%swap3A_507] {strides = array<i32>} : memref<16384xf32, #tpu.memory_space<vmem>>, vector<16xf32>,
      tpu.vector_store %arg16[%swap3A_507], %gather3A_502 {strides = array<i32>} : memref<16384xf32, #tpu.memory_space<vmem>>, vector<16xf32>,
      %broadcast_in_dim3A_509 = arith.constant 3 : i32
      %broadcast_in_dim3A_510 = vector.broadcast %broadcast_in_dim3A_509 : i32 to vector<16xi32>
      %gather3A_511 = tpu.vector_load_idx %arg14[%broadcast_in_dim3A_510, %get3A_481] : memref<4x8192xf32, #tpu.memory_space<vmem>>[vector<16xi32>, vector<16xi32>], vector<16xf32>,
      %mul3A_512 = arith.constant 16 : i32
      %mul3A_513 = arith.muli %scan3A_477, %mul3A_512 : i32
      %add3A_514 = arith.constant 12288 : i32
      %add3A_515 = arith.addi %add3A_514, %mul3A_513 : i32
      %swap3A_516 = arith.index_cast %add3A_515 : i32 to index
      %swap3A_517 = tpu.vector_load %arg16[%swap3A_516] {strides = array<i32>} : memref<16384xf32, #tpu.memory_space<vmem>>, vector<16xf32>,
      tpu.vector_store %arg16[%swap3A_516], %gather3A_511 {strides = array<i32>} : memref<16384xf32, #tpu.memory_space<vmem>>, vector<16xf32>,
      %scan3A_518 = arith.constant 0 : i32
      %scan3A_519 = arith.constant 6 : i32
      %scan3A_520 = arith.addi %scan3A_264, %scan3A_519 : i32
      %mul3A_521 = arith.constant 16 : i32
      %mul3A_522 = arith.muli %scan3A_520, %mul3A_521 : i32
      %get3A_523 = arith.index_cast %mul3A_522 : i32 to index
      %get3A_524 = tpu.vector_load %arg11[%get3A_523] {strides = array<i32>} : memref<4096xi32, #tpu.memory_space<vmem>>, vector<16xi32>,
      %broadcast_in_dim3A_525 = arith.constant 0 : i32
      %broadcast_in_dim3A_526 = vector.broadcast %broadcast_in_dim3A_525 : i32 to vector<16xi32>
      %gather3A_527 = tpu.vector_load_idx %arg14[%broadcast_in_dim3A_526, %get3A_524] : memref<4x8192xf32, #tpu.memory_space<vmem>>[vector<16xi32>, vector<16xi32>], vector<16xf32>,
      %mul3A_528 = arith.constant 16 : i32
      %mul3A_529 = arith.muli %scan3A_520, %mul3A_528 : i32
      %add3A_530 = arith.constant 0 : i32
      %add3A_531 = arith.addi %add3A_530, %mul3A_529 : i32
      %swap3A_532 = arith.index_cast %add3A_531 : i32 to index
      %swap3A_533 = tpu.vector_load %arg16[%swap3A_532] {strides = array<i32>} : memref<16384xf32, #tpu.memory_space<vmem>>, vector<16xf32>,
      tpu.vector_store %arg16[%swap3A_532], %gather3A_527 {strides = array<i32>} : memref<16384xf32, #tpu.memory_space<vmem>>, vector<16xf32>,
      %broadcast_in_dim3A_534 = arith.constant 1 : i32
      %broadcast_in_dim3A_535 = vector.broadcast %broadcast_in_dim3A_534 : i32 to vector<16xi32>
      %gather3A_536 = tpu.vector_load_idx %arg14[%broadcast_in_dim3A_535, %get3A_524] : memref<4x8192xf32, #tpu.memory_space<vmem>>[vector<16xi32>, vector<16xi32>], vector<16xf32>,
      %mul3A_537 = arith.constant 16 : i32
      %mul3A_538 = arith.muli %scan3A_520, %mul3A_537 : i32
      %add3A_539 = arith.constant 4096 : i32
      %add3A_540 = arith.addi %add3A_539, %mul3A_538 : i32
      %swap3A_541 = arith.index_cast %add3A_540 : i32 to index
      %swap3A_542 = tpu.vector_load %arg16[%swap3A_541] {strides = array<i32>} : memref<16384xf32, #tpu.memory_space<vmem>>, vector<16xf32>,
      tpu.vector_store %arg16[%swap3A_541], %gather3A_536 {strides = array<i32>} : memref<16384xf32, #tpu.memory_space<vmem>>, vector<16xf32>,
      %broadcast_in_dim3A_543 = arith.constant 2 : i32
      %broadcast_in_dim3A_544 = vector.broadcast %broadcast_in_dim3A_543 : i32 to vector<16xi32>
      %gather3A_545 = tpu.vector_load_idx %arg14[%broadcast_in_dim3A_544, %get3A_524] : memref<4x8192xf32, #tpu.memory_space<vmem>>[vector<16xi32>, vector<16xi32>], vector<16xf32>,
      %mul3A_546 = arith.constant 16 : i32
      %mul3A_547 = arith.muli %scan3A_520, %mul3A_546 : i32
      %add3A_548 = arith.constant 8192 : i32
      %add3A_549 = arith.addi %add3A_548, %mul3A_547 : i32
      %swap3A_550 = arith.index_cast %add3A_549 : i32 to index
      %swap3A_551 = tpu.vector_load %arg16[%swap3A_550] {strides = array<i32>} : memref<16384xf32, #tpu.memory_space<vmem>>, vector<16xf32>,
      tpu.vector_store %arg16[%swap3A_550], %gather3A_545 {strides = array<i32>} : memref<16384xf32, #tpu.memory_space<vmem>>, vector<16xf32>,
      %broadcast_in_dim3A_552 = arith.constant 3 : i32
      %broadcast_in_dim3A_553 = vector.broadcast %broadcast_in_dim3A_552 : i32 to vector<16xi32>
      %gather3A_554 = tpu.vector_load_idx %arg14[%broadcast_in_dim3A_553, %get3A_524] : memref<4x8192xf32, #tpu.memory_space<vmem>>[vector<16xi32>, vector<16xi32>], vector<16xf32>,
      %mul3A_555 = arith.constant 16 : i32
      %mul3A_556 = arith.muli %scan3A_520, %mul3A_555 : i32
      %add3A_557 = arith.constant 12288 : i32
      %add3A_558 = arith.addi %add3A_557, %mul3A_556 : i32
      %swap3A_559 = arith.index_cast %add3A_558 : i32 to index
      %swap3A_560 = tpu.vector_load %arg16[%swap3A_559] {strides = array<i32>} : memref<16384xf32, #tpu.memory_space<vmem>>, vector<16xf32>,
      tpu.vector_store %arg16[%swap3A_559], %gather3A_554 {strides = array<i32>} : memref<16384xf32, #tpu.memory_space<vmem>>, vector<16xf32>,
      %scan3A_561 = arith.constant 0 : i32
      %scan3A_562 = arith.constant 7 : i32
      %scan3A_563 = arith.addi %scan3A_264, %scan3A_562 : i32
      %mul3A_564 = arith.constant 16 : i32
      %mul3A_565 = arith.muli %scan3A_563, %mul3A_564 : i32
      %get3A_566 = arith.index_cast %mul3A_565 : i32 to index
      %get3A_567 = tpu.vector_load %arg11[%get3A_566] {strides = array<i32>} : memref<4096xi32, #tpu.memory_space<vmem>>, vector<16xi32>,
      %broadcast_in_dim3A_568 = arith.constant 0 : i32
      %broadcast_in_dim3A_569 = vector.broadcast %broadcast_in_dim3A_568 : i32 to vector<16xi32>
      %gather3A_570 = tpu.vector_load_idx %arg14[%broadcast_in_dim3A_569, %get3A_567] : memref<4x8192xf32, #tpu.memory_space<vmem>>[vector<16xi32>, vector<16xi32>], vector<16xf32>,
      %mul3A_571 = arith.constant 16 : i32
      %mul3A_572 = arith.muli %scan3A_563, %mul3A_571 : i32
      %add3A_573 = arith.constant 0 : i32
      %add3A_574 = arith.addi %add3A_573, %mul3A_572 : i32
      %swap3A_575 = arith.index_cast %add3A_574 : i32 to index
      %swap3A_576 = tpu.vector_load %arg16[%swap3A_575] {strides = array<i32>} : memref<16384xf32, #tpu.memory_space<vmem>>, vector<16xf32>,
      tpu.vector_store %arg16[%swap3A_575], %gather3A_570 {strides = array<i32>} : memref<16384xf32, #tpu.memory_space<vmem>>, vector<16xf32>,
      %broadcast_in_dim3A_577 = arith.constant 1 : i32
      %broadcast_in_dim3A_578 = vector.broadcast %broadcast_in_dim3A_577 : i32 to vector<16xi32>
      %gather3A_579 = tpu.vector_load_idx %arg14[%broadcast_in_dim3A_578, %get3A_567] : memref<4x8192xf32, #tpu.memory_space<vmem>>[vector<16xi32>, vector<16xi32>], vector<16xf32>,
      %mul3A_580 = arith.constant 16 : i32
      %mul3A_581 = arith.muli %scan3A_563, %mul3A_580 : i32
      %add3A_582 = arith.constant 4096 : i32
      %add3A_583 = arith.addi %add3A_582, %mul3A_581 : i32
      %swap3A_584 = arith.index_cast %add3A_583 : i32 to index
      %swap3A_585 = tpu.vector_load %arg16[%swap3A_584] {strides = array<i32>} : memref<16384xf32, #tpu.memory_space<vmem>>, vector<16xf32>,
      tpu.vector_store %arg16[%swap3A_584], %gather3A_579 {strides = array<i32>} : memref<16384xf32, #tpu.memory_space<vmem>>, vector<16xf32>,
      %broadcast_in_dim3A_586 = arith.constant 2 : i32
      %broadcast_in_dim3A_587 = vector.broadcast %broadcast_in_dim3A_586 : i32 to vector<16xi32>
      %gather3A_588 = tpu.vector_load_idx %arg14[%broadcast_in_dim3A_587, %get3A_567] : memref<4x8192xf32, #tpu.memory_space<vmem>>[vector<16xi32>, vector<16xi32>], vector<16xf32>,
      %mul3A_589 = arith.constant 16 : i32
      %mul3A_590 = arith.muli %scan3A_563, %mul3A_589 : i32
      %add3A_591 = arith.constant 8192 : i32
      %add3A_592 = arith.addi %add3A_591, %mul3A_590 : i32
      %swap3A_593 = arith.index_cast %add3A_592 : i32 to index
      %swap3A_594 = tpu.vector_load %arg16[%swap3A_593] {strides = array<i32>} : memref<16384xf32, #tpu.memory_space<vmem>>, vector<16xf32>,
      tpu.vector_store %arg16[%swap3A_593], %gather3A_588 {strides = array<i32>} : memref<16384xf32, #tpu.memory_space<vmem>>, vector<16xf32>,
      %broadcast_in_dim3A_595 = arith.constant 3 : i32
      %broadcast_in_dim3A_596 = vector.broadcast %broadcast_in_dim3A_595 : i32 to vector<16xi32>
      %gather3A_597 = tpu.vector_load_idx %arg14[%broadcast_in_dim3A_596, %get3A_567] : memref<4x8192xf32, #tpu.memory_space<vmem>>[vector<16xi32>, vector<16xi32>], vector<16xf32>,
      %mul3A_598 = arith.constant 16 : i32
      %mul3A_599 = arith.muli %scan3A_563, %mul3A_598 : i32
      %add3A_600 = arith.constant 12288 : i32
      %add3A_601 = arith.addi %add3A_600, %mul3A_599 : i32
      %swap3A_602 = arith.index_cast %add3A_601 : i32 to index
      %swap3A_603 = tpu.vector_load %arg16[%swap3A_602] {strides = array<i32>} : memref<16384xf32, #tpu.memory_space<vmem>>, vector<16xf32>,
      tpu.vector_store %arg16[%swap3A_602], %gather3A_597 {strides = array<i32>} : memref<16384xf32, #tpu.memory_space<vmem>>, vector<16xf32>,
      %scan3A_604 = arith.constant 0 : i32
      scf.yield %scan3A_604 : i32
    }
    %scan3A_186 = arith.constant 256 : i32
    %mul3A_187 = arith.constant 4 : i32
    %mul3A_188 = arith.muli %add3A_173, %mul3A_187 : i32
    %add3A_189 = arith.addi %mul3A_2, %mul3A_188 : i32
    %mul3A_190 = arith.constant 4096 : i32
    %mul3A_191 = arith.muli %add3A_189, %mul3A_190 : i32
    %dma_start3A_192 = tpu.memref_slice %arg9[%mul3A_191] : memref<16777216xf32, #tpu.memory_space<hbm>> -> memref<16384xf32, #tpu.memory_space<hbm>>
    %dma_start3A_193 = tpu.memref_slice %arg9[%mul3A_191] : memref<16777216xf32, #tpu.memory_space<hbm>> -> memref<16384xf32, #tpu.memory_space<hbm>>
    tpu.enqueue_dma source(%arg16 : memref<16384xf32, #tpu.memory_space<vmem>>) target(%dma_start3A_193 : memref<16384xf32, #tpu.memory_space<hbm>>) target_semaphore(%arg20 : memref<!tpu.dma_semaphore, #tpu.memory_space<semaphore_mem>>)
    %add3A_194 = arith.constant 2 : i32
    %add3A_195 = arith.addi %add3A_173, %add3A_194 : i32
    %mul3A_196 = arith.constant 8 : i32
    %mul3A_197 = arith.muli %add3A_195, %mul3A_196 : i32
    %dma_start3A_198 = tpu.memref_slice %arg13[%mul3A_197] : memref<272xi32, #tpu.memory_space<vmem>> -> memref<4xi32, #tpu.memory_space<vmem>>
    %dma_start3A_199 = arith.constant 0 : i32
    %dma_start3A_200 = arith.constant 0 : i32
    %dma_start3A_201 = tpu.memref_slice %arg5[%dma_start3A_199, %dma_start3A_200] : memref<8192x8192xf32, #tpu.memory_space<hbm>> -> memref<8192x8192xf32, #tpu.memory_space<hbm>>
    tpu.enqueue_indirect_dma source(%dma_start3A_201 : memref<8192x8192xf32, #tpu.memory_space<hbm>>) target(%arg14 : memref<4x8192xf32, #tpu.memory_space<vmem>>) offsets(%dma_start3A_198 : memref<4xi32, #tpu.memory_space<vmem>>) semaphore(%arg18 : memref<!tpu.dma_semaphore, #tpu.memory_space<semaphore_mem>>)
    %mul3A_202 = arith.constant 2 : i32
    %mul3A_203 = arith.constant 0 : i32
    %mul3A_204 = arith.muli %mul3A_202, %mul3A_203 : i32
    %add3A_205 = arith.constant 1 : i32
    %add3A_206 = arith.addi %mul3A_204, %add3A_205 : i32
    %mul3A_207 = arith.constant 8 : i32
    %mul3A_208 = arith.muli %add3A_206, %mul3A_207 : i32
    %dma_wait3A_209 = tpu.memref_slice %arg13[%mul3A_208] : memref<272xi32, #tpu.memory_space<vmem>> -> memref<4xi32, #tpu.memory_space<vmem>>
    %dma_wait3A_210 = arith.constant 0 : i32
    %dma_wait3A_211 = arith.constant 0 : i32
    %dma_wait3A_212 = tpu.memref_slice %arg5[%dma_wait3A_210, %dma_wait3A_211] : memref<8192x8192xf32, #tpu.memory_space<hbm>> -> memref<8192x8192xf32, #tpu.memory_space<hbm>>
    tpu.wait_indirect_dma semaphore(%arg19 : memref<!tpu.dma_semaphore, #tpu.memory_space<semaphore_mem>>) src(%dma_wait3A_212 : memref<8192x8192xf32, #tpu.memory_space<hbm>>) dst(%arg15 : memref<4x8192xf32, #tpu.memory_space<vmem>>)
    %scan3A_213 = arith.constant 0 : i32
    %scan3A_214 = arith.constant 0 : i32
    %scan3A_215 = arith.constant 256 : i32
    %scan3A_216 = arith.addi %scan3A_214, %scan3A_215 : i32
    %scan3A_217 = arith.constant 8 : i32
    %scan3A_218 = scf.for %scan3A_264 = %scan3A_214 to %scan3A_216 step %scan3A_217 iter_args(%scan3A_265 = %scan3A_213) -> (i32)  : i32 {
      %mul3A_266 = arith.constant 16 : i32
      %mul3A_267 = arith.muli %scan3A_264, %mul3A_266 : i32
      %get3A = arith.index_cast %mul3A_267 : i32 to index
      %get3A_268 = tpu.vector_load %arg11[%get3A] {strides = array<i32>} : memref<4096xi32, #tpu.memory_space<vmem>>, vector<16xi32>,
      %broadcast_in_dim3A_269 = arith.constant 0 : i32
      %broadcast_in_dim3A_270 = vector.broadcast %broadcast_in_dim3A_269 : i32 to vector<16xi32>
      %gather3A = tpu.vector_load_idx %arg15[%broadcast_in_dim3A_270, %get3A_268] : memref<4x8192xf32, #tpu.memory_space<vmem>>[vector<16xi32>, vector<16xi32>], vector<16xf32>,
      %mul3A_271 = arith.constant 16 : i32
      %mul3A_272 = arith.muli %scan3A_264, %mul3A_271 : i32
      %add3A_273 = arith.constant 0 : i32
      %add3A_274 = arith.addi %add3A_273, %mul3A_272 : i32
      %swap3A = arith.index_cast %add3A_274 : i32 to index
      %swap3A_275 = tpu.vector_load %arg17[%swap3A] {strides = array<i32>} : memref<16384xf32, #tpu.memory_space<vmem>>, vector<16xf32>,
      tpu.vector_store %arg17[%swap3A], %gather3A {strides = array<i32>} : memref<16384xf32, #tpu.memory_space<vmem>>, vector<16xf32>,
      %broadcast_in_dim3A_276 = arith.constant 1 : i32
      %broadcast_in_dim3A_277 = vector.broadcast %broadcast_in_dim3A_276 : i32 to vector<16xi32>
      %gather3A_278 = tpu.vector_load_idx %arg15[%broadcast_in_dim3A_277, %get3A_268] : memref<4x8192xf32, #tpu.memory_space<vmem>>[vector<16xi32>, vector<16xi32>], vector<16xf32>,
      %mul3A_279 = arith.constant 16 : i32
      %mul3A_280 = arith.muli %scan3A_264, %mul3A_279 : i32
      %add3A_281 = arith.constant 4096 : i32
      %add3A_282 = arith.addi %add3A_281, %mul3A_280 : i32
      %swap3A_283 = arith.index_cast %add3A_282 : i32 to index
      %swap3A_284 = tpu.vector_load %arg17[%swap3A_283] {strides = array<i32>} : memref<16384xf32, #tpu.memory_space<vmem>>, vector<16xf32>,
      tpu.vector_store %arg17[%swap3A_283], %gather3A_278 {strides = array<i32>} : memref<16384xf32, #tpu.memory_space<vmem>>, vector<16xf32>,
      %broadcast_in_dim3A_285 = arith.constant 2 : i32
      %broadcast_in_dim3A_286 = vector.broadcast %broadcast_in_dim3A_285 : i32 to vector<16xi32>
      %gather3A_287 = tpu.vector_load_idx %arg15[%broadcast_in_dim3A_286, %get3A_268] : memref<4x8192xf32, #tpu.memory_space<vmem>>[vector<16xi32>, vector<16xi32>], vector<16xf32>,
      %mul3A_288 = arith.constant 16 : i32
      %mul3A_289 = arith.muli %scan3A_264, %mul3A_288 : i32
      %add3A_290 = arith.constant 8192 : i32
      %add3A_291 = arith.addi %add3A_290, %mul3A_289 : i32
      %swap3A_292 = arith.index_cast %add3A_291 : i32 to index
      %swap3A_293 = tpu.vector_load %arg17[%swap3A_292] {strides = array<i32>} : memref<16384xf32, #tpu.memory_space<vmem>>, vector<16xf32>,
      tpu.vector_store %arg17[%swap3A_292], %gather3A_287 {strides = array<i32>} : memref<16384xf32, #tpu.memory_space<vmem>>, vector<16xf32>,
      %broadcast_in_dim3A_294 = arith.constant 3 : i32
      %broadcast_in_dim3A_295 = vector.broadcast %broadcast_in_dim3A_294 : i32 to vector<16xi32>
      %gather3A_296 = tpu.vector_load_idx %arg15[%broadcast_in_dim3A_295, %get3A_268] : memref<4x8192xf32, #tpu.memory_space<vmem>>[vector<16xi32>, vector<16xi32>], vector<16xf32>,
      %mul3A_297 = arith.constant 16 : i32
      %mul3A_298 = arith.muli %scan3A_264, %mul3A_297 : i32
      %add3A_299 = arith.constant 12288 : i32
      %add3A_300 = arith.addi %add3A_299, %mul3A_298 : i32
      %swap3A_301 = arith.index_cast %add3A_300 : i32 to index
      %swap3A_302 = tpu.vector_load %arg17[%swap3A_301] {strides = array<i32>} : memref<16384xf32, #tpu.memory_space<vmem>>, vector<16xf32>,
      tpu.vector_store %arg17[%swap3A_301], %gather3A_296 {strides = array<i32>} : memref<16384xf32, #tpu.memory_space<vmem>>, vector<16xf32>,
      %scan3A_303 = arith.constant 0 : i32
      %scan3A_304 = arith.constant 1 : i32
      %scan3A_305 = arith.addi %scan3A_264, %scan3A_304 : i32
      %mul3A_306 = arith.constant 16 : i32
      %mul3A_307 = arith.muli %scan3A_305, %mul3A_306 : i32
      %get3A_308 = arith.index_cast %mul3A_307 : i32 to index
      %get3A_309 = tpu.vector_load %arg11[%get3A_308] {strides = array<i32>} : memref<4096xi32, #tpu.memory_space<vmem>>, vector<16xi32>,
      %broadcast_in_dim3A_310 = arith.constant 0 : i32
      %broadcast_in_dim3A_311 = vector.broadcast %broadcast_in_dim3A_310 : i32 to vector<16xi32>
      %gather3A_312 = tpu.vector_load_idx %arg15[%broadcast_in_dim3A_311, %get3A_309] : memref<4x8192xf32, #tpu.memory_space<vmem>>[vector<16xi32>, vector<16xi32>], vector<16xf32>,
      %mul3A_313 = arith.constant 16 : i32
      %mul3A_314 = arith.muli %scan3A_305, %mul3A_313 : i32
      %add3A_315 = arith.constant 0 : i32
      %add3A_316 = arith.addi %add3A_315, %mul3A_314 : i32
      %swap3A_317 = arith.index_cast %add3A_316 : i32 to index
      %swap3A_318 = tpu.vector_load %arg17[%swap3A_317] {strides = array<i32>} : memref<16384xf32, #tpu.memory_space<vmem>>, vector<16xf32>,
      tpu.vector_store %arg17[%swap3A_317], %gather3A_312 {strides = array<i32>} : memref<16384xf32, #tpu.memory_space<vmem>>, vector<16xf32>,
      %broadcast_in_dim3A_319 = arith.constant 1 : i32
      %broadcast_in_dim3A_320 = vector.broadcast %broadcast_in_dim3A_319 : i32 to vector<16xi32>
      %gather3A_321 = tpu.vector_load_idx %arg15[%broadcast_in_dim3A_320, %get3A_309] : memref<4x8192xf32, #tpu.memory_space<vmem>>[vector<16xi32>, vector<16xi32>], vector<16xf32>,
      %mul3A_322 = arith.constant 16 : i32
      %mul3A_323 = arith.muli %scan3A_305, %mul3A_322 : i32
      %add3A_324 = arith.constant 4096 : i32
      %add3A_325 = arith.addi %add3A_324, %mul3A_323 : i32
      %swap3A_326 = arith.index_cast %add3A_325 : i32 to index
      %swap3A_327 = tpu.vector_load %arg17[%swap3A_326] {strides = array<i32>} : memref<16384xf32, #tpu.memory_space<vmem>>, vector<16xf32>,
      tpu.vector_store %arg17[%swap3A_326], %gather3A_321 {strides = array<i32>} : memref<16384xf32, #tpu.memory_space<vmem>>, vector<16xf32>,
      %broadcast_in_dim3A_328 = arith.constant 2 : i32
      %broadcast_in_dim3A_329 = vector.broadcast %broadcast_in_dim3A_328 : i32 to vector<16xi32>
      %gather3A_330 = tpu.vector_load_idx %arg15[%broadcast_in_dim3A_329, %get3A_309] : memref<4x8192xf32, #tpu.memory_space<vmem>>[vector<16xi32>, vector<16xi32>], vector<16xf32>,
      %mul3A_331 = arith.constant 16 : i32
      %mul3A_332 = arith.muli %scan3A_305, %mul3A_331 : i32
      %add3A_333 = arith.constant 8192 : i32
      %add3A_334 = arith.addi %add3A_333, %mul3A_332 : i32
      %swap3A_335 = arith.index_cast %add3A_334 : i32 to index
      %swap3A_336 = tpu.vector_load %arg17[%swap3A_335] {strides = array<i32>} : memref<16384xf32, #tpu.memory_space<vmem>>, vector<16xf32>,
      tpu.vector_store %arg17[%swap3A_335], %gather3A_330 {strides = array<i32>} : memref<16384xf32, #tpu.memory_space<vmem>>, vector<16xf32>,
      %broadcast_in_dim3A_337 = arith.constant 3 : i32
      %broadcast_in_dim3A_338 = vector.broadcast %broadcast_in_dim3A_337 : i32 to vector<16xi32>
      %gather3A_339 = tpu.vector_load_idx %arg15[%broadcast_in_dim3A_338, %get3A_309] : memref<4x8192xf32, #tpu.memory_space<vmem>>[vector<16xi32>, vector<16xi32>], vector<16xf32>,
      %mul3A_340 = arith.constant 16 : i32
      %mul3A_341 = arith.muli %scan3A_305, %mul3A_340 : i32
      %add3A_342 = arith.constant 12288 : i32
      %add3A_343 = arith.addi %add3A_342, %mul3A_341 : i32
      %swap3A_344 = arith.index_cast %add3A_343 : i32 to index
      %swap3A_345 = tpu.vector_load %arg17[%swap3A_344] {strides = array<i32>} : memref<16384xf32, #tpu.memory_space<vmem>>, vector<16xf32>,
      tpu.vector_store %arg17[%swap3A_344], %gather3A_339 {strides = array<i32>} : memref<16384xf32, #tpu.memory_space<vmem>>, vector<16xf32>,
      %scan3A_346 = arith.constant 0 : i32
      %scan3A_347 = arith.constant 2 : i32
      %scan3A_348 = arith.addi %scan3A_264, %scan3A_347 : i32
      %mul3A_349 = arith.constant 16 : i32
      %mul3A_350 = arith.muli %scan3A_348, %mul3A_349 : i32
      %get3A_351 = arith.index_cast %mul3A_350 : i32 to index
      %get3A_352 = tpu.vector_load %arg11[%get3A_351] {strides = array<i32>} : memref<4096xi32, #tpu.memory_space<vmem>>, vector<16xi32>,
      %broadcast_in_dim3A_353 = arith.constant 0 : i32
      %broadcast_in_dim3A_354 = vector.broadcast %broadcast_in_dim3A_353 : i32 to vector<16xi32>
      %gather3A_355 = tpu.vector_load_idx %arg15[%broadcast_in_dim3A_354, %get3A_352] : memref<4x8192xf32, #tpu.memory_space<vmem>>[vector<16xi32>, vector<16xi32>], vector<16xf32>,
      %mul3A_356 = arith.constant 16 : i32
      %mul3A_357 = arith.muli %scan3A_348, %mul3A_356 : i32
      %add3A_358 = arith.constant 0 : i32
      %add3A_359 = arith.addi %add3A_358, %mul3A_357 : i32
      %swap3A_360 = arith.index_cast %add3A_359 : i32 to index
      %swap3A_361 = tpu.vector_load %arg17[%swap3A_360] {strides = array<i32>} : memref<16384xf32, #tpu.memory_space<vmem>>, vector<16xf32>,
      tpu.vector_store %arg17[%swap3A_360], %gather3A_355 {strides = array<i32>} : memref<16384xf32, #tpu.memory_space<vmem>>, vector<16xf32>,
      %broadcast_in_dim3A_362 = arith.constant 1 : i32
      %broadcast_in_dim3A_363 = vector.broadcast %broadcast_in_dim3A_362 : i32 to vector<16xi32>
      %gather3A_364 = tpu.vector_load_idx %arg15[%broadcast_in_dim3A_363, %get3A_352] : memref<4x8192xf32, #tpu.memory_space<vmem>>[vector<16xi32>, vector<16xi32>], vector<16xf32>,
      %mul3A_365 = arith.constant 16 : i32
      %mul3A_366 = arith.muli %scan3A_348, %mul3A_365 : i32
      %add3A_367 = arith.constant 4096 : i32
      %add3A_368 = arith.addi %add3A_367, %mul3A_366 : i32
      %swap3A_369 = arith.index_cast %add3A_368 : i32 to index
      %swap3A_370 = tpu.vector_load %arg17[%swap3A_369] {strides = array<i32>} : memref<16384xf32, #tpu.memory_space<vmem>>, vector<16xf32>,
      tpu.vector_store %arg17[%swap3A_369], %gather3A_364 {strides = array<i32>} : memref<16384xf32, #tpu.memory_space<vmem>>, vector<16xf32>,
      %broadcast_in_dim3A_371 = arith.constant 2 : i32
      %broadcast_in_dim3A_372 = vector.broadcast %broadcast_in_dim3A_371 : i32 to vector<16xi32>
      %gather3A_373 = tpu.vector_load_idx %arg15[%broadcast_in_dim3A_372, %get3A_352] : memref<4x8192xf32, #tpu.memory_space<vmem>>[vector<16xi32>, vector<16xi32>], vector<16xf32>,
      %mul3A_374 = arith.constant 16 : i32
      %mul3A_375 = arith.muli %scan3A_348, %mul3A_374 : i32
      %add3A_376 = arith.constant 8192 : i32
      %add3A_377 = arith.addi %add3A_376, %mul3A_375 : i32
      %swap3A_378 = arith.index_cast %add3A_377 : i32 to index
      %swap3A_379 = tpu.vector_load %arg17[%swap3A_378] {strides = array<i32>} : memref<16384xf32, #tpu.memory_space<vmem>>, vector<16xf32>,
      tpu.vector_store %arg17[%swap3A_378], %gather3A_373 {strides = array<i32>} : memref<16384xf32, #tpu.memory_space<vmem>>, vector<16xf32>,
      %broadcast_in_dim3A_380 = arith.constant 3 : i32
      %broadcast_in_dim3A_381 = vector.broadcast %broadcast_in_dim3A_380 : i32 to vector<16xi32>
      %gather3A_382 = tpu.vector_load_idx %arg15[%broadcast_in_dim3A_381, %get3A_352] : memref<4x8192xf32, #tpu.memory_space<vmem>>[vector<16xi32>, vector<16xi32>], vector<16xf32>,
      %mul3A_383 = arith.constant 16 : i32
      %mul3A_384 = arith.muli %scan3A_348, %mul3A_383 : i32
      %add3A_385 = arith.constant 12288 : i32
      %add3A_386 = arith.addi %add3A_385, %mul3A_384 : i32
      %swap3A_387 = arith.index_cast %add3A_386 : i32 to index
      %swap3A_388 = tpu.vector_load %arg17[%swap3A_387] {strides = array<i32>} : memref<16384xf32, #tpu.memory_space<vmem>>, vector<16xf32>,
      tpu.vector_store %arg17[%swap3A_387], %gather3A_382 {strides = array<i32>} : memref<16384xf32, #tpu.memory_space<vmem>>, vector<16xf32>,
      %scan3A_389 = arith.constant 0 : i32
      %scan3A_390 = arith.constant 3 : i32
      %scan3A_391 = arith.addi %scan3A_264, %scan3A_390 : i32
      %mul3A_392 = arith.constant 16 : i32
      %mul3A_393 = arith.muli %scan3A_391, %mul3A_392 : i32
      %get3A_394 = arith.index_cast %mul3A_393 : i32 to index
      %get3A_395 = tpu.vector_load %arg11[%get3A_394] {strides = array<i32>} : memref<4096xi32, #tpu.memory_space<vmem>>, vector<16xi32>,
      %broadcast_in_dim3A_396 = arith.constant 0 : i32
      %broadcast_in_dim3A_397 = vector.broadcast %broadcast_in_dim3A_396 : i32 to vector<16xi32>
      %gather3A_398 = tpu.vector_load_idx %arg15[%broadcast_in_dim3A_397, %get3A_395] : memref<4x8192xf32, #tpu.memory_space<vmem>>[vector<16xi32>, vector<16xi32>], vector<16xf32>,
      %mul3A_399 = arith.constant 16 : i32
      %mul3A_400 = arith.muli %scan3A_391, %mul3A_399 : i32
      %add3A_401 = arith.constant 0 : i32
      %add3A_402 = arith.addi %add3A_401, %mul3A_400 : i32
      %swap3A_403 = arith.index_cast %add3A_402 : i32 to index
      %swap3A_404 = tpu.vector_load %arg17[%swap3A_403] {strides = array<i32>} : memref<16384xf32, #tpu.memory_space<vmem>>, vector<16xf32>,
      tpu.vector_store %arg17[%swap3A_403], %gather3A_398 {strides = array<i32>} : memref<16384xf32, #tpu.memory_space<vmem>>, vector<16xf32>,
      %broadcast_in_dim3A_405 = arith.constant 1 : i32
      %broadcast_in_dim3A_406 = vector.broadcast %broadcast_in_dim3A_405 : i32 to vector<16xi32>
      %gather3A_407 = tpu.vector_load_idx %arg15[%broadcast_in_dim3A_406, %get3A_395] : memref<4x8192xf32, #tpu.memory_space<vmem>>[vector<16xi32>, vector<16xi32>], vector<16xf32>,
      %mul3A_408 = arith.constant 16 : i32
      %mul3A_409 = arith.muli %scan3A_391, %mul3A_408 : i32
      %add3A_410 = arith.constant 4096 : i32
      %add3A_411 = arith.addi %add3A_410, %mul3A_409 : i32
      %swap3A_412 = arith.index_cast %add3A_411 : i32 to index
      %swap3A_413 = tpu.vector_load %arg17[%swap3A_412] {strides = array<i32>} : memref<16384xf32, #tpu.memory_space<vmem>>, vector<16xf32>,
      tpu.vector_store %arg17[%swap3A_412], %gather3A_407 {strides = array<i32>} : memref<16384xf32, #tpu.memory_space<vmem>>, vector<16xf32>,
      %broadcast_in_dim3A_414 = arith.constant 2 : i32
      %broadcast_in_dim3A_415 = vector.broadcast %broadcast_in_dim3A_414 : i32 to vector<16xi32>
      %gather3A_416 = tpu.vector_load_idx %arg15[%broadcast_in_dim3A_415, %get3A_395] : memref<4x8192xf32, #tpu.memory_space<vmem>>[vector<16xi32>, vector<16xi32>], vector<16xf32>,
      %mul3A_417 = arith.constant 16 : i32
      %mul3A_418 = arith.muli %scan3A_391, %mul3A_417 : i32
      %add3A_419 = arith.constant 8192 : i32
      %add3A_420 = arith.addi %add3A_419, %mul3A_418 : i32
      %swap3A_421 = arith.index_cast %add3A_420 : i32 to index
      %swap3A_422 = tpu.vector_load %arg17[%swap3A_421] {strides = array<i32>} : memref<16384xf32, #tpu.memory_space<vmem>>, vector<16xf32>,
      tpu.vector_store %arg17[%swap3A_421], %gather3A_416 {strides = array<i32>} : memref<16384xf32, #tpu.memory_space<vmem>>, vector<16xf32>,
      %broadcast_in_dim3A_423 = arith.constant 3 : i32
      %broadcast_in_dim3A_424 = vector.broadcast %broadcast_in_dim3A_423 : i32 to vector<16xi32>
      %gather3A_425 = tpu.vector_load_idx %arg15[%broadcast_in_dim3A_424, %get3A_395] : memref<4x8192xf32, #tpu.memory_space<vmem>>[vector<16xi32>, vector<16xi32>], vector<16xf32>,
      %mul3A_426 = arith.constant 16 : i32
      %mul3A_427 = arith.muli %scan3A_391, %mul3A_426 : i32
      %add3A_428 = arith.constant 12288 : i32
      %add3A_429 = arith.addi %add3A_428, %mul3A_427 : i32
      %swap3A_430 = arith.index_cast %add3A_429 : i32 to index
      %swap3A_431 = tpu.vector_load %arg17[%swap3A_430] {strides = array<i32>} : memref<16384xf32, #tpu.memory_space<vmem>>, vector<16xf32>,
      tpu.vector_store %arg17[%swap3A_430], %gather3A_425 {strides = array<i32>} : memref<16384xf32, #tpu.memory_space<vmem>>, vector<16xf32>,
      %scan3A_432 = arith.constant 0 : i32
      %scan3A_433 = arith.constant 4 : i32
      %scan3A_434 = arith.addi %scan3A_264, %scan3A_433 : i32
      %mul3A_435 = arith.constant 16 : i32
      %mul3A_436 = arith.muli %scan3A_434, %mul3A_435 : i32
      %get3A_437 = arith.index_cast %mul3A_436 : i32 to index
      %get3A_438 = tpu.vector_load %arg11[%get3A_437] {strides = array<i32>} : memref<4096xi32, #tpu.memory_space<vmem>>, vector<16xi32>,
      %broadcast_in_dim3A_439 = arith.constant 0 : i32
      %broadcast_in_dim3A_440 = vector.broadcast %broadcast_in_dim3A_439 : i32 to vector<16xi32>
      %gather3A_441 = tpu.vector_load_idx %arg15[%broadcast_in_dim3A_440, %get3A_438] : memref<4x8192xf32, #tpu.memory_space<vmem>>[vector<16xi32>, vector<16xi32>], vector<16xf32>,
      %mul3A_442 = arith.constant 16 : i32
      %mul3A_443 = arith.muli %scan3A_434, %mul3A_442 : i32
      %add3A_444 = arith.constant 0 : i32
      %add3A_445 = arith.addi %add3A_444, %mul3A_443 : i32
      %swap3A_446 = arith.index_cast %add3A_445 : i32 to index
      %swap3A_447 = tpu.vector_load %arg17[%swap3A_446] {strides = array<i32>} : memref<16384xf32, #tpu.memory_space<vmem>>, vector<16xf32>,
      tpu.vector_store %arg17[%swap3A_446], %gather3A_441 {strides = array<i32>} : memref<16384xf32, #tpu.memory_space<vmem>>, vector<16xf32>,
      %broadcast_in_dim3A_448 = arith.constant 1 : i32
      %broadcast_in_dim3A_449 = vector.broadcast %broadcast_in_dim3A_448 : i32 to vector<16xi32>
      %gather3A_450 = tpu.vector_load_idx %arg15[%broadcast_in_dim3A_449, %get3A_438] : memref<4x8192xf32, #tpu.memory_space<vmem>>[vector<16xi32>, vector<16xi32>], vector<16xf32>,
      %mul3A_451 = arith.constant 16 : i32
      %mul3A_452 = arith.muli %scan3A_434, %mul3A_451 : i32
      %add3A_453 = arith.constant 4096 : i32
      %add3A_454 = arith.addi %add3A_453, %mul3A_452 : i32
      %swap3A_455 = arith.index_cast %add3A_454 : i32 to index
      %swap3A_456 = tpu.vector_load %arg17[%swap3A_455] {strides = array<i32>} : memref<16384xf32, #tpu.memory_space<vmem>>, vector<16xf32>,
      tpu.vector_store %arg17[%swap3A_455], %gather3A_450 {strides = array<i32>} : memref<16384xf32, #tpu.memory_space<vmem>>, vector<16xf32>,
      %broadcast_in_dim3A_457 = arith.constant 2 : i32
      %broadcast_in_dim3A_458 = vector.broadcast %broadcast_in_dim3A_457 : i32 to vector<16xi32>
      %gather3A_459 = tpu.vector_load_idx %arg15[%broadcast_in_dim3A_458, %get3A_438] : memref<4x8192xf32, #tpu.memory_space<vmem>>[vector<16xi32>, vector<16xi32>], vector<16xf32>,
      %mul3A_460 = arith.constant 16 : i32
      %mul3A_461 = arith.muli %scan3A_434, %mul3A_460 : i32
      %add3A_462 = arith.constant 8192 : i32
      %add3A_463 = arith.addi %add3A_462, %mul3A_461 : i32
      %swap3A_464 = arith.index_cast %add3A_463 : i32 to index
      %swap3A_465 = tpu.vector_load %arg17[%swap3A_464] {strides = array<i32>} : memref<16384xf32, #tpu.memory_space<vmem>>, vector<16xf32>,
      tpu.vector_store %arg17[%swap3A_464], %gather3A_459 {strides = array<i32>} : memref<16384xf32, #tpu.memory_space<vmem>>, vector<16xf32>,
      %broadcast_in_dim3A_466 = arith.constant 3 : i32
      %broadcast_in_dim3A_467 = vector.broadcast %broadcast_in_dim3A_466 : i32 to vector<16xi32>
      %gather3A_468 = tpu.vector_load_idx %arg15[%broadcast_in_dim3A_467, %get3A_438] : memref<4x8192xf32, #tpu.memory_space<vmem>>[vector<16xi32>, vector<16xi32>], vector<16xf32>,
      %mul3A_469 = arith.constant 16 : i32
      %mul3A_470 = arith.muli %scan3A_434, %mul3A_469 : i32
      %add3A_471 = arith.constant 12288 : i32
      %add3A_472 = arith.addi %add3A_471, %mul3A_470 : i32
      %swap3A_473 = arith.index_cast %add3A_472 : i32 to index
      %swap3A_474 = tpu.vector_load %arg17[%swap3A_473] {strides = array<i32>} : memref<16384xf32, #tpu.memory_space<vmem>>, vector<16xf32>,
      tpu.vector_store %arg17[%swap3A_473], %gather3A_468 {strides = array<i32>} : memref<16384xf32, #tpu.memory_space<vmem>>, vector<16xf32>,
      %scan3A_475 = arith.constant 0 : i32
      %scan3A_476 = arith.constant 5 : i32
      %scan3A_477 = arith.addi %scan3A_264, %scan3A_476 : i32
      %mul3A_478 = arith.constant 16 : i32
      %mul3A_479 = arith.muli %scan3A_477, %mul3A_478 : i32
      %get3A_480 = arith.index_cast %mul3A_479 : i32 to index
      %get3A_481 = tpu.vector_load %arg11[%get3A_480] {strides = array<i32>} : memref<4096xi32, #tpu.memory_space<vmem>>, vector<16xi32>,
      %broadcast_in_dim3A_482 = arith.constant 0 : i32
      %broadcast_in_dim3A_483 = vector.broadcast %broadcast_in_dim3A_482 : i32 to vector<16xi32>
      %gather3A_484 = tpu.vector_load_idx %arg15[%broadcast_in_dim3A_483, %get3A_481] : memref<4x8192xf32, #tpu.memory_space<vmem>>[vector<16xi32>, vector<16xi32>], vector<16xf32>,
      %mul3A_485 = arith.constant 16 : i32
      %mul3A_486 = arith.muli %scan3A_477, %mul3A_485 : i32
      %add3A_487 = arith.constant 0 : i32
      %add3A_488 = arith.addi %add3A_487, %mul3A_486 : i32
      %swap3A_489 = arith.index_cast %add3A_488 : i32 to index
      %swap3A_490 = tpu.vector_load %arg17[%swap3A_489] {strides = array<i32>} : memref<16384xf32, #tpu.memory_space<vmem>>, vector<16xf32>,
      tpu.vector_store %arg17[%swap3A_489], %gather3A_484 {strides = array<i32>} : memref<16384xf32, #tpu.memory_space<vmem>>, vector<16xf32>,
      %broadcast_in_dim3A_491 = arith.constant 1 : i32
      %broadcast_in_dim3A_492 = vector.broadcast %broadcast_in_dim3A_491 : i32 to vector<16xi32>
      %gather3A_493 = tpu.vector_load_idx %arg15[%broadcast_in_dim3A_492, %get3A_481] : memref<4x8192xf32, #tpu.memory_space<vmem>>[vector<16xi32>, vector<16xi32>], vector<16xf32>,
      %mul3A_494 = arith.constant 16 : i32
      %mul3A_495 = arith.muli %scan3A_477, %mul3A_494 : i32
      %add3A_496 = arith.constant 4096 : i32
      %add3A_497 = arith.addi %add3A_496, %mul3A_495 : i32
      %swap3A_498 = arith.index_cast %add3A_497 : i32 to index
      %swap3A_499 = tpu.vector_load %arg17[%swap3A_498] {strides = array<i32>} : memref<16384xf32, #tpu.memory_space<vmem>>, vector<16xf32>,
      tpu.vector_store %arg17[%swap3A_498], %gather3A_493 {strides = array<i32>} : memref<16384xf32, #tpu.memory_space<vmem>>, vector<16xf32>,
      %broadcast_in_dim3A_500 = arith.constant 2 : i32
      %broadcast_in_dim3A_501 = vector.broadcast %broadcast_in_dim3A_500 : i32 to vector<16xi32>
      %gather3A_502 = tpu.vector_load_idx %arg15[%broadcast_in_dim3A_501, %get3A_481] : memref<4x8192xf32, #tpu.memory_space<vmem>>[vector<16xi32>, vector<16xi32>], vector<16xf32>,
      %mul3A_503 = arith.constant 16 : i32
      %mul3A_504 = arith.muli %scan3A_477, %mul3A_503 : i32
      %add3A_505 = arith.constant 8192 : i32
      %add3A_506 = arith.addi %add3A_505, %mul3A_504 : i32
      %swap3A_507 = arith.index_cast %add3A_506 : i32 to index
      %swap3A_508 = tpu.vector_load %arg17[%swap3A_507] {strides = array<i32>} : memref<16384xf32, #tpu.memory_space<vmem>>, vector<16xf32>,
      tpu.vector_store %arg17[%swap3A_507], %gather3A_502 {strides = array<i32>} : memref<16384xf32, #tpu.memory_space<vmem>>, vector<16xf32>,
      %broadcast_in_dim3A_509 = arith.constant 3 : i32
      %broadcast_in_dim3A_510 = vector.broadcast %broadcast_in_dim3A_509 : i32 to vector<16xi32>
      %gather3A_511 = tpu.vector_load_idx %arg15[%broadcast_in_dim3A_510, %get3A_481] : memref<4x8192xf32, #tpu.memory_space<vmem>>[vector<16xi32>, vector<16xi32>], vector<16xf32>,
      %mul3A_512 = arith.constant 16 : i32
      %mul3A_513 = arith.muli %scan3A_477, %mul3A_512 : i32
      %add3A_514 = arith.constant 12288 : i32
      %add3A_515 = arith.addi %add3A_514, %mul3A_513 : i32
      %swap3A_516 = arith.index_cast %add3A_515 : i32 to index
      %swap3A_517 = tpu.vector_load %arg17[%swap3A_516] {strides = array<i32>} : memref<16384xf32, #tpu.memory_space<vmem>>, vector<16xf32>,
      tpu.vector_store %arg17[%swap3A_516], %gather3A_511 {strides = array<i32>} : memref<16384xf32, #tpu.memory_space<vmem>>, vector<16xf32>,
      %scan3A_518 = arith.constant 0 : i32
      %scan3A_519 = arith.constant 6 : i32
      %scan3A_520 = arith.addi %scan3A_264, %scan3A_519 : i32
      %mul3A_521 = arith.constant 16 : i32
      %mul3A_522 = arith.muli %scan3A_520, %mul3A_521 : i32
      %get3A_523 = arith.index_cast %mul3A_522 : i32 to index
      %get3A_524 = tpu.vector_load %arg11[%get3A_523] {strides = array<i32>} : memref<4096xi32, #tpu.memory_space<vmem>>, vector<16xi32>,
      %broadcast_in_dim3A_525 = arith.constant 0 : i32
      %broadcast_in_dim3A_526 = vector.broadcast %broadcast_in_dim3A_525 : i32 to vector<16xi32>
      %gather3A_527 = tpu.vector_load_idx %arg15[%broadcast_in_dim3A_526, %get3A_524] : memref<4x8192xf32, #tpu.memory_space<vmem>>[vector<16xi32>, vector<16xi32>], vector<16xf32>,
      %mul3A_528 = arith.constant 16 : i32
      %mul3A_529 = arith.muli %scan3A_520, %mul3A_528 : i32
      %add3A_530 = arith.constant 0 : i32
      %add3A_531 = arith.addi %add3A_530, %mul3A_529 : i32
      %swap3A_532 = arith.index_cast %add3A_531 : i32 to index
      %swap3A_533 = tpu.vector_load %arg17[%swap3A_532] {strides = array<i32>} : memref<16384xf32, #tpu.memory_space<vmem>>, vector<16xf32>,
      tpu.vector_store %arg17[%swap3A_532], %gather3A_527 {strides = array<i32>} : memref<16384xf32, #tpu.memory_space<vmem>>, vector<16xf32>,
      %broadcast_in_dim3A_534 = arith.constant 1 : i32
      %broadcast_in_dim3A_535 = vector.broadcast %broadcast_in_dim3A_534 : i32 to vector<16xi32>
      %gather3A_536 = tpu.vector_load_idx %arg15[%broadcast_in_dim3A_535, %get3A_524] : memref<4x8192xf32, #tpu.memory_space<vmem>>[vector<16xi32>, vector<16xi32>], vector<16xf32>,
      %mul3A_537 = arith.constant 16 : i32
      %mul3A_538 = arith.muli %scan3A_520, %mul3A_537 : i32
      %add3A_539 = arith.constant 4096 : i32
      %add3A_540 = arith.addi %add3A_539, %mul3A_538 : i32
      %swap3A_541 = arith.index_cast %add3A_540 : i32 to index
      %swap3A_542 = tpu.vector_load %arg17[%swap3A_541] {strides = array<i32>} : memref<16384xf32, #tpu.memory_space<vmem>>, vector<16xf32>,
      tpu.vector_store %arg17[%swap3A_541], %gather3A_536 {strides = array<i32>} : memref<16384xf32, #tpu.memory_space<vmem>>, vector<16xf32>,
      %broadcast_in_dim3A_543 = arith.constant 2 : i32
      %broadcast_in_dim3A_544 = vector.broadcast %broadcast_in_dim3A_543 : i32 to vector<16xi32>
      %gather3A_545 = tpu.vector_load_idx %arg15[%broadcast_in_dim3A_544, %get3A_524] : memref<4x8192xf32, #tpu.memory_space<vmem>>[vector<16xi32>, vector<16xi32>], vector<16xf32>,
      %mul3A_546 = arith.constant 16 : i32
      %mul3A_547 = arith.muli %scan3A_520, %mul3A_546 : i32
      %add3A_548 = arith.constant 8192 : i32
      %add3A_549 = arith.addi %add3A_548, %mul3A_547 : i32
      %swap3A_550 = arith.index_cast %add3A_549 : i32 to index
      %swap3A_551 = tpu.vector_load %arg17[%swap3A_550] {strides = array<i32>} : memref<16384xf32, #tpu.memory_space<vmem>>, vector<16xf32>,
      tpu.vector_store %arg17[%swap3A_550], %gather3A_545 {strides = array<i32>} : memref<16384xf32, #tpu.memory_space<vmem>>, vector<16xf32>,
      %broadcast_in_dim3A_552 = arith.constant 3 : i32
      %broadcast_in_dim3A_553 = vector.broadcast %broadcast_in_dim3A_552 : i32 to vector<16xi32>
      %gather3A_554 = tpu.vector_load_idx %arg15[%broadcast_in_dim3A_553, %get3A_524] : memref<4x8192xf32, #tpu.memory_space<vmem>>[vector<16xi32>, vector<16xi32>], vector<16xf32>,
      %mul3A_555 = arith.constant 16 : i32
      %mul3A_556 = arith.muli %scan3A_520, %mul3A_555 : i32
      %add3A_557 = arith.constant 12288 : i32
      %add3A_558 = arith.addi %add3A_557, %mul3A_556 : i32
      %swap3A_559 = arith.index_cast %add3A_558 : i32 to index
      %swap3A_560 = tpu.vector_load %arg17[%swap3A_559] {strides = array<i32>} : memref<16384xf32, #tpu.memory_space<vmem>>, vector<16xf32>,
      tpu.vector_store %arg17[%swap3A_559], %gather3A_554 {strides = array<i32>} : memref<16384xf32, #tpu.memory_space<vmem>>, vector<16xf32>,
      %scan3A_561 = arith.constant 0 : i32
      %scan3A_562 = arith.constant 7 : i32
      %scan3A_563 = arith.addi %scan3A_264, %scan3A_562 : i32
      %mul3A_564 = arith.constant 16 : i32
      %mul3A_565 = arith.muli %scan3A_563, %mul3A_564 : i32
      %get3A_566 = arith.index_cast %mul3A_565 : i32 to index
      %get3A_567 = tpu.vector_load %arg11[%get3A_566] {strides = array<i32>} : memref<4096xi32, #tpu.memory_space<vmem>>, vector<16xi32>,
      %broadcast_in_dim3A_568 = arith.constant 0 : i32
      %broadcast_in_dim3A_569 = vector.broadcast %broadcast_in_dim3A_568 : i32 to vector<16xi32>
      %gather3A_570 = tpu.vector_load_idx %arg15[%broadcast_in_dim3A_569, %get3A_567] : memref<4x8192xf32, #tpu.memory_space<vmem>>[vector<16xi32>, vector<16xi32>], vector<16xf32>,
      %mul3A_571 = arith.constant 16 : i32
      %mul3A_572 = arith.muli %scan3A_563, %mul3A_571 : i32
      %add3A_573 = arith.constant 0 : i32
      %add3A_574 = arith.addi %add3A_573, %mul3A_572 : i32
      %swap3A_575 = arith.index_cast %add3A_574 : i32 to index
      %swap3A_576 = tpu.vector_load %arg17[%swap3A_575] {strides = array<i32>} : memref<16384xf32, #tpu.memory_space<vmem>>, vector<16xf32>,
      tpu.vector_store %arg17[%swap3A_575], %gather3A_570 {strides = array<i32>} : memref<16384xf32, #tpu.memory_space<vmem>>, vector<16xf32>,
      %broadcast_in_dim3A_577 = arith.constant 1 : i32
      %broadcast_in_dim3A_578 = vector.broadcast %broadcast_in_dim3A_577 : i32 to vector<16xi32>
      %gather3A_579 = tpu.vector_load_idx %arg15[%broadcast_in_dim3A_578, %get3A_567] : memref<4x8192xf32, #tpu.memory_space<vmem>>[vector<16xi32>, vector<16xi32>], vector<16xf32>,
      %mul3A_580 = arith.constant 16 : i32
      %mul3A_581 = arith.muli %scan3A_563, %mul3A_580 : i32
      %add3A_582 = arith.constant 4096 : i32
      %add3A_583 = arith.addi %add3A_582, %mul3A_581 : i32
      %swap3A_584 = arith.index_cast %add3A_583 : i32 to index
      %swap3A_585 = tpu.vector_load %arg17[%swap3A_584] {strides = array<i32>} : memref<16384xf32, #tpu.memory_space<vmem>>, vector<16xf32>,
      tpu.vector_store %arg17[%swap3A_584], %gather3A_579 {strides = array<i32>} : memref<16384xf32, #tpu.memory_space<vmem>>, vector<16xf32>,
      %broadcast_in_dim3A_586 = arith.constant 2 : i32
      %broadcast_in_dim3A_587 = vector.broadcast %broadcast_in_dim3A_586 : i32 to vector<16xi32>
      %gather3A_588 = tpu.vector_load_idx %arg15[%broadcast_in_dim3A_587, %get3A_567] : memref<4x8192xf32, #tpu.memory_space<vmem>>[vector<16xi32>, vector<16xi32>], vector<16xf32>,
      %mul3A_589 = arith.constant 16 : i32
      %mul3A_590 = arith.muli %scan3A_563, %mul3A_589 : i32
      %add3A_591 = arith.constant 8192 : i32
      %add3A_592 = arith.addi %add3A_591, %mul3A_590 : i32
      %swap3A_593 = arith.index_cast %add3A_592 : i32 to index
      %swap3A_594 = tpu.vector_load %arg17[%swap3A_593] {strides = array<i32>} : memref<16384xf32, #tpu.memory_space<vmem>>, vector<16xf32>,
      tpu.vector_store %arg17[%swap3A_593], %gather3A_588 {strides = array<i32>} : memref<16384xf32, #tpu.memory_space<vmem>>, vector<16xf32>,
      %broadcast_in_dim3A_595 = arith.constant 3 : i32
      %broadcast_in_dim3A_596 = vector.broadcast %broadcast_in_dim3A_595 : i32 to vector<16xi32>
      %gather3A_597 = tpu.vector_load_idx %arg15[%broadcast_in_dim3A_596, %get3A_567] : memref<4x8192xf32, #tpu.memory_space<vmem>>[vector<16xi32>, vector<16xi32>], vector<16xf32>,
      %mul3A_598 = arith.constant 16 : i32
      %mul3A_599 = arith.muli %scan3A_563, %mul3A_598 : i32
      %add3A_600 = arith.constant 12288 : i32
      %add3A_601 = arith.addi %add3A_600, %mul3A_599 : i32
      %swap3A_602 = arith.index_cast %add3A_601 : i32 to index
      %swap3A_603 = tpu.vector_load %arg17[%swap3A_602] {strides = array<i32>} : memref<16384xf32, #tpu.memory_space<vmem>>, vector<16xf32>,
      tpu.vector_store %arg17[%swap3A_602], %gather3A_597 {strides = array<i32>} : memref<16384xf32, #tpu.memory_space<vmem>>, vector<16xf32>,
      %scan3A_604 = arith.constant 0 : i32
      scf.yield %scan3A_604 : i32
    }
    %scan3A_219 = arith.constant 256 : i32
    %mul3A_220 = arith.constant 4 : i32
    %mul3A_221 = arith.muli %add3A_206, %mul3A_220 : i32
    %add3A_222 = arith.addi %mul3A_2, %mul3A_221 : i32
    %mul3A_223 = arith.constant 4096 : i32
    %mul3A_224 = arith.muli %add3A_222, %mul3A_223 : i32
    %dma_start3A_225 = tpu.memref_slice %arg9[%mul3A_224] : memref<16777216xf32, #tpu.memory_space<hbm>> -> memref<16384xf32, #tpu.memory_space<hbm>>
    %dma_start3A_226 = tpu.memref_slice %arg9[%mul3A_224] : memref<16777216xf32, #tpu.memory_space<hbm>> -> memref<16384xf32, #tpu.memory_space<hbm>>
    tpu.enqueue_dma source(%arg17 : memref<16384xf32, #tpu.memory_space<vmem>>) target(%dma_start3A_226 : memref<16384xf32, #tpu.memory_space<hbm>>) target_semaphore(%arg21 : memref<!tpu.dma_semaphore, #tpu.memory_space<semaphore_mem>>)
    %add3A_227 = arith.constant 2 : i32
    %add3A_228 = arith.addi %add3A_206, %add3A_227 : i32
    %mul3A_229 = arith.constant 8 : i32
    %mul3A_230 = arith.muli %add3A_228, %mul3A_229 : i32
    %dma_start3A_231 = tpu.memref_slice %arg13[%mul3A_230] : memref<272xi32, #tpu.memory_space<vmem>> -> memref<4xi32, #tpu.memory_space<vmem>>
    %dma_start3A_232 = arith.constant 0 : i32
    %dma_start3A_233 = arith.constant 0 : i32
    %dma_start3A_234 = tpu.memref_slice %arg5[%dma_start3A_232, %dma_start3A_233] : memref<8192x8192xf32, #tpu.memory_space<hbm>> -> memref<8192x8192xf32, #tpu.memory_space<hbm>>
    tpu.enqueue_indirect_dma source(%dma_start3A_234 : memref<8192x8192xf32, #tpu.memory_space<hbm>>) target(%arg15 : memref<4x8192xf32, #tpu.memory_space<vmem>>) offsets(%dma_start3A_231 : memref<4xi32, #tpu.memory_space<vmem>>) semaphore(%arg19 : memref<!tpu.dma_semaphore, #tpu.memory_space<semaphore_mem>>)
    %scan3A_235 = arith.constant 0 : i32
    %scan3A_236 = arith.constant 1 : i32
    %scan3A_237 = arith.constant 15 : i32
    %scan3A_238 = arith.addi %scan3A_236, %scan3A_237 : i32
    %scan3A_239 = arith.constant 1 : i32
    %scan3A_240 = scf.for %scan3A_264 = %scan3A_236 to %scan3A_238 step %scan3A_239 iter_args(%scan3A_265 = %scan3A_235) -> (i32)  : i32 {
      %mul3A_266 = arith.constant 2 : i32
      %mul3A_267 = arith.muli %mul3A_266, %scan3A_264 : i32
      %add3A_268 = arith.constant 0 : i32
      %add3A_269 = arith.addi %mul3A_267, %add3A_268 : i32
      %mul3A_270 = arith.constant 8 : i32
      %mul3A_271 = arith.muli %add3A_269, %mul3A_270 : i32
      %dma_wait3A_272 = tpu.memref_slice %arg13[%mul3A_271] : memref<272xi32, #tpu.memory_space<vmem>> -> memref<4xi32, #tpu.memory_space<vmem>>
      %dma_wait3A_273 = arith.constant 0 : i32
      %dma_wait3A_274 = arith.constant 0 : i32
      %dma_wait3A_275 = tpu.memref_slice %arg5[%dma_wait3A_273, %dma_wait3A_274] : memref<8192x8192xf32, #tpu.memory_space<hbm>> -> memref<8192x8192xf32, #tpu.memory_space<hbm>>
      tpu.wait_indirect_dma semaphore(%arg18 : memref<!tpu.dma_semaphore, #tpu.memory_space<semaphore_mem>>) src(%dma_wait3A_275 : memref<8192x8192xf32, #tpu.memory_space<hbm>>) dst(%arg14 : memref<4x8192xf32, #tpu.memory_space<vmem>>)
      %sub3A_276 = arith.constant 2 : i32
      %sub3A_277 = arith.subi %add3A_269, %sub3A_276 : i32
      %mul3A_278 = arith.constant 4 : i32
      %mul3A_279 = arith.muli %sub3A_277, %mul3A_278 : i32
      %add3A_280 = arith.addi %mul3A_2, %mul3A_279 : i32
      %mul3A_281 = arith.constant 4096 : i32
      %mul3A_282 = arith.muli %add3A_280, %mul3A_281 : i32
      %dma_wait3A_283 = tpu.memref_slice %arg9[%mul3A_282] : memref<16777216xf32, #tpu.memory_space<hbm>> -> memref<16384xf32, #tpu.memory_space<hbm>>
      %dma_wait3A_284 = tpu.memref_slice %arg9[%mul3A_282] : memref<16777216xf32, #tpu.memory_space<hbm>> -> memref<16384xf32, #tpu.memory_space<hbm>>
      tpu.wait_dma2 semaphore(%arg20 : memref<!tpu.dma_semaphore, #tpu.memory_space<semaphore_mem>>) src(%arg16 : memref<16384xf32, #tpu.memory_space<vmem>>) dst(%dma_wait3A_284 : memref<16384xf32, #tpu.memory_space<hbm>>)
      %scan3A_285 = arith.constant 0 : i32
      %scan3A_286 = arith.constant 0 : i32
      %scan3A_287 = arith.constant 256 : i32
      %scan3A_288 = arith.addi %scan3A_286, %scan3A_287 : i32
      %scan3A_289 = arith.constant 8 : i32
      %scan3A_290 = scf.for %scan3A_349 = %scan3A_286 to %scan3A_288 step %scan3A_289 iter_args(%scan3A_350 = %scan3A_285) -> (i32)  : i32 {
        %mul3A_351 = arith.constant 16 : i32
        %mul3A_352 = arith.muli %scan3A_349, %mul3A_351 : i32
        %get3A = arith.index_cast %mul3A_352 : i32 to index
        %get3A_353 = tpu.vector_load %arg11[%get3A] {strides = array<i32>} : memref<4096xi32, #tpu.memory_space<vmem>>, vector<16xi32>,
        %broadcast_in_dim3A_354 = arith.constant 0 : i32
        %broadcast_in_dim3A_355 = vector.broadcast %broadcast_in_dim3A_354 : i32 to vector<16xi32>
        %gather3A = tpu.vector_load_idx %arg14[%broadcast_in_dim3A_355, %get3A_353] : memref<4x8192xf32, #tpu.memory_space<vmem>>[vector<16xi32>, vector<16xi32>], vector<16xf32>,
        %mul3A_356 = arith.constant 16 : i32
        %mul3A_357 = arith.muli %scan3A_349, %mul3A_356 : i32
        %add3A_358 = arith.constant 0 : i32
        %add3A_359 = arith.addi %add3A_358, %mul3A_357 : i32
        %swap3A = arith.index_cast %add3A_359 : i32 to index
        %swap3A_360 = tpu.vector_load %arg16[%swap3A] {strides = array<i32>} : memref<16384xf32, #tpu.memory_space<vmem>>, vector<16xf32>,
        tpu.vector_store %arg16[%swap3A], %gather3A {strides = array<i32>} : memref<16384xf32, #tpu.memory_space<vmem>>, vector<16xf32>,
        %broadcast_in_dim3A_361 = arith.constant 1 : i32
        %broadcast_in_dim3A_362 = vector.broadcast %broadcast_in_dim3A_361 : i32 to vector<16xi32>
        %gather3A_363 = tpu.vector_load_idx %arg14[%broadcast_in_dim3A_362, %get3A_353] : memref<4x8192xf32, #tpu.memory_space<vmem>>[vector<16xi32>, vector<16xi32>], vector<16xf32>,
        %mul3A_364 = arith.constant 16 : i32
        %mul3A_365 = arith.muli %scan3A_349, %mul3A_364 : i32
        %add3A_366 = arith.constant 4096 : i32
        %add3A_367 = arith.addi %add3A_366, %mul3A_365 : i32
        %swap3A_368 = arith.index_cast %add3A_367 : i32 to index
        %swap3A_369 = tpu.vector_load %arg16[%swap3A_368] {strides = array<i32>} : memref<16384xf32, #tpu.memory_space<vmem>>, vector<16xf32>,
        tpu.vector_store %arg16[%swap3A_368], %gather3A_363 {strides = array<i32>} : memref<16384xf32, #tpu.memory_space<vmem>>, vector<16xf32>,
        %broadcast_in_dim3A_370 = arith.constant 2 : i32
        %broadcast_in_dim3A_371 = vector.broadcast %broadcast_in_dim3A_370 : i32 to vector<16xi32>
        %gather3A_372 = tpu.vector_load_idx %arg14[%broadcast_in_dim3A_371, %get3A_353] : memref<4x8192xf32, #tpu.memory_space<vmem>>[vector<16xi32>, vector<16xi32>], vector<16xf32>,
        %mul3A_373 = arith.constant 16 : i32
        %mul3A_374 = arith.muli %scan3A_349, %mul3A_373 : i32
        %add3A_375 = arith.constant 8192 : i32
        %add3A_376 = arith.addi %add3A_375, %mul3A_374 : i32
        %swap3A_377 = arith.index_cast %add3A_376 : i32 to index
        %swap3A_378 = tpu.vector_load %arg16[%swap3A_377] {strides = array<i32>} : memref<16384xf32, #tpu.memory_space<vmem>>, vector<16xf32>,
        tpu.vector_store %arg16[%swap3A_377], %gather3A_372 {strides = array<i32>} : memref<16384xf32, #tpu.memory_space<vmem>>, vector<16xf32>,
        %broadcast_in_dim3A_379 = arith.constant 3 : i32
        %broadcast_in_dim3A_380 = vector.broadcast %broadcast_in_dim3A_379 : i32 to vector<16xi32>
        %gather3A_381 = tpu.vector_load_idx %arg14[%broadcast_in_dim3A_380, %get3A_353] : memref<4x8192xf32, #tpu.memory_space<vmem>>[vector<16xi32>, vector<16xi32>], vector<16xf32>,
        %mul3A_382 = arith.constant 16 : i32
        %mul3A_383 = arith.muli %scan3A_349, %mul3A_382 : i32
        %add3A_384 = arith.constant 12288 : i32
        %add3A_385 = arith.addi %add3A_384, %mul3A_383 : i32
        %swap3A_386 = arith.index_cast %add3A_385 : i32 to index
        %swap3A_387 = tpu.vector_load %arg16[%swap3A_386] {strides = array<i32>} : memref<16384xf32, #tpu.memory_space<vmem>>, vector<16xf32>,
        tpu.vector_store %arg16[%swap3A_386], %gather3A_381 {strides = array<i32>} : memref<16384xf32, #tpu.memory_space<vmem>>, vector<16xf32>,
        %scan3A_388 = arith.constant 0 : i32
        %scan3A_389 = arith.constant 1 : i32
        %scan3A_390 = arith.addi %scan3A_349, %scan3A_389 : i32
        %mul3A_391 = arith.constant 16 : i32
        %mul3A_392 = arith.muli %scan3A_390, %mul3A_391 : i32
        %get3A_393 = arith.index_cast %mul3A_392 : i32 to index
        %get3A_394 = tpu.vector_load %arg11[%get3A_393] {strides = array<i32>} : memref<4096xi32, #tpu.memory_space<vmem>>, vector<16xi32>,
        %broadcast_in_dim3A_395 = arith.constant 0 : i32
        %broadcast_in_dim3A_396 = vector.broadcast %broadcast_in_dim3A_395 : i32 to vector<16xi32>
        %gather3A_397 = tpu.vector_load_idx %arg14[%broadcast_in_dim3A_396, %get3A_394] : memref<4x8192xf32, #tpu.memory_space<vmem>>[vector<16xi32>, vector<16xi32>], vector<16xf32>,
        %mul3A_398 = arith.constant 16 : i32
        %mul3A_399 = arith.muli %scan3A_390, %mul3A_398 : i32
        %add3A_400 = arith.constant 0 : i32
        %add3A_401 = arith.addi %add3A_400, %mul3A_399 : i32
        %swap3A_402 = arith.index_cast %add3A_401 : i32 to index
        %swap3A_403 = tpu.vector_load %arg16[%swap3A_402] {strides = array<i32>} : memref<16384xf32, #tpu.memory_space<vmem>>, vector<16xf32>,
        tpu.vector_store %arg16[%swap3A_402], %gather3A_397 {strides = array<i32>} : memref<16384xf32, #tpu.memory_space<vmem>>, vector<16xf32>,
        %broadcast_in_dim3A_404 = arith.constant 1 : i32
        %broadcast_in_dim3A_405 = vector.broadcast %broadcast_in_dim3A_404 : i32 to vector<16xi32>
        %gather3A_406 = tpu.vector_load_idx %arg14[%broadcast_in_dim3A_405, %get3A_394] : memref<4x8192xf32, #tpu.memory_space<vmem>>[vector<16xi32>, vector<16xi32>], vector<16xf32>,
        %mul3A_407 = arith.constant 16 : i32
        %mul3A_408 = arith.muli %scan3A_390, %mul3A_407 : i32
        %add3A_409 = arith.constant 4096 : i32
        %add3A_410 = arith.addi %add3A_409, %mul3A_408 : i32
        %swap3A_411 = arith.index_cast %add3A_410 : i32 to index
        %swap3A_412 = tpu.vector_load %arg16[%swap3A_411] {strides = array<i32>} : memref<16384xf32, #tpu.memory_space<vmem>>, vector<16xf32>,
        tpu.vector_store %arg16[%swap3A_411], %gather3A_406 {strides = array<i32>} : memref<16384xf32, #tpu.memory_space<vmem>>, vector<16xf32>,
        %broadcast_in_dim3A_413 = arith.constant 2 : i32
        %broadcast_in_dim3A_414 = vector.broadcast %broadcast_in_dim3A_413 : i32 to vector<16xi32>
        %gather3A_415 = tpu.vector_load_idx %arg14[%broadcast_in_dim3A_414, %get3A_394] : memref<4x8192xf32, #tpu.memory_space<vmem>>[vector<16xi32>, vector<16xi32>], vector<16xf32>,
        %mul3A_416 = arith.constant 16 : i32
        %mul3A_417 = arith.muli %scan3A_390, %mul3A_416 : i32
        %add3A_418 = arith.constant 8192 : i32
        %add3A_419 = arith.addi %add3A_418, %mul3A_417 : i32
        %swap3A_420 = arith.index_cast %add3A_419 : i32 to index
        %swap3A_421 = tpu.vector_load %arg16[%swap3A_420] {strides = array<i32>} : memref<16384xf32, #tpu.memory_space<vmem>>, vector<16xf32>,
        tpu.vector_store %arg16[%swap3A_420], %gather3A_415 {strides = array<i32>} : memref<16384xf32, #tpu.memory_space<vmem>>, vector<16xf32>,
        %broadcast_in_dim3A_422 = arith.constant 3 : i32
        %broadcast_in_dim3A_423 = vector.broadcast %broadcast_in_dim3A_422 : i32 to vector<16xi32>
        %gather3A_424 = tpu.vector_load_idx %arg14[%broadcast_in_dim3A_423, %get3A_394] : memref<4x8192xf32, #tpu.memory_space<vmem>>[vector<16xi32>, vector<16xi32>], vector<16xf32>,
        %mul3A_425 = arith.constant 16 : i32
        %mul3A_426 = arith.muli %scan3A_390, %mul3A_425 : i32
        %add3A_427 = arith.constant 12288 : i32
        %add3A_428 = arith.addi %add3A_427, %mul3A_426 : i32
        %swap3A_429 = arith.index_cast %add3A_428 : i32 to index
        %swap3A_430 = tpu.vector_load %arg16[%swap3A_429] {strides = array<i32>} : memref<16384xf32, #tpu.memory_space<vmem>>, vector<16xf32>,
        tpu.vector_store %arg16[%swap3A_429], %gather3A_424 {strides = array<i32>} : memref<16384xf32, #tpu.memory_space<vmem>>, vector<16xf32>,
        %scan3A_431 = arith.constant 0 : i32
        %scan3A_432 = arith.constant 2 : i32
        %scan3A_433 = arith.addi %scan3A_349, %scan3A_432 : i32
        %mul3A_434 = arith.constant 16 : i32
        %mul3A_435 = arith.muli %scan3A_433, %mul3A_434 : i32
        %get3A_436 = arith.index_cast %mul3A_435 : i32 to index
        %get3A_437 = tpu.vector_load %arg11[%get3A_436] {strides = array<i32>} : memref<4096xi32, #tpu.memory_space<vmem>>, vector<16xi32>,
        %broadcast_in_dim3A_438 = arith.constant 0 : i32
        %broadcast_in_dim3A_439 = vector.broadcast %broadcast_in_dim3A_438 : i32 to vector<16xi32>
        %gather3A_440 = tpu.vector_load_idx %arg14[%broadcast_in_dim3A_439, %get3A_437] : memref<4x8192xf32, #tpu.memory_space<vmem>>[vector<16xi32>, vector<16xi32>], vector<16xf32>,
        %mul3A_441 = arith.constant 16 : i32
        %mul3A_442 = arith.muli %scan3A_433, %mul3A_441 : i32
        %add3A_443 = arith.constant 0 : i32
        %add3A_444 = arith.addi %add3A_443, %mul3A_442 : i32
        %swap3A_445 = arith.index_cast %add3A_444 : i32 to index
        %swap3A_446 = tpu.vector_load %arg16[%swap3A_445] {strides = array<i32>} : memref<16384xf32, #tpu.memory_space<vmem>>, vector<16xf32>,
        tpu.vector_store %arg16[%swap3A_445], %gather3A_440 {strides = array<i32>} : memref<16384xf32, #tpu.memory_space<vmem>>, vector<16xf32>,
        %broadcast_in_dim3A_447 = arith.constant 1 : i32
        %broadcast_in_dim3A_448 = vector.broadcast %broadcast_in_dim3A_447 : i32 to vector<16xi32>
        %gather3A_449 = tpu.vector_load_idx %arg14[%broadcast_in_dim3A_448, %get3A_437] : memref<4x8192xf32, #tpu.memory_space<vmem>>[vector<16xi32>, vector<16xi32>], vector<16xf32>,
        %mul3A_450 = arith.constant 16 : i32
        %mul3A_451 = arith.muli %scan3A_433, %mul3A_450 : i32
        %add3A_452 = arith.constant 4096 : i32
        %add3A_453 = arith.addi %add3A_452, %mul3A_451 : i32
        %swap3A_454 = arith.index_cast %add3A_453 : i32 to index
        %swap3A_455 = tpu.vector_load %arg16[%swap3A_454] {strides = array<i32>} : memref<16384xf32, #tpu.memory_space<vmem>>, vector<16xf32>,
        tpu.vector_store %arg16[%swap3A_454], %gather3A_449 {strides = array<i32>} : memref<16384xf32, #tpu.memory_space<vmem>>, vector<16xf32>,
        %broadcast_in_dim3A_456 = arith.constant 2 : i32
        %broadcast_in_dim3A_457 = vector.broadcast %broadcast_in_dim3A_456 : i32 to vector<16xi32>
        %gather3A_458 = tpu.vector_load_idx %arg14[%broadcast_in_dim3A_457, %get3A_437] : memref<4x8192xf32, #tpu.memory_space<vmem>>[vector<16xi32>, vector<16xi32>], vector<16xf32>,
        %mul3A_459 = arith.constant 16 : i32
        %mul3A_460 = arith.muli %scan3A_433, %mul3A_459 : i32
        %add3A_461 = arith.constant 8192 : i32
        %add3A_462 = arith.addi %add3A_461, %mul3A_460 : i32
        %swap3A_463 = arith.index_cast %add3A_462 : i32 to index
        %swap3A_464 = tpu.vector_load %arg16[%swap3A_463] {strides = array<i32>} : memref<16384xf32, #tpu.memory_space<vmem>>, vector<16xf32>,
        tpu.vector_store %arg16[%swap3A_463], %gather3A_458 {strides = array<i32>} : memref<16384xf32, #tpu.memory_space<vmem>>, vector<16xf32>,
        %broadcast_in_dim3A_465 = arith.constant 3 : i32
        %broadcast_in_dim3A_466 = vector.broadcast %broadcast_in_dim3A_465 : i32 to vector<16xi32>
        %gather3A_467 = tpu.vector_load_idx %arg14[%broadcast_in_dim3A_466, %get3A_437] : memref<4x8192xf32, #tpu.memory_space<vmem>>[vector<16xi32>, vector<16xi32>], vector<16xf32>,
        %mul3A_468 = arith.constant 16 : i32
        %mul3A_469 = arith.muli %scan3A_433, %mul3A_468 : i32
        %add3A_470 = arith.constant 12288 : i32
        %add3A_471 = arith.addi %add3A_470, %mul3A_469 : i32
        %swap3A_472 = arith.index_cast %add3A_471 : i32 to index
        %swap3A_473 = tpu.vector_load %arg16[%swap3A_472] {strides = array<i32>} : memref<16384xf32, #tpu.memory_space<vmem>>, vector<16xf32>,
        tpu.vector_store %arg16[%swap3A_472], %gather3A_467 {strides = array<i32>} : memref<16384xf32, #tpu.memory_space<vmem>>, vector<16xf32>,
        %scan3A_474 = arith.constant 0 : i32
        %scan3A_475 = arith.constant 3 : i32
        %scan3A_476 = arith.addi %scan3A_349, %scan3A_475 : i32
        %mul3A_477 = arith.constant 16 : i32
        %mul3A_478 = arith.muli %scan3A_476, %mul3A_477 : i32
        %get3A_479 = arith.index_cast %mul3A_478 : i32 to index
        %get3A_480 = tpu.vector_load %arg11[%get3A_479] {strides = array<i32>} : memref<4096xi32, #tpu.memory_space<vmem>>, vector<16xi32>,
        %broadcast_in_dim3A_481 = arith.constant 0 : i32
        %broadcast_in_dim3A_482 = vector.broadcast %broadcast_in_dim3A_481 : i32 to vector<16xi32>
        %gather3A_483 = tpu.vector_load_idx %arg14[%broadcast_in_dim3A_482, %get3A_480] : memref<4x8192xf32, #tpu.memory_space<vmem>>[vector<16xi32>, vector<16xi32>], vector<16xf32>,
        %mul3A_484 = arith.constant 16 : i32
        %mul3A_485 = arith.muli %scan3A_476, %mul3A_484 : i32
        %add3A_486 = arith.constant 0 : i32
        %add3A_487 = arith.addi %add3A_486, %mul3A_485 : i32
        %swap3A_488 = arith.index_cast %add3A_487 : i32 to index
        %swap3A_489 = tpu.vector_load %arg16[%swap3A_488] {strides = array<i32>} : memref<16384xf32, #tpu.memory_space<vmem>>, vector<16xf32>,
        tpu.vector_store %arg16[%swap3A_488], %gather3A_483 {strides = array<i32>} : memref<16384xf32, #tpu.memory_space<vmem>>, vector<16xf32>,
        %broadcast_in_dim3A_490 = arith.constant 1 : i32
        %broadcast_in_dim3A_491 = vector.broadcast %broadcast_in_dim3A_490 : i32 to vector<16xi32>
        %gather3A_492 = tpu.vector_load_idx %arg14[%broadcast_in_dim3A_491, %get3A_480] : memref<4x8192xf32, #tpu.memory_space<vmem>>[vector<16xi32>, vector<16xi32>], vector<16xf32>,
        %mul3A_493 = arith.constant 16 : i32
        %mul3A_494 = arith.muli %scan3A_476, %mul3A_493 : i32
        %add3A_495 = arith.constant 4096 : i32
        %add3A_496 = arith.addi %add3A_495, %mul3A_494 : i32
        %swap3A_497 = arith.index_cast %add3A_496 : i32 to index
        %swap3A_498 = tpu.vector_load %arg16[%swap3A_497] {strides = array<i32>} : memref<16384xf32, #tpu.memory_space<vmem>>, vector<16xf32>,
        tpu.vector_store %arg16[%swap3A_497], %gather3A_492 {strides = array<i32>} : memref<16384xf32, #tpu.memory_space<vmem>>, vector<16xf32>,
        %broadcast_in_dim3A_499 = arith.constant 2 : i32
        %broadcast_in_dim3A_500 = vector.broadcast %broadcast_in_dim3A_499 : i32 to vector<16xi32>
        %gather3A_501 = tpu.vector_load_idx %arg14[%broadcast_in_dim3A_500, %get3A_480] : memref<4x8192xf32, #tpu.memory_space<vmem>>[vector<16xi32>, vector<16xi32>], vector<16xf32>,
        %mul3A_502 = arith.constant 16 : i32
        %mul3A_503 = arith.muli %scan3A_476, %mul3A_502 : i32
        %add3A_504 = arith.constant 8192 : i32
        %add3A_505 = arith.addi %add3A_504, %mul3A_503 : i32
        %swap3A_506 = arith.index_cast %add3A_505 : i32 to index
        %swap3A_507 = tpu.vector_load %arg16[%swap3A_506] {strides = array<i32>} : memref<16384xf32, #tpu.memory_space<vmem>>, vector<16xf32>,
        tpu.vector_store %arg16[%swap3A_506], %gather3A_501 {strides = array<i32>} : memref<16384xf32, #tpu.memory_space<vmem>>, vector<16xf32>,
        %broadcast_in_dim3A_508 = arith.constant 3 : i32
        %broadcast_in_dim3A_509 = vector.broadcast %broadcast_in_dim3A_508 : i32 to vector<16xi32>
        %gather3A_510 = tpu.vector_load_idx %arg14[%broadcast_in_dim3A_509, %get3A_480] : memref<4x8192xf32, #tpu.memory_space<vmem>>[vector<16xi32>, vector<16xi32>], vector<16xf32>,
        %mul3A_511 = arith.constant 16 : i32
        %mul3A_512 = arith.muli %scan3A_476, %mul3A_511 : i32
        %add3A_513 = arith.constant 12288 : i32
        %add3A_514 = arith.addi %add3A_513, %mul3A_512 : i32
        %swap3A_515 = arith.index_cast %add3A_514 : i32 to index
        %swap3A_516 = tpu.vector_load %arg16[%swap3A_515] {strides = array<i32>} : memref<16384xf32, #tpu.memory_space<vmem>>, vector<16xf32>,
        tpu.vector_store %arg16[%swap3A_515], %gather3A_510 {strides = array<i32>} : memref<16384xf32, #tpu.memory_space<vmem>>, vector<16xf32>,
        %scan3A_517 = arith.constant 0 : i32
        %scan3A_518 = arith.constant 4 : i32
        %scan3A_519 = arith.addi %scan3A_349, %scan3A_518 : i32
        %mul3A_520 = arith.constant 16 : i32
        %mul3A_521 = arith.muli %scan3A_519, %mul3A_520 : i32
        %get3A_522 = arith.index_cast %mul3A_521 : i32 to index
        %get3A_523 = tpu.vector_load %arg11[%get3A_522] {strides = array<i32>} : memref<4096xi32, #tpu.memory_space<vmem>>, vector<16xi32>,
        %broadcast_in_dim3A_524 = arith.constant 0 : i32
        %broadcast_in_dim3A_525 = vector.broadcast %broadcast_in_dim3A_524 : i32 to vector<16xi32>
        %gather3A_526 = tpu.vector_load_idx %arg14[%broadcast_in_dim3A_525, %get3A_523] : memref<4x8192xf32, #tpu.memory_space<vmem>>[vector<16xi32>, vector<16xi32>], vector<16xf32>,
        %mul3A_527 = arith.constant 16 : i32
        %mul3A_528 = arith.muli %scan3A_519, %mul3A_527 : i32
        %add3A_529 = arith.constant 0 : i32
        %add3A_530 = arith.addi %add3A_529, %mul3A_528 : i32
        %swap3A_531 = arith.index_cast %add3A_530 : i32 to index
        %swap3A_532 = tpu.vector_load %arg16[%swap3A_531] {strides = array<i32>} : memref<16384xf32, #tpu.memory_space<vmem>>, vector<16xf32>,
        tpu.vector_store %arg16[%swap3A_531], %gather3A_526 {strides = array<i32>} : memref<16384xf32, #tpu.memory_space<vmem>>, vector<16xf32>,
        %broadcast_in_dim3A_533 = arith.constant 1 : i32
        %broadcast_in_dim3A_534 = vector.broadcast %broadcast_in_dim3A_533 : i32 to vector<16xi32>
        %gather3A_535 = tpu.vector_load_idx %arg14[%broadcast_in_dim3A_534, %get3A_523] : memref<4x8192xf32, #tpu.memory_space<vmem>>[vector<16xi32>, vector<16xi32>], vector<16xf32>,
        %mul3A_536 = arith.constant 16 : i32
        %mul3A_537 = arith.muli %scan3A_519, %mul3A_536 : i32
        %add3A_538 = arith.constant 4096 : i32
        %add3A_539 = arith.addi %add3A_538, %mul3A_537 : i32
        %swap3A_540 = arith.index_cast %add3A_539 : i32 to index
        %swap3A_541 = tpu.vector_load %arg16[%swap3A_540] {strides = array<i32>} : memref<16384xf32, #tpu.memory_space<vmem>>, vector<16xf32>,
        tpu.vector_store %arg16[%swap3A_540], %gather3A_535 {strides = array<i32>} : memref<16384xf32, #tpu.memory_space<vmem>>, vector<16xf32>,
        %broadcast_in_dim3A_542 = arith.constant 2 : i32
        %broadcast_in_dim3A_543 = vector.broadcast %broadcast_in_dim3A_542 : i32 to vector<16xi32>
        %gather3A_544 = tpu.vector_load_idx %arg14[%broadcast_in_dim3A_543, %get3A_523] : memref<4x8192xf32, #tpu.memory_space<vmem>>[vector<16xi32>, vector<16xi32>], vector<16xf32>,
        %mul3A_545 = arith.constant 16 : i32
        %mul3A_546 = arith.muli %scan3A_519, %mul3A_545 : i32
        %add3A_547 = arith.constant 8192 : i32
        %add3A_548 = arith.addi %add3A_547, %mul3A_546 : i32
        %swap3A_549 = arith.index_cast %add3A_548 : i32 to index
        %swap3A_550 = tpu.vector_load %arg16[%swap3A_549] {strides = array<i32>} : memref<16384xf32, #tpu.memory_space<vmem>>, vector<16xf32>,
        tpu.vector_store %arg16[%swap3A_549], %gather3A_544 {strides = array<i32>} : memref<16384xf32, #tpu.memory_space<vmem>>, vector<16xf32>,
        %broadcast_in_dim3A_551 = arith.constant 3 : i32
        %broadcast_in_dim3A_552 = vector.broadcast %broadcast_in_dim3A_551 : i32 to vector<16xi32>
        %gather3A_553 = tpu.vector_load_idx %arg14[%broadcast_in_dim3A_552, %get3A_523] : memref<4x8192xf32, #tpu.memory_space<vmem>>[vector<16xi32>, vector<16xi32>], vector<16xf32>,
        %mul3A_554 = arith.constant 16 : i32
        %mul3A_555 = arith.muli %scan3A_519, %mul3A_554 : i32
        %add3A_556 = arith.constant 12288 : i32
        %add3A_557 = arith.addi %add3A_556, %mul3A_555 : i32
        %swap3A_558 = arith.index_cast %add3A_557 : i32 to index
        %swap3A_559 = tpu.vector_load %arg16[%swap3A_558] {strides = array<i32>} : memref<16384xf32, #tpu.memory_space<vmem>>, vector<16xf32>,
        tpu.vector_store %arg16[%swap3A_558], %gather3A_553 {strides = array<i32>} : memref<16384xf32, #tpu.memory_space<vmem>>, vector<16xf32>,
        %scan3A_560 = arith.constant 0 : i32
        %scan3A_561 = arith.constant 5 : i32
        %scan3A_562 = arith.addi %scan3A_349, %scan3A_561 : i32
        %mul3A_563 = arith.constant 16 : i32
        %mul3A_564 = arith.muli %scan3A_562, %mul3A_563 : i32
        %get3A_565 = arith.index_cast %mul3A_564 : i32 to index
        %get3A_566 = tpu.vector_load %arg11[%get3A_565] {strides = array<i32>} : memref<4096xi32, #tpu.memory_space<vmem>>, vector<16xi32>,
        %broadcast_in_dim3A_567 = arith.constant 0 : i32
        %broadcast_in_dim3A_568 = vector.broadcast %broadcast_in_dim3A_567 : i32 to vector<16xi32>
        %gather3A_569 = tpu.vector_load_idx %arg14[%broadcast_in_dim3A_568, %get3A_566] : memref<4x8192xf32, #tpu.memory_space<vmem>>[vector<16xi32>, vector<16xi32>], vector<16xf32>,
        %mul3A_570 = arith.constant 16 : i32
        %mul3A_571 = arith.muli %scan3A_562, %mul3A_570 : i32
        %add3A_572 = arith.constant 0 : i32
        %add3A_573 = arith.addi %add3A_572, %mul3A_571 : i32
        %swap3A_574 = arith.index_cast %add3A_573 : i32 to index
        %swap3A_575 = tpu.vector_load %arg16[%swap3A_574] {strides = array<i32>} : memref<16384xf32, #tpu.memory_space<vmem>>, vector<16xf32>,
        tpu.vector_store %arg16[%swap3A_574], %gather3A_569 {strides = array<i32>} : memref<16384xf32, #tpu.memory_space<vmem>>, vector<16xf32>,
        %broadcast_in_dim3A_576 = arith.constant 1 : i32
        %broadcast_in_dim3A_577 = vector.broadcast %broadcast_in_dim3A_576 : i32 to vector<16xi32>
        %gather3A_578 = tpu.vector_load_idx %arg14[%broadcast_in_dim3A_577, %get3A_566] : memref<4x8192xf32, #tpu.memory_space<vmem>>[vector<16xi32>, vector<16xi32>], vector<16xf32>,
        %mul3A_579 = arith.constant 16 : i32
        %mul3A_580 = arith.muli %scan3A_562, %mul3A_579 : i32
        %add3A_581 = arith.constant 4096 : i32
        %add3A_582 = arith.addi %add3A_581, %mul3A_580 : i32
        %swap3A_583 = arith.index_cast %add3A_582 : i32 to index
        %swap3A_584 = tpu.vector_load %arg16[%swap3A_583] {strides = array<i32>} : memref<16384xf32, #tpu.memory_space<vmem>>, vector<16xf32>,
        tpu.vector_store %arg16[%swap3A_583], %gather3A_578 {strides = array<i32>} : memref<16384xf32, #tpu.memory_space<vmem>>, vector<16xf32>,
        %broadcast_in_dim3A_585 = arith.constant 2 : i32
        %broadcast_in_dim3A_586 = vector.broadcast %broadcast_in_dim3A_585 : i32 to vector<16xi32>
        %gather3A_587 = tpu.vector_load_idx %arg14[%broadcast_in_dim3A_586, %get3A_566] : memref<4x8192xf32, #tpu.memory_space<vmem>>[vector<16xi32>, vector<16xi32>], vector<16xf32>,
        %mul3A_588 = arith.constant 16 : i32
        %mul3A_589 = arith.muli %scan3A_562, %mul3A_588 : i32
        %add3A_590 = arith.constant 8192 : i32
        %add3A_591 = arith.addi %add3A_590, %mul3A_589 : i32
        %swap3A_592 = arith.index_cast %add3A_591 : i32 to index
        %swap3A_593 = tpu.vector_load %arg16[%swap3A_592] {strides = array<i32>} : memref<16384xf32, #tpu.memory_space<vmem>>, vector<16xf32>,
        tpu.vector_store %arg16[%swap3A_592], %gather3A_587 {strides = array<i32>} : memref<16384xf32, #tpu.memory_space<vmem>>, vector<16xf32>,
        %broadcast_in_dim3A_594 = arith.constant 3 : i32
        %broadcast_in_dim3A_595 = vector.broadcast %broadcast_in_dim3A_594 : i32 to vector<16xi32>
        %gather3A_596 = tpu.vector_load_idx %arg14[%broadcast_in_dim3A_595, %get3A_566] : memref<4x8192xf32, #tpu.memory_space<vmem>>[vector<16xi32>, vector<16xi32>], vector<16xf32>,
        %mul3A_597 = arith.constant 16 : i32
        %mul3A_598 = arith.muli %scan3A_562, %mul3A_597 : i32
        %add3A_599 = arith.constant 12288 : i32
        %add3A_600 = arith.addi %add3A_599, %mul3A_598 : i32
        %swap3A_601 = arith.index_cast %add3A_600 : i32 to index
        %swap3A_602 = tpu.vector_load %arg16[%swap3A_601] {strides = array<i32>} : memref<16384xf32, #tpu.memory_space<vmem>>, vector<16xf32>,
        tpu.vector_store %arg16[%swap3A_601], %gather3A_596 {strides = array<i32>} : memref<16384xf32, #tpu.memory_space<vmem>>, vector<16xf32>,
        %scan3A_603 = arith.constant 0 : i32
        %scan3A_604 = arith.constant 6 : i32
        %scan3A_605 = arith.addi %scan3A_349, %scan3A_604 : i32
        %mul3A_606 = arith.constant 16 : i32
        %mul3A_607 = arith.muli %scan3A_605, %mul3A_606 : i32
        %get3A_608 = arith.index_cast %mul3A_607 : i32 to index
        %get3A_609 = tpu.vector_load %arg11[%get3A_608] {strides = array<i32>} : memref<4096xi32, #tpu.memory_space<vmem>>, vector<16xi32>,
        %broadcast_in_dim3A_610 = arith.constant 0 : i32
        %broadcast_in_dim3A_611 = vector.broadcast %broadcast_in_dim3A_610 : i32 to vector<16xi32>
        %gather3A_612 = tpu.vector_load_idx %arg14[%broadcast_in_dim3A_611, %get3A_609] : memref<4x8192xf32, #tpu.memory_space<vmem>>[vector<16xi32>, vector<16xi32>], vector<16xf32>,
        %mul3A_613 = arith.constant 16 : i32
        %mul3A_614 = arith.muli %scan3A_605, %mul3A_613 : i32
        %add3A_615 = arith.constant 0 : i32
        %add3A_616 = arith.addi %add3A_615, %mul3A_614 : i32
        %swap3A_617 = arith.index_cast %add3A_616 : i32 to index
        %swap3A_618 = tpu.vector_load %arg16[%swap3A_617] {strides = array<i32>} : memref<16384xf32, #tpu.memory_space<vmem>>, vector<16xf32>,
        tpu.vector_store %arg16[%swap3A_617], %gather3A_612 {strides = array<i32>} : memref<16384xf32, #tpu.memory_space<vmem>>, vector<16xf32>,
        %broadcast_in_dim3A_619 = arith.constant 1 : i32
        %broadcast_in_dim3A_620 = vector.broadcast %broadcast_in_dim3A_619 : i32 to vector<16xi32>
        %gather3A_621 = tpu.vector_load_idx %arg14[%broadcast_in_dim3A_620, %get3A_609] : memref<4x8192xf32, #tpu.memory_space<vmem>>[vector<16xi32>, vector<16xi32>], vector<16xf32>,
        %mul3A_622 = arith.constant 16 : i32
        %mul3A_623 = arith.muli %scan3A_605, %mul3A_622 : i32
        %add3A_624 = arith.constant 4096 : i32
        %add3A_625 = arith.addi %add3A_624, %mul3A_623 : i32
        %swap3A_626 = arith.index_cast %add3A_625 : i32 to index
        %swap3A_627 = tpu.vector_load %arg16[%swap3A_626] {strides = array<i32>} : memref<16384xf32, #tpu.memory_space<vmem>>, vector<16xf32>,
        tpu.vector_store %arg16[%swap3A_626], %gather3A_621 {strides = array<i32>} : memref<16384xf32, #tpu.memory_space<vmem>>, vector<16xf32>,
        %broadcast_in_dim3A_628 = arith.constant 2 : i32
        %broadcast_in_dim3A_629 = vector.broadcast %broadcast_in_dim3A_628 : i32 to vector<16xi32>
        %gather3A_630 = tpu.vector_load_idx %arg14[%broadcast_in_dim3A_629, %get3A_609] : memref<4x8192xf32, #tpu.memory_space<vmem>>[vector<16xi32>, vector<16xi32>], vector<16xf32>,
        %mul3A_631 = arith.constant 16 : i32
        %mul3A_632 = arith.muli %scan3A_605, %mul3A_631 : i32
        %add3A_633 = arith.constant 8192 : i32
        %add3A_634 = arith.addi %add3A_633, %mul3A_632 : i32
        %swap3A_635 = arith.index_cast %add3A_634 : i32 to index
        %swap3A_636 = tpu.vector_load %arg16[%swap3A_635] {strides = array<i32>} : memref<16384xf32, #tpu.memory_space<vmem>>, vector<16xf32>,
        tpu.vector_store %arg16[%swap3A_635], %gather3A_630 {strides = array<i32>} : memref<16384xf32, #tpu.memory_space<vmem>>, vector<16xf32>,
        %broadcast_in_dim3A_637 = arith.constant 3 : i32
        %broadcast_in_dim3A_638 = vector.broadcast %broadcast_in_dim3A_637 : i32 to vector<16xi32>
        %gather3A_639 = tpu.vector_load_idx %arg14[%broadcast_in_dim3A_638, %get3A_609] : memref<4x8192xf32, #tpu.memory_space<vmem>>[vector<16xi32>, vector<16xi32>], vector<16xf32>,
        %mul3A_640 = arith.constant 16 : i32
        %mul3A_641 = arith.muli %scan3A_605, %mul3A_640 : i32
        %add3A_642 = arith.constant 12288 : i32
        %add3A_643 = arith.addi %add3A_642, %mul3A_641 : i32
        %swap3A_644 = arith.index_cast %add3A_643 : i32 to index
        %swap3A_645 = tpu.vector_load %arg16[%swap3A_644] {strides = array<i32>} : memref<16384xf32, #tpu.memory_space<vmem>>, vector<16xf32>,
        tpu.vector_store %arg16[%swap3A_644], %gather3A_639 {strides = array<i32>} : memref<16384xf32, #tpu.memory_space<vmem>>, vector<16xf32>,
        %scan3A_646 = arith.constant 0 : i32
        %scan3A_647 = arith.constant 7 : i32
        %scan3A_648 = arith.addi %scan3A_349, %scan3A_647 : i32
        %mul3A_649 = arith.constant 16 : i32
        %mul3A_650 = arith.muli %scan3A_648, %mul3A_649 : i32
        %get3A_651 = arith.index_cast %mul3A_650 : i32 to index
        %get3A_652 = tpu.vector_load %arg11[%get3A_651] {strides = array<i32>} : memref<4096xi32, #tpu.memory_space<vmem>>, vector<16xi32>,
        %broadcast_in_dim3A_653 = arith.constant 0 : i32
        %broadcast_in_dim3A_654 = vector.broadcast %broadcast_in_dim3A_653 : i32 to vector<16xi32>
        %gather3A_655 = tpu.vector_load_idx %arg14[%broadcast_in_dim3A_654, %get3A_652] : memref<4x8192xf32, #tpu.memory_space<vmem>>[vector<16xi32>, vector<16xi32>], vector<16xf32>,
        %mul3A_656 = arith.constant 16 : i32
        %mul3A_657 = arith.muli %scan3A_648, %mul3A_656 : i32
        %add3A_658 = arith.constant 0 : i32
        %add3A_659 = arith.addi %add3A_658, %mul3A_657 : i32
        %swap3A_660 = arith.index_cast %add3A_659 : i32 to index
        %swap3A_661 = tpu.vector_load %arg16[%swap3A_660] {strides = array<i32>} : memref<16384xf32, #tpu.memory_space<vmem>>, vector<16xf32>,
        tpu.vector_store %arg16[%swap3A_660], %gather3A_655 {strides = array<i32>} : memref<16384xf32, #tpu.memory_space<vmem>>, vector<16xf32>,
        %broadcast_in_dim3A_662 = arith.constant 1 : i32
        %broadcast_in_dim3A_663 = vector.broadcast %broadcast_in_dim3A_662 : i32 to vector<16xi32>
        %gather3A_664 = tpu.vector_load_idx %arg14[%broadcast_in_dim3A_663, %get3A_652] : memref<4x8192xf32, #tpu.memory_space<vmem>>[vector<16xi32>, vector<16xi32>], vector<16xf32>,
        %mul3A_665 = arith.constant 16 : i32
        %mul3A_666 = arith.muli %scan3A_648, %mul3A_665 : i32
        %add3A_667 = arith.constant 4096 : i32
        %add3A_668 = arith.addi %add3A_667, %mul3A_666 : i32
        %swap3A_669 = arith.index_cast %add3A_668 : i32 to index
        %swap3A_670 = tpu.vector_load %arg16[%swap3A_669] {strides = array<i32>} : memref<16384xf32, #tpu.memory_space<vmem>>, vector<16xf32>,
        tpu.vector_store %arg16[%swap3A_669], %gather3A_664 {strides = array<i32>} : memref<16384xf32, #tpu.memory_space<vmem>>, vector<16xf32>,
        %broadcast_in_dim3A_671 = arith.constant 2 : i32
        %broadcast_in_dim3A_672 = vector.broadcast %broadcast_in_dim3A_671 : i32 to vector<16xi32>
        %gather3A_673 = tpu.vector_load_idx %arg14[%broadcast_in_dim3A_672, %get3A_652] : memref<4x8192xf32, #tpu.memory_space<vmem>>[vector<16xi32>, vector<16xi32>], vector<16xf32>,
        %mul3A_674 = arith.constant 16 : i32
        %mul3A_675 = arith.muli %scan3A_648, %mul3A_674 : i32
        %add3A_676 = arith.constant 8192 : i32
        %add3A_677 = arith.addi %add3A_676, %mul3A_675 : i32
        %swap3A_678 = arith.index_cast %add3A_677 : i32 to index
        %swap3A_679 = tpu.vector_load %arg16[%swap3A_678] {strides = array<i32>} : memref<16384xf32, #tpu.memory_space<vmem>>, vector<16xf32>,
        tpu.vector_store %arg16[%swap3A_678], %gather3A_673 {strides = array<i32>} : memref<16384xf32, #tpu.memory_space<vmem>>, vector<16xf32>,
        %broadcast_in_dim3A_680 = arith.constant 3 : i32
        %broadcast_in_dim3A_681 = vector.broadcast %broadcast_in_dim3A_680 : i32 to vector<16xi32>
        %gather3A_682 = tpu.vector_load_idx %arg14[%broadcast_in_dim3A_681, %get3A_652] : memref<4x8192xf32, #tpu.memory_space<vmem>>[vector<16xi32>, vector<16xi32>], vector<16xf32>,
        %mul3A_683 = arith.constant 16 : i32
        %mul3A_684 = arith.muli %scan3A_648, %mul3A_683 : i32
        %add3A_685 = arith.constant 12288 : i32
        %add3A_686 = arith.addi %add3A_685, %mul3A_684 : i32
        %swap3A_687 = arith.index_cast %add3A_686 : i32 to index
        %swap3A_688 = tpu.vector_load %arg16[%swap3A_687] {strides = array<i32>} : memref<16384xf32, #tpu.memory_space<vmem>>, vector<16xf32>,
        tpu.vector_store %arg16[%swap3A_687], %gather3A_682 {strides = array<i32>} : memref<16384xf32, #tpu.memory_space<vmem>>, vector<16xf32>,
        %scan3A_689 = arith.constant 0 : i32
        scf.yield %scan3A_689 : i32
      }
      %scan3A_291 = arith.constant 256 : i32
      %mul3A_292 = arith.constant 4 : i32
      %mul3A_293 = arith.muli %add3A_269, %mul3A_292 : i32
      %add3A_294 = arith.addi %mul3A_2, %mul3A_293 : i32
      %mul3A_295 = arith.constant 4096 : i32
      %mul3A_296 = arith.muli %add3A_294, %mul3A_295 : i32
      %dma_start3A_297 = tpu.memref_slice %arg9[%mul3A_296] : memref<16777216xf32, #tpu.memory_space<hbm>> -> memref<16384xf32, #tpu.memory_space<hbm>>
      %dma_start3A_298 = tpu.memref_slice %arg9[%mul3A_296] : memref<16777216xf32, #tpu.memory_space<hbm>> -> memref<16384xf32, #tpu.memory_space<hbm>>
      tpu.enqueue_dma source(%arg16 : memref<16384xf32, #tpu.memory_space<vmem>>) target(%dma_start3A_298 : memref<16384xf32, #tpu.memory_space<hbm>>) target_semaphore(%arg20 : memref<!tpu.dma_semaphore, #tpu.memory_space<semaphore_mem>>)
      %add3A_299 = arith.constant 2 : i32
      %add3A_300 = arith.addi %add3A_269, %add3A_299 : i32
      %mul3A_301 = arith.constant 8 : i32
      %mul3A_302 = arith.muli %add3A_300, %mul3A_301 : i32
      %dma_start3A_303 = tpu.memref_slice %arg13[%mul3A_302] : memref<272xi32, #tpu.memory_space<vmem>> -> memref<4xi32, #tpu.memory_space<vmem>>
      %dma_start3A_304 = arith.constant 0 : i32
      %dma_start3A_305 = arith.constant 0 : i32
      %dma_start3A_306 = tpu.memref_slice %arg5[%dma_start3A_304, %dma_start3A_305] : memref<8192x8192xf32, #tpu.memory_space<hbm>> -> memref<8192x8192xf32, #tpu.memory_space<hbm>>
      tpu.enqueue_indirect_dma source(%dma_start3A_306 : memref<8192x8192xf32, #tpu.memory_space<hbm>>) target(%arg14 : memref<4x8192xf32, #tpu.memory_space<vmem>>) offsets(%dma_start3A_303 : memref<4xi32, #tpu.memory_space<vmem>>) semaphore(%arg18 : memref<!tpu.dma_semaphore, #tpu.memory_space<semaphore_mem>>)
      %mul3A_307 = arith.constant 2 : i32
      %mul3A_308 = arith.muli %mul3A_307, %scan3A_264 : i32
      %add3A_309 = arith.constant 1 : i32
      %add3A_310 = arith.addi %mul3A_308, %add3A_309 : i32
      %mul3A_311 = arith.constant 8 : i32
      %mul3A_312 = arith.muli %add3A_310, %mul3A_311 : i32
      %dma_wait3A_313 = tpu.memref_slice %arg13[%mul3A_312] : memref<272xi32, #tpu.memory_space<vmem>> -> memref<4xi32, #tpu.memory_space<vmem>>
      %dma_wait3A_314 = arith.constant 0 : i32
      %dma_wait3A_315 = arith.constant 0 : i32
      %dma_wait3A_316 = tpu.memref_slice %arg5[%dma_wait3A_314, %dma_wait3A_315] : memref<8192x8192xf32, #tpu.memory_space<hbm>> -> memref<8192x8192xf32, #tpu.memory_space<hbm>>
      tpu.wait_indirect_dma semaphore(%arg19 : memref<!tpu.dma_semaphore, #tpu.memory_space<semaphore_mem>>) src(%dma_wait3A_316 : memref<8192x8192xf32, #tpu.memory_space<hbm>>) dst(%arg15 : memref<4x8192xf32, #tpu.memory_space<vmem>>)
      %sub3A_317 = arith.constant 2 : i32
      %sub3A_318 = arith.subi %add3A_310, %sub3A_317 : i32
      %mul3A_319 = arith.constant 4 : i32
      %mul3A_320 = arith.muli %sub3A_318, %mul3A_319 : i32
      %add3A_321 = arith.addi %mul3A_2, %mul3A_320 : i32
      %mul3A_322 = arith.constant 4096 : i32
      %mul3A_323 = arith.muli %add3A_321, %mul3A_322 : i32
      %dma_wait3A_324 = tpu.memref_slice %arg9[%mul3A_323] : memref<16777216xf32, #tpu.memory_space<hbm>> -> memref<16384xf32, #tpu.memory_space<hbm>>
      %dma_wait3A_325 = tpu.memref_slice %arg9[%mul3A_323] : memref<16777216xf32, #tpu.memory_space<hbm>> -> memref<16384xf32, #tpu.memory_space<hbm>>
      tpu.wait_dma2 semaphore(%arg21 : memref<!tpu.dma_semaphore, #tpu.memory_space<semaphore_mem>>) src(%arg17 : memref<16384xf32, #tpu.memory_space<vmem>>) dst(%dma_wait3A_325 : memref<16384xf32, #tpu.memory_space<hbm>>)
      %scan3A_326 = arith.constant 0 : i32
      %scan3A_327 = arith.constant 0 : i32
      %scan3A_328 = arith.constant 256 : i32
      %scan3A_329 = arith.addi %scan3A_327, %scan3A_328 : i32
      %scan3A_330 = arith.constant 8 : i32
      %scan3A_331 = scf.for %scan3A_349 = %scan3A_327 to %scan3A_329 step %scan3A_330 iter_args(%scan3A_350 = %scan3A_326) -> (i32)  : i32 {
        %mul3A_351 = arith.constant 16 : i32
        %mul3A_352 = arith.muli %scan3A_349, %mul3A_351 : i32
        %get3A = arith.index_cast %mul3A_352 : i32 to index
        %get3A_353 = tpu.vector_load %arg11[%get3A] {strides = array<i32>} : memref<4096xi32, #tpu.memory_space<vmem>>, vector<16xi32>,
        %broadcast_in_dim3A_354 = arith.constant 0 : i32
        %broadcast_in_dim3A_355 = vector.broadcast %broadcast_in_dim3A_354 : i32 to vector<16xi32>
        %gather3A = tpu.vector_load_idx %arg15[%broadcast_in_dim3A_355, %get3A_353] : memref<4x8192xf32, #tpu.memory_space<vmem>>[vector<16xi32>, vector<16xi32>], vector<16xf32>,
        %mul3A_356 = arith.constant 16 : i32
        %mul3A_357 = arith.muli %scan3A_349, %mul3A_356 : i32
        %add3A_358 = arith.constant 0 : i32
        %add3A_359 = arith.addi %add3A_358, %mul3A_357 : i32
        %swap3A = arith.index_cast %add3A_359 : i32 to index
        %swap3A_360 = tpu.vector_load %arg17[%swap3A] {strides = array<i32>} : memref<16384xf32, #tpu.memory_space<vmem>>, vector<16xf32>,
        tpu.vector_store %arg17[%swap3A], %gather3A {strides = array<i32>} : memref<16384xf32, #tpu.memory_space<vmem>>, vector<16xf32>,
        %broadcast_in_dim3A_361 = arith.constant 1 : i32
        %broadcast_in_dim3A_362 = vector.broadcast %broadcast_in_dim3A_361 : i32 to vector<16xi32>
        %gather3A_363 = tpu.vector_load_idx %arg15[%broadcast_in_dim3A_362, %get3A_353] : memref<4x8192xf32, #tpu.memory_space<vmem>>[vector<16xi32>, vector<16xi32>], vector<16xf32>,
        %mul3A_364 = arith.constant 16 : i32
        %mul3A_365 = arith.muli %scan3A_349, %mul3A_364 : i32
        %add3A_366 = arith.constant 4096 : i32
        %add3A_367 = arith.addi %add3A_366, %mul3A_365 : i32
        %swap3A_368 = arith.index_cast %add3A_367 : i32 to index
        %swap3A_369 = tpu.vector_load %arg17[%swap3A_368] {strides = array<i32>} : memref<16384xf32, #tpu.memory_space<vmem>>, vector<16xf32>,
        tpu.vector_store %arg17[%swap3A_368], %gather3A_363 {strides = array<i32>} : memref<16384xf32, #tpu.memory_space<vmem>>, vector<16xf32>,
        %broadcast_in_dim3A_370 = arith.constant 2 : i32
        %broadcast_in_dim3A_371 = vector.broadcast %broadcast_in_dim3A_370 : i32 to vector<16xi32>
        %gather3A_372 = tpu.vector_load_idx %arg15[%broadcast_in_dim3A_371, %get3A_353] : memref<4x8192xf32, #tpu.memory_space<vmem>>[vector<16xi32>, vector<16xi32>], vector<16xf32>,
        %mul3A_373 = arith.constant 16 : i32
        %mul3A_374 = arith.muli %scan3A_349, %mul3A_373 : i32
        %add3A_375 = arith.constant 8192 : i32
        %add3A_376 = arith.addi %add3A_375, %mul3A_374 : i32
        %swap3A_377 = arith.index_cast %add3A_376 : i32 to index
        %swap3A_378 = tpu.vector_load %arg17[%swap3A_377] {strides = array<i32>} : memref<16384xf32, #tpu.memory_space<vmem>>, vector<16xf32>,
        tpu.vector_store %arg17[%swap3A_377], %gather3A_372 {strides = array<i32>} : memref<16384xf32, #tpu.memory_space<vmem>>, vector<16xf32>,
        %broadcast_in_dim3A_379 = arith.constant 3 : i32
        %broadcast_in_dim3A_380 = vector.broadcast %broadcast_in_dim3A_379 : i32 to vector<16xi32>
        %gather3A_381 = tpu.vector_load_idx %arg15[%broadcast_in_dim3A_380, %get3A_353] : memref<4x8192xf32, #tpu.memory_space<vmem>>[vector<16xi32>, vector<16xi32>], vector<16xf32>,
        %mul3A_382 = arith.constant 16 : i32
        %mul3A_383 = arith.muli %scan3A_349, %mul3A_382 : i32
        %add3A_384 = arith.constant 12288 : i32
        %add3A_385 = arith.addi %add3A_384, %mul3A_383 : i32
        %swap3A_386 = arith.index_cast %add3A_385 : i32 to index
        %swap3A_387 = tpu.vector_load %arg17[%swap3A_386] {strides = array<i32>} : memref<16384xf32, #tpu.memory_space<vmem>>, vector<16xf32>,
        tpu.vector_store %arg17[%swap3A_386], %gather3A_381 {strides = array<i32>} : memref<16384xf32, #tpu.memory_space<vmem>>, vector<16xf32>,
        %scan3A_388 = arith.constant 0 : i32
        %scan3A_389 = arith.constant 1 : i32
        %scan3A_390 = arith.addi %scan3A_349, %scan3A_389 : i32
        %mul3A_391 = arith.constant 16 : i32
        %mul3A_392 = arith.muli %scan3A_390, %mul3A_391 : i32
        %get3A_393 = arith.index_cast %mul3A_392 : i32 to index
        %get3A_394 = tpu.vector_load %arg11[%get3A_393] {strides = array<i32>} : memref<4096xi32, #tpu.memory_space<vmem>>, vector<16xi32>,
        %broadcast_in_dim3A_395 = arith.constant 0 : i32
        %broadcast_in_dim3A_396 = vector.broadcast %broadcast_in_dim3A_395 : i32 to vector<16xi32>
        %gather3A_397 = tpu.vector_load_idx %arg15[%broadcast_in_dim3A_396, %get3A_394] : memref<4x8192xf32, #tpu.memory_space<vmem>>[vector<16xi32>, vector<16xi32>], vector<16xf32>,
        %mul3A_398 = arith.constant 16 : i32
        %mul3A_399 = arith.muli %scan3A_390, %mul3A_398 : i32
        %add3A_400 = arith.constant 0 : i32
        %add3A_401 = arith.addi %add3A_400, %mul3A_399 : i32
        %swap3A_402 = arith.index_cast %add3A_401 : i32 to index
        %swap3A_403 = tpu.vector_load %arg17[%swap3A_402] {strides = array<i32>} : memref<16384xf32, #tpu.memory_space<vmem>>, vector<16xf32>,
        tpu.vector_store %arg17[%swap3A_402], %gather3A_397 {strides = array<i32>} : memref<16384xf32, #tpu.memory_space<vmem>>, vector<16xf32>,
        %broadcast_in_dim3A_404 = arith.constant 1 : i32
        %broadcast_in_dim3A_405 = vector.broadcast %broadcast_in_dim3A_404 : i32 to vector<16xi32>
        %gather3A_406 = tpu.vector_load_idx %arg15[%broadcast_in_dim3A_405, %get3A_394] : memref<4x8192xf32, #tpu.memory_space<vmem>>[vector<16xi32>, vector<16xi32>], vector<16xf32>,
        %mul3A_407 = arith.constant 16 : i32
        %mul3A_408 = arith.muli %scan3A_390, %mul3A_407 : i32
        %add3A_409 = arith.constant 4096 : i32
        %add3A_410 = arith.addi %add3A_409, %mul3A_408 : i32
        %swap3A_411 = arith.index_cast %add3A_410 : i32 to index
        %swap3A_412 = tpu.vector_load %arg17[%swap3A_411] {strides = array<i32>} : memref<16384xf32, #tpu.memory_space<vmem>>, vector<16xf32>,
        tpu.vector_store %arg17[%swap3A_411], %gather3A_406 {strides = array<i32>} : memref<16384xf32, #tpu.memory_space<vmem>>, vector<16xf32>,
        %broadcast_in_dim3A_413 = arith.constant 2 : i32
        %broadcast_in_dim3A_414 = vector.broadcast %broadcast_in_dim3A_413 : i32 to vector<16xi32>
        %gather3A_415 = tpu.vector_load_idx %arg15[%broadcast_in_dim3A_414, %get3A_394] : memref<4x8192xf32, #tpu.memory_space<vmem>>[vector<16xi32>, vector<16xi32>], vector<16xf32>,
        %mul3A_416 = arith.constant 16 : i32
        %mul3A_417 = arith.muli %scan3A_390, %mul3A_416 : i32
        %add3A_418 = arith.constant 8192 : i32
        %add3A_419 = arith.addi %add3A_418, %mul3A_417 : i32
        %swap3A_420 = arith.index_cast %add3A_419 : i32 to index
        %swap3A_421 = tpu.vector_load %arg17[%swap3A_420] {strides = array<i32>} : memref<16384xf32, #tpu.memory_space<vmem>>, vector<16xf32>,
        tpu.vector_store %arg17[%swap3A_420], %gather3A_415 {strides = array<i32>} : memref<16384xf32, #tpu.memory_space<vmem>>, vector<16xf32>,
        %broadcast_in_dim3A_422 = arith.constant 3 : i32
        %broadcast_in_dim3A_423 = vector.broadcast %broadcast_in_dim3A_422 : i32 to vector<16xi32>
        %gather3A_424 = tpu.vector_load_idx %arg15[%broadcast_in_dim3A_423, %get3A_394] : memref<4x8192xf32, #tpu.memory_space<vmem>>[vector<16xi32>, vector<16xi32>], vector<16xf32>,
        %mul3A_425 = arith.constant 16 : i32
        %mul3A_426 = arith.muli %scan3A_390, %mul3A_425 : i32
        %add3A_427 = arith.constant 12288 : i32
        %add3A_428 = arith.addi %add3A_427, %mul3A_426 : i32
        %swap3A_429 = arith.index_cast %add3A_428 : i32 to index
        %swap3A_430 = tpu.vector_load %arg17[%swap3A_429] {strides = array<i32>} : memref<16384xf32, #tpu.memory_space<vmem>>, vector<16xf32>,
        tpu.vector_store %arg17[%swap3A_429], %gather3A_424 {strides = array<i32>} : memref<16384xf32, #tpu.memory_space<vmem>>, vector<16xf32>,
        %scan3A_431 = arith.constant 0 : i32
        %scan3A_432 = arith.constant 2 : i32
        %scan3A_433 = arith.addi %scan3A_349, %scan3A_432 : i32
        %mul3A_434 = arith.constant 16 : i32
        %mul3A_435 = arith.muli %scan3A_433, %mul3A_434 : i32
        %get3A_436 = arith.index_cast %mul3A_435 : i32 to index
        %get3A_437 = tpu.vector_load %arg11[%get3A_436] {strides = array<i32>} : memref<4096xi32, #tpu.memory_space<vmem>>, vector<16xi32>,
        %broadcast_in_dim3A_438 = arith.constant 0 : i32
        %broadcast_in_dim3A_439 = vector.broadcast %broadcast_in_dim3A_438 : i32 to vector<16xi32>
        %gather3A_440 = tpu.vector_load_idx %arg15[%broadcast_in_dim3A_439, %get3A_437] : memref<4x8192xf32, #tpu.memory_space<vmem>>[vector<16xi32>, vector<16xi32>], vector<16xf32>,
        %mul3A_441 = arith.constant 16 : i32
        %mul3A_442 = arith.muli %scan3A_433, %mul3A_441 : i32
        %add3A_443 = arith.constant 0 : i32
        %add3A_444 = arith.addi %add3A_443, %mul3A_442 : i32
        %swap3A_445 = arith.index_cast %add3A_444 : i32 to index
        %swap3A_446 = tpu.vector_load %arg17[%swap3A_445] {strides = array<i32>} : memref<16384xf32, #tpu.memory_space<vmem>>, vector<16xf32>,
        tpu.vector_store %arg17[%swap3A_445], %gather3A_440 {strides = array<i32>} : memref<16384xf32, #tpu.memory_space<vmem>>, vector<16xf32>,
        %broadcast_in_dim3A_447 = arith.constant 1 : i32
        %broadcast_in_dim3A_448 = vector.broadcast %broadcast_in_dim3A_447 : i32 to vector<16xi32>
        %gather3A_449 = tpu.vector_load_idx %arg15[%broadcast_in_dim3A_448, %get3A_437] : memref<4x8192xf32, #tpu.memory_space<vmem>>[vector<16xi32>, vector<16xi32>], vector<16xf32>,
        %mul3A_450 = arith.constant 16 : i32
        %mul3A_451 = arith.muli %scan3A_433, %mul3A_450 : i32
        %add3A_452 = arith.constant 4096 : i32
        %add3A_453 = arith.addi %add3A_452, %mul3A_451 : i32
        %swap3A_454 = arith.index_cast %add3A_453 : i32 to index
        %swap3A_455 = tpu.vector_load %arg17[%swap3A_454] {strides = array<i32>} : memref<16384xf32, #tpu.memory_space<vmem>>, vector<16xf32>,
        tpu.vector_store %arg17[%swap3A_454], %gather3A_449 {strides = array<i32>} : memref<16384xf32, #tpu.memory_space<vmem>>, vector<16xf32>,
        %broadcast_in_dim3A_456 = arith.constant 2 : i32
        %broadcast_in_dim3A_457 = vector.broadcast %broadcast_in_dim3A_456 : i32 to vector<16xi32>
        %gather3A_458 = tpu.vector_load_idx %arg15[%broadcast_in_dim3A_457, %get3A_437] : memref<4x8192xf32, #tpu.memory_space<vmem>>[vector<16xi32>, vector<16xi32>], vector<16xf32>,
        %mul3A_459 = arith.constant 16 : i32
        %mul3A_460 = arith.muli %scan3A_433, %mul3A_459 : i32
        %add3A_461 = arith.constant 8192 : i32
        %add3A_462 = arith.addi %add3A_461, %mul3A_460 : i32
        %swap3A_463 = arith.index_cast %add3A_462 : i32 to index
        %swap3A_464 = tpu.vector_load %arg17[%swap3A_463] {strides = array<i32>} : memref<16384xf32, #tpu.memory_space<vmem>>, vector<16xf32>,
        tpu.vector_store %arg17[%swap3A_463], %gather3A_458 {strides = array<i32>} : memref<16384xf32, #tpu.memory_space<vmem>>, vector<16xf32>,
        %broadcast_in_dim3A_465 = arith.constant 3 : i32
        %broadcast_in_dim3A_466 = vector.broadcast %broadcast_in_dim3A_465 : i32 to vector<16xi32>
        %gather3A_467 = tpu.vector_load_idx %arg15[%broadcast_in_dim3A_466, %get3A_437] : memref<4x8192xf32, #tpu.memory_space<vmem>>[vector<16xi32>, vector<16xi32>], vector<16xf32>,
        %mul3A_468 = arith.constant 16 : i32
        %mul3A_469 = arith.muli %scan3A_433, %mul3A_468 : i32
        %add3A_470 = arith.constant 12288 : i32
        %add3A_471 = arith.addi %add3A_470, %mul3A_469 : i32
        %swap3A_472 = arith.index_cast %add3A_471 : i32 to index
        %swap3A_473 = tpu.vector_load %arg17[%swap3A_472] {strides = array<i32>} : memref<16384xf32, #tpu.memory_space<vmem>>, vector<16xf32>,
        tpu.vector_store %arg17[%swap3A_472], %gather3A_467 {strides = array<i32>} : memref<16384xf32, #tpu.memory_space<vmem>>, vector<16xf32>,
        %scan3A_474 = arith.constant 0 : i32
        %scan3A_475 = arith.constant 3 : i32
        %scan3A_476 = arith.addi %scan3A_349, %scan3A_475 : i32
        %mul3A_477 = arith.constant 16 : i32
        %mul3A_478 = arith.muli %scan3A_476, %mul3A_477 : i32
        %get3A_479 = arith.index_cast %mul3A_478 : i32 to index
        %get3A_480 = tpu.vector_load %arg11[%get3A_479] {strides = array<i32>} : memref<4096xi32, #tpu.memory_space<vmem>>, vector<16xi32>,
        %broadcast_in_dim3A_481 = arith.constant 0 : i32
        %broadcast_in_dim3A_482 = vector.broadcast %broadcast_in_dim3A_481 : i32 to vector<16xi32>
        %gather3A_483 = tpu.vector_load_idx %arg15[%broadcast_in_dim3A_482, %get3A_480] : memref<4x8192xf32, #tpu.memory_space<vmem>>[vector<16xi32>, vector<16xi32>], vector<16xf32>,
        %mul3A_484 = arith.constant 16 : i32
        %mul3A_485 = arith.muli %scan3A_476, %mul3A_484 : i32
        %add3A_486 = arith.constant 0 : i32
        %add3A_487 = arith.addi %add3A_486, %mul3A_485 : i32
        %swap3A_488 = arith.index_cast %add3A_487 : i32 to index
        %swap3A_489 = tpu.vector_load %arg17[%swap3A_488] {strides = array<i32>} : memref<16384xf32, #tpu.memory_space<vmem>>, vector<16xf32>,
        tpu.vector_store %arg17[%swap3A_488], %gather3A_483 {strides = array<i32>} : memref<16384xf32, #tpu.memory_space<vmem>>, vector<16xf32>,
        %broadcast_in_dim3A_490 = arith.constant 1 : i32
        %broadcast_in_dim3A_491 = vector.broadcast %broadcast_in_dim3A_490 : i32 to vector<16xi32>
        %gather3A_492 = tpu.vector_load_idx %arg15[%broadcast_in_dim3A_491, %get3A_480] : memref<4x8192xf32, #tpu.memory_space<vmem>>[vector<16xi32>, vector<16xi32>], vector<16xf32>,
        %mul3A_493 = arith.constant 16 : i32
        %mul3A_494 = arith.muli %scan3A_476, %mul3A_493 : i32
        %add3A_495 = arith.constant 4096 : i32
        %add3A_496 = arith.addi %add3A_495, %mul3A_494 : i32
        %swap3A_497 = arith.index_cast %add3A_496 : i32 to index
        %swap3A_498 = tpu.vector_load %arg17[%swap3A_497] {strides = array<i32>} : memref<16384xf32, #tpu.memory_space<vmem>>, vector<16xf32>,
        tpu.vector_store %arg17[%swap3A_497], %gather3A_492 {strides = array<i32>} : memref<16384xf32, #tpu.memory_space<vmem>>, vector<16xf32>,
        %broadcast_in_dim3A_499 = arith.constant 2 : i32
        %broadcast_in_dim3A_500 = vector.broadcast %broadcast_in_dim3A_499 : i32 to vector<16xi32>
        %gather3A_501 = tpu.vector_load_idx %arg15[%broadcast_in_dim3A_500, %get3A_480] : memref<4x8192xf32, #tpu.memory_space<vmem>>[vector<16xi32>, vector<16xi32>], vector<16xf32>,
        %mul3A_502 = arith.constant 16 : i32
        %mul3A_503 = arith.muli %scan3A_476, %mul3A_502 : i32
        %add3A_504 = arith.constant 8192 : i32
        %add3A_505 = arith.addi %add3A_504, %mul3A_503 : i32
        %swap3A_506 = arith.index_cast %add3A_505 : i32 to index
        %swap3A_507 = tpu.vector_load %arg17[%swap3A_506] {strides = array<i32>} : memref<16384xf32, #tpu.memory_space<vmem>>, vector<16xf32>,
        tpu.vector_store %arg17[%swap3A_506], %gather3A_501 {strides = array<i32>} : memref<16384xf32, #tpu.memory_space<vmem>>, vector<16xf32>,
        %broadcast_in_dim3A_508 = arith.constant 3 : i32
        %broadcast_in_dim3A_509 = vector.broadcast %broadcast_in_dim3A_508 : i32 to vector<16xi32>
        %gather3A_510 = tpu.vector_load_idx %arg15[%broadcast_in_dim3A_509, %get3A_480] : memref<4x8192xf32, #tpu.memory_space<vmem>>[vector<16xi32>, vector<16xi32>], vector<16xf32>,
        %mul3A_511 = arith.constant 16 : i32
        %mul3A_512 = arith.muli %scan3A_476, %mul3A_511 : i32
        %add3A_513 = arith.constant 12288 : i32
        %add3A_514 = arith.addi %add3A_513, %mul3A_512 : i32
        %swap3A_515 = arith.index_cast %add3A_514 : i32 to index
        %swap3A_516 = tpu.vector_load %arg17[%swap3A_515] {strides = array<i32>} : memref<16384xf32, #tpu.memory_space<vmem>>, vector<16xf32>,
        tpu.vector_store %arg17[%swap3A_515], %gather3A_510 {strides = array<i32>} : memref<16384xf32, #tpu.memory_space<vmem>>, vector<16xf32>,
        %scan3A_517 = arith.constant 0 : i32
        %scan3A_518 = arith.constant 4 : i32
        %scan3A_519 = arith.addi %scan3A_349, %scan3A_518 : i32
        %mul3A_520 = arith.constant 16 : i32
        %mul3A_521 = arith.muli %scan3A_519, %mul3A_520 : i32
        %get3A_522 = arith.index_cast %mul3A_521 : i32 to index
        %get3A_523 = tpu.vector_load %arg11[%get3A_522] {strides = array<i32>} : memref<4096xi32, #tpu.memory_space<vmem>>, vector<16xi32>,
        %broadcast_in_dim3A_524 = arith.constant 0 : i32
        %broadcast_in_dim3A_525 = vector.broadcast %broadcast_in_dim3A_524 : i32 to vector<16xi32>
        %gather3A_526 = tpu.vector_load_idx %arg15[%broadcast_in_dim3A_525, %get3A_523] : memref<4x8192xf32, #tpu.memory_space<vmem>>[vector<16xi32>, vector<16xi32>], vector<16xf32>,
        %mul3A_527 = arith.constant 16 : i32
        %mul3A_528 = arith.muli %scan3A_519, %mul3A_527 : i32
        %add3A_529 = arith.constant 0 : i32
        %add3A_530 = arith.addi %add3A_529, %mul3A_528 : i32
        %swap3A_531 = arith.index_cast %add3A_530 : i32 to index
        %swap3A_532 = tpu.vector_load %arg17[%swap3A_531] {strides = array<i32>} : memref<16384xf32, #tpu.memory_space<vmem>>, vector<16xf32>,
        tpu.vector_store %arg17[%swap3A_531], %gather3A_526 {strides = array<i32>} : memref<16384xf32, #tpu.memory_space<vmem>>, vector<16xf32>,
        %broadcast_in_dim3A_533 = arith.constant 1 : i32
        %broadcast_in_dim3A_534 = vector.broadcast %broadcast_in_dim3A_533 : i32 to vector<16xi32>
        %gather3A_535 = tpu.vector_load_idx %arg15[%broadcast_in_dim3A_534, %get3A_523] : memref<4x8192xf32, #tpu.memory_space<vmem>>[vector<16xi32>, vector<16xi32>], vector<16xf32>,
        %mul3A_536 = arith.constant 16 : i32
        %mul3A_537 = arith.muli %scan3A_519, %mul3A_536 : i32
        %add3A_538 = arith.constant 4096 : i32
        %add3A_539 = arith.addi %add3A_538, %mul3A_537 : i32
        %swap3A_540 = arith.index_cast %add3A_539 : i32 to index
        %swap3A_541 = tpu.vector_load %arg17[%swap3A_540] {strides = array<i32>} : memref<16384xf32, #tpu.memory_space<vmem>>, vector<16xf32>,
        tpu.vector_store %arg17[%swap3A_540], %gather3A_535 {strides = array<i32>} : memref<16384xf32, #tpu.memory_space<vmem>>, vector<16xf32>,
        %broadcast_in_dim3A_542 = arith.constant 2 : i32
        %broadcast_in_dim3A_543 = vector.broadcast %broadcast_in_dim3A_542 : i32 to vector<16xi32>
        %gather3A_544 = tpu.vector_load_idx %arg15[%broadcast_in_dim3A_543, %get3A_523] : memref<4x8192xf32, #tpu.memory_space<vmem>>[vector<16xi32>, vector<16xi32>], vector<16xf32>,
        %mul3A_545 = arith.constant 16 : i32
        %mul3A_546 = arith.muli %scan3A_519, %mul3A_545 : i32
        %add3A_547 = arith.constant 8192 : i32
        %add3A_548 = arith.addi %add3A_547, %mul3A_546 : i32
        %swap3A_549 = arith.index_cast %add3A_548 : i32 to index
        %swap3A_550 = tpu.vector_load %arg17[%swap3A_549] {strides = array<i32>} : memref<16384xf32, #tpu.memory_space<vmem>>, vector<16xf32>,
        tpu.vector_store %arg17[%swap3A_549], %gather3A_544 {strides = array<i32>} : memref<16384xf32, #tpu.memory_space<vmem>>, vector<16xf32>,
        %broadcast_in_dim3A_551 = arith.constant 3 : i32
        %broadcast_in_dim3A_552 = vector.broadcast %broadcast_in_dim3A_551 : i32 to vector<16xi32>
        %gather3A_553 = tpu.vector_load_idx %arg15[%broadcast_in_dim3A_552, %get3A_523] : memref<4x8192xf32, #tpu.memory_space<vmem>>[vector<16xi32>, vector<16xi32>], vector<16xf32>,
        %mul3A_554 = arith.constant 16 : i32
        %mul3A_555 = arith.muli %scan3A_519, %mul3A_554 : i32
        %add3A_556 = arith.constant 12288 : i32
        %add3A_557 = arith.addi %add3A_556, %mul3A_555 : i32
        %swap3A_558 = arith.index_cast %add3A_557 : i32 to index
        %swap3A_559 = tpu.vector_load %arg17[%swap3A_558] {strides = array<i32>} : memref<16384xf32, #tpu.memory_space<vmem>>, vector<16xf32>,
        tpu.vector_store %arg17[%swap3A_558], %gather3A_553 {strides = array<i32>} : memref<16384xf32, #tpu.memory_space<vmem>>, vector<16xf32>,
        %scan3A_560 = arith.constant 0 : i32
        %scan3A_561 = arith.constant 5 : i32
        %scan3A_562 = arith.addi %scan3A_349, %scan3A_561 : i32
        %mul3A_563 = arith.constant 16 : i32
        %mul3A_564 = arith.muli %scan3A_562, %mul3A_563 : i32
        %get3A_565 = arith.index_cast %mul3A_564 : i32 to index
        %get3A_566 = tpu.vector_load %arg11[%get3A_565] {strides = array<i32>} : memref<4096xi32, #tpu.memory_space<vmem>>, vector<16xi32>,
        %broadcast_in_dim3A_567 = arith.constant 0 : i32
        %broadcast_in_dim3A_568 = vector.broadcast %broadcast_in_dim3A_567 : i32 to vector<16xi32>
        %gather3A_569 = tpu.vector_load_idx %arg15[%broadcast_in_dim3A_568, %get3A_566] : memref<4x8192xf32, #tpu.memory_space<vmem>>[vector<16xi32>, vector<16xi32>], vector<16xf32>,
        %mul3A_570 = arith.constant 16 : i32
        %mul3A_571 = arith.muli %scan3A_562, %mul3A_570 : i32
        %add3A_572 = arith.constant 0 : i32
        %add3A_573 = arith.addi %add3A_572, %mul3A_571 : i32
        %swap3A_574 = arith.index_cast %add3A_573 : i32 to index
        %swap3A_575 = tpu.vector_load %arg17[%swap3A_574] {strides = array<i32>} : memref<16384xf32, #tpu.memory_space<vmem>>, vector<16xf32>,
        tpu.vector_store %arg17[%swap3A_574], %gather3A_569 {strides = array<i32>} : memref<16384xf32, #tpu.memory_space<vmem>>, vector<16xf32>,
        %broadcast_in_dim3A_576 = arith.constant 1 : i32
        %broadcast_in_dim3A_577 = vector.broadcast %broadcast_in_dim3A_576 : i32 to vector<16xi32>
        %gather3A_578 = tpu.vector_load_idx %arg15[%broadcast_in_dim3A_577, %get3A_566] : memref<4x8192xf32, #tpu.memory_space<vmem>>[vector<16xi32>, vector<16xi32>], vector<16xf32>,
        %mul3A_579 = arith.constant 16 : i32
        %mul3A_580 = arith.muli %scan3A_562, %mul3A_579 : i32
        %add3A_581 = arith.constant 4096 : i32
        %add3A_582 = arith.addi %add3A_581, %mul3A_580 : i32
        %swap3A_583 = arith.index_cast %add3A_582 : i32 to index
        %swap3A_584 = tpu.vector_load %arg17[%swap3A_583] {strides = array<i32>} : memref<16384xf32, #tpu.memory_space<vmem>>, vector<16xf32>,
        tpu.vector_store %arg17[%swap3A_583], %gather3A_578 {strides = array<i32>} : memref<16384xf32, #tpu.memory_space<vmem>>, vector<16xf32>,
        %broadcast_in_dim3A_585 = arith.constant 2 : i32
        %broadcast_in_dim3A_586 = vector.broadcast %broadcast_in_dim3A_585 : i32 to vector<16xi32>
        %gather3A_587 = tpu.vector_load_idx %arg15[%broadcast_in_dim3A_586, %get3A_566] : memref<4x8192xf32, #tpu.memory_space<vmem>>[vector<16xi32>, vector<16xi32>], vector<16xf32>,
        %mul3A_588 = arith.constant 16 : i32
        %mul3A_589 = arith.muli %scan3A_562, %mul3A_588 : i32
        %add3A_590 = arith.constant 8192 : i32
        %add3A_591 = arith.addi %add3A_590, %mul3A_589 : i32
        %swap3A_592 = arith.index_cast %add3A_591 : i32 to index
        %swap3A_593 = tpu.vector_load %arg17[%swap3A_592] {strides = array<i32>} : memref<16384xf32, #tpu.memory_space<vmem>>, vector<16xf32>,
        tpu.vector_store %arg17[%swap3A_592], %gather3A_587 {strides = array<i32>} : memref<16384xf32, #tpu.memory_space<vmem>>, vector<16xf32>,
        %broadcast_in_dim3A_594 = arith.constant 3 : i32
        %broadcast_in_dim3A_595 = vector.broadcast %broadcast_in_dim3A_594 : i32 to vector<16xi32>
        %gather3A_596 = tpu.vector_load_idx %arg15[%broadcast_in_dim3A_595, %get3A_566] : memref<4x8192xf32, #tpu.memory_space<vmem>>[vector<16xi32>, vector<16xi32>], vector<16xf32>,
        %mul3A_597 = arith.constant 16 : i32
        %mul3A_598 = arith.muli %scan3A_562, %mul3A_597 : i32
        %add3A_599 = arith.constant 12288 : i32
        %add3A_600 = arith.addi %add3A_599, %mul3A_598 : i32
        %swap3A_601 = arith.index_cast %add3A_600 : i32 to index
        %swap3A_602 = tpu.vector_load %arg17[%swap3A_601] {strides = array<i32>} : memref<16384xf32, #tpu.memory_space<vmem>>, vector<16xf32>,
        tpu.vector_store %arg17[%swap3A_601], %gather3A_596 {strides = array<i32>} : memref<16384xf32, #tpu.memory_space<vmem>>, vector<16xf32>,
        %scan3A_603 = arith.constant 0 : i32
        %scan3A_604 = arith.constant 6 : i32
        %scan3A_605 = arith.addi %scan3A_349, %scan3A_604 : i32
        %mul3A_606 = arith.constant 16 : i32
        %mul3A_607 = arith.muli %scan3A_605, %mul3A_606 : i32
        %get3A_608 = arith.index_cast %mul3A_607 : i32 to index
        %get3A_609 = tpu.vector_load %arg11[%get3A_608] {strides = array<i32>} : memref<4096xi32, #tpu.memory_space<vmem>>, vector<16xi32>,
        %broadcast_in_dim3A_610 = arith.constant 0 : i32
        %broadcast_in_dim3A_611 = vector.broadcast %broadcast_in_dim3A_610 : i32 to vector<16xi32>
        %gather3A_612 = tpu.vector_load_idx %arg15[%broadcast_in_dim3A_611, %get3A_609] : memref<4x8192xf32, #tpu.memory_space<vmem>>[vector<16xi32>, vector<16xi32>], vector<16xf32>,
        %mul3A_613 = arith.constant 16 : i32
        %mul3A_614 = arith.muli %scan3A_605, %mul3A_613 : i32
        %add3A_615 = arith.constant 0 : i32
        %add3A_616 = arith.addi %add3A_615, %mul3A_614 : i32
        %swap3A_617 = arith.index_cast %add3A_616 : i32 to index
        %swap3A_618 = tpu.vector_load %arg17[%swap3A_617] {strides = array<i32>} : memref<16384xf32, #tpu.memory_space<vmem>>, vector<16xf32>,
        tpu.vector_store %arg17[%swap3A_617], %gather3A_612 {strides = array<i32>} : memref<16384xf32, #tpu.memory_space<vmem>>, vector<16xf32>,
        %broadcast_in_dim3A_619 = arith.constant 1 : i32
        %broadcast_in_dim3A_620 = vector.broadcast %broadcast_in_dim3A_619 : i32 to vector<16xi32>
        %gather3A_621 = tpu.vector_load_idx %arg15[%broadcast_in_dim3A_620, %get3A_609] : memref<4x8192xf32, #tpu.memory_space<vmem>>[vector<16xi32>, vector<16xi32>], vector<16xf32>,
        %mul3A_622 = arith.constant 16 : i32
        %mul3A_623 = arith.muli %scan3A_605, %mul3A_622 : i32
        %add3A_624 = arith.constant 4096 : i32
        %add3A_625 = arith.addi %add3A_624, %mul3A_623 : i32
        %swap3A_626 = arith.index_cast %add3A_625 : i32 to index
        %swap3A_627 = tpu.vector_load %arg17[%swap3A_626] {strides = array<i32>} : memref<16384xf32, #tpu.memory_space<vmem>>, vector<16xf32>,
        tpu.vector_store %arg17[%swap3A_626], %gather3A_621 {strides = array<i32>} : memref<16384xf32, #tpu.memory_space<vmem>>, vector<16xf32>,
        %broadcast_in_dim3A_628 = arith.constant 2 : i32
        %broadcast_in_dim3A_629 = vector.broadcast %broadcast_in_dim3A_628 : i32 to vector<16xi32>
        %gather3A_630 = tpu.vector_load_idx %arg15[%broadcast_in_dim3A_629, %get3A_609] : memref<4x8192xf32, #tpu.memory_space<vmem>>[vector<16xi32>, vector<16xi32>], vector<16xf32>,
        %mul3A_631 = arith.constant 16 : i32
        %mul3A_632 = arith.muli %scan3A_605, %mul3A_631 : i32
        %add3A_633 = arith.constant 8192 : i32
        %add3A_634 = arith.addi %add3A_633, %mul3A_632 : i32
        %swap3A_635 = arith.index_cast %add3A_634 : i32 to index
        %swap3A_636 = tpu.vector_load %arg17[%swap3A_635] {strides = array<i32>} : memref<16384xf32, #tpu.memory_space<vmem>>, vector<16xf32>,
        tpu.vector_store %arg17[%swap3A_635], %gather3A_630 {strides = array<i32>} : memref<16384xf32, #tpu.memory_space<vmem>>, vector<16xf32>,
        %broadcast_in_dim3A_637 = arith.constant 3 : i32
        %broadcast_in_dim3A_638 = vector.broadcast %broadcast_in_dim3A_637 : i32 to vector<16xi32>
        %gather3A_639 = tpu.vector_load_idx %arg15[%broadcast_in_dim3A_638, %get3A_609] : memref<4x8192xf32, #tpu.memory_space<vmem>>[vector<16xi32>, vector<16xi32>], vector<16xf32>,
        %mul3A_640 = arith.constant 16 : i32
        %mul3A_641 = arith.muli %scan3A_605, %mul3A_640 : i32
        %add3A_642 = arith.constant 12288 : i32
        %add3A_643 = arith.addi %add3A_642, %mul3A_641 : i32
        %swap3A_644 = arith.index_cast %add3A_643 : i32 to index
        %swap3A_645 = tpu.vector_load %arg17[%swap3A_644] {strides = array<i32>} : memref<16384xf32, #tpu.memory_space<vmem>>, vector<16xf32>,
        tpu.vector_store %arg17[%swap3A_644], %gather3A_639 {strides = array<i32>} : memref<16384xf32, #tpu.memory_space<vmem>>, vector<16xf32>,
        %scan3A_646 = arith.constant 0 : i32
        %scan3A_647 = arith.constant 7 : i32
        %scan3A_648 = arith.addi %scan3A_349, %scan3A_647 : i32
        %mul3A_649 = arith.constant 16 : i32
        %mul3A_650 = arith.muli %scan3A_648, %mul3A_649 : i32
        %get3A_651 = arith.index_cast %mul3A_650 : i32 to index
        %get3A_652 = tpu.vector_load %arg11[%get3A_651] {strides = array<i32>} : memref<4096xi32, #tpu.memory_space<vmem>>, vector<16xi32>,
        %broadcast_in_dim3A_653 = arith.constant 0 : i32
        %broadcast_in_dim3A_654 = vector.broadcast %broadcast_in_dim3A_653 : i32 to vector<16xi32>
        %gather3A_655 = tpu.vector_load_idx %arg15[%broadcast_in_dim3A_654, %get3A_652] : memref<4x8192xf32, #tpu.memory_space<vmem>>[vector<16xi32>, vector<16xi32>], vector<16xf32>,
        %mul3A_656 = arith.constant 16 : i32
        %mul3A_657 = arith.muli %scan3A_648, %mul3A_656 : i32
        %add3A_658 = arith.constant 0 : i32
        %add3A_659 = arith.addi %add3A_658, %mul3A_657 : i32
        %swap3A_660 = arith.index_cast %add3A_659 : i32 to index
        %swap3A_661 = tpu.vector_load %arg17[%swap3A_660] {strides = array<i32>} : memref<16384xf32, #tpu.memory_space<vmem>>, vector<16xf32>,
        tpu.vector_store %arg17[%swap3A_660], %gather3A_655 {strides = array<i32>} : memref<16384xf32, #tpu.memory_space<vmem>>, vector<16xf32>,
        %broadcast_in_dim3A_662 = arith.constant 1 : i32
        %broadcast_in_dim3A_663 = vector.broadcast %broadcast_in_dim3A_662 : i32 to vector<16xi32>
        %gather3A_664 = tpu.vector_load_idx %arg15[%broadcast_in_dim3A_663, %get3A_652] : memref<4x8192xf32, #tpu.memory_space<vmem>>[vector<16xi32>, vector<16xi32>], vector<16xf32>,
        %mul3A_665 = arith.constant 16 : i32
        %mul3A_666 = arith.muli %scan3A_648, %mul3A_665 : i32
        %add3A_667 = arith.constant 4096 : i32
        %add3A_668 = arith.addi %add3A_667, %mul3A_666 : i32
        %swap3A_669 = arith.index_cast %add3A_668 : i32 to index
        %swap3A_670 = tpu.vector_load %arg17[%swap3A_669] {strides = array<i32>} : memref<16384xf32, #tpu.memory_space<vmem>>, vector<16xf32>,
        tpu.vector_store %arg17[%swap3A_669], %gather3A_664 {strides = array<i32>} : memref<16384xf32, #tpu.memory_space<vmem>>, vector<16xf32>,
        %broadcast_in_dim3A_671 = arith.constant 2 : i32
        %broadcast_in_dim3A_672 = vector.broadcast %broadcast_in_dim3A_671 : i32 to vector<16xi32>
        %gather3A_673 = tpu.vector_load_idx %arg15[%broadcast_in_dim3A_672, %get3A_652] : memref<4x8192xf32, #tpu.memory_space<vmem>>[vector<16xi32>, vector<16xi32>], vector<16xf32>,
        %mul3A_674 = arith.constant 16 : i32
        %mul3A_675 = arith.muli %scan3A_648, %mul3A_674 : i32
        %add3A_676 = arith.constant 8192 : i32
        %add3A_677 = arith.addi %add3A_676, %mul3A_675 : i32
        %swap3A_678 = arith.index_cast %add3A_677 : i32 to index
        %swap3A_679 = tpu.vector_load %arg17[%swap3A_678] {strides = array<i32>} : memref<16384xf32, #tpu.memory_space<vmem>>, vector<16xf32>,
        tpu.vector_store %arg17[%swap3A_678], %gather3A_673 {strides = array<i32>} : memref<16384xf32, #tpu.memory_space<vmem>>, vector<16xf32>,
        %broadcast_in_dim3A_680 = arith.constant 3 : i32
        %broadcast_in_dim3A_681 = vector.broadcast %broadcast_in_dim3A_680 : i32 to vector<16xi32>
        %gather3A_682 = tpu.vector_load_idx %arg15[%broadcast_in_dim3A_681, %get3A_652] : memref<4x8192xf32, #tpu.memory_space<vmem>>[vector<16xi32>, vector<16xi32>], vector<16xf32>,
        %mul3A_683 = arith.constant 16 : i32
        %mul3A_684 = arith.muli %scan3A_648, %mul3A_683 : i32
        %add3A_685 = arith.constant 12288 : i32
        %add3A_686 = arith.addi %add3A_685, %mul3A_684 : i32
        %swap3A_687 = arith.index_cast %add3A_686 : i32 to index
        %swap3A_688 = tpu.vector_load %arg17[%swap3A_687] {strides = array<i32>} : memref<16384xf32, #tpu.memory_space<vmem>>, vector<16xf32>,
        tpu.vector_store %arg17[%swap3A_687], %gather3A_682 {strides = array<i32>} : memref<16384xf32, #tpu.memory_space<vmem>>, vector<16xf32>,
        %scan3A_689 = arith.constant 0 : i32
        scf.yield %scan3A_689 : i32
      }
      %scan3A_332 = arith.constant 256 : i32
      %mul3A_333 = arith.constant 4 : i32
      %mul3A_334 = arith.muli %add3A_310, %mul3A_333 : i32
      %add3A_335 = arith.addi %mul3A_2, %mul3A_334 : i32
      %mul3A_336 = arith.constant 4096 : i32
      %mul3A_337 = arith.muli %add3A_335, %mul3A_336 : i32
      %dma_start3A_338 = tpu.memref_slice %arg9[%mul3A_337] : memref<16777216xf32, #tpu.memory_space<hbm>> -> memref<16384xf32, #tpu.memory_space<hbm>>
      %dma_start3A_339 = tpu.memref_slice %arg9[%mul3A_337] : memref<16777216xf32, #tpu.memory_space<hbm>> -> memref<16384xf32, #tpu.memory_space<hbm>>
      tpu.enqueue_dma source(%arg17 : memref<16384xf32, #tpu.memory_space<vmem>>) target(%dma_start3A_339 : memref<16384xf32, #tpu.memory_space<hbm>>) target_semaphore(%arg21 : memref<!tpu.dma_semaphore, #tpu.memory_space<semaphore_mem>>)
      %add3A_340 = arith.constant 2 : i32
      %add3A_341 = arith.addi %add3A_310, %add3A_340 : i32
      %mul3A_342 = arith.constant 8 : i32
      %mul3A_343 = arith.muli %add3A_341, %mul3A_342 : i32
      %dma_start3A_344 = tpu.memref_slice %arg13[%mul3A_343] : memref<272xi32, #tpu.memory_space<vmem>> -> memref<4xi32, #tpu.memory_space<vmem>>
      %dma_start3A_345 = arith.constant 0 : i32
      %dma_start3A_346 = arith.constant 0 : i32
      %dma_start3A_347 = tpu.memref_slice %arg5[%dma_start3A_345, %dma_start3A_346] : memref<8192x8192xf32, #tpu.memory_space<hbm>> -> memref<8192x8192xf32, #tpu.memory_space<hbm>>
      tpu.enqueue_indirect_dma source(%dma_start3A_347 : memref<8192x8192xf32, #tpu.memory_space<hbm>>) target(%arg15 : memref<4x8192xf32, #tpu.memory_space<vmem>>) offsets(%dma_start3A_344 : memref<4xi32, #tpu.memory_space<vmem>>) semaphore(%arg19 : memref<!tpu.dma_semaphore, #tpu.memory_space<semaphore_mem>>)
      %scan3A_348 = arith.constant 0 : i32
      scf.yield %scan3A_348 : i32
    }
    %scan3A_241 = arith.constant 15 : i32
    %dma_wait3A_242 = arith.constant 256 : i32
    %dma_wait3A_243 = tpu.memref_slice %arg13[%dma_wait3A_242] : memref<272xi32, #tpu.memory_space<vmem>> -> memref<4xi32, #tpu.memory_space<vmem>>
    %dma_wait3A_244 = arith.constant 0 : i32
    %dma_wait3A_245 = arith.constant 0 : i32
    %dma_wait3A_246 = tpu.memref_slice %arg5[%dma_wait3A_244, %dma_wait3A_245] : memref<8192x8192xf32, #tpu.memory_space<hbm>> -> memref<8192x8192xf32, #tpu.memory_space<hbm>>
    tpu.wait_indirect_dma semaphore(%arg18 : memref<!tpu.dma_semaphore, #tpu.memory_space<semaphore_mem>>) src(%dma_wait3A_246 : memref<8192x8192xf32, #tpu.memory_space<hbm>>) dst(%arg14 : memref<4x8192xf32, #tpu.memory_space<vmem>>)
    %add3A_247 = arith.constant 120 : i32
    %add3A_248 = arith.addi %mul3A_2, %add3A_247 : i32
    %mul3A_249 = arith.constant 4096 : i32
    %mul3A_250 = arith.muli %add3A_248, %mul3A_249 : i32
    %dma_wait3A_251 = tpu.memref_slice %arg9[%mul3A_250] : memref<16777216xf32, #tpu.memory_space<hbm>> -> memref<16384xf32, #tpu.memory_space<hbm>>
    %dma_wait3A_252 = tpu.memref_slice %arg9[%mul3A_250] : memref<16777216xf32, #tpu.memory_space<hbm>> -> memref<16384xf32, #tpu.memory_space<hbm>>
    tpu.wait_dma2 semaphore(%arg20 : memref<!tpu.dma_semaphore, #tpu.memory_space<semaphore_mem>>) src(%arg16 : memref<16384xf32, #tpu.memory_space<vmem>>) dst(%dma_wait3A_252 : memref<16384xf32, #tpu.memory_space<hbm>>)
    %dma_wait3A_253 = arith.constant 264 : i32
    %dma_wait3A_254 = tpu.memref_slice %arg13[%dma_wait3A_253] : memref<272xi32, #tpu.memory_space<vmem>> -> memref<4xi32, #tpu.memory_space<vmem>>
    %dma_wait3A_255 = arith.constant 0 : i32
    %dma_wait3A_256 = arith.constant 0 : i32
    %dma_wait3A_257 = tpu.memref_slice %arg5[%dma_wait3A_255, %dma_wait3A_256] : memref<8192x8192xf32, #tpu.memory_space<hbm>> -> memref<8192x8192xf32, #tpu.memory_space<hbm>>
    tpu.wait_indirect_dma semaphore(%arg19 : memref<!tpu.dma_semaphore, #tpu.memory_space<semaphore_mem>>) src(%dma_wait3A_257 : memref<8192x8192xf32, #tpu.memory_space<hbm>>) dst(%arg15 : memref<4x8192xf32, #tpu.memory_space<vmem>>)
    %add3A_258 = arith.constant 124 : i32
    %add3A_259 = arith.addi %mul3A_2, %add3A_258 : i32
    %mul3A_260 = arith.constant 4096 : i32
    %mul3A_261 = arith.muli %add3A_259, %mul3A_260 : i32
    %dma_wait3A_262 = tpu.memref_slice %arg9[%mul3A_261] : memref<16777216xf32, #tpu.memory_space<hbm>> -> memref<16384xf32, #tpu.memory_space<hbm>>
    %dma_wait3A_263 = tpu.memref_slice %arg9[%mul3A_261] : memref<16777216xf32, #tpu.memory_space<hbm>> -> memref<16384xf32, #tpu.memory_space<hbm>>
    tpu.wait_dma2 semaphore(%arg21 : memref<!tpu.dma_semaphore, #tpu.memory_space<semaphore_mem>>) src(%arg17 : memref<16384xf32, #tpu.memory_space<vmem>>) dst(%dma_wait3A_263 : memref<16384xf32, #tpu.memory_space<hbm>>)
    return
  }
}

</mosaic_0001>

<sc_bundles>
// kernel: kernel.3.cloned.1.call-start
scs
__scs_entry_jumppad:
0x0: {  	(pc) =	sbr.rel $0x88, $3  }
0x1: {  	(tag) =	ssettag $0x0;
	lr =	simm.s32 $0x1  }
0x2: {  	[smem:$0x3F9A] =	sst lr;
	_ =	strace $0xD0000000  }
0x3: {  	_ = 	snop  }
0x4: {  	_ = 	snop  }
0x5: {  	_ = 	snop  }
0x6: {  	_ = 	snop  }
0x7: {  	_ = 	snop  }
__scs_overlays_trampoline_lowered:
0x8: {  	[smem:$0x3FA9] =	sst s0  }
0x9: {  	[smem:$0x3FAA] =	sst s1  }
0xa: {  	[smem:$0x3FAB] =	sst s2  }
0xb: {  	[smem:$0x3FAC] =	sst s3  }
0xc: {  	[smem:$0x3FAD] =	sst s4  }
0xd: {  	[smem:$0x3FAE] =	sst s5  }
0xe: {  	[smem:$0x3FAF] =	sst s6  }
0xf: {  	[smem:$0x3FB0] =	sst s7  }
0x10: {  	[smem:$0x3FB1] =	sst s8  }
0x11: {  	[smem:$0x3FB2] =	sst s9;
	s0 =	simm.s32 @!p0 $0x0  }
0x12: {  	s1 =	sld [smem:$0x3F98];
	s0 =	simm.s32 @p0 $0x1  }
0x13: {  	[smem:$0x3FB3] =	sst s0;
	s0 =	simm.s32 @!p1 $0x0  }
0x14: {  	s2 =	sld [smem:$0x3F97];
	s0 =	simm.s32 @p1 $0x1  }
0x15: {  	[smem:$0x3FB4] =	sst s0;
	s0 =	simm.s32 @!p2 $0x0  }
0x16: {  	s3 =	sld [smem:$0x3FDB];
	s0 =	simm.s32 @p2 $0x1  }
0x17: {  	s4 =	simm.s32 $0x1BF5;
	[smem:$0x3FB6] =	sst s0  }
0x18: {  	s0 =	sld [smem:$0x3F99];
	_ =	swait.ge [sflag:s4], $0x0  }
0x19: {  	s7 =	sld [smem:$0x3F9A]  }
0x1a: {  	s8 =	sadd.s32 $0xFFFFE003, lr  }
0x1b: {  	s9 =	sadd.s32 $0xFFFFFEF7, lr;
	s5 =	simm.s32 $0xFFFFFFFF;
	p2 =	slt.u32 s8, $0xFFFFF086  }
0x1c: {  	p1 =	slt.u32 s9, $0xF7A;
	s5 =	simm.s32 @!p2 $0x0  }
0x1d: {  	s5 =	simm.s32 @p1 $0x1;
	p0 =	seq.s32 s7, s2  }
0x1e: {  	s7 =	smul.u32 @!p0 $0xF7A, s2;
	p2 =	seq.s32 @!p0 s5, $0x0  }
0x1f: {  	s9 =	smul.u32 $0xF7A, s1;
	s8 =	simm.s32 @!p0 $0x1BF5;
	p2 =	por !p2, p0  }
0x20: {  	[sflag:s8] =	ssyncset.s32 @!p0 $0xFFFFF086;
	s6 =	sadd.s32 @!p0 s3, s7;
	s7 =	simm.s32 @!p0 $0x108  }
0x21: {  	s3 =	sadd.s32 s3, s9;
	s6 =	sadd.s32 @!p0 $0x88, s6;
	s7 =	simm.s32 @p2 $0x1082  }
0x22: {  	[simem:s7], [sflag:s8] =	dma.local @!p0 [hbm:s6], $0xF7A  }
0x23: {  	s9 =	sor.u32 $0xD0000000, s2;
	s6 =	simm.s32 $0x108;
	_ =	swait.ge @!p0 [sflag:s8], $0x0  }
0x24: {  	s3 =	sadd.s32 $0x88, s3;
	s6 =	simm.s32 @!p1 $0x1082;
	[sflag:s4] =	ssyncset.s32 $0xFFFFF086  }
0x25: {  	[simem:s6], [sflag:s4] =	dma.local [hbm:s3], $0xF7A  }
0x26: {  	[smem:$0x3F9A] =	sst s1;
	(tag) =	ssettag s2;
	_ =	strace s9  }
0x27: {  	s1 =	sld [smem:$0x3FAA]  }
0x28: {  	s2 =	sld [smem:$0x3FAB]  }
0x29: {  	s4 =	sld [smem:$0x3FAD]  }
0x2a: {  	p0 =	seq.s32 s5, $0x0;
	s5 =	sld [smem:$0x3FAE]  }
0x2b: {  	s6 =	sld [smem:$0x3FAF]  }
0x2c: {  	s7 =	sld [smem:$0x3FB0]  }
0x2d: {  	s3 =	simm.s32 $0x108;
	s8 =	sld [smem:$0x3FB1]  }
0x2e: {  	s3 =	simm.s32 @!p0 $0x1082;
	s9 =	sld [smem:$0x3FB2]  }
0x2f: {  	lr =	sadd.s32 s0, s3;
	s0 =	sld [smem:$0x3FA9]  }
0x30: {  	s3 =	sld [smem:$0x3FAC]  }
0x31: {  	[smem:$0x3FB5] =	sst s10  }
0x32: {  	s10 =	sld [smem:$0x3FB3];
	_ =	sdelay $0x3  }
0x33: {  	p0 =	seq.s32 s10, $0x1;
	s10 =	sld [smem:$0x3FB5];
	_ =	sdelay $0x3  }
0x34: {  	[smem:$0x3FB5] =	sst s10  }
0x35: {  	s10 =	sld [smem:$0x3FB4];
	_ =	sdelay $0x3  }
0x36: {  	p1 =	seq.s32 s10, $0x1;
	s10 =	sld [smem:$0x3FB5];
	_ =	sdelay $0x3  }
0x37: {  	[smem:$0x3FB5] =	sst s10  }
0x38: {  	s10 =	sld [smem:$0x3FB6]  }
0x39: {  	_ = 	snop;
	(pc) =	sbr.ind lr, $3  }
0x3a: {  	_ = 	snop  }
0x3b: {  	_ = 	snop  }
0x3c: {  	p2 =	seq.s32 s10, $0x1;
	s10 =	sld [smem:$0x3FB5]  }
0x3d: {  	_ =	shalt  }
0x3e: {  	_ =	shalt  }
0x3f: {  	_ =	shalt  }
0x40: {  	_ =	shalt  }
0x41: {  	_ =	shalt  }
0x42: {  	_ =	shalt  }
0x43: {  	_ =	shalt  }
0x44: {  	_ =	shalt  }
0x45: {  	_ =	shalt  }
0x46: {  	_ =	shalt  }
0x47: {  	_ =	shalt  }
0x48: {  	_ =	shalt  }
0x49: {  	_ =	shalt  }
0x4a: {  	_ =	shalt  }
0x4b: {  	_ =	shalt  }
0x4c: {  	_ =	shalt  }
0x4d: {  	_ =	shalt  }
0x4e: {  	_ =	shalt  }
0x4f: {  	_ =	shalt  }
0x50: {  	_ =	shalt  }
0x51: {  	_ =	shalt  }
0x52: {  	_ =	shalt  }
0x53: {  	_ =	shalt  }
0x54: {  	_ =	shalt  }
0x55: {  	_ =	shalt  }
0x56: {  	_ =	shalt  }
0x57: {  	_ =	shalt  }
0x58: {  	_ =	shalt  }
0x59: {  	_ =	shalt  }
0x5a: {  	_ =	shalt  }
0x5b: {  	_ =	shalt  }
0x5c: {  	_ =	shalt  }
0x5d: {  	_ =	shalt  }
0x5e: {  	_ =	shalt  }
0x5f: {  	_ =	shalt  }
0x60: {  	_ =	shalt  }
0x61: {  	_ =	shalt  }
0x62: {  	_ =	shalt  }
0x63: {  	_ =	shalt  }
0x64: {  	_ =	shalt  }
0x65: {  	_ =	shalt  }
0x66: {  	_ =	shalt  }
0x67: {  	_ =	shalt  }
0x68: {  	_ =	shalt  }
0x69: {  	_ =	shalt  }
0x6a: {  	_ =	shalt  }
0x6b: {  	_ =	shalt  }
0x6c: {  	_ =	shalt  }
0x6d: {  	_ =	shalt  }
0x6e: {  	_ =	shalt  }
0x6f: {  	_ =	shalt  }
0x70: {  	_ =	shalt  }
0x71: {  	_ =	shalt  }
0x72: {  	_ =	shalt  }
0x73: {  	_ =	shalt  }
0x74: {  	_ =	shalt  }
0x75: {  	_ =	shalt  }
0x76: {  	_ =	shalt  }
0x77: {  	_ =	shalt  }
0x78: {  	_ =	shalt  }
0x79: {  	_ =	shalt  }
0x7a: {  	_ =	shalt  }
0x7b: {  	_ =	shalt  }
0x7c: {  	_ =	shalt  }
0x7d: {  	_ =	shalt  }
0x7e: {  	_ =	shalt  }
0x7f: {  	_ =	shalt  }
0x80: {  	_ =	shalt  }
0x81: {  	_ =	shalt  }
0x82: {  	_ =	shalt  }
0x83: {  	_ =	shalt  }
0x84: {  	_ =	shalt  }
0x85: {  	_ =	shalt  }
0x86: {  	_ =	shalt  }
0x87: {  	_ =	shalt  }
.Lfunc_end0:
.L_simem_size_0:
called_computation_lowered:
.L_overlay_start_0:
0x88: {  	s2 =	sld [smem:$0x3FD9]  }
0x89: {  	s3 =	sld [smem:$0x3FFE];
	_ =	sdelay $0x1  }
0x8a: {  	s1 =	srdreg.scid  }
0x8b: {  	s0 =	sand.u32 $0x1, s1  }
0x8c: {  	s14 =	sshll.u32 s0, $0xA;
	s2 =	sadd.s32 s3, s2  }
0x8d: {  	s2 =	sadd.s32 s2, s14  }
0x8e: {  	[smem:$0x3FC1] =	sst s2  }
0x8f: {  	_ = 	snop  }
0x90: {  	s2 =	sld [smem:$0x3FD0];
	_ =	sdelay $0x1  }
0x91: {  	s15 =	sld [smem:$0x3FC8]  }
0x92: {  	s5 =	simm.s32 $0xA;
	s6 =	simm.s32 $0x10;
	s4 =	sld [smem:$0x3FC7]  }
0x93: {  	[smem:s6], [sflag:s5] =	dma.local [hbm:s2], $0x1  }
0x94: {  	_ =	swait.eq [sflag:s5], $0x1  }
0x95: {  	s16 =	sld [smem:$0x10]  }
0x96: {  	s17 =	sld [smem:$0x11];
	[sflag:s5] =	ssyncset.done $0x0  }
0x97: {  	s7 =	sld [smem:$0x12];
	[sflag:s5] =	ssyncadd.s32 $0xFFFFFFFF  }
0x98: {  	s18 =	sld [smem:$0x14];
	(tm) =	ssettm $0x1  }
0x99: {  	s8 =	sld [smem:$0x3FFB];
	_ =	sdelay $0x3  }
0x9a: {  	_ =	strace s8  }
0x9b: {  	s8 =	sld [smem:$0x3FFC];
	_ =	sdelay $0x3  }
0x9c: {  	_ =	strace s8  }
0x9d: {  	s8 =	sld [smem:$0x3FFD];
	_ =	sdelay $0x3  }
0x9e: {  	_ =	strace s8  }
0x9f: {  	_ =	strace $0x8FFFFFFF  }
0xa0: {  	s19 =	sld [smem:$0x3FDB];
	_ =	sdelay $0x1  }
0xa1: {  	s9 =	simm.s32 $_scs_section_size  }
0xa2: {  	s10 =	simm.s32 $_size__tile_overlayer_lowered;
	s11 =	simm.s32 $_tile_overlayer_lowered  }
0xa3: {  	s22 =	simm.s32 $0x1BFF;
	s21 =	sshll.u32 s11, $0x1;
	s8 =	sadd.s32 s9, s19  }
0xa4: {  	s12 =	simm.s32 $0x0;
	s20 =	sshll.u32 s10, $0x1;
	s10 =	sadd.s32 s21, s8  }
0xa5: {  	[timem:s12], [sflag:s22] =	dma.local [hbm:s10], s20  }
0xa6: {  	_ =	swait.ge [sflag:s22], s20  }
0xa7: {  	s9 =	ssub.s32 $0x0, s20;
	[sflag:s22] =	ssyncset.done $0x0  }
0xa8: {  	[sflag:s22] =	ssyncadd.s32 s9;
	_ =	sdelay $0x1  }
0xa9: {  	s23 =	simm.s32 $0x1B8B  }
0xaa: {  	_ =	swait.ge [sflag:s23], $0x1  }
0xab: {  	[sflag:s23] =	ssyncset.done $0x0  }
0xac: {  	s25 =	simm.s32 $0x1B8E;
	s24 =	sld [smem:$0x3FFE];
	[sflag:s23] =	ssyncadd.s32 $0xFFFFFFFF  }
0xad: {  	s26 =	simm.s32 $execute0_lowered;
	[smem:$0x3FD2] =	sst s25  }
0xae: {  	s10 =	sshll.u32 s26, $0x1;
	_ =	strace $0x80000046;
	[dreg:$0x1] =	wrdreg $0xFFFFFFFF  }
0xaf: {  	s28 =	simm.s32 $_size_execute0_lowered;
	s8 =	sadd.s32 s8, s10;
	[dreg:$0x0] =	wrdreg $0x0  }
0xb0: {  	s10 =	sshll.u32 s28, $0x1;
	[dreg:$0x2] =	wrdreg s8  }
0xb1: {  	[dreg:$0x3] =	wrdreg s10  }
0xb2: {  	[dreg:$0x4] =	wrdreg $0xC0  }
0xb3: {  	_ =	task [dreg:s12], $0x5FFFF  }
0xb4: {  	[dreg:$0x1] =	wrdreg $0xFFFFFFFF  }
0xb5: {  	[dreg:$0x0] =	wrdreg $0x60  }
0xb6: {  	[dreg:$0x2] =	wrdreg s24  }
0xb7: {  	[dreg:$0x3] =	wrdreg s17  }
0xb8: {  	[dreg:$0x4] =	wrdreg s15  }
0xb9: {  	[dreg:$0x5] =	wrdreg s4  }
0xba: {  	[dreg:$0x6] =	wrdreg s18  }
0xbb: {  	[dreg:$0x7] =	wrdreg s16  }
0xbc: {  	[dreg:$0x8] =	wrdreg s7  }
0xbd: {  	[dreg:$0x9] =	wrdreg $0x9  }
0xbe: {  	_ =	task.clear_ibuf [dreg:s12], $0xAFFFF;
	_ =	strace $0x90000046  }
0xbf: {  	s29 =	simm.s32 $0x9;
	_ =	strace $0x80000048  }
0xc0: {  	_ =	swait.ge [sflag:s29], $0x1  }
0xc1: {  	[sflag:s29] =	ssyncadd.s32 $0xFFFFFFFF  }
0xc2: {  	_ =	strace $0x90000048  }
0xc3: {  	_ =	sfence  }
0xc4: {  	s30 =	sld [smem:$0x0];
	_ =	sdelay $0x2  }
0xc5: {  	s31 =	sshll.u32 s1, $0xD;
	s1 =	sshrl.u32 s1, $0x2  }
0xc6: {  	s3 =	sand.u32 $0x4000, s31;
	s1 =	sadd.s32 s1, s30  }
0xc7: {  	s0 =	sor.u32 s3, s0;
	s1 =	sshll.u32 s1, $0x11  }
0xc8: {  	s0 =	sor.u32 s1, s0  }
0xc9: {  	s0 =	sadd.s32 $0x8F2B, s0  }
0xca: {  	[sflag:s0] =	ssyncadd.remote.s32 $0x1  }
0xcb: {  	_ =	sfence.sel $0xFFFF  }
0xcc: {  	[dreg:$0x0] =	wrdreg $0xFFFFFFFF;
	(pc) =	sbr.abs _section_cstart, $3  }
0xcd: {  	[dreg:$0x1] =	wrdreg $0xFFFFFFFF  }
0xce: {  	_ =	task.clear_ibuf [dreg:s12], $0x2FFFF;
	_ =	strace $0x9FFFFFFF  }
0xcf: {  	(tm) =	ssettm $0x7FFFFFFF  }
tec
execute0_lowered:
.L_overlay_start_1:
0x0: {  	(tag) =	ssettag $0x1  }
0x1: {  	s0 =	rddreg [dreg:$0x0]  }
0x2: {  	s7 =	rddreg [dreg:$0x2]  }
0x3: {  	s10 =	rddreg [dreg:$0x3]  }
0x4: {  	s1 =	rddreg [dreg:$0x5]  }
0x5: {  	s2 =	rddreg [dreg:$0x6];
	s6 =	simm.s32 $0x0  }
0x6: {  	[smem:$0x7FF] =	sst s6;
	s5 =	sadd.s32 $0x1000, s0  }
0x7: {  	s8 =	sadd.s32 $0x400, s7;
	_ =	strace $0x80000047;
	[dreg:$0x8] =	wrdreg s5  }
0x8: {  	s9 =	sadd.s32 $0x600, s7;
	[dreg:$0xc] =	wrdreg s8  }
0x9: {  	s11 =	sadd.s32 $0x800, s7;
	[dreg:$0xd] =	wrdreg s9  }
0xa: {  	s3 =	srdreg.scid;
	s12 =	sadd.s32 $0xA00, s7;
	[dreg:$0xe] =	wrdreg s11  }
0xb: {  	s4 =	stileid.u32;
	s14 =	sadd.s32 $0xC00, s7;
	[dreg:$0xf] =	wrdreg s12  }
0xc: {  	s29 =	simm.s32 $0x80000000;
	s15 =	sadd.s32 $0xE00, s7;
	[dreg:$0x10] =	wrdreg s14  }
0xd: {  	s3 =	sand.u32 $0x1, s3;
	s19 =	sadd.s32 $0x1200, s7;
	[dreg:$0x11] =	wrdreg s15  }
0xe: {  	s4 =	sshll.u32 s4, $0x1;
	s22 =	sadd.s32 $0x400, s10;
	[dreg:$0x17] =	wrdreg s19  }
0xf: {  	s0 =	sadd.s32 $0x1400, s0;
	s23 =	sadd.s32 $0xA00, s10;
	[smem:$0x7F6] =	sst s22  }
0x10: {  	s21 =	sadd.s32 $0x1C00, s7;
	s24 =	sadd.s32 $0xC00, s10;
	[smem:$0x7F7] =	sst s23  }
0x11: {  	s25 =	sadd.s32 $0xE00, s10;
	s26 =	ssub.s32 $0x2, s3;
	[smem:$0x7F8] =	sst s24  }
0x12: {  	s3 =	sor.u32 s3, s4;
	s5 =	sadd.s32 $0x200, s7;
	[smem:$0x7F9] =	sst s25  }
0x13: {  	s8 =	sadd.s32 $0x1E00, s7;
	s9 =	sadd.s32 $0x200, s10;
	[dreg:$0xb] =	wrdreg s5  }
0x14: {  	s24 =	sadd.s32 $0x1200, s10;
	s19 =	sadd.s32 $0x1600, s10;
	[dreg:$0x1e] =	wrdreg s8  }
0x15: {  	s11 =	simm.s32 $0x7180;
	s12 =	simm.s32 $0xF180;
	[dreg:$0x1f] =	wrdreg s9  }
0x16: {  	s13 =	sshll.u32 s3, $0x7;
	s5 =	sadd.s32 $0x1600, s7;
	[smem:$0x7FD] =	sst s24  }
0x17: {  	s31 =	sshll.u32 s3, $0xB;
	s30 =	sor.u32 $0x2000, s13;
	[dreg:$0x1a] =	wrdreg s5  }
0x18: {  	s16 =	sshll.u32 s3, $0x10;
	s1 =	sadd.s32 s1, s31;
	[dreg:$0x9] =	wrdreg s30  }
0x19: {  	s14 =	simm.s32 $0x2;
	s17 =	sadd.s32 s2, s16;
	[dreg:$0xa] =	wrdreg s1  }
0x1a: {  	s28 =	sshrl.u32 s26, $0x1;
	s31 =	sadd.s32 $0x1000, s10;
	[dreg:$0x13] =	wrdreg s17  }
0x1b: {  	s4 =	ssub.s32 s26, s28;
	s26 =	sadd.s32 $0x600, s10;
	[smem:$0x7FA] =	sst s31  }
0x1c: {  	s18 =	sor.u32 $0x800, s16;
	s28 =	sadd.s32 $0x800, s10;
	[smem:$0x7FB] =	sst s26  }
0x1d: {  	v0 =	vimm.s32 $0x33333210;
	s15 =	simm.s32 $0x3;
	s2 =	sadd.s32 s2, s18;
	[smem:$0x7FC] =	sst s28  }
0x1e: {  	v0 =	vunpack.c.l.s4.s8 v0;
	p0 =	sne.s32 s3, $0x0;
	s1 =	sadd.s32 s0, s16;
	[dreg:$0x14] =	wrdreg s2  }
0x1f: {  	s3 =	sadd.s32 $0x1E00, s10;
	s0 =	sadd.s32 s0, s18;
	[dreg:$0x15] =	wrdreg s1  }
0x20: {  	v0 =	vunpack.c.0.s8.s32 v0;
	s30 =	sadd.s32 $0x1000, s7;
	s20 =	smax.u32 s4, $0x1;
	[dreg:$0x16] =	wrdreg s0  }
0x21: {  	s4 =	sadd.s32 $0x1A00, s7;
	s18 =	sadd.s32 $0x1400, s10;
	[dreg:$0x19] =	wrdreg s20  }
0x22: {  	v0 =	vor.u32 s13, v0;
	s13 =	simm.s32 $0x1;
	s16 =	simm.s32 $0x4;
	[dreg:$0x12] =	wrdreg s30  }
0x23: {  	s17 =	simm.s32 $0x0;
	s0 =	sadd.s32 $0x1400, s7;
	[dreg:$0x1c] =	wrdreg s4  }
0x24: {  	v1 =	vlaneseq.u32;
	s1 =	sadd.s32 $0x1800, s7;
	s7 =	smov.u32 s21;
	[dreg:$0x18] =	wrdreg s0  }
0x25: {  	v2 =	vimm.s32 $0x0;
	vm0 =	vmmov $0xffff;
	v5 =	vshrl.u32 v1, $0x2;
	s20 =	sadd.s32 $0x1800, s10;
	s21 =	sadd.s32 $0x1A00, s10;
	[dreg:$0x1b] =	wrdreg s1  }
0x26: {  	v3 =	vshrl.u32 v1, $0x3;
	v4 =	vand.u32 $0x3, v1;
	v5 =	vmul.u32 $0x8, v5;
	s2 =	sadd.s32 $0x1C00, s10;
	s10 =	simm.s32 $0x2000;
	[dreg:$0x1d] =	wrdreg s7  }
.LBB2_1:
0x27: {  	[smem:$0x7F5] =	sst s17  }
0x28: {  	s30 =	rddreg [dreg:$0x8];
	s31 =	simm.s32 $0x6  }
0x29: {  	[tilespmem:s6], [sflag:$0x6] =	stream.linear.gather [hbm4b:s30+s6], $0x2000, $0x38;
	[tilespmem:$0x1F180] =	vst v63  }
0x2a: {  	_ =	swait.ge [sflag:s31], $0x2000  }
0x2b: {  	[sflag:s31] =	ssyncset.done $0x0  }
0x2c: {  	s17 =	simm.s32 $0x0;
	s22 =	simm.s32 $0x0;
	[sflag:s31] =	ssyncadd.s32 $0xFFFFE000  }
.LBB2_2:
0x2d: {  	s28 =	simm.s32 $0x0  }
0x2e: {  	v7 =	vld [tilespmem:s28+$0x0]  }
0x2f: {  	s23 =	sshrl.u32 s29, s22;
	v9 =	vld [tilespmem:s28+$0x10]  }
0x30: {  	s23 =	sor.u32 s23, s17;
	v11 =	vld [tilespmem:s28+$0x20]  }
0x31: {  	v10 =	vld [tilespmem:s28+$0x30];
	s25 =	sxor.u32 $0x80000000, s23  }
0x32: {  	v8 =	vld [tilespmem:s28+$0x40];
	v6 =	vmov s25  }
0x33: {  	vm1 =	vge.s32 v7, v6;
	v7 =	vld [tilespmem:s28+$0x50]  }
0x34: {  	v12 =	vimm.s32 $0x0;
	v13 =	vsel vm1, $0x1, v2;
	vm1 =	vge.s32 v9, v6;
	v9 =	vld [tilespmem:s28+$0x60]  }
0x35: {  	s26 =	simm.s32 $0x400;
	s25 =	simm.s32 $0x80;
	v12 =	vadd.s32 v13, v12;
	v13 =	vsel vm1, $0x1, v2;
	vm1 =	vge.s32 v11, v6;
	v11 =	vld [tilespmem:s28+$0x70]  }
.LBB2_3:
0x36: {  	p1 =	sne.s32 s26, $0x7E00;
	v14 =	vld [tilespmem:s25+$0x0];
	v12 =	vadd.s32 v13, v12;
	v13 =	vsel vm1, $0x1, v2;
	vm1 =	vge.s32 v10, v6  }
0x37: {  	v15 =	vld [tilespmem:s25+$0x10];
	v10 =	vadd.s32 v13, v12;
	v12 =	vsel vm1, $0x1, v2;
	vm1 =	vge.s32 v8, v6  }
0x38: {  	v16 =	vld [tilespmem:s25+$0x20];
	v8 =	vadd.s32 v12, v10;
	v12 =	vsel vm1, $0x1, v2;
	vm1 =	vge.s32 v7, v6  }
.Ltmp0:
0x39: {  	v10 =	vld [tilespmem:s25+$0x30];
	v7 =	vadd.s32 v12, v8;
	v12 =	vsel vm1, $0x1, v2;
	vm1 =	vge.s32 v9, v6;
	(pc) =	sbr.rel @p1 .LBB2_3-.Ltmp0, $4  }
0x3a: {  	v8 =	vld [tilespmem:s25+$0x40];
	v9 =	vadd.s32 v12, v7;
	v12 =	vsel vm1, $0x1, v2;
	vm1 =	vge.s32 v11, v6  }
0x3b: {  	vm2 =	vge.s32 v14, v6;
	v7 =	vld [tilespmem:s25+$0x50];
	v11 =	vadd.s32 v12, v9;
	v12 =	vsel vm1, $0x1, v2  }
0x3c: {  	v13 =	vsel vm2, $0x1, v2;
	vm1 =	vge.s32 v15, v6;
	v9 =	vld [tilespmem:s25+$0x60];
	v11 =	vadd.s32 v12, v11  }
0x3d: {  	v12 =	vadd.s32 v13, v11;
	v13 =	vsel vm1, $0x1, v2;
	vm1 =	vge.s32 v16, v6;
	v11 =	vld [tilespmem:s25+$0x70];
	s25 =	sshra.s32 s26, $0x2;
	s26 =	sadd.s32 $0x200, s26  }
0x3e: {  	v14 =	vld [tilespmem:s25+$0x0];
	v12 =	vadd.s32 v13, v12;
	v47 =	vsel vm1, $0x1, v2;
	vm1 =	vge.s32 v10, v6  }
0x3f: {  	v48 =	vld [tilespmem:s25+$0x10];
	v12 =	vadd.s32 v47, v12;
	v49 =	vsel vm1, $0x1, v2;
	vm1 =	vge.s32 v8, v6  }
0x40: {  	v50 =	vld [tilespmem:s25+$0x20];
	v12 =	vadd.s32 v49, v12;
	v51 =	vsel vm1, $0x1, v2;
	vm1 =	vge.s32 v7, v6  }
0x41: {  	v7 =	vld [tilespmem:s25+$0x30];
	v12 =	vadd.s32 v51, v12;
	v52 =	vsel vm1, $0x1, v2;
	vm1 =	vge.s32 v9, v6  }
0x42: {  	v53 =	vld [tilespmem:s25+$0x40];
	v12 =	vadd.s32 v52, v12;
	v54 =	vsel vm1, $0x1, v2;
	vm1 =	vge.s32 v11, v6  }
0x43: {  	v55 =	vld [tilespmem:s25+$0x50];
	vm2 =	vge.s32 v14, v6;
	v12 =	vadd.s32 v54, v12;
	v56 =	vsel vm1, $0x1, v2  }
0x44: {  	v57 =	vld [tilespmem:s25+$0x60];
	vm1 =	vge.s32 v48, v6;
	v14 =	vsel vm2, $0x1, v2;
	v12 =	vadd.s32 v56, v12  }
0x45: {  	v59 =	vld [tilespmem:s25+$0x70];
	v58 =	vsel vm1, $0x1, v2;
	vm1 =	vge.s32 v50, v6;
	v12 =	vadd.s32 v14, v12  }
0x46: {  	v60 =	vsel vm1, $0x1, v2;
	vm1 =	vge.s32 v7, v6;
	v12 =	vadd.s32 v58, v12  }
0x47: {  	v61 =	vsel vm1, $0x1, v2;
	vm1 =	vge.s32 v53, v6;
	v7 =	vadd.s32 v60, v12  }
0x48: {  	v9 =	vsel vm1, $0x1, v2;
	vm1 =	vge.s32 v55, v6;
	v7 =	vadd.s32 v61, v7  }
0x49: {  	v62 =	vsel vm1, $0x1, v2;
	vm1 =	vge.s32 v57, v6;
	v7 =	vadd.s32 v9, v7  }
0x4a: {  	v63 =	vsel vm1, $0x1, v2;
	vm1 =	vge.s32 v59, v6;
	v7 =	vadd.s32 v62, v7  }
0x4b: {  	v6 =	vadd.s32 v63, v7;
	v7 =	vsel vm1, $0x1, v2  }
0x4c: {  	v6 =	vadd.s32 v7, v6  }
0x4d: {  	(xrf0) =	vadd.scan.msk.s32 $0xffff, v6;
	_ =	sdelay $0x5  }
0x4e: {  	v6, _, _ =	vpop (xrf0)  }
0x4f: {  	(v2sf) =	vpush v6, $0xF;
	_ =	sdelay $0xa  }
0x50: {  	s22 =	sadd.s32 $0x1, s22  }
0x51: {  	p2 =	sne.s32 s22, $0x20  }
.Ltmp1:
0x52: {  	_ = 	snop;
	(pc) =	sbr.rel @p2 .LBB2_2-.Ltmp1, $4  }
0x53: {  	_ = 	snop  }
0x54: {  	s31 =	spop (v2sf)  }
0x55: {  	p1 =	sgt.s32 s31, $0xFFF  }
0x56: {  	s17 =	smov.u32 @p1 s23  }
0x57: {  	s23 =	simm.s32 $0x0  }
0x58: {  	v7 =	vld [tilespmem:s23+$0x0]  }
0x59: {  	v9 =	vld [tilespmem:s23+$0x10]  }
0x5a: {  	v11 =	vld [tilespmem:s23+$0x20]  }
0x5b: {  	s17 =	sxor.u32 $0x80000000, s17;
	v10 =	vld [tilespmem:s23+$0x30]  }
0x5c: {  	v6 =	vmov s17;
	v8 =	vld [tilespmem:s23+$0x40]  }
0x5d: {  	vm1 =	vgt.s32 v7, v6;
	v7 =	vld [tilespmem:s23+$0x50]  }
0x5e: {  	v12 =	vimm.s32 $0x0;
	v13 =	vsel vm1, $0x1, v2;
	vm1 =	vgt.s32 v9, v6;
	v9 =	vld [tilespmem:s23+$0x60]  }
0x5f: {  	s22 =	simm.s32 $0x400;
	s17 =	simm.s32 $0x80;
	v12 =	vadd.s32 v13, v12;
	v13 =	vsel vm1, $0x1, v2;
	vm1 =	vgt.s32 v11, v6;
	v11 =	vld [tilespmem:s23+$0x70]  }
.LBB2_6:
0x60: {  	p1 =	sne.s32 s22, $0x7E00;
	v14 =	vld [tilespmem:s17+$0x0];
	v12 =	vadd.s32 v13, v12;
	v13 =	vsel vm1, $0x1, v2;
	vm1 =	vgt.s32 v10, v6  }
0x61: {  	v15 =	vld [tilespmem:s17+$0x10];
	v10 =	vadd.s32 v13, v12;
	v12 =	vsel vm1, $0x1, v2;
	vm1 =	vgt.s32 v8, v6  }
0x62: {  	v16 =	vld [tilespmem:s17+$0x20];
	v8 =	vadd.s32 v12, v10;
	v12 =	vsel vm1, $0x1, v2;
	vm1 =	vgt.s32 v7, v6  }
.Ltmp2:
0x63: {  	v10 =	vld [tilespmem:s17+$0x30];
	v7 =	vadd.s32 v12, v8;
	v12 =	vsel vm1, $0x1, v2;
	vm1 =	vgt.s32 v9, v6;
	(pc) =	sbr.rel @p1 .LBB2_6-.Ltmp2, $4  }
0x64: {  	v8 =	vld [tilespmem:s17+$0x40];
	v9 =	vadd.s32 v12, v7;
	v12 =	vsel vm1, $0x1, v2;
	vm1 =	vgt.s32 v11, v6  }
0x65: {  	vm2 =	vgt.s32 v14, v6;
	v7 =	vld [tilespmem:s17+$0x50];
	v11 =	vadd.s32 v12, v9;
	v12 =	vsel vm1, $0x1, v2  }
0x66: {  	v13 =	vsel vm2, $0x1, v2;
	vm1 =	vgt.s32 v15, v6;
	v9 =	vld [tilespmem:s17+$0x60];
	v11 =	vadd.s32 v12, v11  }
0x67: {  	v12 =	vadd.s32 v13, v11;
	v13 =	vsel vm1, $0x1, v2;
	vm1 =	vgt.s32 v16, v6;
	v11 =	vld [tilespmem:s17+$0x70];
	s17 =	sshra.s32 s22, $0x2;
	s22 =	sadd.s32 $0x200, s22  }
0x68: {  	v14 =	vld [tilespmem:s17+$0x0];
	v12 =	vadd.s32 v13, v12;
	v55 =	vsel vm1, $0x1, v2;
	vm1 =	vgt.s32 v10, v6  }
0x69: {  	v10 =	vld [tilespmem:s17+$0x10];
	v12 =	vadd.s32 v55, v12;
	v56 =	vsel vm1, $0x1, v2;
	vm1 =	vgt.s32 v8, v6  }
0x6a: {  	v8 =	vld [tilespmem:s17+$0x20];
	v12 =	vadd.s32 v56, v12;
	v57 =	vsel vm1, $0x1, v2;
	vm1 =	vgt.s32 v7, v6  }
0x6b: {  	v7 =	vld [tilespmem:s17+$0x30];
	v12 =	vadd.s32 v57, v12;
	v58 =	vsel vm1, $0x1, v2;
	vm1 =	vgt.s32 v9, v6  }
0x6c: {  	v9 =	vld [tilespmem:s17+$0x40];
	v12 =	vadd.s32 v58, v12;
	v59 =	vsel vm1, $0x1, v2;
	vm1 =	vgt.s32 v11, v6  }
0x6d: {  	v11 =	vld [tilespmem:s17+$0x50];
	vm2 =	vgt.s32 v14, v6;
	v12 =	vadd.s32 v59, v12;
	v60 =	vsel vm1, $0x1, v2  }
0x6e: {  	vm1 =	vgt.s32 v10, v6;
	v10 =	vld [tilespmem:s17+$0x60];
	v14 =	vsel vm2, $0x1, v2;
	v12 =	vadd.s32 v60, v12  }
0x6f: {  	v61 =	vsel vm1, $0x1, v2;
	vm1 =	vgt.s32 v8, v6;
	v8 =	vld [tilespmem:s17+$0x70];
	v12 =	vadd.s32 v14, v12  }
0x70: {  	v62 =	vsel vm1, $0x1, v2;
	vm1 =	vgt.s32 v7, v6;
	v12 =	vadd.s32 v61, v12  }
0x71: {  	v63 =	vsel vm1, $0x1, v2;
	vm1 =	vgt.s32 v9, v6;
	v7 =	vadd.s32 v62, v12  }
0x72: {  	v9 =	vsel vm1, $0x1, v2;
	vm1 =	vgt.s32 v11, v6;
	v7 =	vadd.s32 v63, v7  }
0x73: {  	v7 =	vadd.s32 v9, v7;
	v9 =	vsel vm1, $0x1, v2;
	vm1 =	vgt.s32 v10, v6  }
0x74: {  	v7 =	vadd.s32 v9, v7;
	v9 =	vsel vm1, $0x1, v2;
	vm1 =	vgt.s32 v8, v6  }
0x75: {  	v7 =	vadd.s32 v9, v7;
	v8 =	vsel vm1, $0x1, v2  }
0x76: {  	v7 =	vadd.s32 v8, v7  }
0x77: {  	(xrf0) =	vadd.scan.msk.s32 $0xffff, v7;
	_ =	sdelay $0x5  }
0x78: {  	v7, _, _ =	vpop (xrf0)  }
0x79: {  	(v2sf) =	vpush v7, $0xF;
	_ =	sdelay $0x1  }
0x7a: {  	s17 =	simm.s32 $0x0  }
0x7b: {  	v8 =	vld [tilespmem:s17+$0x0];
	_ =	sdelay $0x4  }
0x7c: {  	vm1 =	veq.s32 v8, v6  }
0x7d: {  	v7 =	vsel vm1, $0x1, v2  }
0x7e: {  	(xrf0) =	vadd.scan.msk.s32 $0xffff, v7;
	_ =	sdelay $0x4  }
0x7f: {  	v7 =	vsel vm1, $0xFFFFFFFF, v2;
	s22 =	spop (v2sf)  }
0x80: {  	v9 =	vadd.s32 s17, v7;
	v10, _, _ =	vpop (xrf0);
	s22 =	ssub.s32 $0x1000, s22  }
0x81: {  	v9 =	vadd.s32 v10, v9;
	v7 =	vmov s22  }
0x82: {  	vm2 =	vlt.s32 v9, v7  }
0x83: {  	vm3 =	vgt.s32 v8, v6;
	vm1 =	vmand vm1, vm2  }
0x84: {  	vm1 =	vmor vm3, vm1  }
0x85: {  	v8 =	vsel vm1, $0x1, v2  }
0x86: {  	(xrf0) =	vadd.scan.msk.s32 $0xffff, v8;
	_ =	sdelay $0x5  }
0x87: {  	(v2sf) =	vpush v10, $0xF;
	v8 =	vsel vm1, $0xFFFFFFFF, v2;
	v9, _, _ =	vpop (xrf0)  }
0x88: {  	v8 =	vadd.s32 s17, v8;
	(v2sf) =	vpush v9, $0xF  }
0x89: {  	v8 =	vadd.s32 v9, v8  }
0x8a: {  	v8 =	vnsel vm1, $0x0, v8;
	_ =	sdelay $0x3  }
0x8b: {  	v9 =	vor.u32 s17, v1  }
0x8c: {  	s22 =	simm.s32 $0x10;
	[tilespmem:v8+s10+$0x0] =	vst.idx.msk vm1, v9  }
0x8d: {  	v8 =	vld [tilespmem:s22+$0x0];
	_ =	sdelay $0x4  }
0x8e: {  	vm1 =	veq.s32 v8, v6  }
0x8f: {  	s23 =	simm.s32 $0x20;
	s25 =	spop (v2sf);
	v10 =	vsel vm1, $0x1, v2  }
0x90: {  	s26 =	simm.s32 $0x10;
	s25 =	sadd.s32 $0x0, s25;
	v9 =	vsel vm1, $0xFFFFFFFF, v2;
	(xrf0) =	vadd.scan.msk.s32 $0xffff, v10;
	s28 =	spop (v2sf)  }
.LBB2_8:
0x91: {  	p1 =	sne.s32 s23, $0x1FF0  }
0x92: {  	s17 =	sadd.s32 s17, s28;
	s28 =	smov.u32 s23;
	s23 =	sadd.s32 $0x10, s23  }
0x93: {  	_ =	sdelay $0x2  }
0x94: {  	v9 =	vadd.s32 s25, v9;
	v10, _, _ =	vpop (xrf0)  }
0x95: {  	v9 =	vadd.s32 v10, v9;
	(v2sf) =	vpush v10, $0xF  }
0x96: {  	vm2 =	vlt.s32 v9, v7  }
0x97: {  	vm3 =	vgt.s32 v8, v6;
	vm1 =	vmand vm1, vm2  }
0x98: {  	vm1 =	vmor vm3, vm1  }
0x99: {  	v8 =	vsel vm1, $0xFFFFFFFF, v2;
	v9 =	vsel vm1, $0x1, v2  }
0x9a: {  	(xrf0) =	vadd.scan.msk.s32 $0xffff, v9;
	_ =	sdelay $0x5  }
0x9b: {  	v8 =	vadd.s32 s17, v8;
	v9, _, _ =	vpop (xrf0)  }
0x9c: {  	v8 =	vadd.s32 v9, v8;
	(v2sf) =	vpush v9, $0xF  }
0x9d: {  	v8 =	vnsel vm1, $0x0, v8;
	_ =	sdelay $0x1  }
0x9e: {  	s29 =	spop (v2sf)  }
0x9f: {  	s25 =	sadd.s32 s25, s29  }
0xa0: {  	v9 =	vor.u32 s22, v1;
	s22 =	smov.u32 s28  }
0xa1: {  	s26 =	sadd.s32 $0x10, s26;
	[tilespmem:v8+s10+$0x0] =	vst.idx.msk vm1, v9  }
0xa2: {  	v8 =	vld [tilespmem:s26+$0x0];
	_ =	sdelay $0x3  }
.Ltmp3:
0xa3: {  	(pc) =	sbr.rel @p1 .LBB2_8-.Ltmp3, $4  }
0xa4: {  	vm1 =	veq.s32 v8, v6  }
0xa5: {  	v9 =	vsel vm1, $0xFFFFFFFF, v2;
	v10 =	vsel vm1, $0x1, v2  }
0xa6: {  	(xrf0) =	vadd.scan.msk.s32 $0xffff, v10  }
0xa7: {  	s28 =	spop (v2sf)  }
0xa8: {  	_ =	sdelay $0x3  }
0xa9: {  	v9 =	vadd.s32 s25, v9;
	v10, _, _ =	vpop (xrf0)  }
0xaa: {  	v9 =	vadd.s32 v10, v9  }
0xab: {  	vm2 =	vlt.s32 v9, v7  }
0xac: {  	vm3 =	vgt.s32 v8, v6;
	vm1 =	vmand vm1, vm2  }
0xad: {  	vm1 =	vmor vm3, vm1  }
0xae: {  	v6 =	vsel vm1, $0x1, v2  }
0xaf: {  	(xrf0) =	vadd.scan.msk.s32 $0xffff, v6;
	_ =	sdelay $0x3  }
0xb0: {  	(v2sf) =	vpush v10, $0xF;
	_ =	sdelay $0x1  }
0xb1: {  	v6, _, _ =	vpop (xrf0)  }
0xb2: {  	(v2sf) =	vpush v6, $0xF;
	_ =	sdelay $0x4  }
0xb3: {  	s17 =	sadd.s32 s17, s28;
	v7 =	vsel vm1, $0xFFFFFFFF, v2  }
0xb4: {  	v7 =	vadd.s32 s17, v7  }
0xb5: {  	v6 =	vadd.s32 v6, v7  }
0xb6: {  	v6 =	vnsel vm1, $0x0, v6;
	_ =	sdelay $0x3  }
0xb7: {  	v7 =	vor.u32 s22, v1;
	s22 =	spop (v2sf)  }
0xb8: {  	s23 =	rddreg [dreg:$0x4];
	s17 =	simm.s32 @!p0 $0x0;
	s22 =	simm.s32 @!p0 $0x2000;
	[tilespmem:v6+s10+$0x0] =	vst.idx.msk vm1, v7  }
0xb9: {  	[hbm4b:s23+s17] =	stream.linear.scatter @!p0 [tilespmem:s22], [sflag:$0x6], $0x1000, $0x38;
	[tilespmem:$0x1F180] =	vst v63  }
0xba: {  	s17 =	simm.s32 @!p0 $0x6;
	s23 =	spop (v2sf)  }
0xbb: {  	_ =	swait.ge @!p0 [sflag:s17], $0x1000  }
0xbc: {  	s24 =	simm.s32 $0x0;
	[sflag:s17] =	ssyncset.done @!p0 $0x0  }
0xbd: {  	s0 =	simm.s32 $0x80;
	s25 =	rddreg [dreg:$0x9];
	[sflag:s17] =	ssyncadd.s32 @!p0 $0xFFFFF000  }
0xbe: {  	s1 =	simm.s32 $0x3000;
	s26 =	simm.s32 $0x5;
	v6 =	vor.u32 s24, v3;
	s17 =	rddreg [dreg:$0x1]  }
0xbf: {  	vm1 =	vlt.s32 v6, $0x1F;
	[tilespmem:s1], [sflag:$0x5] =	stream.indirect.gather [hbm4b:s17+s0], $0x80, s25, s0, $0xb8;
	[tilespmem:$0x1F180] =	vst v63  }
0xc0: {  	v6 =	vnsel vm1, $0x1F, v6;
	_ =	swait.ge [sflag:s26], $0x4000  }
0xc1: {  	s28 =	simm.s32 $0x2;
	v6 =	vshll.u32 v6, $0x2;
	[sflag:s26] =	ssyncset.done $0x0  }
0xc2: {  	s30 =	simm.s32 $0x6;
	v6 =	vor.u32 v0, v6;
	s29 =	rddreg [dreg:$0xa];
	[sflag:s26] =	ssyncadd.s32 $0xFFFFC000  }
0xc3: {  	[hbm4b:s29+s24] =	stream.linear.scatter [tilespmem:s1], [sflag:$0x6], $0x4000, $0x38;
	[tilespmem:$0x1F180] =	vst v63  }
0xc4: {  	v7 =	vor.u32 s28, v3;
	_ =	swait.ge [sflag:s30], $0x4000  }
0xc5: {  	vm1 =	vlt.s32 v7, $0x1F;
	[sflag:s30] =	ssyncset.done $0x0  }
0xc6: {  	v7 =	vnsel vm1, $0x1F, v7;
	[sflag:s30] =	ssyncadd.s32 $0xFFFFC000  }
0xc7: {  	v7 =	vshll.u32 v7, $0x2;
	v6 =	vld.idx.msk [tilespmem:v6+s10+$0x0], $0xffff  }
0xc8: {  	v7 =	vor.u32 v0, v7;
	_ =	sdelay $0x1  }
0xc9: {  	s31 =	simm.s32 $0x4  }
0xca: {  	v8 =	vor.u32 s31, v3;
	s22 =	simm.s32 $0x6;
	s17 =	simm.s32 $0x7000  }
.LBB2_10:
0xcb: {  	p1 =	sne.s32 s22, $0x20;
	vm1 =	vlt.s32 v8, $0x1F;
	[tilespmem:s17+$0x0] =	vst v6  }
0xcc: {  	v8 =	vnsel vm1, $0x1F, v8;
	v6 =	vld.idx.msk [tilespmem:v7+s10+$0x0], $0xffff  }
.Ltmp4:
0xcd: {  	v7 =	vshll.u32 v8, $0x2;
	(pc) =	sbr.rel @p1 .LBB2_10-.Ltmp4, $2  }
0xce: {  	v7 =	vor.u32 v0, v7;
	_ =	sdelay $0x2  }
0xcf: {  	s17 =	sadd.s32 $0x10, s17;
	v8 =	vor.u32 s22, v3;
	s22 =	sadd.s32 $0x2, s22  }
0xd0: {  	_ =	sdelay $0x1  }
0xd1: {  	vm1 =	vlt.s32 v8, $0x1F  }
0xd2: {  	[tilespmem:s17+$0x0] =	vst v6;
	v6 =	vnsel vm1, $0x1F, v8  }
0xd3: {  	v7 =	vld.idx.msk [tilespmem:v7+s10+$0x0], $0xffff;
	v6 =	vshll.u32 v6, $0x2  }
0xd4: {  	v6 =	vor.u32 v0, v6;
	_ =	sdelay $0x2  }
0xd5: {  	s22 =	sadd.s32 $0x10, s17  }
0xd6: {  	[tilespmem:s22+$0x0] =	vst v7  }
0xd7: {  	v6 =	vld.idx.msk [tilespmem:v6+s10+$0x0], $0xffff;
	_ =	sdelay $0x3  }
0xd8: {  	s17 =	sadd.s32 $0x10, s22  }
0xd9: {  	[tilespmem:s17+$0x0] =	vst v6  }
0xda: {  	v6 =	vld.msk [tilespmem:$0x7000], $0xf;
	_ =	sdelay $0x4  }
0xdb: {  	v7 =	vshll.u32 v6, $0x6  }
0xdc: {  	v6 =	vand.u32 $0x7, v6;
	v7 =	vand.u32 $0xFFFFFE00, v7  }
0xdd: {  	v6 =	vor.u32 v6, v7  }
0xde: {  	v6 =	vperm.xlane v6, v4;
	_ =	sdelay $0x1  }
0xdf: {  	v6 =	vadd.s32 v5, v6;
	_ =	sdelay $0x3  }
0xe0: {  	s29 =	rddreg [dreg:$0x2]  }
0xe1: {  	[tilespmem:s11], [sflag:$0x1] =	stream.indirect_vreg.gather [hbm4b:s29+s6], $0x80, v6, vm0, $0xb8;
	[tilespmem:$0x1F180] =	vst v63  }
0xe2: {  	s26 =	rddreg [dreg:$0xb];
	s0 =	simm.s32 $0x7980  }
0xe3: {  	[tilespmem:s0], [sflag:$0x1] =	stream.indirect_vreg.gather [hbm4b:s26+s6], $0x80, v6, vm0, $0xb8;
	[tilespmem:$0x1F180] =	vst v63  }
0xe4: {  	s28 =	rddreg [dreg:$0xc];
	s23 =	simm.s32 $0x8180  }
0xe5: {  	[tilespmem:s23], [sflag:$0x1] =	stream.indirect_vreg.gather [hbm4b:s28+s6], $0x80, v6, vm0, $0xb8;
	[tilespmem:$0x1F180] =	vst v63  }
0xe6: {  	s24 =	simm.s32 $0x8980;
	s17 =	rddreg [dreg:$0xd]  }
0xe7: {  	[tilespmem:s24], [sflag:$0x1] =	stream.indirect_vreg.gather [hbm4b:s17+s6], $0x80, v6, vm0, $0xb8;
	[tilespmem:$0x1F180] =	vst v63  }
0xe8: {  	s25 =	simm.s32 $0x9180;
	s22 =	rddreg [dreg:$0xe]  }
0xe9: {  	[tilespmem:s25], [sflag:$0x1] =	stream.indirect_vreg.gather [hbm4b:s22+s6], $0x80, v6, vm0, $0xb8;
	[tilespmem:$0x1F180] =	vst v63  }
0xea: {  	s31 =	simm.s32 $0x9980;
	s23 =	rddreg [dreg:$0xf]  }
0xeb: {  	[tilespmem:s31], [sflag:$0x1] =	stream.indirect_vreg.gather [hbm4b:s23+s6], $0x80, v6, vm0, $0xb8;
	[tilespmem:$0x1F180] =	vst v63  }
0xec: {  	s1 =	simm.s32 $0xA180;
	s25 =	rddreg [dreg:$0x10]  }
0xed: {  	[tilespmem:s1], [sflag:$0x1] =	stream.indirect_vreg.gather [hbm4b:s25+s6], $0x80, v6, vm0, $0xb8;
	[tilespmem:$0x1F180] =	vst v63  }
0xee: {  	s4 =	simm.s32 $0xA980;
	s31 =	rddreg [dreg:$0x11]  }
0xef: {  	[tilespmem:s4], [sflag:$0x1] =	stream.indirect_vreg.gather [hbm4b:s31+s6], $0x80, v6, vm0, $0xb8;
	[tilespmem:$0x1F180] =	vst v63  }
0xf0: {  	s30 =	rddreg [dreg:$0x12];
	s5 =	simm.s32 $0xB180  }
0xf1: {  	[tilespmem:s5], [sflag:$0x1] =	stream.indirect_vreg.gather [hbm4b:s30+s6], $0x80, v6, vm0, $0xb8;
	[tilespmem:$0x1F180] =	vst v63  }
0xf2: {  	s9 =	rddreg [dreg:$0x17];
	s7 =	simm.s32 $0xB980  }
0xf3: {  	[tilespmem:s7], [sflag:$0x1] =	stream.indirect_vreg.gather [hbm4b:s9+s6], $0x80, v6, vm0, $0xb8;
	[tilespmem:$0x1F180] =	vst v63  }
0xf4: {  	s0 =	rddreg [dreg:$0x18];
	s1 =	simm.s32 $0xC180  }
0xf5: {  	[tilespmem:s1], [sflag:$0x1] =	stream.indirect_vreg.gather [hbm4b:s0+s6], $0x80, v6, vm0, $0xb8;
	[tilespmem:$0x1F180] =	vst v63  }
0xf6: {  	s8 =	simm.s32 $0xC980;
	s5 =	rddreg [dreg:$0x1a]  }
0xf7: {  	[tilespmem:s8], [sflag:$0x1] =	stream.indirect_vreg.gather [hbm4b:s5+s6], $0x80, v6, vm0, $0xb8;
	[tilespmem:$0x1F180] =	vst v63  }
0xf8: {  	s4 =	simm.s32 $0xD180;
	s1 =	rddreg [dreg:$0x1b]  }
0xf9: {  	[tilespmem:s4], [sflag:$0x1] =	stream.indirect_vreg.gather [hbm4b:s1+s6], $0x80, v6, vm0, $0xb8;
	[tilespmem:$0x1F180] =	vst v63  }
0xfa: {  	s7 =	simm.s32 $0xD980;
	s4 =	rddreg [dreg:$0x1c]  }
0xfb: {  	[tilespmem:s7], [sflag:$0x1] =	stream.indirect_vreg.gather [hbm4b:s4+s6], $0x80, v6, vm0, $0xb8;
	[tilespmem:$0x1F180] =	vst v63  }
0xfc: {  	s8 =	simm.s32 $0xE180;
	s7 =	rddreg [dreg:$0x1d]  }
0xfd: {  	[tilespmem:s8], [sflag:$0x1] =	stream.indirect_vreg.gather [hbm4b:s7+s6], $0x80, v6, vm0, $0xb8;
	[tilespmem:$0x1F180] =	vst v63  }
0xfe: {  	s24 =	simm.s32 $0xE980;
	s8 =	rddreg [dreg:$0x1e]  }
0xff: {  	[tilespmem:s24], [sflag:$0x1] =	stream.indirect_vreg.gather [hbm4b:s8+s6], $0x80, v6, vm0, $0xb8;
	[tilespmem:$0x1F180] =	vst v63  }
0x100: {  	v6 =	vld.msk [tilespmem:$0x7008], $0xf;
	_ =	sdelay $0x4  }
0x101: {  	v7 =	vshll.u32 v6, $0x6  }
0x102: {  	v6 =	vand.u32 $0x7, v6;
	v7 =	vand.u32 $0xFFFFFE00, v7  }
0x103: {  	v6 =	vor.u32 v6, v7  }
0x104: {  	v6 =	vperm.xlane v6, v4;
	_ =	sdelay $0x1  }
0x105: {  	v6 =	vadd.s32 v5, v6;
	_ =	sdelay $0x4  }
0x106: {  	[tilespmem:s12], [sflag:$0x2] =	stream.indirect_vreg.gather [hbm4b:s29+s6], $0x80, v6, vm0, $0xb8;
	[tilespmem:$0x1F180] =	vst v63  }
0x107: {  	s24 =	simm.s32 $0xF980  }
0x108: {  	[tilespmem:s24], [sflag:$0x2] =	stream.indirect_vreg.gather [hbm4b:s26+s6], $0x80, v6, vm0, $0xb8;
	[tilespmem:$0x1F180] =	vst v63  }
0x109: {  	s24 =	simm.s32 $0x10180  }
0x10a: {  	[tilespmem:s24], [sflag:$0x2] =	stream.indirect_vreg.gather [hbm4b:s28+s6], $0x80, v6, vm0, $0xb8;
	[tilespmem:$0x1F180] =	vst v63  }
0x10b: {  	s24 =	simm.s32 $0x10980  }
0x10c: {  	[tilespmem:s24], [sflag:$0x2] =	stream.indirect_vreg.gather [hbm4b:s17+s6], $0x80, v6, vm0, $0xb8;
	[tilespmem:$0x1F180] =	vst v63  }
0x10d: {  	s24 =	simm.s32 $0x11180  }
0x10e: {  	[tilespmem:s24], [sflag:$0x2] =	stream.indirect_vreg.gather [hbm4b:s22+s6], $0x80, v6, vm0, $0xb8;
	[tilespmem:$0x1F180] =	vst v63  }
0x10f: {  	s22 =	simm.s32 $0x11980  }
0x110: {  	[tilespmem:s22], [sflag:$0x2] =	stream.indirect_vreg.gather [hbm4b:s23+s6], $0x80, v6, vm0, $0xb8;
	[tilespmem:$0x1F180] =	vst v63  }
0x111: {  	s23 =	simm.s32 $0x12180  }
0x112: {  	[tilespmem:s23], [sflag:$0x2] =	stream.indirect_vreg.gather [hbm4b:s25+s6], $0x80, v6, vm0, $0xb8;
	[tilespmem:$0x1F180] =	vst v63  }
0x113: {  	s24 =	simm.s32 $0x12980  }
0x114: {  	[tilespmem:s24], [sflag:$0x2] =	stream.indirect_vreg.gather [hbm4b:s31+s6], $0x80, v6, vm0, $0xb8;
	[tilespmem:$0x1F180] =	vst v63  }
0x115: {  	s25 =	simm.s32 $0x13180  }
0x116: {  	[tilespmem:s25], [sflag:$0x2] =	stream.indirect_vreg.gather [hbm4b:s30+s6], $0x80, v6, vm0, $0xb8;
	[tilespmem:$0x1F180] =	vst v63  }
0x117: {  	s31 =	simm.s32 $0x13980  }
0x118: {  	[tilespmem:s31], [sflag:$0x2] =	stream.indirect_vreg.gather [hbm4b:s9+s6], $0x80, v6, vm0, $0xb8;
	[tilespmem:$0x1F180] =	vst v63  }
0x119: {  	s17 =	simm.s32 $0x14180  }
0x11a: {  	[tilespmem:s17], [sflag:$0x2] =	stream.indirect_vreg.gather [hbm4b:s0+s6], $0x80, v6, vm0, $0xb8;
	[tilespmem:$0x1F180] =	vst v63  }
0x11b: {  	s22 =	simm.s32 $0x14980  }
0x11c: {  	[tilespmem:s22], [sflag:$0x2] =	stream.indirect_vreg.gather [hbm4b:s5+s6], $0x80, v6, vm0, $0xb8;
	[tilespmem:$0x1F180] =	vst v63  }
0x11d: {  	s23 =	simm.s32 $0x15180  }
0x11e: {  	[tilespmem:s23], [sflag:$0x2] =	stream.indirect_vreg.gather [hbm4b:s1+s6], $0x80, v6, vm0, $0xb8;
	[tilespmem:$0x1F180] =	vst v63  }
0x11f: {  	s24 =	simm.s32 $0x15980  }
0x120: {  	[tilespmem:s24], [sflag:$0x2] =	stream.indirect_vreg.gather [hbm4b:s4+s6], $0x80, v6, vm0, $0xb8;
	[tilespmem:$0x1F180] =	vst v63  }
0x121: {  	s25 =	simm.s32 $0x16180  }
0x122: {  	[tilespmem:s25], [sflag:$0x2] =	stream.indirect_vreg.gather [hbm4b:s7+s6], $0x80, v6, vm0, $0xb8;
	[tilespmem:$0x1F180] =	vst v63  }
0x123: {  	s31 =	simm.s32 $0x16980  }
0x124: {  	[tilespmem:s31], [sflag:$0x2] =	stream.indirect_vreg.gather [hbm4b:s8+s6], $0x80, v6, vm0, $0xb8;
	[tilespmem:$0x1F180] =	vst v63  }
0x125: {  	_ =	swait.ge [sflag:s13], $0x8000  }
0x126: {  	s17 =	simm.s32 $0xFFFFFFF8;
	[sflag:s13] =	ssyncset.done $0x0  }
0x127: {  	s22 =	simm.s32 $0x19180;
	s23 =	simm.s32 $0x2040;
	[sflag:s13] =	ssyncadd.s32 $0xFFFF8000  }
.LBB2_12:
0x128: {  	v6 =	vld [tilespmem:s23+$0xFFFFFFC0];
	_ =	sdelay $0x4  }
0x129: {  	v7 =	vshll.u32 v6, $0x2  }
0x12a: {  	v6 =	vand.u32 $0x7F, v6;
	v7 =	vand.u32 $0xFFFFFE00, v7  }
0x12b: {  	v6 =	vor.u32 v6, v7;
	_ =	sdelay $0x4  }
0x12c: {  	v7 =	vld.idx.msk [tilespmem:v6+s11+$0x0], $0xffff  }
0x12d: {  	v8 =	vor.u32 $0x80, v6;
	_ =	sdelay $0x3  }
0x12e: {  	[tilespmem:s22+$0xFFFFE000] =	vst v7  }
0x12f: {  	v7 =	vld.idx.msk [tilespmem:v8+s11+$0x0], $0xffff  }
0x130: {  	v49 =	vor.u32 $0x100, v6;
	_ =	sdelay $0x3  }
0x131: {  	[tilespmem:s22+$0xFFFFF000] =	vst v7  }
0x132: {  	v7 =	vld.idx.msk [tilespmem:v49+s11+$0x0], $0xffff  }
0x133: {  	v6 =	vor.u32 $0x180, v6;
	_ =	sdelay $0x3  }
0x134: {  	[tilespmem:s22+$0x0] =	vst v7  }
0x135: {  	v6 =	vld.idx.msk [tilespmem:v6+s11+$0x0], $0xffff;
	_ =	sdelay $0x4  }
0x136: {  	[tilespmem:s22+$0x1000] =	vst v6  }
0x137: {  	v6 =	vld [tilespmem:s23+$0xFFFFFFD0];
	_ =	sdelay $0x4  }
0x138: {  	v7 =	vshll.u32 v6, $0x2  }
0x139: {  	v6 =	vand.u32 $0x7F, v6;
	v7 =	vand.u32 $0xFFFFFE00, v7  }
0x13a: {  	v6 =	vor.u32 v6, v7;
	_ =	sdelay $0x4  }
0x13b: {  	v7 =	vld.idx.msk [tilespmem:v6+s11+$0x0], $0xffff  }
0x13c: {  	v50 =	vor.u32 $0x80, v6;
	_ =	sdelay $0x3  }
0x13d: {  	[tilespmem:s22+$0xFFFFE010] =	vst v7  }
0x13e: {  	v7 =	vld.idx.msk [tilespmem:v50+s11+$0x0], $0xffff  }
0x13f: {  	v51 =	vor.u32 $0x100, v6;
	_ =	sdelay $0x3  }
0x140: {  	[tilespmem:s22+$0xFFFFF010] =	vst v7  }
0x141: {  	v7 =	vld.idx.msk [tilespmem:v51+s11+$0x0], $0xffff  }
0x142: {  	v6 =	vor.u32 $0x180, v6;
	_ =	sdelay $0x3  }
0x143: {  	[tilespmem:s22+$0x10] =	vst v7  }
0x144: {  	v6 =	vld.idx.msk [tilespmem:v6+s11+$0x0], $0xffff;
	_ =	sdelay $0x4  }
0x145: {  	[tilespmem:s22+$0x1010] =	vst v6  }
0x146: {  	v6 =	vld [tilespmem:s23+$0xFFFFFFE0];
	_ =	sdelay $0x4  }
0x147: {  	v7 =	vshll.u32 v6, $0x2  }
0x148: {  	v6 =	vand.u32 $0x7F, v6;
	v7 =	vand.u32 $0xFFFFFE00, v7  }
0x149: {  	v6 =	vor.u32 v6, v7;
	_ =	sdelay $0x4  }
0x14a: {  	v7 =	vld.idx.msk [tilespmem:v6+s11+$0x0], $0xffff  }
0x14b: {  	v52 =	vor.u32 $0x80, v6;
	_ =	sdelay $0x3  }
0x14c: {  	[tilespmem:s22+$0xFFFFE020] =	vst v7  }
0x14d: {  	v7 =	vld.idx.msk [tilespmem:v52+s11+$0x0], $0xffff  }
0x14e: {  	v53 =	vor.u32 $0x100, v6;
	_ =	sdelay $0x3  }
0x14f: {  	[tilespmem:s22+$0xFFFFF020] =	vst v7  }
0x150: {  	v7 =	vld.idx.msk [tilespmem:v53+s11+$0x0], $0xffff  }
0x151: {  	v6 =	vor.u32 $0x180, v6;
	_ =	sdelay $0x3  }
0x152: {  	[tilespmem:s22+$0x20] =	vst v7  }
0x153: {  	v6 =	vld.idx.msk [tilespmem:v6+s11+$0x0], $0xffff;
	_ =	sdelay $0x4  }
0x154: {  	[tilespmem:s22+$0x1020] =	vst v6  }
0x155: {  	v6 =	vld [tilespmem:s23+$0xFFFFFFF0];
	_ =	sdelay $0x4  }
0x156: {  	v7 =	vshll.u32 v6, $0x2  }
0x157: {  	v6 =	vand.u32 $0x7F, v6;
	v7 =	vand.u32 $0xFFFFFE00, v7  }
0x158: {  	v6 =	vor.u32 v6, v7;
	_ =	sdelay $0x4  }
0x159: {  	v7 =	vld.idx.msk [tilespmem:v6+s11+$0x0], $0xffff  }
0x15a: {  	v54 =	vor.u32 $0x80, v6;
	_ =	sdelay $0x3  }
0x15b: {  	[tilespmem:s22+$0xFFFFE030] =	vst v7  }
0x15c: {  	v7 =	vld.idx.msk [tilespmem:v54+s11+$0x0], $0xffff  }
0x15d: {  	v55 =	vor.u32 $0x100, v6;
	_ =	sdelay $0x3  }
0x15e: {  	[tilespmem:s22+$0xFFFFF030] =	vst v7  }
0x15f: {  	v7 =	vld.idx.msk [tilespmem:v55+s11+$0x0], $0xffff  }
0x160: {  	v6 =	vor.u32 $0x180, v6;
	_ =	sdelay $0x3  }
0x161: {  	[tilespmem:s22+$0x30] =	vst v7  }
0x162: {  	v6 =	vld.idx.msk [tilespmem:v6+s11+$0x0], $0xffff;
	_ =	sdelay $0x4  }
0x163: {  	[tilespmem:s22+$0x1030] =	vst v6  }
0x164: {  	v6 =	vld [tilespmem:s23+$0x0];
	_ =	sdelay $0x4  }
0x165: {  	v7 =	vshll.u32 v6, $0x2  }
0x166: {  	v6 =	vand.u32 $0x7F, v6;
	v7 =	vand.u32 $0xFFFFFE00, v7  }
0x167: {  	v6 =	vor.u32 v6, v7;
	_ =	sdelay $0x4  }
0x168: {  	v7 =	vld.idx.msk [tilespmem:v6+s11+$0x0], $0xffff  }
0x169: {  	v56 =	vor.u32 $0x80, v6;
	_ =	sdelay $0x3  }
0x16a: {  	[tilespmem:s22+$0xFFFFE040] =	vst v7  }
0x16b: {  	v7 =	vld.idx.msk [tilespmem:v56+s11+$0x0], $0xffff  }
0x16c: {  	v57 =	vor.u32 $0x100, v6;
	_ =	sdelay $0x3  }
0x16d: {  	[tilespmem:s22+$0xFFFFF040] =	vst v7  }
0x16e: {  	v7 =	vld.idx.msk [tilespmem:v57+s11+$0x0], $0xffff  }
0x16f: {  	v6 =	vor.u32 $0x180, v6;
	_ =	sdelay $0x3  }
0x170: {  	[tilespmem:s22+$0x40] =	vst v7  }
0x171: {  	v6 =	vld.idx.msk [tilespmem:v6+s11+$0x0], $0xffff;
	_ =	sdelay $0x4  }
0x172: {  	[tilespmem:s22+$0x1040] =	vst v6  }
0x173: {  	v6 =	vld [tilespmem:s23+$0x10];
	_ =	sdelay $0x4  }
0x174: {  	v7 =	vshll.u32 v6, $0x2  }
0x175: {  	v6 =	vand.u32 $0x7F, v6;
	v7 =	vand.u32 $0xFFFFFE00, v7  }
0x176: {  	v6 =	vor.u32 v6, v7;
	_ =	sdelay $0x4  }
0x177: {  	v7 =	vld.idx.msk [tilespmem:v6+s11+$0x0], $0xffff  }
0x178: {  	v58 =	vor.u32 $0x80, v6;
	_ =	sdelay $0x3  }
0x179: {  	[tilespmem:s22+$0xFFFFE050] =	vst v7  }
0x17a: {  	v7 =	vld.idx.msk [tilespmem:v58+s11+$0x0], $0xffff  }
0x17b: {  	v59 =	vor.u32 $0x100, v6;
	_ =	sdelay $0x3  }
0x17c: {  	[tilespmem:s22+$0xFFFFF050] =	vst v7  }
0x17d: {  	v7 =	vld.idx.msk [tilespmem:v59+s11+$0x0], $0xffff  }
0x17e: {  	v6 =	vor.u32 $0x180, v6;
	_ =	sdelay $0x3  }
0x17f: {  	[tilespmem:s22+$0x50] =	vst v7  }
0x180: {  	v6 =	vld.idx.msk [tilespmem:v6+s11+$0x0], $0xffff;
	_ =	sdelay $0x4  }
0x181: {  	[tilespmem:s22+$0x1050] =	vst v6  }
0x182: {  	v6 =	vld [tilespmem:s23+$0x20];
	_ =	sdelay $0x4  }
0x183: {  	v7 =	vshll.u32 v6, $0x2  }
0x184: {  	v6 =	vand.u32 $0x7F, v6;
	v7 =	vand.u32 $0xFFFFFE00, v7  }
0x185: {  	v6 =	vor.u32 v6, v7;
	_ =	sdelay $0x4  }
0x186: {  	v7 =	vld.idx.msk [tilespmem:v6+s11+$0x0], $0xffff  }
0x187: {  	v60 =	vor.u32 $0x80, v6;
	_ =	sdelay $0x3  }
0x188: {  	[tilespmem:s22+$0xFFFFE060] =	vst v7  }
0x189: {  	v7 =	vld.idx.msk [tilespmem:v60+s11+$0x0], $0xffff  }
0x18a: {  	v61 =	vor.u32 $0x100, v6;
	_ =	sdelay $0x3  }
0x18b: {  	[tilespmem:s22+$0xFFFFF060] =	vst v7  }
0x18c: {  	v7 =	vld.idx.msk [tilespmem:v61+s11+$0x0], $0xffff  }
0x18d: {  	v6 =	vor.u32 $0x180, v6;
	_ =	sdelay $0x3  }
0x18e: {  	[tilespmem:s22+$0x60] =	vst v7  }
0x18f: {  	v6 =	vld.idx.msk [tilespmem:v6+s11+$0x0], $0xffff;
	_ =	sdelay $0x4  }
0x190: {  	[tilespmem:s22+$0x1060] =	vst v6  }
0x191: {  	v6 =	vld [tilespmem:s23+$0x30];
	_ =	sdelay $0x4  }
0x192: {  	v7 =	vshll.u32 v6, $0x2  }
0x193: {  	v6 =	vand.u32 $0x7F, v6;
	v7 =	vand.u32 $0xFFFFFE00, v7  }
0x194: {  	v6 =	vor.u32 v6, v7;
	_ =	sdelay $0x4  }
0x195: {  	v7 =	vld.idx.msk [tilespmem:v6+s11+$0x0], $0xffff  }
0x196: {  	v62 =	vor.u32 $0x80, v6;
	_ =	sdelay $0x3  }
0x197: {  	[tilespmem:s22+$0xFFFFE070] =	vst v7  }
0x198: {  	v7 =	vld.idx.msk [tilespmem:v62+s11+$0x0], $0xffff  }
0x199: {  	v63 =	vor.u32 $0x100, v6;
	_ =	sdelay $0x3  }
0x19a: {  	[tilespmem:s22+$0xFFFFF070] =	vst v7  }
0x19b: {  	v7 =	vld.idx.msk [tilespmem:v63+s11+$0x0], $0xffff  }
0x19c: {  	v6 =	vor.u32 $0x180, v6;
	_ =	sdelay $0x3  }
0x19d: {  	s17 =	sadd.s32 $0x8, s17;
	[tilespmem:s22+$0x70] =	vst v7  }
0x19e: {  	p1 =	slt.u32 s17, $0xF8;
	v6 =	vld.idx.msk [tilespmem:v6+s11+$0x0], $0xffff  }
.Ltmp5:
0x19f: {  	_ = 	snop;
	(pc) =	sbr.rel @p1 .LBB2_12-.Ltmp5, $2  }
0x1a0: {  	_ =	sdelay $0x2  }
0x1a1: {  	s23 =	sadd.s32 $0x80, s23;
	[tilespmem:s22+$0x1070] =	vst v6;
	s22 =	sadd.s32 $0x80, s22  }
0x1a2: {  	s17 =	rddreg [dreg:$0x13];
	s9 =	simm.s32 $0x17180  }
0x1a3: {  	[hbm4b:s17+s6] =	stream.linear.scatter [tilespmem:s9], [sflag:$0x3], $0x4000, $0x38;
	[tilespmem:$0x1F180] =	vst v63  }
0x1a4: {  	v6 =	vld.msk [tilespmem:$0x7010], $0xf;
	_ =	sdelay $0x4  }
0x1a5: {  	v7 =	vshll.u32 v6, $0x6  }
0x1a6: {  	v6 =	vand.u32 $0x7, v6;
	v7 =	vand.u32 $0xFFFFFE00, v7  }
0x1a7: {  	v6 =	vor.u32 v6, v7  }
0x1a8: {  	v6 =	vperm.xlane v6, v4;
	_ =	sdelay $0x1  }
0x1a9: {  	v6 =	vadd.s32 v5, v6;
	_ =	sdelay $0x4  }
0x1aa: {  	[tilespmem:s11], [sflag:$0x1] =	stream.indirect_vreg.gather [hbm4b:s29+s6], $0x80, v6, vm0, $0xb8;
	[tilespmem:$0x1F180] =	vst v63  }
0x1ab: {  	s25 =	simm.s32 $0x7980  }
0x1ac: {  	[tilespmem:s25], [sflag:$0x1] =	stream.indirect_vreg.gather [hbm4b:s26+s6], $0x80, v6, vm0, $0xb8;
	[tilespmem:$0x1F180] =	vst v63  }
0x1ad: {  	s17 =	simm.s32 $0x8180  }
0x1ae: {  	[tilespmem:s17], [sflag:$0x1] =	stream.indirect_vreg.gather [hbm4b:s28+s6], $0x80, v6, vm0, $0xb8;
	[tilespmem:$0x1F180] =	vst v63  }
0x1af: {  	s22 =	rddreg [dreg:$0xd];
	s23 =	simm.s32 $0x8980  }
0x1b0: {  	[tilespmem:s23], [sflag:$0x1] =	stream.indirect_vreg.gather [hbm4b:s22+s6], $0x80, v6, vm0, $0xb8;
	[tilespmem:$0x1F180] =	vst v63  }
0x1b1: {  	s24 =	rddreg [dreg:$0xe];
	s25 =	simm.s32 $0x9180  }
0x1b2: {  	[tilespmem:s25], [sflag:$0x1] =	stream.indirect_vreg.gather [hbm4b:s24+s6], $0x80, v6, vm0, $0xb8;
	[tilespmem:$0x1F180] =	vst v63  }
0x1b3: {  	s22 =	rddreg [dreg:$0xf];
	s23 =	simm.s32 $0x9980  }
0x1b4: {  	[tilespmem:s23], [sflag:$0x1] =	stream.indirect_vreg.gather [hbm4b:s22+s6], $0x80, v6, vm0, $0xb8;
	[tilespmem:$0x1F180] =	vst v63  }
0x1b5: {  	s24 =	rddreg [dreg:$0x10];
	s25 =	simm.s32 $0xA180  }
0x1b6: {  	[tilespmem:s25], [sflag:$0x1] =	stream.indirect_vreg.gather [hbm4b:s24+s6], $0x80, v6, vm0, $0xb8;
	[tilespmem:$0x1F180] =	vst v63  }
0x1b7: {  	s9 =	rddreg [dreg:$0x11];
	s22 =	simm.s32 $0xA980  }
0x1b8: {  	[tilespmem:s22], [sflag:$0x1] =	stream.indirect_vreg.gather [hbm4b:s9+s6], $0x80, v6, vm0, $0xb8;
	[tilespmem:$0x1F180] =	vst v63  }
0x1b9: {  	s23 =	simm.s32 $0xB180  }
0x1ba: {  	[tilespmem:s23], [sflag:$0x1] =	stream.indirect_vreg.gather [hbm4b:s30+s6], $0x80, v6, vm0, $0xb8;
	[tilespmem:$0x1F180] =	vst v63  }
0x1bb: {  	s31 =	simm.s32 $0xB980;
	s24 =	rddreg [dreg:$0x17]  }
0x1bc: {  	[tilespmem:s31], [sflag:$0x1] =	stream.indirect_vreg.gather [hbm4b:s24+s6], $0x80, v6, vm0, $0xb8;
	[tilespmem:$0x1F180] =	vst v63  }
0x1bd: {  	s25 =	simm.s32 $0xC180  }
0x1be: {  	[tilespmem:s25], [sflag:$0x1] =	stream.indirect_vreg.gather [hbm4b:s0+s6], $0x80, v6, vm0, $0xb8;
	[tilespmem:$0x1F180] =	vst v63  }
0x1bf: {  	s17 =	simm.s32 $0xC980  }
0x1c0: {  	[tilespmem:s17], [sflag:$0x1] =	stream.indirect_vreg.gather [hbm4b:s5+s6], $0x80, v6, vm0, $0xb8;
	[tilespmem:$0x1F180] =	vst v63  }
0x1c1: {  	s22 =	simm.s32 $0xD180  }
0x1c2: {  	[tilespmem:s22], [sflag:$0x1] =	stream.indirect_vreg.gather [hbm4b:s1+s6], $0x80, v6, vm0, $0xb8;
	[tilespmem:$0x1F180] =	vst v63  }
0x1c3: {  	s23 =	simm.s32 $0xD980  }
0x1c4: {  	[tilespmem:s23], [sflag:$0x1] =	stream.indirect_vreg.gather [hbm4b:s4+s6], $0x80, v6, vm0, $0xb8;
	[tilespmem:$0x1F180] =	vst v63  }
0x1c5: {  	s24 =	simm.s32 $0xE180  }
0x1c6: {  	[tilespmem:s24], [sflag:$0x1] =	stream.indirect_vreg.gather [hbm4b:s7+s6], $0x80, v6, vm0, $0xb8;
	[tilespmem:$0x1F180] =	vst v63  }
0x1c7: {  	s25 =	simm.s32 $0xE980  }
0x1c8: {  	[tilespmem:s25], [sflag:$0x1] =	stream.indirect_vreg.gather [hbm4b:s8+s6], $0x80, v6, vm0, $0xb8;
	[tilespmem:$0x1F180] =	vst v63  }
0x1c9: {  	s17 =	simm.s32 $0xFFFFFFF8;
	_ =	swait.ge [sflag:s14], $0x8000  }
0x1ca: {  	s22 =	simm.s32 $0x1D180;
	[sflag:s14] =	ssyncset.done $0x0;
	s9 =	rddreg [dreg:$0x1f]  }
0x1cb: {  	s23 =	simm.s32 $0x2040;
	s24 =	sld [smem:$0x7FD];
	[sflag:s14] =	ssyncadd.s32 $0xFFFF8000  }
.LBB2_14:
0x1cc: {  	v6 =	vld [tilespmem:s23+$0xFFFFFFC0];
	_ =	sdelay $0x4  }
0x1cd: {  	v7 =	vshll.u32 v6, $0x2  }
0x1ce: {  	v6 =	vand.u32 $0x7F, v6;
	v7 =	vand.u32 $0xFFFFFE00, v7  }
0x1cf: {  	v6 =	vor.u32 v6, v7;
	_ =	sdelay $0x4  }
0x1d0: {  	v7 =	vld.idx.msk [tilespmem:v6+s12+$0x0], $0xffff  }
0x1d1: {  	v8 =	vor.u32 $0x80, v6;
	_ =	sdelay $0x3  }
0x1d2: {  	[tilespmem:s22+$0xFFFFE000] =	vst v7  }
0x1d3: {  	v7 =	vld.idx.msk [tilespmem:v8+s12+$0x0], $0xffff  }
0x1d4: {  	v49 =	vor.u32 $0x100, v6;
	_ =	sdelay $0x3  }
0x1d5: {  	[tilespmem:s22+$0xFFFFF000] =	vst v7  }
0x1d6: {  	v7 =	vld.idx.msk [tilespmem:v49+s12+$0x0], $0xffff  }
0x1d7: {  	v6 =	vor.u32 $0x180, v6;
	_ =	sdelay $0x3  }
0x1d8: {  	[tilespmem:s22+$0x0] =	vst v7  }
0x1d9: {  	v6 =	vld.idx.msk [tilespmem:v6+s12+$0x0], $0xffff;
	_ =	sdelay $0x4  }
0x1da: {  	[tilespmem:s22+$0x1000] =	vst v6  }
0x1db: {  	v6 =	vld [tilespmem:s23+$0xFFFFFFD0];
	_ =	sdelay $0x4  }
0x1dc: {  	v7 =	vshll.u32 v6, $0x2  }
0x1dd: {  	v6 =	vand.u32 $0x7F, v6;
	v7 =	vand.u32 $0xFFFFFE00, v7  }
0x1de: {  	v6 =	vor.u32 v6, v7;
	_ =	sdelay $0x4  }
0x1df: {  	v7 =	vld.idx.msk [tilespmem:v6+s12+$0x0], $0xffff  }
0x1e0: {  	v50 =	vor.u32 $0x80, v6;
	_ =	sdelay $0x3  }
0x1e1: {  	[tilespmem:s22+$0xFFFFE010] =	vst v7  }
0x1e2: {  	v7 =	vld.idx.msk [tilespmem:v50+s12+$0x0], $0xffff  }
0x1e3: {  	v51 =	vor.u32 $0x100, v6;
	_ =	sdelay $0x3  }
0x1e4: {  	[tilespmem:s22+$0xFFFFF010] =	vst v7  }
0x1e5: {  	v7 =	vld.idx.msk [tilespmem:v51+s12+$0x0], $0xffff  }
0x1e6: {  	v6 =	vor.u32 $0x180, v6;
	_ =	sdelay $0x3  }
0x1e7: {  	[tilespmem:s22+$0x10] =	vst v7  }
0x1e8: {  	v6 =	vld.idx.msk [tilespmem:v6+s12+$0x0], $0xffff;
	_ =	sdelay $0x4  }
0x1e9: {  	[tilespmem:s22+$0x1010] =	vst v6  }
0x1ea: {  	v6 =	vld [tilespmem:s23+$0xFFFFFFE0];
	_ =	sdelay $0x4  }
0x1eb: {  	v7 =	vshll.u32 v6, $0x2  }
0x1ec: {  	v6 =	vand.u32 $0x7F, v6;
	v7 =	vand.u32 $0xFFFFFE00, v7  }
0x1ed: {  	v6 =	vor.u32 v6, v7;
	_ =	sdelay $0x4  }
0x1ee: {  	v7 =	vld.idx.msk [tilespmem:v6+s12+$0x0], $0xffff  }
0x1ef: {  	v52 =	vor.u32 $0x80, v6;
	_ =	sdelay $0x3  }
0x1f0: {  	[tilespmem:s22+$0xFFFFE020] =	vst v7  }
0x1f1: {  	v7 =	vld.idx.msk [tilespmem:v52+s12+$0x0], $0xffff  }
0x1f2: {  	v53 =	vor.u32 $0x100, v6;
	_ =	sdelay $0x3  }
0x1f3: {  	[tilespmem:s22+$0xFFFFF020] =	vst v7  }
0x1f4: {  	v7 =	vld.idx.msk [tilespmem:v53+s12+$0x0], $0xffff  }
0x1f5: {  	v6 =	vor.u32 $0x180, v6;
	_ =	sdelay $0x3  }
0x1f6: {  	[tilespmem:s22+$0x20] =	vst v7  }
0x1f7: {  	v6 =	vld.idx.msk [tilespmem:v6+s12+$0x0], $0xffff;
	_ =	sdelay $0x4  }
0x1f8: {  	[tilespmem:s22+$0x1020] =	vst v6  }
0x1f9: {  	v6 =	vld [tilespmem:s23+$0xFFFFFFF0];
	_ =	sdelay $0x4  }
0x1fa: {  	v7 =	vshll.u32 v6, $0x2  }
0x1fb: {  	v6 =	vand.u32 $0x7F, v6;
	v7 =	vand.u32 $0xFFFFFE00, v7  }
0x1fc: {  	v6 =	vor.u32 v6, v7;
	_ =	sdelay $0x4  }
0x1fd: {  	v7 =	vld.idx.msk [tilespmem:v6+s12+$0x0], $0xffff  }
0x1fe: {  	v54 =	vor.u32 $0x80, v6;
	_ =	sdelay $0x3  }
0x1ff: {  	[tilespmem:s22+$0xFFFFE030] =	vst v7  }
0x200: {  	v7 =	vld.idx.msk [tilespmem:v54+s12+$0x0], $0xffff  }
0x201: {  	v55 =	vor.u32 $0x100, v6;
	_ =	sdelay $0x3  }
0x202: {  	[tilespmem:s22+$0xFFFFF030] =	vst v7  }
0x203: {  	v7 =	vld.idx.msk [tilespmem:v55+s12+$0x0], $0xffff  }
0x204: {  	v6 =	vor.u32 $0x180, v6;
	_ =	sdelay $0x3  }
0x205: {  	[tilespmem:s22+$0x30] =	vst v7  }
0x206: {  	v6 =	vld.idx.msk [tilespmem:v6+s12+$0x0], $0xffff;
	_ =	sdelay $0x4  }
0x207: {  	[tilespmem:s22+$0x1030] =	vst v6  }
0x208: {  	v6 =	vld [tilespmem:s23+$0x0];
	_ =	sdelay $0x4  }
0x209: {  	v7 =	vshll.u32 v6, $0x2  }
0x20a: {  	v6 =	vand.u32 $0x7F, v6;
	v7 =	vand.u32 $0xFFFFFE00, v7  }
0x20b: {  	v6 =	vor.u32 v6, v7;
	_ =	sdelay $0x4  }
0x20c: {  	v7 =	vld.idx.msk [tilespmem:v6+s12+$0x0], $0xffff  }
0x20d: {  	v56 =	vor.u32 $0x80, v6;
	_ =	sdelay $0x3  }
0x20e: {  	[tilespmem:s22+$0xFFFFE040] =	vst v7  }
0x20f: {  	v7 =	vld.idx.msk [tilespmem:v56+s12+$0x0], $0xffff  }
0x210: {  	v57 =	vor.u32 $0x100, v6;
	_ =	sdelay $0x3  }
0x211: {  	[tilespmem:s22+$0xFFFFF040] =	vst v7  }
0x212: {  	v7 =	vld.idx.msk [tilespmem:v57+s12+$0x0], $0xffff  }
0x213: {  	v6 =	vor.u32 $0x180, v6;
	_ =	sdelay $0x3  }
0x214: {  	[tilespmem:s22+$0x40] =	vst v7  }
0x215: {  	v6 =	vld.idx.msk [tilespmem:v6+s12+$0x0], $0xffff;
	_ =	sdelay $0x4  }
0x216: {  	[tilespmem:s22+$0x1040] =	vst v6  }
0x217: {  	v6 =	vld [tilespmem:s23+$0x10];
	_ =	sdelay $0x4  }
0x218: {  	v7 =	vshll.u32 v6, $0x2  }
0x219: {  	v6 =	vand.u32 $0x7F, v6;
	v7 =	vand.u32 $0xFFFFFE00, v7  }
0x21a: {  	v6 =	vor.u32 v6, v7;
	_ =	sdelay $0x4  }
0x21b: {  	v7 =	vld.idx.msk [tilespmem:v6+s12+$0x0], $0xffff  }
0x21c: {  	v58 =	vor.u32 $0x80, v6;
	_ =	sdelay $0x3  }
0x21d: {  	[tilespmem:s22+$0xFFFFE050] =	vst v7  }
0x21e: {  	v7 =	vld.idx.msk [tilespmem:v58+s12+$0x0], $0xffff  }
0x21f: {  	v59 =	vor.u32 $0x100, v6;
	_ =	sdelay $0x3  }
0x220: {  	[tilespmem:s22+$0xFFFFF050] =	vst v7  }
0x221: {  	v7 =	vld.idx.msk [tilespmem:v59+s12+$0x0], $0xffff  }
0x222: {  	v6 =	vor.u32 $0x180, v6;
	_ =	sdelay $0x3  }
0x223: {  	[tilespmem:s22+$0x50] =	vst v7  }
0x224: {  	v6 =	vld.idx.msk [tilespmem:v6+s12+$0x0], $0xffff;
	_ =	sdelay $0x4  }
0x225: {  	[tilespmem:s22+$0x1050] =	vst v6  }
0x226: {  	v6 =	vld [tilespmem:s23+$0x20];
	_ =	sdelay $0x4  }
0x227: {  	v7 =	vshll.u32 v6, $0x2  }
0x228: {  	v6 =	vand.u32 $0x7F, v6;
	v7 =	vand.u32 $0xFFFFFE00, v7  }
0x229: {  	v6 =	vor.u32 v6, v7;
	_ =	sdelay $0x4  }
0x22a: {  	v7 =	vld.idx.msk [tilespmem:v6+s12+$0x0], $0xffff  }
0x22b: {  	v60 =	vor.u32 $0x80, v6;
	_ =	sdelay $0x3  }
0x22c: {  	[tilespmem:s22+$0xFFFFE060] =	vst v7  }
0x22d: {  	v7 =	vld.idx.msk [tilespmem:v60+s12+$0x0], $0xffff  }
0x22e: {  	v61 =	vor.u32 $0x100, v6;
	_ =	sdelay $0x3  }
0x22f: {  	[tilespmem:s22+$0xFFFFF060] =	vst v7  }
0x230: {  	v7 =	vld.idx.msk [tilespmem:v61+s12+$0x0], $0xffff  }
0x231: {  	v6 =	vor.u32 $0x180, v6;
	_ =	sdelay $0x3  }
0x232: {  	[tilespmem:s22+$0x60] =	vst v7  }
0x233: {  	v6 =	vld.idx.msk [tilespmem:v6+s12+$0x0], $0xffff;
	_ =	sdelay $0x4  }
0x234: {  	[tilespmem:s22+$0x1060] =	vst v6  }
0x235: {  	v6 =	vld [tilespmem:s23+$0x30];
	_ =	sdelay $0x4  }
0x236: {  	v7 =	vshll.u32 v6, $0x2  }
0x237: {  	v6 =	vand.u32 $0x7F, v6;
	v7 =	vand.u32 $0xFFFFFE00, v7  }
0x238: {  	v6 =	vor.u32 v6, v7;
	_ =	sdelay $0x4  }
0x239: {  	v7 =	vld.idx.msk [tilespmem:v6+s12+$0x0], $0xffff  }
0x23a: {  	v62 =	vor.u32 $0x80, v6;
	_ =	sdelay $0x3  }
0x23b: {  	[tilespmem:s22+$0xFFFFE070] =	vst v7  }
0x23c: {  	v7 =	vld.idx.msk [tilespmem:v62+s12+$0x0], $0xffff  }
0x23d: {  	v63 =	vor.u32 $0x100, v6;
	_ =	sdelay $0x3  }
0x23e: {  	[tilespmem:s22+$0xFFFFF070] =	vst v7  }
0x23f: {  	v7 =	vld.idx.msk [tilespmem:v63+s12+$0x0], $0xffff  }
0x240: {  	v6 =	vor.u32 $0x180, v6;
	_ =	sdelay $0x3  }
0x241: {  	s17 =	sadd.s32 $0x8, s17;
	[tilespmem:s22+$0x70] =	vst v7  }
0x242: {  	p1 =	slt.u32 s17, $0xF8;
	v6 =	vld.idx.msk [tilespmem:v6+s12+$0x0], $0xffff  }
.Ltmp6:
0x243: {  	_ = 	snop;
	(pc) =	sbr.rel @p1 .LBB2_14-.Ltmp6, $2  }
0x244: {  	_ =	sdelay $0x2  }
0x245: {  	s23 =	sadd.s32 $0x80, s23;
	[tilespmem:s22+$0x1070] =	vst v6;
	s22 =	sadd.s32 $0x80, s22  }
0x246: {  	s17 =	rddreg [dreg:$0x14];
	s22 =	simm.s32 $0x1B180  }
0x247: {  	[hbm4b:s17+s6] =	stream.linear.scatter [tilespmem:s22], [sflag:$0x4], $0x4000, $0x38;
	[tilespmem:$0x1F180] =	vst v63  }
0x248: {  	v6 =	vld.msk [tilespmem:$0x7018], $0xf;
	_ =	sdelay $0x4  }
0x249: {  	v7 =	vshll.u32 v6, $0x6  }
0x24a: {  	v6 =	vand.u32 $0x7, v6;
	v7 =	vand.u32 $0xFFFFFE00, v7  }
0x24b: {  	v6 =	vor.u32 v6, v7  }
0x24c: {  	v6 =	vperm.xlane v6, v4;
	_ =	sdelay $0x1  }
0x24d: {  	v6 =	vadd.s32 v5, v6;
	_ =	sdelay $0x4  }
0x24e: {  	[tilespmem:s12], [sflag:$0x2] =	stream.indirect_vreg.gather [hbm4b:s29+s6], $0x80, v6, vm0, $0xb8;
	[tilespmem:$0x1F180] =	vst v63  }
0x24f: {  	s25 =	simm.s32 $0xF980  }
0x250: {  	[tilespmem:s25], [sflag:$0x2] =	stream.indirect_vreg.gather [hbm4b:s26+s6], $0x80, v6, vm0, $0xb8;
	[tilespmem:$0x1F180] =	vst v63  }
0x251: {  	s22 =	simm.s32 $0x10180  }
0x252: {  	[tilespmem:s22], [sflag:$0x2] =	stream.indirect_vreg.gather [hbm4b:s28+s6], $0x80, v6, vm0, $0xb8;
	[tilespmem:$0x1F180] =	vst v63  }
0x253: {  	s23 =	rddreg [dreg:$0xd];
	s25 =	simm.s32 $0x10980  }
0x254: {  	[tilespmem:s25], [sflag:$0x2] =	stream.indirect_vreg.gather [hbm4b:s23+s6], $0x80, v6, vm0, $0xb8;
	[tilespmem:$0x1F180] =	vst v63  }
0x255: {  	s23 =	rddreg [dreg:$0xe];
	s25 =	simm.s32 $0x11180  }
0x256: {  	[tilespmem:s25], [sflag:$0x2] =	stream.indirect_vreg.gather [hbm4b:s23+s6], $0x80, v6, vm0, $0xb8;
	[tilespmem:$0x1F180] =	vst v63  }
0x257: {  	s23 =	rddreg [dreg:$0xf];
	s25 =	simm.s32 $0x11980  }
0x258: {  	[tilespmem:s25], [sflag:$0x2] =	stream.indirect_vreg.gather [hbm4b:s23+s6], $0x80, v6, vm0, $0xb8;
	[tilespmem:$0x1F180] =	vst v63  }
0x259: {  	s23 =	rddreg [dreg:$0x10];
	s25 =	simm.s32 $0x12180  }
0x25a: {  	[tilespmem:s25], [sflag:$0x2] =	stream.indirect_vreg.gather [hbm4b:s23+s6], $0x80, v6, vm0, $0xb8;
	[tilespmem:$0x1F180] =	vst v63  }
0x25b: {  	s23 =	rddreg [dreg:$0x11];
	s25 =	simm.s32 $0x12980  }
0x25c: {  	[tilespmem:s25], [sflag:$0x2] =	stream.indirect_vreg.gather [hbm4b:s23+s6], $0x80, v6, vm0, $0xb8;
	[tilespmem:$0x1F180] =	vst v63  }
0x25d: {  	s22 =	simm.s32 $0x13180  }
0x25e: {  	[tilespmem:s22], [sflag:$0x2] =	stream.indirect_vreg.gather [hbm4b:s30+s6], $0x80, v6, vm0, $0xb8;
	[tilespmem:$0x1F180] =	vst v63  }
0x25f: {  	s23 =	rddreg [dreg:$0x17];
	s25 =	simm.s32 $0x13980  }
0x260: {  	[tilespmem:s25], [sflag:$0x2] =	stream.indirect_vreg.gather [hbm4b:s23+s6], $0x80, v6, vm0, $0xb8;
	[tilespmem:$0x1F180] =	vst v63  }
0x261: {  	s22 =	simm.s32 $0x14180  }
0x262: {  	[tilespmem:s22], [sflag:$0x2] =	stream.indirect_vreg.gather [hbm4b:s0+s6], $0x80, v6, vm0, $0xb8;
	[tilespmem:$0x1F180] =	vst v63  }
0x263: {  	s23 =	simm.s32 $0x14980  }
0x264: {  	[tilespmem:s23], [sflag:$0x2] =	stream.indirect_vreg.gather [hbm4b:s5+s6], $0x80, v6, vm0, $0xb8;
	[tilespmem:$0x1F180] =	vst v63  }
0x265: {  	s25 =	simm.s32 $0x15180  }
0x266: {  	[tilespmem:s25], [sflag:$0x2] =	stream.indirect_vreg.gather [hbm4b:s1+s6], $0x80, v6, vm0, $0xb8;
	[tilespmem:$0x1F180] =	vst v63  }
0x267: {  	s22 =	simm.s32 $0x15980  }
0x268: {  	[tilespmem:s22], [sflag:$0x2] =	stream.indirect_vreg.gather [hbm4b:s4+s6], $0x80, v6, vm0, $0xb8;
	[tilespmem:$0x1F180] =	vst v63  }
0x269: {  	s23 =	simm.s32 $0x16180  }
0x26a: {  	[tilespmem:s23], [sflag:$0x2] =	stream.indirect_vreg.gather [hbm4b:s7+s6], $0x80, v6, vm0, $0xb8;
	[tilespmem:$0x1F180] =	vst v63  }
0x26b: {  	s17 =	simm.s32 $0x1;
	s25 =	simm.s32 $0x16980  }
0x26c: {  	[tilespmem:s25], [sflag:$0x2] =	stream.indirect_vreg.gather [hbm4b:s8+s6], $0x80, v6, vm0, $0xb8;
	[tilespmem:$0x1F180] =	vst v63  }
.LBB2_16:
0x26d: {  	_ =	swait.ge [sflag:s13], $0x8000  }
0x26e: {  	[sflag:s13] =	ssyncset.done $0x0  }
0x26f: {  	[sflag:s13] =	ssyncadd.s32 $0xFFFF8000  }
0x270: {  	_ =	swait.ge [sflag:s15], $0x4000  }
0x271: {  	s22 =	simm.s32 $0xFFFFFFF8;
	[sflag:s15] =	ssyncset.done $0x0  }
0x272: {  	s23 =	simm.s32 $0x19180;
	s25 =	simm.s32 $0x2040;
	[sflag:s15] =	ssyncadd.s32 $0xFFFFC000  }
.LBB2_17:
0x273: {  	v6 =	vld [tilespmem:s25+$0xFFFFFFC0];
	_ =	sdelay $0x4  }
0x274: {  	v7 =	vshll.u32 v6, $0x2  }
0x275: {  	v6 =	vand.u32 $0x7F, v6;
	v7 =	vand.u32 $0xFFFFFE00, v7  }
0x276: {  	v6 =	vor.u32 v6, v7;
	_ =	sdelay $0x4  }
0x277: {  	v7 =	vld.idx.msk [tilespmem:v6+s11+$0x0], $0xffff  }
0x278: {  	v8 =	vor.u32 $0x80, v6;
	_ =	sdelay $0x3  }
0x279: {  	[tilespmem:s23+$0xFFFFE000] =	vst v7  }
0x27a: {  	v7 =	vld.idx.msk [tilespmem:v8+s11+$0x0], $0xffff  }
0x27b: {  	v49 =	vor.u32 $0x100, v6;
	_ =	sdelay $0x3  }
0x27c: {  	[tilespmem:s23+$0xFFFFF000] =	vst v7  }
0x27d: {  	v7 =	vld.idx.msk [tilespmem:v49+s11+$0x0], $0xffff  }
0x27e: {  	v6 =	vor.u32 $0x180, v6;
	_ =	sdelay $0x3  }
0x27f: {  	[tilespmem:s23+$0x0] =	vst v7  }
0x280: {  	v6 =	vld.idx.msk [tilespmem:v6+s11+$0x0], $0xffff;
	_ =	sdelay $0x4  }
0x281: {  	[tilespmem:s23+$0x1000] =	vst v6  }
0x282: {  	v6 =	vld [tilespmem:s25+$0xFFFFFFD0];
	_ =	sdelay $0x4  }
0x283: {  	v7 =	vshll.u32 v6, $0x2  }
0x284: {  	v6 =	vand.u32 $0x7F, v6;
	v7 =	vand.u32 $0xFFFFFE00, v7  }
0x285: {  	v6 =	vor.u32 v6, v7;
	_ =	sdelay $0x4  }
0x286: {  	v7 =	vld.idx.msk [tilespmem:v6+s11+$0x0], $0xffff  }
0x287: {  	v50 =	vor.u32 $0x80, v6;
	_ =	sdelay $0x3  }
0x288: {  	[tilespmem:s23+$0xFFFFE010] =	vst v7  }
0x289: {  	v7 =	vld.idx.msk [tilespmem:v50+s11+$0x0], $0xffff  }
0x28a: {  	v51 =	vor.u32 $0x100, v6;
	_ =	sdelay $0x3  }
0x28b: {  	[tilespmem:s23+$0xFFFFF010] =	vst v7  }
0x28c: {  	v7 =	vld.idx.msk [tilespmem:v51+s11+$0x0], $0xffff  }
0x28d: {  	v6 =	vor.u32 $0x180, v6;
	_ =	sdelay $0x3  }
0x28e: {  	[tilespmem:s23+$0x10] =	vst v7  }
0x28f: {  	v6 =	vld.idx.msk [tilespmem:v6+s11+$0x0], $0xffff;
	_ =	sdelay $0x4  }
0x290: {  	[tilespmem:s23+$0x1010] =	vst v6  }
0x291: {  	v6 =	vld [tilespmem:s25+$0xFFFFFFE0];
	_ =	sdelay $0x4  }
0x292: {  	v7 =	vshll.u32 v6, $0x2  }
0x293: {  	v6 =	vand.u32 $0x7F, v6;
	v7 =	vand.u32 $0xFFFFFE00, v7  }
0x294: {  	v6 =	vor.u32 v6, v7;
	_ =	sdelay $0x4  }
0x295: {  	v7 =	vld.idx.msk [tilespmem:v6+s11+$0x0], $0xffff  }
0x296: {  	v52 =	vor.u32 $0x80, v6;
	_ =	sdelay $0x3  }
0x297: {  	[tilespmem:s23+$0xFFFFE020] =	vst v7  }
0x298: {  	v7 =	vld.idx.msk [tilespmem:v52+s11+$0x0], $0xffff  }
0x299: {  	v53 =	vor.u32 $0x100, v6;
	_ =	sdelay $0x3  }
0x29a: {  	[tilespmem:s23+$0xFFFFF020] =	vst v7  }
0x29b: {  	v7 =	vld.idx.msk [tilespmem:v53+s11+$0x0], $0xffff  }
0x29c: {  	v6 =	vor.u32 $0x180, v6;
	_ =	sdelay $0x3  }
0x29d: {  	[tilespmem:s23+$0x20] =	vst v7  }
0x29e: {  	v6 =	vld.idx.msk [tilespmem:v6+s11+$0x0], $0xffff;
	_ =	sdelay $0x4  }
0x29f: {  	[tilespmem:s23+$0x1020] =	vst v6  }
0x2a0: {  	v6 =	vld [tilespmem:s25+$0xFFFFFFF0];
	_ =	sdelay $0x4  }
0x2a1: {  	v7 =	vshll.u32 v6, $0x2  }
0x2a2: {  	v6 =	vand.u32 $0x7F, v6;
	v7 =	vand.u32 $0xFFFFFE00, v7  }
0x2a3: {  	v6 =	vor.u32 v6, v7;
	_ =	sdelay $0x4  }
0x2a4: {  	v7 =	vld.idx.msk [tilespmem:v6+s11+$0x0], $0xffff  }
0x2a5: {  	v54 =	vor.u32 $0x80, v6;
	_ =	sdelay $0x3  }
0x2a6: {  	[tilespmem:s23+$0xFFFFE030] =	vst v7  }
0x2a7: {  	v7 =	vld.idx.msk [tilespmem:v54+s11+$0x0], $0xffff  }
0x2a8: {  	v55 =	vor.u32 $0x100, v6;
	_ =	sdelay $0x3  }
0x2a9: {  	[tilespmem:s23+$0xFFFFF030] =	vst v7  }
0x2aa: {  	v7 =	vld.idx.msk [tilespmem:v55+s11+$0x0], $0xffff  }
0x2ab: {  	v6 =	vor.u32 $0x180, v6;
	_ =	sdelay $0x3  }
0x2ac: {  	[tilespmem:s23+$0x30] =	vst v7  }
0x2ad: {  	v6 =	vld.idx.msk [tilespmem:v6+s11+$0x0], $0xffff;
	_ =	sdelay $0x4  }
0x2ae: {  	[tilespmem:s23+$0x1030] =	vst v6  }
0x2af: {  	v6 =	vld [tilespmem:s25+$0x0];
	_ =	sdelay $0x4  }
0x2b0: {  	v7 =	vshll.u32 v6, $0x2  }
0x2b1: {  	v6 =	vand.u32 $0x7F, v6;
	v7 =	vand.u32 $0xFFFFFE00, v7  }
0x2b2: {  	v6 =	vor.u32 v6, v7;
	_ =	sdelay $0x4  }
0x2b3: {  	v7 =	vld.idx.msk [tilespmem:v6+s11+$0x0], $0xffff  }
0x2b4: {  	v56 =	vor.u32 $0x80, v6;
	_ =	sdelay $0x3  }
0x2b5: {  	[tilespmem:s23+$0xFFFFE040] =	vst v7  }
0x2b6: {  	v7 =	vld.idx.msk [tilespmem:v56+s11+$0x0], $0xffff  }
0x2b7: {  	v57 =	vor.u32 $0x100, v6;
	_ =	sdelay $0x3  }
0x2b8: {  	[tilespmem:s23+$0xFFFFF040] =	vst v7  }
0x2b9: {  	v7 =	vld.idx.msk [tilespmem:v57+s11+$0x0], $0xffff  }
0x2ba: {  	v6 =	vor.u32 $0x180, v6;
	_ =	sdelay $0x3  }
0x2bb: {  	[tilespmem:s23+$0x40] =	vst v7  }
0x2bc: {  	v6 =	vld.idx.msk [tilespmem:v6+s11+$0x0], $0xffff;
	_ =	sdelay $0x4  }
0x2bd: {  	[tilespmem:s23+$0x1040] =	vst v6  }
0x2be: {  	v6 =	vld [tilespmem:s25+$0x10];
	_ =	sdelay $0x4  }
0x2bf: {  	v7 =	vshll.u32 v6, $0x2  }
0x2c0: {  	v6 =	vand.u32 $0x7F, v6;
	v7 =	vand.u32 $0xFFFFFE00, v7  }
0x2c1: {  	v6 =	vor.u32 v6, v7;
	_ =	sdelay $0x4  }
0x2c2: {  	v7 =	vld.idx.msk [tilespmem:v6+s11+$0x0], $0xffff  }
0x2c3: {  	v58 =	vor.u32 $0x80, v6;
	_ =	sdelay $0x3  }
0x2c4: {  	[tilespmem:s23+$0xFFFFE050] =	vst v7  }
0x2c5: {  	v7 =	vld.idx.msk [tilespmem:v58+s11+$0x0], $0xffff  }
0x2c6: {  	v59 =	vor.u32 $0x100, v6;
	_ =	sdelay $0x3  }
0x2c7: {  	[tilespmem:s23+$0xFFFFF050] =	vst v7  }
0x2c8: {  	v7 =	vld.idx.msk [tilespmem:v59+s11+$0x0], $0xffff  }
0x2c9: {  	v6 =	vor.u32 $0x180, v6;
	_ =	sdelay $0x3  }
0x2ca: {  	[tilespmem:s23+$0x50] =	vst v7  }
0x2cb: {  	v6 =	vld.idx.msk [tilespmem:v6+s11+$0x0], $0xffff;
	_ =	sdelay $0x4  }
0x2cc: {  	[tilespmem:s23+$0x1050] =	vst v6  }
0x2cd: {  	v6 =	vld [tilespmem:s25+$0x20];
	_ =	sdelay $0x4  }
0x2ce: {  	v7 =	vshll.u32 v6, $0x2  }
0x2cf: {  	v6 =	vand.u32 $0x7F, v6;
	v7 =	vand.u32 $0xFFFFFE00, v7  }
0x2d0: {  	v6 =	vor.u32 v6, v7;
	_ =	sdelay $0x4  }
0x2d1: {  	v7 =	vld.idx.msk [tilespmem:v6+s11+$0x0], $0xffff  }
0x2d2: {  	v60 =	vor.u32 $0x80, v6;
	_ =	sdelay $0x3  }
0x2d3: {  	[tilespmem:s23+$0xFFFFE060] =	vst v7  }
0x2d4: {  	v7 =	vld.idx.msk [tilespmem:v60+s11+$0x0], $0xffff  }
0x2d5: {  	v61 =	vor.u32 $0x100, v6;
	_ =	sdelay $0x3  }
0x2d6: {  	[tilespmem:s23+$0xFFFFF060] =	vst v7  }
0x2d7: {  	v7 =	vld.idx.msk [tilespmem:v61+s11+$0x0], $0xffff  }
0x2d8: {  	v6 =	vor.u32 $0x180, v6;
	_ =	sdelay $0x3  }
0x2d9: {  	[tilespmem:s23+$0x60] =	vst v7  }
0x2da: {  	v6 =	vld.idx.msk [tilespmem:v6+s11+$0x0], $0xffff;
	_ =	sdelay $0x4  }
0x2db: {  	[tilespmem:s23+$0x1060] =	vst v6  }
0x2dc: {  	v6 =	vld [tilespmem:s25+$0x30];
	_ =	sdelay $0x4  }
0x2dd: {  	v7 =	vshll.u32 v6, $0x2  }
0x2de: {  	v6 =	vand.u32 $0x7F, v6;
	v7 =	vand.u32 $0xFFFFFE00, v7  }
0x2df: {  	v6 =	vor.u32 v6, v7;
	_ =	sdelay $0x4  }
0x2e0: {  	v7 =	vld.idx.msk [tilespmem:v6+s11+$0x0], $0xffff  }
0x2e1: {  	v62 =	vor.u32 $0x80, v6;
	_ =	sdelay $0x3  }
0x2e2: {  	[tilespmem:s23+$0xFFFFE070] =	vst v7  }
0x2e3: {  	v7 =	vld.idx.msk [tilespmem:v62+s11+$0x0], $0xffff  }
0x2e4: {  	v63 =	vor.u32 $0x100, v6;
	_ =	sdelay $0x3  }
0x2e5: {  	[tilespmem:s23+$0xFFFFF070] =	vst v7  }
0x2e6: {  	v7 =	vld.idx.msk [tilespmem:v63+s11+$0x0], $0xffff  }
0x2e7: {  	v6 =	vor.u32 $0x180, v6;
	_ =	sdelay $0x3  }
0x2e8: {  	s22 =	sadd.s32 $0x8, s22;
	[tilespmem:s23+$0x70] =	vst v7  }
0x2e9: {  	p1 =	slt.u32 s22, $0xF8;
	v6 =	vld.idx.msk [tilespmem:v6+s11+$0x0], $0xffff  }
.Ltmp7:
0x2ea: {  	_ = 	snop;
	(pc) =	sbr.rel @p1 .LBB2_17-.Ltmp7, $2  }
0x2eb: {  	_ =	sdelay $0x2  }
0x2ec: {  	s25 =	sadd.s32 $0x80, s25;
	[tilespmem:s23+$0x1070] =	vst v6;
	s23 =	sadd.s32 $0x80, s23  }
0x2ed: {  	s22 =	sshll.u32 s17, $0xC;
	s23 =	rddreg [dreg:$0x13]  }
0x2ee: {  	s25 =	simm.s32 $0x17180;
	s23 =	sadd.s32 s22, s23  }
0x2ef: {  	[hbm4b:s23+s6] =	stream.linear.scatter [tilespmem:s25], [sflag:$0x3], $0x4000, $0x38;
	[tilespmem:$0x1F180] =	vst v63  }
0x2f0: {  	s25 =	sshll.u32 s17, $0x4  }
0x2f1: {  	s23 =	sand.u32 $0x3FFFFFF0, s25  }
0x2f2: {  	v6 =	vld.msk [tilespmem:s23+$0x7010], $0xf;
	_ =	sdelay $0x4  }
0x2f3: {  	v7 =	vshll.u32 v6, $0x6  }
0x2f4: {  	v6 =	vand.u32 $0x7, v6;
	v7 =	vand.u32 $0xFFFFFE00, v7  }
0x2f5: {  	v6 =	vor.u32 v6, v7  }
0x2f6: {  	v6 =	vperm.xlane v6, v4;
	_ =	sdelay $0x1  }
0x2f7: {  	v6 =	vadd.s32 v5, v6;
	_ =	sdelay $0x4  }
0x2f8: {  	[tilespmem:s11], [sflag:$0x1] =	stream.indirect_vreg.gather [hbm4b:s29+s6], $0x80, v6, vm0, $0xb8;
	[tilespmem:$0x1F180] =	vst v63  }
0x2f9: {  	s25 =	simm.s32 $0x7980  }
0x2fa: {  	[tilespmem:s25], [sflag:$0x1] =	stream.indirect_vreg.gather [hbm4b:s26+s6], $0x80, v6, vm0, $0xb8;
	[tilespmem:$0x1F180] =	vst v63  }
0x2fb: {  	s26 =	simm.s32 $0x8180  }
0x2fc: {  	[tilespmem:s26], [sflag:$0x1] =	stream.indirect_vreg.gather [hbm4b:s28+s6], $0x80, v6, vm0, $0xb8;
	[tilespmem:$0x1F180] =	vst v63  }
0x2fd: {  	s25 =	rddreg [dreg:$0xd];
	s26 =	simm.s32 $0x8980  }
0x2fe: {  	[tilespmem:s26], [sflag:$0x1] =	stream.indirect_vreg.gather [hbm4b:s25+s6], $0x80, v6, vm0, $0xb8;
	[tilespmem:$0x1F180] =	vst v63  }
0x2ff: {  	s25 =	rddreg [dreg:$0xe];
	s26 =	simm.s32 $0x9180  }
0x300: {  	[tilespmem:s26], [sflag:$0x1] =	stream.indirect_vreg.gather [hbm4b:s25+s6], $0x80, v6, vm0, $0xb8;
	[tilespmem:$0x1F180] =	vst v63  }
0x301: {  	s25 =	rddreg [dreg:$0xf];
	s26 =	simm.s32 $0x9980  }
0x302: {  	[tilespmem:s26], [sflag:$0x1] =	stream.indirect_vreg.gather [hbm4b:s25+s6], $0x80, v6, vm0, $0xb8;
	[tilespmem:$0x1F180] =	vst v63  }
0x303: {  	s25 =	rddreg [dreg:$0x10];
	s26 =	simm.s32 $0xA180  }
0x304: {  	[tilespmem:s26], [sflag:$0x1] =	stream.indirect_vreg.gather [hbm4b:s25+s6], $0x80, v6, vm0, $0xb8;
	[tilespmem:$0x1F180] =	vst v63  }
0x305: {  	s25 =	rddreg [dreg:$0x11];
	s26 =	simm.s32 $0xA980  }
0x306: {  	[tilespmem:s26], [sflag:$0x1] =	stream.indirect_vreg.gather [hbm4b:s25+s6], $0x80, v6, vm0, $0xb8;
	[tilespmem:$0x1F180] =	vst v63  }
0x307: {  	s26 =	simm.s32 $0xB180  }
0x308: {  	[tilespmem:s26], [sflag:$0x1] =	stream.indirect_vreg.gather [hbm4b:s30+s6], $0x80, v6, vm0, $0xb8;
	[tilespmem:$0x1F180] =	vst v63  }
0x309: {  	s26 =	rddreg [dreg:$0x17]  }
0x30a: {  	[tilespmem:s31], [sflag:$0x1] =	stream.indirect_vreg.gather [hbm4b:s26+s6], $0x80, v6, vm0, $0xb8;
	[tilespmem:$0x1F180] =	vst v63  }
0x30b: {  	s26 =	simm.s32 $0xC180  }
0x30c: {  	[tilespmem:s26], [sflag:$0x1] =	stream.indirect_vreg.gather [hbm4b:s0+s6], $0x80, v6, vm0, $0xb8;
	[tilespmem:$0x1F180] =	vst v63  }
0x30d: {  	s26 =	simm.s32 $0xC980  }
0x30e: {  	[tilespmem:s26], [sflag:$0x1] =	stream.indirect_vreg.gather [hbm4b:s5+s6], $0x80, v6, vm0, $0xb8;
	[tilespmem:$0x1F180] =	vst v63  }
0x30f: {  	s26 =	simm.s32 $0xD180  }
0x310: {  	[tilespmem:s26], [sflag:$0x1] =	stream.indirect_vreg.gather [hbm4b:s1+s6], $0x80, v6, vm0, $0xb8;
	[tilespmem:$0x1F180] =	vst v63  }
0x311: {  	s26 =	simm.s32 $0xD980  }
0x312: {  	[tilespmem:s26], [sflag:$0x1] =	stream.indirect_vreg.gather [hbm4b:s4+s6], $0x80, v6, vm0, $0xb8;
	[tilespmem:$0x1F180] =	vst v63  }
0x313: {  	s26 =	simm.s32 $0xE180  }
0x314: {  	[tilespmem:s26], [sflag:$0x1] =	stream.indirect_vreg.gather [hbm4b:s7+s6], $0x80, v6, vm0, $0xb8;
	[tilespmem:$0x1F180] =	vst v63  }
0x315: {  	s26 =	simm.s32 $0xE980  }
0x316: {  	[tilespmem:s26], [sflag:$0x1] =	stream.indirect_vreg.gather [hbm4b:s8+s6], $0x80, v6, vm0, $0xb8;
	[tilespmem:$0x1F180] =	vst v63  }
0x317: {  	_ =	swait.ge [sflag:s14], $0x8000  }
0x318: {  	[sflag:s14] =	ssyncset.done $0x0  }
0x319: {  	[sflag:s14] =	ssyncadd.s32 $0xFFFF8000  }
0x31a: {  	_ =	swait.ge [sflag:s16], $0x4000  }
0x31b: {  	s28 =	simm.s32 $0x2040;
	[sflag:s16] =	ssyncset.done $0x0  }
0x31c: {  	s25 =	simm.s32 $0xFFFFFFF8;
	s26 =	simm.s32 $0x1D180;
	[sflag:s16] =	ssyncadd.s32 $0xFFFFC000  }
.LBB2_19:
0x31d: {  	v6 =	vld [tilespmem:s28+$0xFFFFFFC0];
	_ =	sdelay $0x4  }
0x31e: {  	v7 =	vshll.u32 v6, $0x2  }
0x31f: {  	v6 =	vand.u32 $0x7F, v6;
	v7 =	vand.u32 $0xFFFFFE00, v7  }
0x320: {  	v6 =	vor.u32 v6, v7;
	_ =	sdelay $0x4  }
0x321: {  	v7 =	vld.idx.msk [tilespmem:v6+s12+$0x0], $0xffff  }
0x322: {  	v8 =	vor.u32 $0x80, v6;
	_ =	sdelay $0x3  }
0x323: {  	[tilespmem:s26+$0xFFFFE000] =	vst v7  }
0x324: {  	v7 =	vld.idx.msk [tilespmem:v8+s12+$0x0], $0xffff  }
0x325: {  	v49 =	vor.u32 $0x100, v6;
	_ =	sdelay $0x3  }
0x326: {  	[tilespmem:s26+$0xFFFFF000] =	vst v7  }
0x327: {  	v7 =	vld.idx.msk [tilespmem:v49+s12+$0x0], $0xffff  }
0x328: {  	v6 =	vor.u32 $0x180, v6;
	_ =	sdelay $0x3  }
0x329: {  	[tilespmem:s26+$0x0] =	vst v7  }
0x32a: {  	v6 =	vld.idx.msk [tilespmem:v6+s12+$0x0], $0xffff;
	_ =	sdelay $0x4  }
0x32b: {  	[tilespmem:s26+$0x1000] =	vst v6  }
0x32c: {  	v6 =	vld [tilespmem:s28+$0xFFFFFFD0];
	_ =	sdelay $0x4  }
0x32d: {  	v7 =	vshll.u32 v6, $0x2  }
0x32e: {  	v6 =	vand.u32 $0x7F, v6;
	v7 =	vand.u32 $0xFFFFFE00, v7  }
0x32f: {  	v6 =	vor.u32 v6, v7;
	_ =	sdelay $0x4  }
0x330: {  	v7 =	vld.idx.msk [tilespmem:v6+s12+$0x0], $0xffff  }
0x331: {  	v50 =	vor.u32 $0x80, v6;
	_ =	sdelay $0x3  }
0x332: {  	[tilespmem:s26+$0xFFFFE010] =	vst v7  }
0x333: {  	v7 =	vld.idx.msk [tilespmem:v50+s12+$0x0], $0xffff  }
0x334: {  	v51 =	vor.u32 $0x100, v6;
	_ =	sdelay $0x3  }
0x335: {  	[tilespmem:s26+$0xFFFFF010] =	vst v7  }
0x336: {  	v7 =	vld.idx.msk [tilespmem:v51+s12+$0x0], $0xffff  }
0x337: {  	v6 =	vor.u32 $0x180, v6;
	_ =	sdelay $0x3  }
0x338: {  	[tilespmem:s26+$0x10] =	vst v7  }
0x339: {  	v6 =	vld.idx.msk [tilespmem:v6+s12+$0x0], $0xffff;
	_ =	sdelay $0x4  }
0x33a: {  	[tilespmem:s26+$0x1010] =	vst v6  }
0x33b: {  	v6 =	vld [tilespmem:s28+$0xFFFFFFE0];
	_ =	sdelay $0x4  }
0x33c: {  	v7 =	vshll.u32 v6, $0x2  }
0x33d: {  	v6 =	vand.u32 $0x7F, v6;
	v7 =	vand.u32 $0xFFFFFE00, v7  }
0x33e: {  	v6 =	vor.u32 v6, v7;
	_ =	sdelay $0x4  }
0x33f: {  	v7 =	vld.idx.msk [tilespmem:v6+s12+$0x0], $0xffff  }
0x340: {  	v52 =	vor.u32 $0x80, v6;
	_ =	sdelay $0x3  }
0x341: {  	[tilespmem:s26+$0xFFFFE020] =	vst v7  }
0x342: {  	v7 =	vld.idx.msk [tilespmem:v52+s12+$0x0], $0xffff  }
0x343: {  	v53 =	vor.u32 $0x100, v6;
	_ =	sdelay $0x3  }
0x344: {  	[tilespmem:s26+$0xFFFFF020] =	vst v7  }
0x345: {  	v7 =	vld.idx.msk [tilespmem:v53+s12+$0x0], $0xffff  }
0x346: {  	v6 =	vor.u32 $0x180, v6;
	_ =	sdelay $0x3  }
0x347: {  	[tilespmem:s26+$0x20] =	vst v7  }
0x348: {  	v6 =	vld.idx.msk [tilespmem:v6+s12+$0x0], $0xffff;
	_ =	sdelay $0x4  }
0x349: {  	[tilespmem:s26+$0x1020] =	vst v6  }
0x34a: {  	v6 =	vld [tilespmem:s28+$0xFFFFFFF0];
	_ =	sdelay $0x4  }
0x34b: {  	v7 =	vshll.u32 v6, $0x2  }
0x34c: {  	v6 =	vand.u32 $0x7F, v6;
	v7 =	vand.u32 $0xFFFFFE00, v7  }
0x34d: {  	v6 =	vor.u32 v6, v7;
	_ =	sdelay $0x4  }
0x34e: {  	v7 =	vld.idx.msk [tilespmem:v6+s12+$0x0], $0xffff  }
0x34f: {  	v54 =	vor.u32 $0x80, v6;
	_ =	sdelay $0x3  }
0x350: {  	[tilespmem:s26+$0xFFFFE030] =	vst v7  }
0x351: {  	v7 =	vld.idx.msk [tilespmem:v54+s12+$0x0], $0xffff  }
0x352: {  	v55 =	vor.u32 $0x100, v6;
	_ =	sdelay $0x3  }
0x353: {  	[tilespmem:s26+$0xFFFFF030] =	vst v7  }
0x354: {  	v7 =	vld.idx.msk [tilespmem:v55+s12+$0x0], $0xffff  }
0x355: {  	v6 =	vor.u32 $0x180, v6;
	_ =	sdelay $0x3  }
0x356: {  	[tilespmem:s26+$0x30] =	vst v7  }
0x357: {  	v6 =	vld.idx.msk [tilespmem:v6+s12+$0x0], $0xffff;
	_ =	sdelay $0x4  }
0x358: {  	[tilespmem:s26+$0x1030] =	vst v6  }
0x359: {  	v6 =	vld [tilespmem:s28+$0x0];
	_ =	sdelay $0x4  }
0x35a: {  	v7 =	vshll.u32 v6, $0x2  }
0x35b: {  	v6 =	vand.u32 $0x7F, v6;
	v7 =	vand.u32 $0xFFFFFE00, v7  }
0x35c: {  	v6 =	vor.u32 v6, v7;
	_ =	sdelay $0x4  }
0x35d: {  	v7 =	vld.idx.msk [tilespmem:v6+s12+$0x0], $0xffff  }
0x35e: {  	v56 =	vor.u32 $0x80, v6;
	_ =	sdelay $0x3  }
0x35f: {  	[tilespmem:s26+$0xFFFFE040] =	vst v7  }
0x360: {  	v7 =	vld.idx.msk [tilespmem:v56+s12+$0x0], $0xffff  }
0x361: {  	v57 =	vor.u32 $0x100, v6;
	_ =	sdelay $0x3  }
0x362: {  	[tilespmem:s26+$0xFFFFF040] =	vst v7  }
0x363: {  	v7 =	vld.idx.msk [tilespmem:v57+s12+$0x0], $0xffff  }
0x364: {  	v6 =	vor.u32 $0x180, v6;
	_ =	sdelay $0x3  }
0x365: {  	[tilespmem:s26+$0x40] =	vst v7  }
0x366: {  	v6 =	vld.idx.msk [tilespmem:v6+s12+$0x0], $0xffff;
	_ =	sdelay $0x4  }
0x367: {  	[tilespmem:s26+$0x1040] =	vst v6  }
0x368: {  	v6 =	vld [tilespmem:s28+$0x10];
	_ =	sdelay $0x4  }
0x369: {  	v7 =	vshll.u32 v6, $0x2  }
0x36a: {  	v6 =	vand.u32 $0x7F, v6;
	v7 =	vand.u32 $0xFFFFFE00, v7  }
0x36b: {  	v6 =	vor.u32 v6, v7;
	_ =	sdelay $0x4  }
0x36c: {  	v7 =	vld.idx.msk [tilespmem:v6+s12+$0x0], $0xffff  }
0x36d: {  	v58 =	vor.u32 $0x80, v6;
	_ =	sdelay $0x3  }
0x36e: {  	[tilespmem:s26+$0xFFFFE050] =	vst v7  }
0x36f: {  	v7 =	vld.idx.msk [tilespmem:v58+s12+$0x0], $0xffff  }
0x370: {  	v59 =	vor.u32 $0x100, v6;
	_ =	sdelay $0x3  }
0x371: {  	[tilespmem:s26+$0xFFFFF050] =	vst v7  }
0x372: {  	v7 =	vld.idx.msk [tilespmem:v59+s12+$0x0], $0xffff  }
0x373: {  	v6 =	vor.u32 $0x180, v6;
	_ =	sdelay $0x3  }
0x374: {  	[tilespmem:s26+$0x50] =	vst v7  }
0x375: {  	v6 =	vld.idx.msk [tilespmem:v6+s12+$0x0], $0xffff;
	_ =	sdelay $0x4  }
0x376: {  	[tilespmem:s26+$0x1050] =	vst v6  }
0x377: {  	v6 =	vld [tilespmem:s28+$0x20];
	_ =	sdelay $0x4  }
0x378: {  	v7 =	vshll.u32 v6, $0x2  }
0x379: {  	v6 =	vand.u32 $0x7F, v6;
	v7 =	vand.u32 $0xFFFFFE00, v7  }
0x37a: {  	v6 =	vor.u32 v6, v7;
	_ =	sdelay $0x4  }
0x37b: {  	v7 =	vld.idx.msk [tilespmem:v6+s12+$0x0], $0xffff  }
0x37c: {  	v60 =	vor.u32 $0x80, v6;
	_ =	sdelay $0x3  }
0x37d: {  	[tilespmem:s26+$0xFFFFE060] =	vst v7  }
0x37e: {  	v7 =	vld.idx.msk [tilespmem:v60+s12+$0x0], $0xffff  }
0x37f: {  	v61 =	vor.u32 $0x100, v6;
	_ =	sdelay $0x3  }
0x380: {  	[tilespmem:s26+$0xFFFFF060] =	vst v7  }
0x381: {  	v7 =	vld.idx.msk [tilespmem:v61+s12+$0x0], $0xffff  }
0x382: {  	v6 =	vor.u32 $0x180, v6;
	_ =	sdelay $0x3  }
0x383: {  	[tilespmem:s26+$0x60] =	vst v7  }
0x384: {  	v6 =	vld.idx.msk [tilespmem:v6+s12+$0x0], $0xffff;
	_ =	sdelay $0x4  }
0x385: {  	[tilespmem:s26+$0x1060] =	vst v6  }
0x386: {  	v6 =	vld [tilespmem:s28+$0x30];
	_ =	sdelay $0x4  }
0x387: {  	v7 =	vshll.u32 v6, $0x2  }
0x388: {  	v6 =	vand.u32 $0x7F, v6;
	v7 =	vand.u32 $0xFFFFFE00, v7  }
0x389: {  	v6 =	vor.u32 v6, v7;
	_ =	sdelay $0x4  }
0x38a: {  	v7 =	vld.idx.msk [tilespmem:v6+s12+$0x0], $0xffff  }
0x38b: {  	v62 =	vor.u32 $0x80, v6;
	_ =	sdelay $0x3  }
0x38c: {  	[tilespmem:s26+$0xFFFFE070] =	vst v7  }
0x38d: {  	v7 =	vld.idx.msk [tilespmem:v62+s12+$0x0], $0xffff  }
0x38e: {  	v63 =	vor.u32 $0x100, v6;
	_ =	sdelay $0x3  }
0x38f: {  	[tilespmem:s26+$0xFFFFF070] =	vst v7  }
0x390: {  	v7 =	vld.idx.msk [tilespmem:v63+s12+$0x0], $0xffff  }
0x391: {  	v6 =	vor.u32 $0x180, v6;
	_ =	sdelay $0x3  }
0x392: {  	s25 =	sadd.s32 $0x8, s25;
	[tilespmem:s26+$0x70] =	vst v7  }
0x393: {  	p1 =	slt.u32 s25, $0xF8;
	v6 =	vld.idx.msk [tilespmem:v6+s12+$0x0], $0xffff  }
.Ltmp8:
0x394: {  	_ = 	snop;
	(pc) =	sbr.rel @p1 .LBB2_19-.Ltmp8, $2  }
0x395: {  	_ =	sdelay $0x2  }
0x396: {  	s28 =	sadd.s32 $0x80, s28;
	[tilespmem:s26+$0x1070] =	vst v6;
	s26 =	sadd.s32 $0x80, s26  }
0x397: {  	s25 =	rddreg [dreg:$0x14]  }
0x398: {  	s26 =	simm.s32 $0x1B180;
	s22 =	sadd.s32 s25, s22  }
0x399: {  	[hbm4b:s22+s6] =	stream.linear.scatter [tilespmem:s26], [sflag:$0x4], $0x4000, $0x38;
	[tilespmem:$0x1F180] =	vst v63  }
0x39a: {  	v6 =	vld.msk [tilespmem:s23+$0x7018], $0xf;
	_ =	sdelay $0x4  }
0x39b: {  	v7 =	vshll.u32 v6, $0x6  }
0x39c: {  	v6 =	vand.u32 $0x7, v6;
	v7 =	vand.u32 $0xFFFFFE00, v7  }
0x39d: {  	v6 =	vor.u32 v6, v7  }
0x39e: {  	v6 =	vperm.xlane v6, v4;
	_ =	sdelay $0x1  }
0x39f: {  	v6 =	vadd.s32 v5, v6;
	_ =	sdelay $0x4  }
0x3a0: {  	[tilespmem:s12], [sflag:$0x2] =	stream.indirect_vreg.gather [hbm4b:s29+s6], $0x80, v6, vm0, $0xb8;
	[tilespmem:$0x1F180] =	vst v63  }
0x3a1: {  	s26 =	rddreg [dreg:$0xb];
	s23 =	simm.s32 $0xF980  }
0x3a2: {  	[tilespmem:s23], [sflag:$0x2] =	stream.indirect_vreg.gather [hbm4b:s26+s6], $0x80, v6, vm0, $0xb8;
	[tilespmem:$0x1F180] =	vst v63  }
0x3a3: {  	s28 =	rddreg [dreg:$0xc];
	s25 =	simm.s32 $0x10180  }
0x3a4: {  	[tilespmem:s25], [sflag:$0x2] =	stream.indirect_vreg.gather [hbm4b:s28+s6], $0x80, v6, vm0, $0xb8;
	[tilespmem:$0x1F180] =	vst v63  }
0x3a5: {  	s23 =	rddreg [dreg:$0xd];
	s25 =	simm.s32 $0x10980  }
0x3a6: {  	[tilespmem:s25], [sflag:$0x2] =	stream.indirect_vreg.gather [hbm4b:s23+s6], $0x80, v6, vm0, $0xb8;
	[tilespmem:$0x1F180] =	vst v63  }
0x3a7: {  	s23 =	rddreg [dreg:$0xe];
	s25 =	simm.s32 $0x11180  }
0x3a8: {  	[tilespmem:s25], [sflag:$0x2] =	stream.indirect_vreg.gather [hbm4b:s23+s6], $0x80, v6, vm0, $0xb8;
	[tilespmem:$0x1F180] =	vst v63  }
0x3a9: {  	s23 =	rddreg [dreg:$0xf];
	s25 =	simm.s32 $0x11980  }
0x3aa: {  	[tilespmem:s25], [sflag:$0x2] =	stream.indirect_vreg.gather [hbm4b:s23+s6], $0x80, v6, vm0, $0xb8;
	[tilespmem:$0x1F180] =	vst v63  }
0x3ab: {  	s23 =	rddreg [dreg:$0x10];
	s25 =	simm.s32 $0x12180  }
0x3ac: {  	[tilespmem:s25], [sflag:$0x2] =	stream.indirect_vreg.gather [hbm4b:s23+s6], $0x80, v6, vm0, $0xb8;
	[tilespmem:$0x1F180] =	vst v63  }
0x3ad: {  	s23 =	rddreg [dreg:$0x11];
	s25 =	simm.s32 $0x12980  }
0x3ae: {  	[tilespmem:s25], [sflag:$0x2] =	stream.indirect_vreg.gather [hbm4b:s23+s6], $0x80, v6, vm0, $0xb8;
	[tilespmem:$0x1F180] =	vst v63  }
0x3af: {  	s25 =	simm.s32 $0x13180  }
0x3b0: {  	[tilespmem:s25], [sflag:$0x2] =	stream.indirect_vreg.gather [hbm4b:s30+s6], $0x80, v6, vm0, $0xb8;
	[tilespmem:$0x1F180] =	vst v63  }
0x3b1: {  	s23 =	rddreg [dreg:$0x17];
	s25 =	simm.s32 $0x13980  }
0x3b2: {  	[tilespmem:s25], [sflag:$0x2] =	stream.indirect_vreg.gather [hbm4b:s23+s6], $0x80, v6, vm0, $0xb8;
	[tilespmem:$0x1F180] =	vst v63  }
0x3b3: {  	s23 =	simm.s32 $0x14180  }
0x3b4: {  	[tilespmem:s23], [sflag:$0x2] =	stream.indirect_vreg.gather [hbm4b:s0+s6], $0x80, v6, vm0, $0xb8;
	[tilespmem:$0x1F180] =	vst v63  }
0x3b5: {  	s25 =	simm.s32 $0x14980  }
0x3b6: {  	[tilespmem:s25], [sflag:$0x2] =	stream.indirect_vreg.gather [hbm4b:s5+s6], $0x80, v6, vm0, $0xb8;
	[tilespmem:$0x1F180] =	vst v63  }
0x3b7: {  	s17 =	sadd.s32 $0x1, s17;
	s23 =	simm.s32 $0x15180  }
0x3b8: {  	[tilespmem:s23], [sflag:$0x2] =	stream.indirect_vreg.gather [hbm4b:s1+s6], $0x80, v6, vm0, $0xb8;
	[tilespmem:$0x1F180] =	vst v63  }
0x3b9: {  	p1 =	sne.s32 s17, $0x10;
	s25 =	simm.s32 $0x15980  }
0x3ba: {  	[tilespmem:s25], [sflag:$0x2] =	stream.indirect_vreg.gather [hbm4b:s4+s6], $0x80, v6, vm0, $0xb8;
	[tilespmem:$0x1F180] =	vst v63  }
.Ltmp9:
0x3bb: {  	_ = 	snop;
	(pc) =	sbr.rel @p1 .LBB2_16-.Ltmp9, $4  }
0x3bc: {  	s23 =	simm.s32 $0x16180  }
0x3bd: {  	[tilespmem:s23], [sflag:$0x2] =	stream.indirect_vreg.gather [hbm4b:s7+s6], $0x80, v6, vm0, $0xb8;
	[tilespmem:$0x1F180] =	vst v63  }
0x3be: {  	s25 =	simm.s32 $0x16980  }
0x3bf: {  	[tilespmem:s25], [sflag:$0x2] =	stream.indirect_vreg.gather [hbm4b:s8+s6], $0x80, v6, vm0, $0xb8;
	[tilespmem:$0x1F180] =	vst v63  }
0x3c0: {  	_ =	swait.ge [sflag:s13], $0x8000  }
0x3c1: {  	[sflag:s13] =	ssyncset.done $0x0  }
0x3c2: {  	[sflag:s13] =	ssyncadd.s32 $0xFFFF8000  }
0x3c3: {  	_ =	swait.ge [sflag:s15], $0x4000  }
0x3c4: {  	[sflag:s15] =	ssyncset.done $0x0  }
0x3c5: {  	[sflag:s15] =	ssyncadd.s32 $0xFFFFC000  }
0x3c6: {  	_ =	swait.ge [sflag:s14], $0x8000  }
0x3c7: {  	[sflag:s14] =	ssyncset.done $0x0  }
0x3c8: {  	[sflag:s14] =	ssyncadd.s32 $0xFFFF8000  }
0x3c9: {  	_ =	swait.ge [sflag:s16], $0x4000  }
0x3ca: {  	[sflag:s16] =	ssyncset.done $0x0  }
0x3cb: {  	[sflag:s16] =	ssyncadd.s32 $0xFFFFC000  }
0x3cc: {  	v6 =	vld.msk [tilespmem:$0x7000], $0xf;
	_ =	sdelay $0x4  }
0x3cd: {  	v7 =	vshll.u32 v6, $0x6  }
0x3ce: {  	v6 =	vand.u32 $0x7, v6;
	v7 =	vand.u32 $0xFFFFFE00, v7  }
0x3cf: {  	v6 =	vor.u32 v6, v7  }
0x3d0: {  	v6 =	vperm.xlane v6, v4;
	_ =	sdelay $0x1  }
0x3d1: {  	v6 =	vadd.s32 v5, v6;
	_ =	sdelay $0x3  }
0x3d2: {  	s29 =	rddreg [dreg:$0x3]  }
0x3d3: {  	[tilespmem:s11], [sflag:$0x1] =	stream.indirect_vreg.gather [hbm4b:s29+s6], $0x80, v6, vm0, $0xb8;
	[tilespmem:$0x1F180] =	vst v63  }
0x3d4: {  	s5 =	simm.s32 $0x7980  }
0x3d5: {  	[tilespmem:s5], [sflag:$0x1] =	stream.indirect_vreg.gather [hbm4b:s9+s6], $0x80, v6, vm0, $0xb8;
	[tilespmem:$0x1F180] =	vst v63  }
0x3d6: {  	s5 =	sld [smem:$0x7F6];
	_ =	sdelay $0x1  }
0x3d7: {  	s17 =	simm.s32 $0x8180;
	s26 =	sld [smem:$0x7FB]  }
0x3d8: {  	[tilespmem:s17], [sflag:$0x1] =	stream.indirect_vreg.gather [hbm4b:s5+s6], $0x80, v6, vm0, $0xb8;
	[tilespmem:$0x1F180] =	vst v63  }
0x3d9: {  	s30 =	simm.s32 $0x8980;
	s28 =	sld [smem:$0x7FC]  }
0x3da: {  	[tilespmem:s30], [sflag:$0x1] =	stream.indirect_vreg.gather [hbm4b:s26+s6], $0x80, v6, vm0, $0xb8;
	[tilespmem:$0x1F180] =	vst v63  }
0x3db: {  	s31 =	simm.s32 $0x9180;
	s17 =	sld [smem:$0x7F7]  }
0x3dc: {  	[tilespmem:s31], [sflag:$0x1] =	stream.indirect_vreg.gather [hbm4b:s28+s6], $0x80, v6, vm0, $0xb8;
	[tilespmem:$0x1F180] =	vst v63  }
0x3dd: {  	s22 =	simm.s32 $0x9980  }
0x3de: {  	[tilespmem:s22], [sflag:$0x1] =	stream.indirect_vreg.gather [hbm4b:s17+s6], $0x80, v6, vm0, $0xb8;
	[tilespmem:$0x1F180] =	vst v63  }
0x3df: {  	s22 =	sld [smem:$0x7F8];
	_ =	sdelay $0x1  }
0x3e0: {  	s23 =	simm.s32 $0xA180  }
0x3e1: {  	[tilespmem:s23], [sflag:$0x1] =	stream.indirect_vreg.gather [hbm4b:s22+s6], $0x80, v6, vm0, $0xb8;
	[tilespmem:$0x1F180] =	vst v63  }
0x3e2: {  	s23 =	sld [smem:$0x7F9];
	_ =	sdelay $0x1  }
0x3e3: {  	s25 =	simm.s32 $0xA980  }
0x3e4: {  	[tilespmem:s25], [sflag:$0x1] =	stream.indirect_vreg.gather [hbm4b:s23+s6], $0x80, v6, vm0, $0xb8;
	[tilespmem:$0x1F180] =	vst v63  }
0x3e5: {  	s25 =	sld [smem:$0x7FA];
	_ =	sdelay $0x1  }
0x3e6: {  	s31 =	simm.s32 $0xB180  }
0x3e7: {  	[tilespmem:s31], [sflag:$0x1] =	stream.indirect_vreg.gather [hbm4b:s25+s6], $0x80, v6, vm0, $0xb8;
	[tilespmem:$0x1F180] =	vst v63  }
0x3e8: {  	s0 =	simm.s32 $0xB980  }
0x3e9: {  	[tilespmem:s0], [sflag:$0x1] =	stream.indirect_vreg.gather [hbm4b:s24+s6], $0x80, v6, vm0, $0xb8;
	[tilespmem:$0x1F180] =	vst v63  }
0x3ea: {  	s1 =	simm.s32 $0xC180  }
0x3eb: {  	[tilespmem:s1], [sflag:$0x1] =	stream.indirect_vreg.gather [hbm4b:s18+s6], $0x80, v6, vm0, $0xb8;
	[tilespmem:$0x1F180] =	vst v63  }
0x3ec: {  	s4 =	simm.s32 $0xC980  }
0x3ed: {  	[tilespmem:s4], [sflag:$0x1] =	stream.indirect_vreg.gather [hbm4b:s19+s6], $0x80, v6, vm0, $0xb8;
	[tilespmem:$0x1F180] =	vst v63  }
0x3ee: {  	s7 =	simm.s32 $0xD180  }
0x3ef: {  	[tilespmem:s7], [sflag:$0x1] =	stream.indirect_vreg.gather [hbm4b:s20+s6], $0x80, v6, vm0, $0xb8;
	[tilespmem:$0x1F180] =	vst v63  }
0x3f0: {  	s8 =	simm.s32 $0xD980  }
0x3f1: {  	[tilespmem:s8], [sflag:$0x1] =	stream.indirect_vreg.gather [hbm4b:s21+s6], $0x80, v6, vm0, $0xb8;
	[tilespmem:$0x1F180] =	vst v63  }
0x3f2: {  	s30 =	simm.s32 $0xE180  }
0x3f3: {  	[tilespmem:s30], [sflag:$0x1] =	stream.indirect_vreg.gather [hbm4b:s2+s6], $0x80, v6, vm0, $0xb8;
	[tilespmem:$0x1F180] =	vst v63  }
0x3f4: {  	s0 =	simm.s32 $0xE980  }
0x3f5: {  	[tilespmem:s0], [sflag:$0x1] =	stream.indirect_vreg.gather [hbm4b:s3+s6], $0x80, v6, vm0, $0xb8;
	[tilespmem:$0x1F180] =	vst v63  }
0x3f6: {  	v6 =	vld.msk [tilespmem:$0x7008], $0xf;
	_ =	sdelay $0x4  }
0x3f7: {  	v7 =	vshll.u32 v6, $0x6  }
0x3f8: {  	v6 =	vand.u32 $0x7, v6;
	v7 =	vand.u32 $0xFFFFFE00, v7  }
0x3f9: {  	v6 =	vor.u32 v6, v7  }
0x3fa: {  	v6 =	vperm.xlane v6, v4;
	_ =	sdelay $0x1  }
0x3fb: {  	v6 =	vadd.s32 v5, v6;
	_ =	sdelay $0x4  }
0x3fc: {  	[tilespmem:s12], [sflag:$0x2] =	stream.indirect_vreg.gather [hbm4b:s29+s6], $0x80, v6, vm0, $0xb8;
	[tilespmem:$0x1F180] =	vst v63  }
0x3fd: {  	s1 =	simm.s32 $0xF980  }
0x3fe: {  	[tilespmem:s1], [sflag:$0x2] =	stream.indirect_vreg.gather [hbm4b:s9+s6], $0x80, v6, vm0, $0xb8;
	[tilespmem:$0x1F180] =	vst v63  }
0x3ff: {  	s4 =	simm.s32 $0x10180  }
0x400: {  	[tilespmem:s4], [sflag:$0x2] =	stream.indirect_vreg.gather [hbm4b:s5+s6], $0x80, v6, vm0, $0xb8;
	[tilespmem:$0x1F180] =	vst v63  }
0x401: {  	s7 =	simm.s32 $0x10980  }
0x402: {  	[tilespmem:s7], [sflag:$0x2] =	stream.indirect_vreg.gather [hbm4b:s26+s6], $0x80, v6, vm0, $0xb8;
	[tilespmem:$0x1F180] =	vst v63  }
0x403: {  	s8 =	simm.s32 $0x11180  }
0x404: {  	[tilespmem:s8], [sflag:$0x2] =	stream.indirect_vreg.gather [hbm4b:s28+s6], $0x80, v6, vm0, $0xb8;
	[tilespmem:$0x1F180] =	vst v63  }
0x405: {  	s30 =	simm.s32 $0x11980  }
0x406: {  	[tilespmem:s30], [sflag:$0x2] =	stream.indirect_vreg.gather [hbm4b:s17+s6], $0x80, v6, vm0, $0xb8;
	[tilespmem:$0x1F180] =	vst v63  }
0x407: {  	s0 =	simm.s32 $0x12180  }
0x408: {  	[tilespmem:s0], [sflag:$0x2] =	stream.indirect_vreg.gather [hbm4b:s22+s6], $0x80, v6, vm0, $0xb8;
	[tilespmem:$0x1F180] =	vst v63  }
0x409: {  	s1 =	simm.s32 $0x12980  }
0x40a: {  	[tilespmem:s1], [sflag:$0x2] =	stream.indirect_vreg.gather [hbm4b:s23+s6], $0x80, v6, vm0, $0xb8;
	[tilespmem:$0x1F180] =	vst v63  }
0x40b: {  	s4 =	simm.s32 $0x13180  }
0x40c: {  	[tilespmem:s4], [sflag:$0x2] =	stream.indirect_vreg.gather [hbm4b:s25+s6], $0x80, v6, vm0, $0xb8;
	[tilespmem:$0x1F180] =	vst v63  }
0x40d: {  	s7 =	simm.s32 $0x13980  }
0x40e: {  	[tilespmem:s7], [sflag:$0x2] =	stream.indirect_vreg.gather [hbm4b:s24+s6], $0x80, v6, vm0, $0xb8;
	[tilespmem:$0x1F180] =	vst v63  }
0x40f: {  	s8 =	simm.s32 $0x14180  }
0x410: {  	[tilespmem:s8], [sflag:$0x2] =	stream.indirect_vreg.gather [hbm4b:s18+s6], $0x80, v6, vm0, $0xb8;
	[tilespmem:$0x1F180] =	vst v63  }
0x411: {  	s22 =	simm.s32 $0x14980  }
0x412: {  	[tilespmem:s22], [sflag:$0x2] =	stream.indirect_vreg.gather [hbm4b:s19+s6], $0x80, v6, vm0, $0xb8;
	[tilespmem:$0x1F180] =	vst v63  }
0x413: {  	s23 =	simm.s32 $0x15180  }
0x414: {  	[tilespmem:s23], [sflag:$0x2] =	stream.indirect_vreg.gather [hbm4b:s20+s6], $0x80, v6, vm0, $0xb8;
	[tilespmem:$0x1F180] =	vst v63  }
0x415: {  	s25 =	simm.s32 $0x15980  }
0x416: {  	[tilespmem:s25], [sflag:$0x2] =	stream.indirect_vreg.gather [hbm4b:s21+s6], $0x80, v6, vm0, $0xb8;
	[tilespmem:$0x1F180] =	vst v63  }
0x417: {  	s30 =	simm.s32 $0x16180  }
0x418: {  	[tilespmem:s30], [sflag:$0x2] =	stream.indirect_vreg.gather [hbm4b:s2+s6], $0x80, v6, vm0, $0xb8;
	[tilespmem:$0x1F180] =	vst v63  }
0x419: {  	s31 =	simm.s32 $0x16980  }
0x41a: {  	[tilespmem:s31], [sflag:$0x2] =	stream.indirect_vreg.gather [hbm4b:s3+s6], $0x80, v6, vm0, $0xb8;
	[tilespmem:$0x1F180] =	vst v63  }
0x41b: {  	_ =	swait.ge [sflag:s13], $0x8000  }
0x41c: {  	s17 =	simm.s32 $0xFFFFFFF8;
	[sflag:s13] =	ssyncset.done $0x0  }
0x41d: {  	s22 =	simm.s32 $0x19180;
	s23 =	simm.s32 $0x2040;
	[sflag:s13] =	ssyncadd.s32 $0xFFFF8000  }
.LBB2_22:
0x41e: {  	v6 =	vld [tilespmem:s23+$0xFFFFFFC0];
	_ =	sdelay $0x4  }
0x41f: {  	v7 =	vshll.u32 v6, $0x2  }
0x420: {  	v6 =	vand.u32 $0x7F, v6;
	v7 =	vand.u32 $0xFFFFFE00, v7  }
0x421: {  	v6 =	vor.u32 v6, v7;
	_ =	sdelay $0x4  }
0x422: {  	v7 =	vld.idx.msk [tilespmem:v6+s11+$0x0], $0xffff  }
0x423: {  	v8 =	vor.u32 $0x80, v6;
	_ =	sdelay $0x3  }
0x424: {  	[tilespmem:s22+$0xFFFFE000] =	vst v7  }
0x425: {  	v7 =	vld.idx.msk [tilespmem:v8+s11+$0x0], $0xffff  }
0x426: {  	v49 =	vor.u32 $0x100, v6;
	_ =	sdelay $0x3  }
0x427: {  	[tilespmem:s22+$0xFFFFF000] =	vst v7  }
0x428: {  	v7 =	vld.idx.msk [tilespmem:v49+s11+$0x0], $0xffff  }
0x429: {  	v6 =	vor.u32 $0x180, v6;
	_ =	sdelay $0x3  }
0x42a: {  	[tilespmem:s22+$0x0] =	vst v7  }
0x42b: {  	v6 =	vld.idx.msk [tilespmem:v6+s11+$0x0], $0xffff;
	_ =	sdelay $0x4  }
0x42c: {  	[tilespmem:s22+$0x1000] =	vst v6  }
0x42d: {  	v6 =	vld [tilespmem:s23+$0xFFFFFFD0];
	_ =	sdelay $0x4  }
0x42e: {  	v7 =	vshll.u32 v6, $0x2  }
0x42f: {  	v6 =	vand.u32 $0x7F, v6;
	v7 =	vand.u32 $0xFFFFFE00, v7  }
0x430: {  	v6 =	vor.u32 v6, v7;
	_ =	sdelay $0x4  }
0x431: {  	v7 =	vld.idx.msk [tilespmem:v6+s11+$0x0], $0xffff  }
0x432: {  	v50 =	vor.u32 $0x80, v6;
	_ =	sdelay $0x3  }
0x433: {  	[tilespmem:s22+$0xFFFFE010] =	vst v7  }
0x434: {  	v7 =	vld.idx.msk [tilespmem:v50+s11+$0x0], $0xffff  }
0x435: {  	v51 =	vor.u32 $0x100, v6;
	_ =	sdelay $0x3  }
0x436: {  	[tilespmem:s22+$0xFFFFF010] =	vst v7  }
0x437: {  	v7 =	vld.idx.msk [tilespmem:v51+s11+$0x0], $0xffff  }
0x438: {  	v6 =	vor.u32 $0x180, v6;
	_ =	sdelay $0x3  }
0x439: {  	[tilespmem:s22+$0x10] =	vst v7  }
0x43a: {  	v6 =	vld.idx.msk [tilespmem:v6+s11+$0x0], $0xffff;
	_ =	sdelay $0x4  }
0x43b: {  	[tilespmem:s22+$0x1010] =	vst v6  }
0x43c: {  	v6 =	vld [tilespmem:s23+$0xFFFFFFE0];
	_ =	sdelay $0x4  }
0x43d: {  	v7 =	vshll.u32 v6, $0x2  }
0x43e: {  	v6 =	vand.u32 $0x7F, v6;
	v7 =	vand.u32 $0xFFFFFE00, v7  }
0x43f: {  	v6 =	vor.u32 v6, v7;
	_ =	sdelay $0x4  }
0x440: {  	v7 =	vld.idx.msk [tilespmem:v6+s11+$0x0], $0xffff  }
0x441: {  	v52 =	vor.u32 $0x80, v6;
	_ =	sdelay $0x3  }
0x442: {  	[tilespmem:s22+$0xFFFFE020] =	vst v7  }
0x443: {  	v7 =	vld.idx.msk [tilespmem:v52+s11+$0x0], $0xffff  }
0x444: {  	v53 =	vor.u32 $0x100, v6;
	_ =	sdelay $0x3  }
0x445: {  	[tilespmem:s22+$0xFFFFF020] =	vst v7  }
0x446: {  	v7 =	vld.idx.msk [tilespmem:v53+s11+$0x0], $0xffff  }
0x447: {  	v6 =	vor.u32 $0x180, v6;
	_ =	sdelay $0x3  }
0x448: {  	[tilespmem:s22+$0x20] =	vst v7  }
0x449: {  	v6 =	vld.idx.msk [tilespmem:v6+s11+$0x0], $0xffff;
	_ =	sdelay $0x4  }
0x44a: {  	[tilespmem:s22+$0x1020] =	vst v6  }
0x44b: {  	v6 =	vld [tilespmem:s23+$0xFFFFFFF0];
	_ =	sdelay $0x4  }
0x44c: {  	v7 =	vshll.u32 v6, $0x2  }
0x44d: {  	v6 =	vand.u32 $0x7F, v6;
	v7 =	vand.u32 $0xFFFFFE00, v7  }
0x44e: {  	v6 =	vor.u32 v6, v7;
	_ =	sdelay $0x4  }
0x44f: {  	v7 =	vld.idx.msk [tilespmem:v6+s11+$0x0], $0xffff  }
0x450: {  	v54 =	vor.u32 $0x80, v6;
	_ =	sdelay $0x3  }
0x451: {  	[tilespmem:s22+$0xFFFFE030] =	vst v7  }
0x452: {  	v7 =	vld.idx.msk [tilespmem:v54+s11+$0x0], $0xffff  }
0x453: {  	v55 =	vor.u32 $0x100, v6;
	_ =	sdelay $0x3  }
0x454: {  	[tilespmem:s22+$0xFFFFF030] =	vst v7  }
0x455: {  	v7 =	vld.idx.msk [tilespmem:v55+s11+$0x0], $0xffff  }
0x456: {  	v6 =	vor.u32 $0x180, v6;
	_ =	sdelay $0x3  }
0x457: {  	[tilespmem:s22+$0x30] =	vst v7  }
0x458: {  	v6 =	vld.idx.msk [tilespmem:v6+s11+$0x0], $0xffff;
	_ =	sdelay $0x4  }
0x459: {  	[tilespmem:s22+$0x1030] =	vst v6  }
0x45a: {  	v6 =	vld [tilespmem:s23+$0x0];
	_ =	sdelay $0x4  }
0x45b: {  	v7 =	vshll.u32 v6, $0x2  }
0x45c: {  	v6 =	vand.u32 $0x7F, v6;
	v7 =	vand.u32 $0xFFFFFE00, v7  }
0x45d: {  	v6 =	vor.u32 v6, v7;
	_ =	sdelay $0x4  }
0x45e: {  	v7 =	vld.idx.msk [tilespmem:v6+s11+$0x0], $0xffff  }
0x45f: {  	v56 =	vor.u32 $0x80, v6;
	_ =	sdelay $0x3  }
0x460: {  	[tilespmem:s22+$0xFFFFE040] =	vst v7  }
0x461: {  	v7 =	vld.idx.msk [tilespmem:v56+s11+$0x0], $0xffff  }
0x462: {  	v57 =	vor.u32 $0x100, v6;
	_ =	sdelay $0x3  }
0x463: {  	[tilespmem:s22+$0xFFFFF040] =	vst v7  }
0x464: {  	v7 =	vld.idx.msk [tilespmem:v57+s11+$0x0], $0xffff  }
0x465: {  	v6 =	vor.u32 $0x180, v6;
	_ =	sdelay $0x3  }
0x466: {  	[tilespmem:s22+$0x40] =	vst v7  }
0x467: {  	v6 =	vld.idx.msk [tilespmem:v6+s11+$0x0], $0xffff;
	_ =	sdelay $0x4  }
0x468: {  	[tilespmem:s22+$0x1040] =	vst v6  }
0x469: {  	v6 =	vld [tilespmem:s23+$0x10];
	_ =	sdelay $0x4  }
0x46a: {  	v7 =	vshll.u32 v6, $0x2  }
0x46b: {  	v6 =	vand.u32 $0x7F, v6;
	v7 =	vand.u32 $0xFFFFFE00, v7  }
0x46c: {  	v6 =	vor.u32 v6, v7;
	_ =	sdelay $0x4  }
0x46d: {  	v7 =	vld.idx.msk [tilespmem:v6+s11+$0x0], $0xffff  }
0x46e: {  	v58 =	vor.u32 $0x80, v6;
	_ =	sdelay $0x3  }
0x46f: {  	[tilespmem:s22+$0xFFFFE050] =	vst v7  }
0x470: {  	v7 =	vld.idx.msk [tilespmem:v58+s11+$0x0], $0xffff  }
0x471: {  	v59 =	vor.u32 $0x100, v6;
	_ =	sdelay $0x3  }
0x472: {  	[tilespmem:s22+$0xFFFFF050] =	vst v7  }
0x473: {  	v7 =	vld.idx.msk [tilespmem:v59+s11+$0x0], $0xffff  }
0x474: {  	v6 =	vor.u32 $0x180, v6;
	_ =	sdelay $0x3  }
0x475: {  	[tilespmem:s22+$0x50] =	vst v7  }
0x476: {  	v6 =	vld.idx.msk [tilespmem:v6+s11+$0x0], $0xffff;
	_ =	sdelay $0x4  }
0x477: {  	[tilespmem:s22+$0x1050] =	vst v6  }
0x478: {  	v6 =	vld [tilespmem:s23+$0x20];
	_ =	sdelay $0x4  }
0x479: {  	v7 =	vshll.u32 v6, $0x2  }
0x47a: {  	v6 =	vand.u32 $0x7F, v6;
	v7 =	vand.u32 $0xFFFFFE00, v7  }
0x47b: {  	v6 =	vor.u32 v6, v7;
	_ =	sdelay $0x4  }
0x47c: {  	v7 =	vld.idx.msk [tilespmem:v6+s11+$0x0], $0xffff  }
0x47d: {  	v60 =	vor.u32 $0x80, v6;
	_ =	sdelay $0x3  }
0x47e: {  	[tilespmem:s22+$0xFFFFE060] =	vst v7  }
0x47f: {  	v7 =	vld.idx.msk [tilespmem:v60+s11+$0x0], $0xffff  }
0x480: {  	v61 =	vor.u32 $0x100, v6;
	_ =	sdelay $0x3  }
0x481: {  	[tilespmem:s22+$0xFFFFF060] =	vst v7  }
0x482: {  	v7 =	vld.idx.msk [tilespmem:v61+s11+$0x0], $0xffff  }
0x483: {  	v6 =	vor.u32 $0x180, v6;
	_ =	sdelay $0x3  }
0x484: {  	[tilespmem:s22+$0x60] =	vst v7  }
0x485: {  	v6 =	vld.idx.msk [tilespmem:v6+s11+$0x0], $0xffff;
	_ =	sdelay $0x4  }
0x486: {  	[tilespmem:s22+$0x1060] =	vst v6  }
0x487: {  	v6 =	vld [tilespmem:s23+$0x30];
	_ =	sdelay $0x4  }
0x488: {  	v7 =	vshll.u32 v6, $0x2  }
0x489: {  	v6 =	vand.u32 $0x7F, v6;
	v7 =	vand.u32 $0xFFFFFE00, v7  }
0x48a: {  	v6 =	vor.u32 v6, v7;
	_ =	sdelay $0x4  }
0x48b: {  	v7 =	vld.idx.msk [tilespmem:v6+s11+$0x0], $0xffff  }
0x48c: {  	v62 =	vor.u32 $0x80, v6;
	_ =	sdelay $0x3  }
0x48d: {  	[tilespmem:s22+$0xFFFFE070] =	vst v7  }
0x48e: {  	v7 =	vld.idx.msk [tilespmem:v62+s11+$0x0], $0xffff  }
0x48f: {  	v63 =	vor.u32 $0x100, v6;
	_ =	sdelay $0x3  }
0x490: {  	[tilespmem:s22+$0xFFFFF070] =	vst v7  }
0x491: {  	v7 =	vld.idx.msk [tilespmem:v63+s11+$0x0], $0xffff  }
0x492: {  	v6 =	vor.u32 $0x180, v6;
	_ =	sdelay $0x3  }
0x493: {  	s17 =	sadd.s32 $0x8, s17;
	[tilespmem:s22+$0x70] =	vst v7  }
0x494: {  	p1 =	slt.u32 s17, $0xF8;
	v6 =	vld.idx.msk [tilespmem:v6+s11+$0x0], $0xffff  }
.Ltmp10:
0x495: {  	_ = 	snop;
	(pc) =	sbr.rel @p1 .LBB2_22-.Ltmp10, $2  }
0x496: {  	_ =	sdelay $0x2  }
0x497: {  	s23 =	sadd.s32 $0x80, s23;
	[tilespmem:s22+$0x1070] =	vst v6;
	s22 =	sadd.s32 $0x80, s22  }
0x498: {  	s17 =	rddreg [dreg:$0x15];
	s22 =	simm.s32 $0x17180  }
0x499: {  	[hbm4b:s17+s6] =	stream.linear.scatter [tilespmem:s22], [sflag:$0x3], $0x4000, $0x38;
	[tilespmem:$0x1F180] =	vst v63  }
0x49a: {  	v6 =	vld.msk [tilespmem:$0x7010], $0xf;
	_ =	sdelay $0x4  }
0x49b: {  	v7 =	vshll.u32 v6, $0x6  }
0x49c: {  	v6 =	vand.u32 $0x7, v6;
	v7 =	vand.u32 $0xFFFFFE00, v7  }
0x49d: {  	v6 =	vor.u32 v6, v7  }
0x49e: {  	v6 =	vperm.xlane v6, v4;
	_ =	sdelay $0x1  }
0x49f: {  	v6 =	vadd.s32 v5, v6;
	_ =	sdelay $0x4  }
0x4a0: {  	[tilespmem:s11], [sflag:$0x1] =	stream.indirect_vreg.gather [hbm4b:s29+s6], $0x80, v6, vm0, $0xb8;
	[tilespmem:$0x1F180] =	vst v63  }
0x4a1: {  	s30 =	simm.s32 $0x7980  }
0x4a2: {  	[tilespmem:s30], [sflag:$0x1] =	stream.indirect_vreg.gather [hbm4b:s9+s6], $0x80, v6, vm0, $0xb8;
	[tilespmem:$0x1F180] =	vst v63  }
0x4a3: {  	s0 =	simm.s32 $0x8180  }
0x4a4: {  	[tilespmem:s0], [sflag:$0x1] =	stream.indirect_vreg.gather [hbm4b:s5+s6], $0x80, v6, vm0, $0xb8;
	[tilespmem:$0x1F180] =	vst v63  }
0x4a5: {  	s1 =	simm.s32 $0x8980  }
0x4a6: {  	[tilespmem:s1], [sflag:$0x1] =	stream.indirect_vreg.gather [hbm4b:s26+s6], $0x80, v6, vm0, $0xb8;
	[tilespmem:$0x1F180] =	vst v63  }
0x4a7: {  	s4 =	simm.s32 $0x9180;
	s7 =	sld [smem:$0x7F7]  }
0x4a8: {  	[tilespmem:s4], [sflag:$0x1] =	stream.indirect_vreg.gather [hbm4b:s28+s6], $0x80, v6, vm0, $0xb8;
	[tilespmem:$0x1F180] =	vst v63  }
0x4a9: {  	s8 =	simm.s32 $0x9980;
	s23 =	sld [smem:$0x7F8]  }
0x4aa: {  	[tilespmem:s8], [sflag:$0x1] =	stream.indirect_vreg.gather [hbm4b:s7+s6], $0x80, v6, vm0, $0xb8;
	[tilespmem:$0x1F180] =	vst v63  }
0x4ab: {  	s25 =	simm.s32 $0xA180;
	s30 =	sld [smem:$0x7F9]  }
0x4ac: {  	[tilespmem:s25], [sflag:$0x1] =	stream.indirect_vreg.gather [hbm4b:s23+s6], $0x80, v6, vm0, $0xb8;
	[tilespmem:$0x1F180] =	vst v63  }
0x4ad: {  	s0 =	simm.s32 $0xA980;
	s1 =	sld [smem:$0x7FA]  }
0x4ae: {  	[tilespmem:s0], [sflag:$0x1] =	stream.indirect_vreg.gather [hbm4b:s30+s6], $0x80, v6, vm0, $0xb8;
	[tilespmem:$0x1F180] =	vst v63  }
0x4af: {  	s4 =	simm.s32 $0xB180  }
0x4b0: {  	[tilespmem:s4], [sflag:$0x1] =	stream.indirect_vreg.gather [hbm4b:s1+s6], $0x80, v6, vm0, $0xb8;
	[tilespmem:$0x1F180] =	vst v63  }
0x4b1: {  	s31 =	simm.s32 $0xB980  }
0x4b2: {  	[tilespmem:s31], [sflag:$0x1] =	stream.indirect_vreg.gather [hbm4b:s24+s6], $0x80, v6, vm0, $0xb8;
	[tilespmem:$0x1F180] =	vst v63  }
0x4b3: {  	s7 =	simm.s32 $0xC180  }
0x4b4: {  	[tilespmem:s7], [sflag:$0x1] =	stream.indirect_vreg.gather [hbm4b:s18+s6], $0x80, v6, vm0, $0xb8;
	[tilespmem:$0x1F180] =	vst v63  }
0x4b5: {  	s8 =	simm.s32 $0xC980  }
0x4b6: {  	[tilespmem:s8], [sflag:$0x1] =	stream.indirect_vreg.gather [hbm4b:s19+s6], $0x80, v6, vm0, $0xb8;
	[tilespmem:$0x1F180] =	vst v63  }
0x4b7: {  	s22 =	simm.s32 $0xD180  }
0x4b8: {  	[tilespmem:s22], [sflag:$0x1] =	stream.indirect_vreg.gather [hbm4b:s20+s6], $0x80, v6, vm0, $0xb8;
	[tilespmem:$0x1F180] =	vst v63  }
0x4b9: {  	s23 =	simm.s32 $0xD980  }
0x4ba: {  	[tilespmem:s23], [sflag:$0x1] =	stream.indirect_vreg.gather [hbm4b:s21+s6], $0x80, v6, vm0, $0xb8;
	[tilespmem:$0x1F180] =	vst v63  }
0x4bb: {  	s25 =	simm.s32 $0xE180  }
0x4bc: {  	[tilespmem:s25], [sflag:$0x1] =	stream.indirect_vreg.gather [hbm4b:s2+s6], $0x80, v6, vm0, $0xb8;
	[tilespmem:$0x1F180] =	vst v63  }
0x4bd: {  	s30 =	simm.s32 $0xE980  }
0x4be: {  	[tilespmem:s30], [sflag:$0x1] =	stream.indirect_vreg.gather [hbm4b:s3+s6], $0x80, v6, vm0, $0xb8;
	[tilespmem:$0x1F180] =	vst v63  }
0x4bf: {  	_ =	swait.ge [sflag:s14], $0x8000  }
0x4c0: {  	s17 =	simm.s32 $0xFFFFFFF8;
	[sflag:s14] =	ssyncset.done $0x0  }
0x4c1: {  	s22 =	simm.s32 $0x1D180;
	s23 =	simm.s32 $0x2040;
	[sflag:s14] =	ssyncadd.s32 $0xFFFF8000  }
.LBB2_24:
0x4c2: {  	v6 =	vld [tilespmem:s23+$0xFFFFFFC0];
	_ =	sdelay $0x4  }
0x4c3: {  	v7 =	vshll.u32 v6, $0x2  }
0x4c4: {  	v6 =	vand.u32 $0x7F, v6;
	v7 =	vand.u32 $0xFFFFFE00, v7  }
0x4c5: {  	v6 =	vor.u32 v6, v7;
	_ =	sdelay $0x4  }
0x4c6: {  	v7 =	vld.idx.msk [tilespmem:v6+s12+$0x0], $0xffff  }
0x4c7: {  	v8 =	vor.u32 $0x80, v6;
	_ =	sdelay $0x3  }
0x4c8: {  	[tilespmem:s22+$0xFFFFE000] =	vst v7  }
0x4c9: {  	v7 =	vld.idx.msk [tilespmem:v8+s12+$0x0], $0xffff  }
0x4ca: {  	v49 =	vor.u32 $0x100, v6;
	_ =	sdelay $0x3  }
0x4cb: {  	[tilespmem:s22+$0xFFFFF000] =	vst v7  }
0x4cc: {  	v7 =	vld.idx.msk [tilespmem:v49+s12+$0x0], $0xffff  }
0x4cd: {  	v6 =	vor.u32 $0x180, v6;
	_ =	sdelay $0x3  }
0x4ce: {  	[tilespmem:s22+$0x0] =	vst v7  }
0x4cf: {  	v6 =	vld.idx.msk [tilespmem:v6+s12+$0x0], $0xffff;
	_ =	sdelay $0x4  }
0x4d0: {  	[tilespmem:s22+$0x1000] =	vst v6  }
0x4d1: {  	v6 =	vld [tilespmem:s23+$0xFFFFFFD0];
	_ =	sdelay $0x4  }
0x4d2: {  	v7 =	vshll.u32 v6, $0x2  }
0x4d3: {  	v6 =	vand.u32 $0x7F, v6;
	v7 =	vand.u32 $0xFFFFFE00, v7  }
0x4d4: {  	v6 =	vor.u32 v6, v7;
	_ =	sdelay $0x4  }
0x4d5: {  	v7 =	vld.idx.msk [tilespmem:v6+s12+$0x0], $0xffff  }
0x4d6: {  	v50 =	vor.u32 $0x80, v6;
	_ =	sdelay $0x3  }
0x4d7: {  	[tilespmem:s22+$0xFFFFE010] =	vst v7  }
0x4d8: {  	v7 =	vld.idx.msk [tilespmem:v50+s12+$0x0], $0xffff  }
0x4d9: {  	v51 =	vor.u32 $0x100, v6;
	_ =	sdelay $0x3  }
0x4da: {  	[tilespmem:s22+$0xFFFFF010] =	vst v7  }
0x4db: {  	v7 =	vld.idx.msk [tilespmem:v51+s12+$0x0], $0xffff  }
0x4dc: {  	v6 =	vor.u32 $0x180, v6;
	_ =	sdelay $0x3  }
0x4dd: {  	[tilespmem:s22+$0x10] =	vst v7  }
0x4de: {  	v6 =	vld.idx.msk [tilespmem:v6+s12+$0x0], $0xffff;
	_ =	sdelay $0x4  }
0x4df: {  	[tilespmem:s22+$0x1010] =	vst v6  }
0x4e0: {  	v6 =	vld [tilespmem:s23+$0xFFFFFFE0];
	_ =	sdelay $0x4  }
0x4e1: {  	v7 =	vshll.u32 v6, $0x2  }
0x4e2: {  	v6 =	vand.u32 $0x7F, v6;
	v7 =	vand.u32 $0xFFFFFE00, v7  }
0x4e3: {  	v6 =	vor.u32 v6, v7;
	_ =	sdelay $0x4  }
0x4e4: {  	v7 =	vld.idx.msk [tilespmem:v6+s12+$0x0], $0xffff  }
0x4e5: {  	v52 =	vor.u32 $0x80, v6;
	_ =	sdelay $0x3  }
0x4e6: {  	[tilespmem:s22+$0xFFFFE020] =	vst v7  }
0x4e7: {  	v7 =	vld.idx.msk [tilespmem:v52+s12+$0x0], $0xffff  }
0x4e8: {  	v53 =	vor.u32 $0x100, v6;
	_ =	sdelay $0x3  }
0x4e9: {  	[tilespmem:s22+$0xFFFFF020] =	vst v7  }
0x4ea: {  	v7 =	vld.idx.msk [tilespmem:v53+s12+$0x0], $0xffff  }
0x4eb: {  	v6 =	vor.u32 $0x180, v6;
	_ =	sdelay $0x3  }
0x4ec: {  	[tilespmem:s22+$0x20] =	vst v7  }
0x4ed: {  	v6 =	vld.idx.msk [tilespmem:v6+s12+$0x0], $0xffff;
	_ =	sdelay $0x4  }
0x4ee: {  	[tilespmem:s22+$0x1020] =	vst v6  }
0x4ef: {  	v6 =	vld [tilespmem:s23+$0xFFFFFFF0];
	_ =	sdelay $0x4  }
0x4f0: {  	v7 =	vshll.u32 v6, $0x2  }
0x4f1: {  	v6 =	vand.u32 $0x7F, v6;
	v7 =	vand.u32 $0xFFFFFE00, v7  }
0x4f2: {  	v6 =	vor.u32 v6, v7;
	_ =	sdelay $0x4  }
0x4f3: {  	v7 =	vld.idx.msk [tilespmem:v6+s12+$0x0], $0xffff  }
0x4f4: {  	v54 =	vor.u32 $0x80, v6;
	_ =	sdelay $0x3  }
0x4f5: {  	[tilespmem:s22+$0xFFFFE030] =	vst v7  }
0x4f6: {  	v7 =	vld.idx.msk [tilespmem:v54+s12+$0x0], $0xffff  }
0x4f7: {  	v55 =	vor.u32 $0x100, v6;
	_ =	sdelay $0x3  }
0x4f8: {  	[tilespmem:s22+$0xFFFFF030] =	vst v7  }
0x4f9: {  	v7 =	vld.idx.msk [tilespmem:v55+s12+$0x0], $0xffff  }
0x4fa: {  	v6 =	vor.u32 $0x180, v6;
	_ =	sdelay $0x3  }
0x4fb: {  	[tilespmem:s22+$0x30] =	vst v7  }
0x4fc: {  	v6 =	vld.idx.msk [tilespmem:v6+s12+$0x0], $0xffff;
	_ =	sdelay $0x4  }
0x4fd: {  	[tilespmem:s22+$0x1030] =	vst v6  }
0x4fe: {  	v6 =	vld [tilespmem:s23+$0x0];
	_ =	sdelay $0x4  }
0x4ff: {  	v7 =	vshll.u32 v6, $0x2  }
0x500: {  	v6 =	vand.u32 $0x7F, v6;
	v7 =	vand.u32 $0xFFFFFE00, v7  }
0x501: {  	v6 =	vor.u32 v6, v7;
	_ =	sdelay $0x4  }
0x502: {  	v7 =	vld.idx.msk [tilespmem:v6+s12+$0x0], $0xffff  }
0x503: {  	v56 =	vor.u32 $0x80, v6;
	_ =	sdelay $0x3  }
0x504: {  	[tilespmem:s22+$0xFFFFE040] =	vst v7  }
0x505: {  	v7 =	vld.idx.msk [tilespmem:v56+s12+$0x0], $0xffff  }
0x506: {  	v57 =	vor.u32 $0x100, v6;
	_ =	sdelay $0x3  }
0x507: {  	[tilespmem:s22+$0xFFFFF040] =	vst v7  }
0x508: {  	v7 =	vld.idx.msk [tilespmem:v57+s12+$0x0], $0xffff  }
0x509: {  	v6 =	vor.u32 $0x180, v6;
	_ =	sdelay $0x3  }
0x50a: {  	[tilespmem:s22+$0x40] =	vst v7  }
0x50b: {  	v6 =	vld.idx.msk [tilespmem:v6+s12+$0x0], $0xffff;
	_ =	sdelay $0x4  }
0x50c: {  	[tilespmem:s22+$0x1040] =	vst v6  }
0x50d: {  	v6 =	vld [tilespmem:s23+$0x10];
	_ =	sdelay $0x4  }
0x50e: {  	v7 =	vshll.u32 v6, $0x2  }
0x50f: {  	v6 =	vand.u32 $0x7F, v6;
	v7 =	vand.u32 $0xFFFFFE00, v7  }
0x510: {  	v6 =	vor.u32 v6, v7;
	_ =	sdelay $0x4  }
0x511: {  	v7 =	vld.idx.msk [tilespmem:v6+s12+$0x0], $0xffff  }
0x512: {  	v58 =	vor.u32 $0x80, v6;
	_ =	sdelay $0x3  }
0x513: {  	[tilespmem:s22+$0xFFFFE050] =	vst v7  }
0x514: {  	v7 =	vld.idx.msk [tilespmem:v58+s12+$0x0], $0xffff  }
0x515: {  	v59 =	vor.u32 $0x100, v6;
	_ =	sdelay $0x3  }
0x516: {  	[tilespmem:s22+$0xFFFFF050] =	vst v7  }
0x517: {  	v7 =	vld.idx.msk [tilespmem:v59+s12+$0x0], $0xffff  }
0x518: {  	v6 =	vor.u32 $0x180, v6;
	_ =	sdelay $0x3  }
0x519: {  	[tilespmem:s22+$0x50] =	vst v7  }
0x51a: {  	v6 =	vld.idx.msk [tilespmem:v6+s12+$0x0], $0xffff;
	_ =	sdelay $0x4  }
0x51b: {  	[tilespmem:s22+$0x1050] =	vst v6  }
0x51c: {  	v6 =	vld [tilespmem:s23+$0x20];
	_ =	sdelay $0x4  }
0x51d: {  	v7 =	vshll.u32 v6, $0x2  }
0x51e: {  	v6 =	vand.u32 $0x7F, v6;
	v7 =	vand.u32 $0xFFFFFE00, v7  }
0x51f: {  	v6 =	vor.u32 v6, v7;
	_ =	sdelay $0x4  }
0x520: {  	v7 =	vld.idx.msk [tilespmem:v6+s12+$0x0], $0xffff  }
0x521: {  	v60 =	vor.u32 $0x80, v6;
	_ =	sdelay $0x3  }
0x522: {  	[tilespmem:s22+$0xFFFFE060] =	vst v7  }
0x523: {  	v7 =	vld.idx.msk [tilespmem:v60+s12+$0x0], $0xffff  }
0x524: {  	v61 =	vor.u32 $0x100, v6;
	_ =	sdelay $0x3  }
0x525: {  	[tilespmem:s22+$0xFFFFF060] =	vst v7  }
0x526: {  	v7 =	vld.idx.msk [tilespmem:v61+s12+$0x0], $0xffff  }
0x527: {  	v6 =	vor.u32 $0x180, v6;
	_ =	sdelay $0x3  }
0x528: {  	[tilespmem:s22+$0x60] =	vst v7  }
0x529: {  	v6 =	vld.idx.msk [tilespmem:v6+s12+$0x0], $0xffff;
	_ =	sdelay $0x4  }
0x52a: {  	[tilespmem:s22+$0x1060] =	vst v6  }
0x52b: {  	v6 =	vld [tilespmem:s23+$0x30];
	_ =	sdelay $0x4  }
0x52c: {  	v7 =	vshll.u32 v6, $0x2  }
0x52d: {  	v6 =	vand.u32 $0x7F, v6;
	v7 =	vand.u32 $0xFFFFFE00, v7  }
0x52e: {  	v6 =	vor.u32 v6, v7;
	_ =	sdelay $0x4  }
0x52f: {  	v7 =	vld.idx.msk [tilespmem:v6+s12+$0x0], $0xffff  }
0x530: {  	v62 =	vor.u32 $0x80, v6;
	_ =	sdelay $0x3  }
0x531: {  	[tilespmem:s22+$0xFFFFE070] =	vst v7  }
0x532: {  	v7 =	vld.idx.msk [tilespmem:v62+s12+$0x0], $0xffff  }
0x533: {  	v63 =	vor.u32 $0x100, v6;
	_ =	sdelay $0x3  }
0x534: {  	[tilespmem:s22+$0xFFFFF070] =	vst v7  }
0x535: {  	v7 =	vld.idx.msk [tilespmem:v63+s12+$0x0], $0xffff  }
0x536: {  	v6 =	vor.u32 $0x180, v6;
	_ =	sdelay $0x3  }
0x537: {  	s17 =	sadd.s32 $0x8, s17;
	[tilespmem:s22+$0x70] =	vst v7  }
0x538: {  	p1 =	slt.u32 s17, $0xF8;
	v6 =	vld.idx.msk [tilespmem:v6+s12+$0x0], $0xffff  }
.Ltmp11:
0x539: {  	_ = 	snop;
	(pc) =	sbr.rel @p1 .LBB2_24-.Ltmp11, $2  }
0x53a: {  	_ =	sdelay $0x2  }
0x53b: {  	s23 =	sadd.s32 $0x80, s23;
	[tilespmem:s22+$0x1070] =	vst v6;
	s22 =	sadd.s32 $0x80, s22  }
0x53c: {  	s17 =	rddreg [dreg:$0x16];
	s22 =	simm.s32 $0x1B180  }
0x53d: {  	[hbm4b:s17+s6] =	stream.linear.scatter [tilespmem:s22], [sflag:$0x4], $0x4000, $0x38;
	[tilespmem:$0x1F180] =	vst v63  }
0x53e: {  	v6 =	vld.msk [tilespmem:$0x7018], $0xf;
	_ =	sdelay $0x4  }
0x53f: {  	v7 =	vshll.u32 v6, $0x6  }
0x540: {  	v6 =	vand.u32 $0x7, v6;
	v7 =	vand.u32 $0xFFFFFE00, v7  }
0x541: {  	v6 =	vor.u32 v6, v7  }
0x542: {  	v6 =	vperm.xlane v6, v4;
	_ =	sdelay $0x1  }
0x543: {  	v6 =	vadd.s32 v5, v6;
	_ =	sdelay $0x4  }
0x544: {  	[tilespmem:s12], [sflag:$0x2] =	stream.indirect_vreg.gather [hbm4b:s29+s6], $0x80, v6, vm0, $0xb8;
	[tilespmem:$0x1F180] =	vst v63  }
0x545: {  	s30 =	simm.s32 $0xF980  }
0x546: {  	[tilespmem:s30], [sflag:$0x2] =	stream.indirect_vreg.gather [hbm4b:s9+s6], $0x80, v6, vm0, $0xb8;
	[tilespmem:$0x1F180] =	vst v63  }
0x547: {  	s0 =	simm.s32 $0x10180  }
0x548: {  	[tilespmem:s0], [sflag:$0x2] =	stream.indirect_vreg.gather [hbm4b:s5+s6], $0x80, v6, vm0, $0xb8;
	[tilespmem:$0x1F180] =	vst v63  }
0x549: {  	s1 =	simm.s32 $0x10980  }
0x54a: {  	[tilespmem:s1], [sflag:$0x2] =	stream.indirect_vreg.gather [hbm4b:s26+s6], $0x80, v6, vm0, $0xb8;
	[tilespmem:$0x1F180] =	vst v63  }
0x54b: {  	s4 =	simm.s32 $0x11180;
	s7 =	sld [smem:$0x7F7]  }
0x54c: {  	[tilespmem:s4], [sflag:$0x2] =	stream.indirect_vreg.gather [hbm4b:s28+s6], $0x80, v6, vm0, $0xb8;
	[tilespmem:$0x1F180] =	vst v63  }
0x54d: {  	s8 =	simm.s32 $0x11980;
	s22 =	sld [smem:$0x7F8]  }
0x54e: {  	[tilespmem:s8], [sflag:$0x2] =	stream.indirect_vreg.gather [hbm4b:s7+s6], $0x80, v6, vm0, $0xb8;
	[tilespmem:$0x1F180] =	vst v63  }
0x54f: {  	s23 =	simm.s32 $0x12180;
	s25 =	sld [smem:$0x7F9]  }
0x550: {  	[tilespmem:s23], [sflag:$0x2] =	stream.indirect_vreg.gather [hbm4b:s22+s6], $0x80, v6, vm0, $0xb8;
	[tilespmem:$0x1F180] =	vst v63  }
0x551: {  	s30 =	simm.s32 $0x12980;
	s0 =	sld [smem:$0x7FA]  }
0x552: {  	[tilespmem:s30], [sflag:$0x2] =	stream.indirect_vreg.gather [hbm4b:s25+s6], $0x80, v6, vm0, $0xb8;
	[tilespmem:$0x1F180] =	vst v63  }
0x553: {  	s1 =	simm.s32 $0x13180  }
0x554: {  	[tilespmem:s1], [sflag:$0x2] =	stream.indirect_vreg.gather [hbm4b:s0+s6], $0x80, v6, vm0, $0xb8;
	[tilespmem:$0x1F180] =	vst v63  }
0x555: {  	s4 =	simm.s32 $0x13980  }
0x556: {  	[tilespmem:s4], [sflag:$0x2] =	stream.indirect_vreg.gather [hbm4b:s24+s6], $0x80, v6, vm0, $0xb8;
	[tilespmem:$0x1F180] =	vst v63  }
0x557: {  	s7 =	simm.s32 $0x14180  }
0x558: {  	[tilespmem:s7], [sflag:$0x2] =	stream.indirect_vreg.gather [hbm4b:s18+s6], $0x80, v6, vm0, $0xb8;
	[tilespmem:$0x1F180] =	vst v63  }
0x559: {  	s8 =	simm.s32 $0x14980  }
0x55a: {  	[tilespmem:s8], [sflag:$0x2] =	stream.indirect_vreg.gather [hbm4b:s19+s6], $0x80, v6, vm0, $0xb8;
	[tilespmem:$0x1F180] =	vst v63  }
0x55b: {  	s22 =	simm.s32 $0x15180  }
0x55c: {  	[tilespmem:s22], [sflag:$0x2] =	stream.indirect_vreg.gather [hbm4b:s20+s6], $0x80, v6, vm0, $0xb8;
	[tilespmem:$0x1F180] =	vst v63  }
0x55d: {  	s23 =	simm.s32 $0x15980  }
0x55e: {  	[tilespmem:s23], [sflag:$0x2] =	stream.indirect_vreg.gather [hbm4b:s21+s6], $0x80, v6, vm0, $0xb8;
	[tilespmem:$0x1F180] =	vst v63  }
0x55f: {  	s25 =	simm.s32 $0x16180  }
0x560: {  	[tilespmem:s25], [sflag:$0x2] =	stream.indirect_vreg.gather [hbm4b:s2+s6], $0x80, v6, vm0, $0xb8;
	[tilespmem:$0x1F180] =	vst v63  }
0x561: {  	s17 =	simm.s32 $0x1;
	s30 =	simm.s32 $0x16980  }
0x562: {  	[tilespmem:s30], [sflag:$0x2] =	stream.indirect_vreg.gather [hbm4b:s3+s6], $0x80, v6, vm0, $0xb8;
	[tilespmem:$0x1F180] =	vst v63  }
.LBB2_26:
0x563: {  	_ =	swait.ge [sflag:s13], $0x8000  }
0x564: {  	[sflag:s13] =	ssyncset.done $0x0  }
0x565: {  	[sflag:s13] =	ssyncadd.s32 $0xFFFF8000  }
0x566: {  	_ =	swait.ge [sflag:s15], $0x4000  }
0x567: {  	s22 =	simm.s32 $0xFFFFFFF8;
	[sflag:s15] =	ssyncset.done $0x0  }
0x568: {  	s23 =	simm.s32 $0x19180;
	s25 =	simm.s32 $0x2040;
	[sflag:s15] =	ssyncadd.s32 $0xFFFFC000  }
.LBB2_27:
0x569: {  	v6 =	vld [tilespmem:s25+$0xFFFFFFC0];
	_ =	sdelay $0x4  }
0x56a: {  	v7 =	vshll.u32 v6, $0x2  }
0x56b: {  	v6 =	vand.u32 $0x7F, v6;
	v7 =	vand.u32 $0xFFFFFE00, v7  }
0x56c: {  	v6 =	vor.u32 v6, v7;
	_ =	sdelay $0x4  }
0x56d: {  	v7 =	vld.idx.msk [tilespmem:v6+s11+$0x0], $0xffff  }
0x56e: {  	v8 =	vor.u32 $0x80, v6;
	_ =	sdelay $0x3  }
0x56f: {  	[tilespmem:s23+$0xFFFFE000] =	vst v7  }
0x570: {  	v7 =	vld.idx.msk [tilespmem:v8+s11+$0x0], $0xffff  }
0x571: {  	v49 =	vor.u32 $0x100, v6;
	_ =	sdelay $0x3  }
0x572: {  	[tilespmem:s23+$0xFFFFF000] =	vst v7  }
0x573: {  	v7 =	vld.idx.msk [tilespmem:v49+s11+$0x0], $0xffff  }
0x574: {  	v6 =	vor.u32 $0x180, v6;
	_ =	sdelay $0x3  }
0x575: {  	[tilespmem:s23+$0x0] =	vst v7  }
0x576: {  	v6 =	vld.idx.msk [tilespmem:v6+s11+$0x0], $0xffff;
	_ =	sdelay $0x4  }
0x577: {  	[tilespmem:s23+$0x1000] =	vst v6  }
0x578: {  	v6 =	vld [tilespmem:s25+$0xFFFFFFD0];
	_ =	sdelay $0x4  }
0x579: {  	v7 =	vshll.u32 v6, $0x2  }
0x57a: {  	v6 =	vand.u32 $0x7F, v6;
	v7 =	vand.u32 $0xFFFFFE00, v7  }
0x57b: {  	v6 =	vor.u32 v6, v7;
	_ =	sdelay $0x4  }
0x57c: {  	v7 =	vld.idx.msk [tilespmem:v6+s11+$0x0], $0xffff  }
0x57d: {  	v50 =	vor.u32 $0x80, v6;
	_ =	sdelay $0x3  }
0x57e: {  	[tilespmem:s23+$0xFFFFE010] =	vst v7  }
0x57f: {  	v7 =	vld.idx.msk [tilespmem:v50+s11+$0x0], $0xffff  }
0x580: {  	v51 =	vor.u32 $0x100, v6;
	_ =	sdelay $0x3  }
0x581: {  	[tilespmem:s23+$0xFFFFF010] =	vst v7  }
0x582: {  	v7 =	vld.idx.msk [tilespmem:v51+s11+$0x0], $0xffff  }
0x583: {  	v6 =	vor.u32 $0x180, v6;
	_ =	sdelay $0x3  }
0x584: {  	[tilespmem:s23+$0x10] =	vst v7  }
0x585: {  	v6 =	vld.idx.msk [tilespmem:v6+s11+$0x0], $0xffff;
	_ =	sdelay $0x4  }
0x586: {  	[tilespmem:s23+$0x1010] =	vst v6  }
0x587: {  	v6 =	vld [tilespmem:s25+$0xFFFFFFE0];
	_ =	sdelay $0x4  }
0x588: {  	v7 =	vshll.u32 v6, $0x2  }
0x589: {  	v6 =	vand.u32 $0x7F, v6;
	v7 =	vand.u32 $0xFFFFFE00, v7  }
0x58a: {  	v6 =	vor.u32 v6, v7;
	_ =	sdelay $0x4  }
0x58b: {  	v7 =	vld.idx.msk [tilespmem:v6+s11+$0x0], $0xffff  }
0x58c: {  	v52 =	vor.u32 $0x80, v6;
	_ =	sdelay $0x3  }
0x58d: {  	[tilespmem:s23+$0xFFFFE020] =	vst v7  }
0x58e: {  	v7 =	vld.idx.msk [tilespmem:v52+s11+$0x0], $0xffff  }
0x58f: {  	v53 =	vor.u32 $0x100, v6;
	_ =	sdelay $0x3  }
0x590: {  	[tilespmem:s23+$0xFFFFF020] =	vst v7  }
0x591: {  	v7 =	vld.idx.msk [tilespmem:v53+s11+$0x0], $0xffff  }
0x592: {  	v6 =	vor.u32 $0x180, v6;
	_ =	sdelay $0x3  }
0x593: {  	[tilespmem:s23+$0x20] =	vst v7  }
0x594: {  	v6 =	vld.idx.msk [tilespmem:v6+s11+$0x0], $0xffff;
	_ =	sdelay $0x4  }
0x595: {  	[tilespmem:s23+$0x1020] =	vst v6  }
0x596: {  	v6 =	vld [tilespmem:s25+$0xFFFFFFF0];
	_ =	sdelay $0x4  }
0x597: {  	v7 =	vshll.u32 v6, $0x2  }
0x598: {  	v6 =	vand.u32 $0x7F, v6;
	v7 =	vand.u32 $0xFFFFFE00, v7  }
0x599: {  	v6 =	vor.u32 v6, v7;
	_ =	sdelay $0x4  }
0x59a: {  	v7 =	vld.idx.msk [tilespmem:v6+s11+$0x0], $0xffff  }
0x59b: {  	v54 =	vor.u32 $0x80, v6;
	_ =	sdelay $0x3  }
0x59c: {  	[tilespmem:s23+$0xFFFFE030] =	vst v7  }
0x59d: {  	v7 =	vld.idx.msk [tilespmem:v54+s11+$0x0], $0xffff  }
0x59e: {  	v55 =	vor.u32 $0x100, v6;
	_ =	sdelay $0x3  }
0x59f: {  	[tilespmem:s23+$0xFFFFF030] =	vst v7  }
0x5a0: {  	v7 =	vld.idx.msk [tilespmem:v55+s11+$0x0], $0xffff  }
0x5a1: {  	v6 =	vor.u32 $0x180, v6;
	_ =	sdelay $0x3  }
0x5a2: {  	[tilespmem:s23+$0x30] =	vst v7  }
0x5a3: {  	v6 =	vld.idx.msk [tilespmem:v6+s11+$0x0], $0xffff;
	_ =	sdelay $0x4  }
0x5a4: {  	[tilespmem:s23+$0x1030] =	vst v6  }
0x5a5: {  	v6 =	vld [tilespmem:s25+$0x0];
	_ =	sdelay $0x4  }
0x5a6: {  	v7 =	vshll.u32 v6, $0x2  }
0x5a7: {  	v6 =	vand.u32 $0x7F, v6;
	v7 =	vand.u32 $0xFFFFFE00, v7  }
0x5a8: {  	v6 =	vor.u32 v6, v7;
	_ =	sdelay $0x4  }
0x5a9: {  	v7 =	vld.idx.msk [tilespmem:v6+s11+$0x0], $0xffff  }
0x5aa: {  	v56 =	vor.u32 $0x80, v6;
	_ =	sdelay $0x3  }
0x5ab: {  	[tilespmem:s23+$0xFFFFE040] =	vst v7  }
0x5ac: {  	v7 =	vld.idx.msk [tilespmem:v56+s11+$0x0], $0xffff  }
0x5ad: {  	v57 =	vor.u32 $0x100, v6;
	_ =	sdelay $0x3  }
0x5ae: {  	[tilespmem:s23+$0xFFFFF040] =	vst v7  }
0x5af: {  	v7 =	vld.idx.msk [tilespmem:v57+s11+$0x0], $0xffff  }
0x5b0: {  	v6 =	vor.u32 $0x180, v6;
	_ =	sdelay $0x3  }
0x5b1: {  	[tilespmem:s23+$0x40] =	vst v7  }
0x5b2: {  	v6 =	vld.idx.msk [tilespmem:v6+s11+$0x0], $0xffff;
	_ =	sdelay $0x4  }
0x5b3: {  	[tilespmem:s23+$0x1040] =	vst v6  }
0x5b4: {  	v6 =	vld [tilespmem:s25+$0x10];
	_ =	sdelay $0x4  }
0x5b5: {  	v7 =	vshll.u32 v6, $0x2  }
0x5b6: {  	v6 =	vand.u32 $0x7F, v6;
	v7 =	vand.u32 $0xFFFFFE00, v7  }
0x5b7: {  	v6 =	vor.u32 v6, v7;
	_ =	sdelay $0x4  }
0x5b8: {  	v7 =	vld.idx.msk [tilespmem:v6+s11+$0x0], $0xffff  }
0x5b9: {  	v58 =	vor.u32 $0x80, v6;
	_ =	sdelay $0x3  }
0x5ba: {  	[tilespmem:s23+$0xFFFFE050] =	vst v7  }
0x5bb: {  	v7 =	vld.idx.msk [tilespmem:v58+s11+$0x0], $0xffff  }
0x5bc: {  	v59 =	vor.u32 $0x100, v6;
	_ =	sdelay $0x3  }
0x5bd: {  	[tilespmem:s23+$0xFFFFF050] =	vst v7  }
0x5be: {  	v7 =	vld.idx.msk [tilespmem:v59+s11+$0x0], $0xffff  }
0x5bf: {  	v6 =	vor.u32 $0x180, v6;
	_ =	sdelay $0x3  }
0x5c0: {  	[tilespmem:s23+$0x50] =	vst v7  }
0x5c1: {  	v6 =	vld.idx.msk [tilespmem:v6+s11+$0x0], $0xffff;
	_ =	sdelay $0x4  }
0x5c2: {  	[tilespmem:s23+$0x1050] =	vst v6  }
0x5c3: {  	v6 =	vld [tilespmem:s25+$0x20];
	_ =	sdelay $0x4  }
0x5c4: {  	v7 =	vshll.u32 v6, $0x2  }
0x5c5: {  	v6 =	vand.u32 $0x7F, v6;
	v7 =	vand.u32 $0xFFFFFE00, v7  }
0x5c6: {  	v6 =	vor.u32 v6, v7;
	_ =	sdelay $0x4  }
0x5c7: {  	v7 =	vld.idx.msk [tilespmem:v6+s11+$0x0], $0xffff  }
0x5c8: {  	v60 =	vor.u32 $0x80, v6;
	_ =	sdelay $0x3  }
0x5c9: {  	[tilespmem:s23+$0xFFFFE060] =	vst v7  }
0x5ca: {  	v7 =	vld.idx.msk [tilespmem:v60+s11+$0x0], $0xffff  }
0x5cb: {  	v61 =	vor.u32 $0x100, v6;
	_ =	sdelay $0x3  }
0x5cc: {  	[tilespmem:s23+$0xFFFFF060] =	vst v7  }
0x5cd: {  	v7 =	vld.idx.msk [tilespmem:v61+s11+$0x0], $0xffff  }
0x5ce: {  	v6 =	vor.u32 $0x180, v6;
	_ =	sdelay $0x3  }
0x5cf: {  	[tilespmem:s23+$0x60] =	vst v7  }
0x5d0: {  	v6 =	vld.idx.msk [tilespmem:v6+s11+$0x0], $0xffff;
	_ =	sdelay $0x4  }
0x5d1: {  	[tilespmem:s23+$0x1060] =	vst v6  }
0x5d2: {  	v6 =	vld [tilespmem:s25+$0x30];
	_ =	sdelay $0x4  }
0x5d3: {  	v7 =	vshll.u32 v6, $0x2  }
0x5d4: {  	v6 =	vand.u32 $0x7F, v6;
	v7 =	vand.u32 $0xFFFFFE00, v7  }
0x5d5: {  	v6 =	vor.u32 v6, v7;
	_ =	sdelay $0x4  }
0x5d6: {  	v7 =	vld.idx.msk [tilespmem:v6+s11+$0x0], $0xffff  }
0x5d7: {  	v62 =	vor.u32 $0x80, v6;
	_ =	sdelay $0x3  }
0x5d8: {  	[tilespmem:s23+$0xFFFFE070] =	vst v7  }
0x5d9: {  	v7 =	vld.idx.msk [tilespmem:v62+s11+$0x0], $0xffff  }
0x5da: {  	v63 =	vor.u32 $0x100, v6;
	_ =	sdelay $0x3  }
0x5db: {  	[tilespmem:s23+$0xFFFFF070] =	vst v7  }
0x5dc: {  	v7 =	vld.idx.msk [tilespmem:v63+s11+$0x0], $0xffff  }
0x5dd: {  	v6 =	vor.u32 $0x180, v6;
	_ =	sdelay $0x3  }
0x5de: {  	s22 =	sadd.s32 $0x8, s22;
	[tilespmem:s23+$0x70] =	vst v7  }
0x5df: {  	p1 =	slt.u32 s22, $0xF8;
	v6 =	vld.idx.msk [tilespmem:v6+s11+$0x0], $0xffff  }
.Ltmp12:
0x5e0: {  	_ = 	snop;
	(pc) =	sbr.rel @p1 .LBB2_27-.Ltmp12, $2  }
0x5e1: {  	_ =	sdelay $0x2  }
0x5e2: {  	s25 =	sadd.s32 $0x80, s25;
	[tilespmem:s23+$0x1070] =	vst v6;
	s23 =	sadd.s32 $0x80, s23  }
0x5e3: {  	s22 =	sshll.u32 s17, $0xC;
	s23 =	rddreg [dreg:$0x15]  }
0x5e4: {  	s25 =	simm.s32 $0x17180;
	s1 =	sshll.u32 s17, $0x4;
	s23 =	sadd.s32 s22, s23  }
0x5e5: {  	[hbm4b:s23+s6] =	stream.linear.scatter [tilespmem:s25], [sflag:$0x3], $0x4000, $0x38;
	[tilespmem:$0x1F180] =	vst v63  }
0x5e6: {  	s23 =	sand.u32 $0x3FFFFFF0, s1  }
0x5e7: {  	v6 =	vld.msk [tilespmem:s23+$0x7010], $0xf;
	_ =	sdelay $0x4  }
0x5e8: {  	v7 =	vshll.u32 v6, $0x6  }
0x5e9: {  	v6 =	vand.u32 $0x7, v6;
	v7 =	vand.u32 $0xFFFFFE00, v7  }
0x5ea: {  	v6 =	vor.u32 v6, v7  }
0x5eb: {  	v6 =	vperm.xlane v6, v4;
	_ =	sdelay $0x1  }
0x5ec: {  	v6 =	vadd.s32 v5, v6;
	_ =	sdelay $0x4  }
0x5ed: {  	[tilespmem:s11], [sflag:$0x1] =	stream.indirect_vreg.gather [hbm4b:s29+s6], $0x80, v6, vm0, $0xb8;
	[tilespmem:$0x1F180] =	vst v63  }
0x5ee: {  	s4 =	simm.s32 $0x7980  }
0x5ef: {  	[tilespmem:s4], [sflag:$0x1] =	stream.indirect_vreg.gather [hbm4b:s9+s6], $0x80, v6, vm0, $0xb8;
	[tilespmem:$0x1F180] =	vst v63  }
0x5f0: {  	s7 =	simm.s32 $0x8180  }
0x5f1: {  	[tilespmem:s7], [sflag:$0x1] =	stream.indirect_vreg.gather [hbm4b:s5+s6], $0x80, v6, vm0, $0xb8;
	[tilespmem:$0x1F180] =	vst v63  }
0x5f2: {  	s8 =	simm.s32 $0x8980  }
0x5f3: {  	[tilespmem:s8], [sflag:$0x1] =	stream.indirect_vreg.gather [hbm4b:s26+s6], $0x80, v6, vm0, $0xb8;
	[tilespmem:$0x1F180] =	vst v63  }
0x5f4: {  	s30 =	sld [smem:$0x7F7];
	s26 =	simm.s32 $0x9180  }
0x5f5: {  	[tilespmem:s26], [sflag:$0x1] =	stream.indirect_vreg.gather [hbm4b:s28+s6], $0x80, v6, vm0, $0xb8;
	[tilespmem:$0x1F180] =	vst v63  }
0x5f6: {  	s0 =	simm.s32 $0x9980;
	s1 =	sld [smem:$0x7F8]  }
0x5f7: {  	[tilespmem:s0], [sflag:$0x1] =	stream.indirect_vreg.gather [hbm4b:s30+s6], $0x80, v6, vm0, $0xb8;
	[tilespmem:$0x1F180] =	vst v63  }
0x5f8: {  	s4 =	simm.s32 $0xA180;
	s7 =	sld [smem:$0x7F9]  }
0x5f9: {  	[tilespmem:s4], [sflag:$0x1] =	stream.indirect_vreg.gather [hbm4b:s1+s6], $0x80, v6, vm0, $0xb8;
	[tilespmem:$0x1F180] =	vst v63  }
0x5fa: {  	s8 =	simm.s32 $0xA980;
	s30 =	sld [smem:$0x7FA]  }
0x5fb: {  	[tilespmem:s8], [sflag:$0x1] =	stream.indirect_vreg.gather [hbm4b:s7+s6], $0x80, v6, vm0, $0xb8;
	[tilespmem:$0x1F180] =	vst v63  }
0x5fc: {  	s0 =	simm.s32 $0xB180  }
0x5fd: {  	[tilespmem:s0], [sflag:$0x1] =	stream.indirect_vreg.gather [hbm4b:s30+s6], $0x80, v6, vm0, $0xb8;
	[tilespmem:$0x1F180] =	vst v63  }
0x5fe: {  	_ = 	snop  }
0x5ff: {  	[tilespmem:s31], [sflag:$0x1] =	stream.indirect_vreg.gather [hbm4b:s24+s6], $0x80, v6, vm0, $0xb8;
	[tilespmem:$0x1F180] =	vst v63  }
0x600: {  	s1 =	simm.s32 $0xC180  }
0x601: {  	[tilespmem:s1], [sflag:$0x1] =	stream.indirect_vreg.gather [hbm4b:s18+s6], $0x80, v6, vm0, $0xb8;
	[tilespmem:$0x1F180] =	vst v63  }
0x602: {  	s4 =	simm.s32 $0xC980  }
0x603: {  	[tilespmem:s4], [sflag:$0x1] =	stream.indirect_vreg.gather [hbm4b:s19+s6], $0x80, v6, vm0, $0xb8;
	[tilespmem:$0x1F180] =	vst v63  }
0x604: {  	s7 =	simm.s32 $0xD180  }
0x605: {  	[tilespmem:s7], [sflag:$0x1] =	stream.indirect_vreg.gather [hbm4b:s20+s6], $0x80, v6, vm0, $0xb8;
	[tilespmem:$0x1F180] =	vst v63  }
0x606: {  	s8 =	simm.s32 $0xD980  }
0x607: {  	[tilespmem:s8], [sflag:$0x1] =	stream.indirect_vreg.gather [hbm4b:s21+s6], $0x80, v6, vm0, $0xb8;
	[tilespmem:$0x1F180] =	vst v63  }
0x608: {  	s26 =	simm.s32 $0xE180  }
0x609: {  	[tilespmem:s26], [sflag:$0x1] =	stream.indirect_vreg.gather [hbm4b:s2+s6], $0x80, v6, vm0, $0xb8;
	[tilespmem:$0x1F180] =	vst v63  }
0x60a: {  	s30 =	simm.s32 $0xE980  }
0x60b: {  	[tilespmem:s30], [sflag:$0x1] =	stream.indirect_vreg.gather [hbm4b:s3+s6], $0x80, v6, vm0, $0xb8;
	[tilespmem:$0x1F180] =	vst v63  }
0x60c: {  	_ =	swait.ge [sflag:s14], $0x8000  }
0x60d: {  	[sflag:s14] =	ssyncset.done $0x0  }
0x60e: {  	[sflag:s14] =	ssyncadd.s32 $0xFFFF8000  }
0x60f: {  	_ =	swait.ge [sflag:s16], $0x4000  }
0x610: {  	s25 =	simm.s32 $0xFFFFFFF8;
	[sflag:s16] =	ssyncset.done $0x0  }
0x611: {  	s28 =	simm.s32 $0x2040;
	s26 =	simm.s32 $0x1D180;
	[sflag:s16] =	ssyncadd.s32 $0xFFFFC000  }
.LBB2_29:
0x612: {  	v6 =	vld [tilespmem:s28+$0xFFFFFFC0];
	_ =	sdelay $0x4  }
0x613: {  	v7 =	vshll.u32 v6, $0x2  }
0x614: {  	v6 =	vand.u32 $0x7F, v6;
	v7 =	vand.u32 $0xFFFFFE00, v7  }
0x615: {  	v6 =	vor.u32 v6, v7;
	_ =	sdelay $0x4  }
0x616: {  	v7 =	vld.idx.msk [tilespmem:v6+s12+$0x0], $0xffff  }
0x617: {  	v8 =	vor.u32 $0x80, v6;
	_ =	sdelay $0x3  }
0x618: {  	[tilespmem:s26+$0xFFFFE000] =	vst v7  }
0x619: {  	v7 =	vld.idx.msk [tilespmem:v8+s12+$0x0], $0xffff  }
0x61a: {  	v49 =	vor.u32 $0x100, v6;
	_ =	sdelay $0x3  }
0x61b: {  	[tilespmem:s26+$0xFFFFF000] =	vst v7  }
0x61c: {  	v7 =	vld.idx.msk [tilespmem:v49+s12+$0x0], $0xffff  }
0x61d: {  	v6 =	vor.u32 $0x180, v6;
	_ =	sdelay $0x3  }
0x61e: {  	[tilespmem:s26+$0x0] =	vst v7  }
0x61f: {  	v6 =	vld.idx.msk [tilespmem:v6+s12+$0x0], $0xffff;
	_ =	sdelay $0x4  }
0x620: {  	[tilespmem:s26+$0x1000] =	vst v6  }
0x621: {  	v6 =	vld [tilespmem:s28+$0xFFFFFFD0];
	_ =	sdelay $0x4  }
0x622: {  	v7 =	vshll.u32 v6, $0x2  }
0x623: {  	v6 =	vand.u32 $0x7F, v6;
	v7 =	vand.u32 $0xFFFFFE00, v7  }
0x624: {  	v6 =	vor.u32 v6, v7;
	_ =	sdelay $0x4  }
0x625: {  	v7 =	vld.idx.msk [tilespmem:v6+s12+$0x0], $0xffff  }
0x626: {  	v50 =	vor.u32 $0x80, v6;
	_ =	sdelay $0x3  }
0x627: {  	[tilespmem:s26+$0xFFFFE010] =	vst v7  }
0x628: {  	v7 =	vld.idx.msk [tilespmem:v50+s12+$0x0], $0xffff  }
0x629: {  	v51 =	vor.u32 $0x100, v6;
	_ =	sdelay $0x3  }
0x62a: {  	[tilespmem:s26+$0xFFFFF010] =	vst v7  }
0x62b: {  	v7 =	vld.idx.msk [tilespmem:v51+s12+$0x0], $0xffff  }
0x62c: {  	v6 =	vor.u32 $0x180, v6;
	_ =	sdelay $0x3  }
0x62d: {  	[tilespmem:s26+$0x10] =	vst v7  }
0x62e: {  	v6 =	vld.idx.msk [tilespmem:v6+s12+$0x0], $0xffff;
	_ =	sdelay $0x4  }
0x62f: {  	[tilespmem:s26+$0x1010] =	vst v6  }
0x630: {  	v6 =	vld [tilespmem:s28+$0xFFFFFFE0];
	_ =	sdelay $0x4  }
0x631: {  	v7 =	vshll.u32 v6, $0x2  }
0x632: {  	v6 =	vand.u32 $0x7F, v6;
	v7 =	vand.u32 $0xFFFFFE00, v7  }
0x633: {  	v6 =	vor.u32 v6, v7;
	_ =	sdelay $0x4  }
0x634: {  	v7 =	vld.idx.msk [tilespmem:v6+s12+$0x0], $0xffff  }
0x635: {  	v52 =	vor.u32 $0x80, v6;
	_ =	sdelay $0x3  }
0x636: {  	[tilespmem:s26+$0xFFFFE020] =	vst v7  }
0x637: {  	v7 =	vld.idx.msk [tilespmem:v52+s12+$0x0], $0xffff  }
0x638: {  	v53 =	vor.u32 $0x100, v6;
	_ =	sdelay $0x3  }
0x639: {  	[tilespmem:s26+$0xFFFFF020] =	vst v7  }
0x63a: {  	v7 =	vld.idx.msk [tilespmem:v53+s12+$0x0], $0xffff  }
0x63b: {  	v6 =	vor.u32 $0x180, v6;
	_ =	sdelay $0x3  }
0x63c: {  	[tilespmem:s26+$0x20] =	vst v7  }
0x63d: {  	v6 =	vld.idx.msk [tilespmem:v6+s12+$0x0], $0xffff;
	_ =	sdelay $0x4  }
0x63e: {  	[tilespmem:s26+$0x1020] =	vst v6  }
0x63f: {  	v6 =	vld [tilespmem:s28+$0xFFFFFFF0];
	_ =	sdelay $0x4  }
0x640: {  	v7 =	vshll.u32 v6, $0x2  }
0x641: {  	v6 =	vand.u32 $0x7F, v6;
	v7 =	vand.u32 $0xFFFFFE00, v7  }
0x642: {  	v6 =	vor.u32 v6, v7;
	_ =	sdelay $0x4  }
0x643: {  	v7 =	vld.idx.msk [tilespmem:v6+s12+$0x0], $0xffff  }
0x644: {  	v54 =	vor.u32 $0x80, v6;
	_ =	sdelay $0x3  }
0x645: {  	[tilespmem:s26+$0xFFFFE030] =	vst v7  }
0x646: {  	v7 =	vld.idx.msk [tilespmem:v54+s12+$0x0], $0xffff  }
0x647: {  	v55 =	vor.u32 $0x100, v6;
	_ =	sdelay $0x3  }
0x648: {  	[tilespmem:s26+$0xFFFFF030] =	vst v7  }
0x649: {  	v7 =	vld.idx.msk [tilespmem:v55+s12+$0x0], $0xffff  }
0x64a: {  	v6 =	vor.u32 $0x180, v6;
	_ =	sdelay $0x3  }
0x64b: {  	[tilespmem:s26+$0x30] =	vst v7  }
0x64c: {  	v6 =	vld.idx.msk [tilespmem:v6+s12+$0x0], $0xffff;
	_ =	sdelay $0x4  }
0x64d: {  	[tilespmem:s26+$0x1030] =	vst v6  }
0x64e: {  	v6 =	vld [tilespmem:s28+$0x0];
	_ =	sdelay $0x4  }
0x64f: {  	v7 =	vshll.u32 v6, $0x2  }
0x650: {  	v6 =	vand.u32 $0x7F, v6;
	v7 =	vand.u32 $0xFFFFFE00, v7  }
0x651: {  	v6 =	vor.u32 v6, v7;
	_ =	sdelay $0x4  }
0x652: {  	v7 =	vld.idx.msk [tilespmem:v6+s12+$0x0], $0xffff  }
0x653: {  	v56 =	vor.u32 $0x80, v6;
	_ =	sdelay $0x3  }
0x654: {  	[tilespmem:s26+$0xFFFFE040] =	vst v7  }
0x655: {  	v7 =	vld.idx.msk [tilespmem:v56+s12+$0x0], $0xffff  }
0x656: {  	v57 =	vor.u32 $0x100, v6;
	_ =	sdelay $0x3  }
0x657: {  	[tilespmem:s26+$0xFFFFF040] =	vst v7  }
0x658: {  	v7 =	vld.idx.msk [tilespmem:v57+s12+$0x0], $0xffff  }
0x659: {  	v6 =	vor.u32 $0x180, v6;
	_ =	sdelay $0x3  }
0x65a: {  	[tilespmem:s26+$0x40] =	vst v7  }
0x65b: {  	v6 =	vld.idx.msk [tilespmem:v6+s12+$0x0], $0xffff;
	_ =	sdelay $0x4  }
0x65c: {  	[tilespmem:s26+$0x1040] =	vst v6  }
0x65d: {  	v6 =	vld [tilespmem:s28+$0x10];
	_ =	sdelay $0x4  }
0x65e: {  	v7 =	vshll.u32 v6, $0x2  }
0x65f: {  	v6 =	vand.u32 $0x7F, v6;
	v7 =	vand.u32 $0xFFFFFE00, v7  }
0x660: {  	v6 =	vor.u32 v6, v7;
	_ =	sdelay $0x4  }
0x661: {  	v7 =	vld.idx.msk [tilespmem:v6+s12+$0x0], $0xffff  }
0x662: {  	v58 =	vor.u32 $0x80, v6;
	_ =	sdelay $0x3  }
0x663: {  	[tilespmem:s26+$0xFFFFE050] =	vst v7  }
0x664: {  	v7 =	vld.idx.msk [tilespmem:v58+s12+$0x0], $0xffff  }
0x665: {  	v59 =	vor.u32 $0x100, v6;
	_ =	sdelay $0x3  }
0x666: {  	[tilespmem:s26+$0xFFFFF050] =	vst v7  }
0x667: {  	v7 =	vld.idx.msk [tilespmem:v59+s12+$0x0], $0xffff  }
0x668: {  	v6 =	vor.u32 $0x180, v6;
	_ =	sdelay $0x3  }
0x669: {  	[tilespmem:s26+$0x50] =	vst v7  }
0x66a: {  	v6 =	vld.idx.msk [tilespmem:v6+s12+$0x0], $0xffff;
	_ =	sdelay $0x4  }
0x66b: {  	[tilespmem:s26+$0x1050] =	vst v6  }
0x66c: {  	v6 =	vld [tilespmem:s28+$0x20];
	_ =	sdelay $0x4  }
0x66d: {  	v7 =	vshll.u32 v6, $0x2  }
0x66e: {  	v6 =	vand.u32 $0x7F, v6;
	v7 =	vand.u32 $0xFFFFFE00, v7  }
0x66f: {  	v6 =	vor.u32 v6, v7;
	_ =	sdelay $0x4  }
0x670: {  	v7 =	vld.idx.msk [tilespmem:v6+s12+$0x0], $0xffff  }
0x671: {  	v60 =	vor.u32 $0x80, v6;
	_ =	sdelay $0x3  }
0x672: {  	[tilespmem:s26+$0xFFFFE060] =	vst v7  }
0x673: {  	v7 =	vld.idx.msk [tilespmem:v60+s12+$0x0], $0xffff  }
0x674: {  	v61 =	vor.u32 $0x100, v6;
	_ =	sdelay $0x3  }
0x675: {  	[tilespmem:s26+$0xFFFFF060] =	vst v7  }
0x676: {  	v7 =	vld.idx.msk [tilespmem:v61+s12+$0x0], $0xffff  }
0x677: {  	v6 =	vor.u32 $0x180, v6;
	_ =	sdelay $0x3  }
0x678: {  	[tilespmem:s26+$0x60] =	vst v7  }
0x679: {  	v6 =	vld.idx.msk [tilespmem:v6+s12+$0x0], $0xffff;
	_ =	sdelay $0x4  }
0x67a: {  	[tilespmem:s26+$0x1060] =	vst v6  }
0x67b: {  	v6 =	vld [tilespmem:s28+$0x30];
	_ =	sdelay $0x4  }
0x67c: {  	v7 =	vshll.u32 v6, $0x2  }
0x67d: {  	v6 =	vand.u32 $0x7F, v6;
	v7 =	vand.u32 $0xFFFFFE00, v7  }
0x67e: {  	v6 =	vor.u32 v6, v7;
	_ =	sdelay $0x4  }
0x67f: {  	v7 =	vld.idx.msk [tilespmem:v6+s12+$0x0], $0xffff  }
0x680: {  	v62 =	vor.u32 $0x80, v6;
	_ =	sdelay $0x3  }
0x681: {  	[tilespmem:s26+$0xFFFFE070] =	vst v7  }
0x682: {  	v7 =	vld.idx.msk [tilespmem:v62+s12+$0x0], $0xffff  }
0x683: {  	v63 =	vor.u32 $0x100, v6;
	_ =	sdelay $0x3  }
0x684: {  	[tilespmem:s26+$0xFFFFF070] =	vst v7  }
0x685: {  	v7 =	vld.idx.msk [tilespmem:v63+s12+$0x0], $0xffff  }
0x686: {  	v6 =	vor.u32 $0x180, v6;
	_ =	sdelay $0x3  }
0x687: {  	s25 =	sadd.s32 $0x8, s25;
	[tilespmem:s26+$0x70] =	vst v7  }
0x688: {  	p1 =	slt.u32 s25, $0xF8;
	v6 =	vld.idx.msk [tilespmem:v6+s12+$0x0], $0xffff  }
.Ltmp13:
0x689: {  	_ = 	snop;
	(pc) =	sbr.rel @p1 .LBB2_29-.Ltmp13, $2  }
0x68a: {  	_ =	sdelay $0x2  }
0x68b: {  	s28 =	sadd.s32 $0x80, s28;
	[tilespmem:s26+$0x1070] =	vst v6;
	s26 =	sadd.s32 $0x80, s26  }
0x68c: {  	s25 =	rddreg [dreg:$0x16]  }
0x68d: {  	s8 =	simm.s32 $0x1B180;
	s22 =	sadd.s32 s25, s22  }
0x68e: {  	[hbm4b:s22+s6] =	stream.linear.scatter [tilespmem:s8], [sflag:$0x4], $0x4000, $0x38;
	[tilespmem:$0x1F180] =	vst v63  }
0x68f: {  	v6 =	vld.msk [tilespmem:s23+$0x7018], $0xf;
	_ =	sdelay $0x4  }
0x690: {  	v7 =	vshll.u32 v6, $0x6  }
0x691: {  	v6 =	vand.u32 $0x7, v6;
	v7 =	vand.u32 $0xFFFFFE00, v7  }
0x692: {  	v6 =	vor.u32 v6, v7  }
0x693: {  	v6 =	vperm.xlane v6, v4;
	_ =	sdelay $0x1  }
0x694: {  	v6 =	vadd.s32 v5, v6;
	_ =	sdelay $0x4  }
0x695: {  	[tilespmem:s12], [sflag:$0x2] =	stream.indirect_vreg.gather [hbm4b:s29+s6], $0x80, v6, vm0, $0xb8;
	[tilespmem:$0x1F180] =	vst v63  }
0x696: {  	s25 =	simm.s32 $0xF980  }
0x697: {  	[tilespmem:s25], [sflag:$0x2] =	stream.indirect_vreg.gather [hbm4b:s9+s6], $0x80, v6, vm0, $0xb8;
	[tilespmem:$0x1F180] =	vst v63  }
0x698: {  	s26 =	simm.s32 $0x10180  }
0x699: {  	[tilespmem:s26], [sflag:$0x2] =	stream.indirect_vreg.gather [hbm4b:s5+s6], $0x80, v6, vm0, $0xb8;
	[tilespmem:$0x1F180] =	vst v63  }
0x69a: {  	s26 =	sld [smem:$0x7FB];
	_ =	sdelay $0x1  }
0x69b: {  	s30 =	simm.s32 $0x10980;
	s28 =	sld [smem:$0x7FC]  }
0x69c: {  	[tilespmem:s30], [sflag:$0x2] =	stream.indirect_vreg.gather [hbm4b:s26+s6], $0x80, v6, vm0, $0xb8;
	[tilespmem:$0x1F180] =	vst v63  }
0x69d: {  	s0 =	simm.s32 $0x11180;
	s1 =	sld [smem:$0x7F7]  }
0x69e: {  	[tilespmem:s0], [sflag:$0x2] =	stream.indirect_vreg.gather [hbm4b:s28+s6], $0x80, v6, vm0, $0xb8;
	[tilespmem:$0x1F180] =	vst v63  }
0x69f: {  	s4 =	simm.s32 $0x11980;
	s7 =	sld [smem:$0x7F8]  }
0x6a0: {  	[tilespmem:s4], [sflag:$0x2] =	stream.indirect_vreg.gather [hbm4b:s1+s6], $0x80, v6, vm0, $0xb8;
	[tilespmem:$0x1F180] =	vst v63  }
0x6a1: {  	s8 =	simm.s32 $0x12180;
	s23 =	sld [smem:$0x7F9]  }
0x6a2: {  	[tilespmem:s8], [sflag:$0x2] =	stream.indirect_vreg.gather [hbm4b:s7+s6], $0x80, v6, vm0, $0xb8;
	[tilespmem:$0x1F180] =	vst v63  }
0x6a3: {  	s25 =	simm.s32 $0x12980;
	s30 =	sld [smem:$0x7FA]  }
0x6a4: {  	[tilespmem:s25], [sflag:$0x2] =	stream.indirect_vreg.gather [hbm4b:s23+s6], $0x80, v6, vm0, $0xb8;
	[tilespmem:$0x1F180] =	vst v63  }
0x6a5: {  	s0 =	simm.s32 $0x13180  }
0x6a6: {  	[tilespmem:s0], [sflag:$0x2] =	stream.indirect_vreg.gather [hbm4b:s30+s6], $0x80, v6, vm0, $0xb8;
	[tilespmem:$0x1F180] =	vst v63  }
0x6a7: {  	s1 =	simm.s32 $0x13980  }
0x6a8: {  	[tilespmem:s1], [sflag:$0x2] =	stream.indirect_vreg.gather [hbm4b:s24+s6], $0x80, v6, vm0, $0xb8;
	[tilespmem:$0x1F180] =	vst v63  }
0x6a9: {  	s4 =	simm.s32 $0x14180  }
0x6aa: {  	[tilespmem:s4], [sflag:$0x2] =	stream.indirect_vreg.gather [hbm4b:s18+s6], $0x80, v6, vm0, $0xb8;
	[tilespmem:$0x1F180] =	vst v63  }
0x6ab: {  	s7 =	simm.s32 $0x14980  }
0x6ac: {  	[tilespmem:s7], [sflag:$0x2] =	stream.indirect_vreg.gather [hbm4b:s19+s6], $0x80, v6, vm0, $0xb8;
	[tilespmem:$0x1F180] =	vst v63  }
0x6ad: {  	s17 =	sadd.s32 $0x1, s17;
	s8 =	simm.s32 $0x15180  }
0x6ae: {  	[tilespmem:s8], [sflag:$0x2] =	stream.indirect_vreg.gather [hbm4b:s20+s6], $0x80, v6, vm0, $0xb8;
	[tilespmem:$0x1F180] =	vst v63  }
0x6af: {  	p1 =	sne.s32 s17, $0x10;
	s23 =	simm.s32 $0x15980  }
0x6b0: {  	[tilespmem:s23], [sflag:$0x2] =	stream.indirect_vreg.gather [hbm4b:s21+s6], $0x80, v6, vm0, $0xb8;
	[tilespmem:$0x1F180] =	vst v63  }
.Ltmp14:
0x6b1: {  	_ = 	snop;
	(pc) =	sbr.rel @p1 .LBB2_26-.Ltmp14, $4  }
0x6b2: {  	s25 =	simm.s32 $0x16180  }
0x6b3: {  	[tilespmem:s25], [sflag:$0x2] =	stream.indirect_vreg.gather [hbm4b:s2+s6], $0x80, v6, vm0, $0xb8;
	[tilespmem:$0x1F180] =	vst v63  }
0x6b4: {  	s30 =	simm.s32 $0x16980  }
0x6b5: {  	[tilespmem:s30], [sflag:$0x2] =	stream.indirect_vreg.gather [hbm4b:s3+s6], $0x80, v6, vm0, $0xb8;
	[tilespmem:$0x1F180] =	vst v63  }
0x6b6: {  	_ =	swait.ge [sflag:s13], $0x8000  }
0x6b7: {  	[sflag:s13] =	ssyncset.done $0x0  }
0x6b8: {  	[sflag:s13] =	ssyncadd.s32 $0xFFFF8000  }
0x6b9: {  	_ =	swait.ge [sflag:s15], $0x4000  }
0x6ba: {  	[sflag:s15] =	ssyncset.done $0x0  }
0x6bb: {  	[sflag:s15] =	ssyncadd.s32 $0xFFFFC000  }
0x6bc: {  	_ =	swait.ge [sflag:s14], $0x8000  }
0x6bd: {  	[sflag:s14] =	ssyncset.done $0x0  }
0x6be: {  	[sflag:s14] =	ssyncadd.s32 $0xFFFF8000  }
0x6bf: {  	_ =	swait.ge [sflag:s16], $0x4000  }
0x6c0: {  	s17 =	sld [smem:$0x7F5];
	_ =	sdelay $0x2  }
0x6c1: {  	s5 =	rddreg [dreg:$0x19];
	s17 =	sadd.s32 $0x1, s17  }
0x6c2: {  	p1 =	sne.s32 s17, s5  }
.Ltmp15:
0x6c3: {  	_ = 	snop;
	(pc) =	sbr.rel @p1 .LBB2_1-.Ltmp15, $3  }
0x6c4: {  	_ =	sdelay $0x1  }
0x6c5: {  	[sflag:s16] =	ssyncset.done $0x0  }
0x6c6: {  	s29 =	simm.s32 $0x80000000;
	[sflag:s16] =	ssyncadd.s32 $0xFFFFC000  }
0x6c7: {  	_ =	sfence.sel $0x180000  }
0x6c8: {  	[bflag:$0x0] =	sbarrier.arrive $0xFFFF  }
0x6c9: {  	_ =	strace $0x90000047  }
0x6ca: {  	s0 =	stileid.u32;
	[bflag:$0x2] =	sbarrier.arrive $0xFFFF  }
0x6cb: {  	p0 =	sne.s32 s0, $0x0;
	s0 =	rddreg [dreg:$0x7]  }
0x6cc: {  	s0 =	sadd.s32 @!p0 $0x100000, s0  }
0x6cd: {  	[sflag:s0] =	ssyncadd.tile.s32 @!p0 $0x1;
	_ =	shalt  }
.Lfunc_end2:
_tile_overlayer_lowered:
.L_overlay_start_2:
0x6ce: {  	(tag) =	ssettag $0x2  }
0x6cf: {  	s0 =	rddreg [dreg:$0x0];
	s2 =	stileid.u32  }
0x6d0: {  	s1 =	rddreg [dreg:$0x1];
	p0 =	sne.s32 s2, $0x0  }
0x6d1: {  	s3 =	rddreg [dreg:$0x2];
	[bflag:$0x3] =	sbarrier.arrive $0xFFFF;
	s2 =	simm.s32 @!p0 $0x1C06  }
0x6d2: {  	[timem:s3], [sflag:s2] =	dma.local @!p0 [hbm:s0], s1  }
0x6d3: {  	s0 =	simm.s32 @!p0 $0x6  }
0x6d4: {  	_ =	swait.ge @!p0 [sflag:s0], s1  }
0x6d5: {  	s1 =	ssub.s32 @!p0 $0x0, s1;
	[sflag:s0] =	ssyncset.done @!p0 $0x0  }
0x6d6: {  	[sflag:s0] =	ssyncadd.s32 @!p0 s1  }
0x6d7: {  	[bflag:$0x3] =	sbarrier.arrive $0xFFFF  }
0x6d8: {  	_ =	shalt  }

</sc_bundles>
